<compile_context>
chip_gen: v7x
topology: tpu7x:2x2x1
jax: 0.10.2.dev20260603
libtpu: 0.0.44.dev20260713+nightly
codegen_flags: <defaults>
</compile_context>

<pallas_src>
import functools

import jax
import jax.numpy as jnp
from jax import lax
from jax.experimental import pallas as pl
from jax.experimental.pallas import tpu as pltpu
from jax.experimental.pallas import tpu_sc as plsc

N = 10000
E = 320000
F_IN = 128
HID = 128
NCLS = 40
CPAD = 48

NC = 2
NS = 16
NW = NC * NS
EPW = E // NW
K1 = 80
K2 = 80
NPAD = 10112
RPT = NPAD // NS
RLAST = N - (NS - 1) * RPT
ZC = 72

_MESH = dict(core_axis_name="c", subcore_axis_name="s")


def _sc_degree(dst_r):

    @functools.partial(
        pl.kernel,
        out_type=jax.ShapeDtypeStruct((NC, NPAD, 16), jnp.float32),
        mesh=plsc.VectorSubcoreMesh(**_MESH),
        compiler_params=pltpu.CompilerParams(use_tc_tiling_on_sc=False),
        scratch_types=[
            pltpu.VMEM((EPW // K1, K1), jnp.int32),
            pltpu.VMEM((K1, 16), jnp.float32),
            pltpu.VMEM((ZC, 16), jnp.float32),
            pltpu.VMEM_SHARED((NPAD, 16), jnp.float32),
            pltpu.SemaphoreType.DMA,
        ],
    )
    def k(dst_hbm, out_hbm, dst_i, ones_v, zbuf, acc, dsem):
        c = lax.axis_index("c")
        s = lax.axis_index("s")
        wid = s * NC + c
        one = jnp.ones((16,), jnp.float32)
        zero = jnp.zeros((16,), jnp.float32)

        def fill_ones(i, _):
            ones_v[i, :] = one
            return 0

        lax.fori_loop(0, K1, fill_ones, 0)

        def fill_zero(i, _):
            zbuf[i, :] = zero
            return 0

        lax.fori_loop(0, ZC, fill_zero, 0)
        for i in range(RPT // ZC):
            pltpu.sync_copy(zbuf, acc.at[pl.ds(s * RPT + i * ZC, ZC)])
        pltpu.sync_copy(
            zbuf.at[pl.ds(0, RPT % ZC)],
            acc.at[pl.ds(s * RPT + (RPT // ZC) * ZC, RPT % ZC)],
        )
        plsc.subcore_barrier()

        pltpu.sync_copy(dst_hbm.at[wid], dst_i)

        def body(b, _):
            pltpu.async_copy(ones_v, acc.at[dst_i.at[b]], dsem, add=True)
            return 0

        lax.fori_loop(0, EPW // K1, body, 0)

        def drain(b, _):
            pltpu.make_async_copy(ones_v, acc.at[dst_i.at[0]], dsem).wait()
            return 0

        lax.fori_loop(0, EPW // K1, drain, 0)
        plsc.subcore_barrier()
        pltpu.sync_copy(
            acc.at[pl.ds(s * RPT, RPT)], out_hbm.at[c, pl.ds(s * RPT, RPT)]
        )

    return k(dst_r)


def _sc_aggregate(y, src_r, dst_r, d, kb):
    nb = EPW // kb

    @functools.partial(
        pl.kernel,
        out_type=jax.ShapeDtypeStruct((NC, N, d), jnp.float32),
        mesh=plsc.VectorSubcoreMesh(**_MESH),
        compiler_params=pltpu.CompilerParams(use_tc_tiling_on_sc=False),
        scratch_types=[
            pltpu.VMEM((1, EPW), jnp.int32),
            pltpu.VMEM((nb, kb), jnp.int32),
            pltpu.VMEM((kb, d), jnp.float32),
            pltpu.VMEM((kb, d), jnp.float32),
            pltpu.VMEM((kb, d), jnp.float32),
            pltpu.VMEM_SHARED((N, d), jnp.float32),
            pltpu.SemaphoreType.DMA,
            pltpu.SemaphoreType.DMA,
            pltpu.SemaphoreType.DMA,
            pltpu.SemaphoreType.DMA,
            pltpu.SemaphoreType.DMA,
            pltpu.SemaphoreType.DMA,
        ],
    )
    def k(y_hbm, src_hbm, dst_hbm, out_hbm, src_i, dst_i, rows0, rows1, rows2,
          acc, gs0, gs1, gs2, ss0, ss1, ss2):
        c = lax.axis_index("c")
        s = lax.axis_index("s")
        wid = s * NC + c
        zero = jnp.zeros((16,), jnp.float32)

        def fill_zero(i, _):
            for g in range(d // 16):
                rows0[i, pl.ds(g * 16, 16)] = zero
            return 0

        lax.fori_loop(0, ZC, fill_zero, 0)

        @pl.when(s < NS - 1)
        def _():
            for i in range(RPT // ZC):
                pltpu.sync_copy(
                    rows0.at[pl.ds(0, ZC)], acc.at[pl.ds(s * RPT + i * ZC, ZC)]
                )
            pltpu.sync_copy(
                rows0.at[pl.ds(0, RPT % ZC)],
                acc.at[pl.ds(s * RPT + (RPT // ZC) * ZC, RPT % ZC)],
            )

        @pl.when(s == NS - 1)
        def _():
            for i in range(RLAST // ZC):
                pltpu.sync_copy(
                    rows0.at[pl.ds(0, ZC)], acc.at[pl.ds(s * RPT + i * ZC, ZC)]
                )
            pltpu.sync_copy(
                rows0.at[pl.ds(0, RLAST % ZC)],
                acc.at[pl.ds(s * RPT + (RLAST // ZC) * ZC, RLAST % ZC)],
            )

        plsc.subcore_barrier()

        pltpu.sync_copy(src_hbm.at[wid], src_i)
        pltpu.sync_copy(dst_hbm.at[wid], dst_i)

        bufs = (rows0, rows1, rows2)
        gsems = (gs0, gs1, gs2)
        ssems = (ss0, ss1, ss2)

        def gather(b, j):
            pltpu.async_copy(
                y_hbm.at[src_i.at[0, pl.ds(b * kb, kb)]], bufs[j], gsems[j]
            )

        def wait_g(b, j):
            pltpu.make_async_copy(
                y_hbm.at[src_i.at[0, pl.ds(b * kb, kb)]], bufs[j], gsems[j]
            ).wait()

        def scat(b, j):
            pltpu.async_copy(bufs[j], acc.at[dst_i.at[b]], ssems[j], add=True)

        def wait_s(j):
            pltpu.make_async_copy(bufs[j], acc.at[dst_i.at[0]], ssems[j]).wait()

        gather(0, 0)
        gather(1, 1)
        gather(2, 2)
        wait_g(0, 0)
        scat(0, 0)

        def body(g3, _):
            b = g3 * 3
            for j in range(3):
                m = b + 1 + j
                wait_s(j)
                gather(m + 2, j)
                wait_g(m, (1 + j) % 3)
                scat(m, (1 + j) % 3)
            return 0

        lax.fori_loop(0, (nb - 5) // 3, body, 0)
        wait_s(0)
        gather(nb - 2, 0)
        wait_g(nb - 4, 1)
        scat(nb - 4, 1)
        wait_s(1)
        gather(nb - 1, 1)
        wait_g(nb - 3, 2)
        scat(nb - 3, 2)
        wait_g(nb - 2, 0)
        scat(nb - 2, 0)
        wait_g(nb - 1, 1)
        scat(nb - 1, 1)
        wait_s(2)
        wait_s(0)
        wait_s(1)
        plsc.subcore_barrier()

        @pl.when(s < NS - 1)
        def _():
            pltpu.sync_copy(
                acc.at[pl.ds(s * RPT, RPT)], out_hbm.at[c, pl.ds(s * RPT, RPT)]
            )

        @pl.when(s == NS - 1)
        def _():
            pltpu.sync_copy(
                acc.at[pl.ds(s * RPT, RLAST)],
                out_hbm.at[c, pl.ds(s * RPT, RLAST)],
            )

    return k(y, src_r, dst_r)


BLK = N


def _dis_from(degp_ref):
    dp = degp_ref[0] + degp_ref[1]
    return lax.rsqrt(dp[:, 0:1] + 1.0)


def _tc_layer1(x, W1, degp):
    def body(x_ref, w_ref, degp_ref, y_ref):
        dis = _dis_from(degp_ref)
        y_ref[...] = (
            jnp.dot(x_ref[...], w_ref[...], preferred_element_type=jnp.float32)
            * dis
        )

    return pl.pallas_call(
        body,
        grid=(N // BLK,),
        in_specs=[
            pl.BlockSpec((BLK, F_IN), lambda i: (i, 0)),
            pl.BlockSpec((F_IN, HID), lambda i: (0, 0)),
            pl.BlockSpec((NC, BLK, 16), lambda i: (0, i, 0)),
        ],
        out_specs=pl.BlockSpec((BLK, HID), lambda i: (i, 0)),
        out_shape=jax.ShapeDtypeStruct((N, HID), jnp.float32),
    )(x, W1, degp)


def _tc_layer2_in(acc1, y1, degp, b1, W2p):
    def body(acc_ref, y1_ref, degp_ref, b1_ref, w2_ref, y2_ref):
        dis = _dis_from(degp_ref)
        ssum = acc_ref[0] + acc_ref[1] + y1_ref[...]
        h = jnp.maximum(ssum * dis + b1_ref[...], 0.0)
        y2_ref[...] = (
            jnp.dot(h, w2_ref[...], preferred_element_type=jnp.float32) * dis
        )

    return pl.pallas_call(
        body,
        grid=(N // BLK,),
        in_specs=[
            pl.BlockSpec((NC, BLK, HID), lambda i: (0, i, 0)),
            pl.BlockSpec((BLK, HID), lambda i: (i, 0)),
            pl.BlockSpec((NC, BLK, 16), lambda i: (0, i, 0)),
            pl.BlockSpec((1, HID), lambda i: (0, 0)),
            pl.BlockSpec((HID, CPAD), lambda i: (0, 0)),
        ],
        out_specs=pl.BlockSpec((BLK, CPAD), lambda i: (i, 0)),
        out_shape=jax.ShapeDtypeStruct((N, CPAD), jnp.float32),
    )(acc1, y1, degp, b1, W2p)


def _tc_final(acc2, y2, degp, b2r):
    def body(acc_ref, y2_ref, degp_ref, b2_ref, out_ref):
        dis = _dis_from(degp_ref)
        out_ref[...] = (
            (acc_ref[0] + acc_ref[1] + y2_ref[...]) * dis
        )[:, :NCLS] + b2_ref[...]

    return pl.pallas_call(
        body,
        grid=(N // BLK,),
        in_specs=[
            pl.BlockSpec((NC, BLK, CPAD), lambda i: (0, i, 0)),
            pl.BlockSpec((BLK, CPAD), lambda i: (i, 0)),
            pl.BlockSpec((NC, BLK, 16), lambda i: (0, i, 0)),
            pl.BlockSpec((1, NCLS), lambda i: (0, 0)),
        ],
        out_specs=pl.BlockSpec((BLK, NCLS), lambda i: (i, 0)),
        out_shape=jax.ShapeDtypeStruct((N, NCLS), jnp.float32),
    )(acc2, y2, degp, b2r)


def kernel(x, edge_index, W1, b1, W2, b2):
    src_r = edge_index[0].reshape(NW, 1, EPW)
    dst_r1 = edge_index[1].reshape(NW, EPW // K1, K1)
    dst_r2 = edge_index[1].reshape(NW, EPW // K2, K2)
    W2p = jnp.pad(W2, ((0, 0), (0, CPAD - NCLS)))
    b1r = b1.reshape(1, HID)
    b2r = b2.reshape(1, NCLS)

    degp = _sc_degree(dst_r1)
    y1 = _tc_layer1(x, W1, degp)
    acc1 = _sc_aggregate(y1, src_r, dst_r1, HID, K1)
    y2 = _tc_layer2_in(acc1, y1, degp, b1r, W2p)
    acc2 = _sc_aggregate(y2, src_r, dst_r2, CPAD, K2)
    outp = _tc_final(acc2, y2, degp, b2r)
    return outp

# --- scband reference (transcript-rebuilt; emitter-appended) ---
"""Pipeline reference for scband-gcn2-1348619731440 (READ-ONLY COPY).

The authoritative reference and input builder live on the scoring server;
editing this copy changes nothing except your own understanding.
"""

import jax, jax.numpy as jnp
import numpy as np

N = 10000
E = 320000
F_IN = 128
HID = 128
NUM_CLASSES = 40


def gcn_conv(x, edge_index, W, b):
    n = x.shape[0]
    src = edge_index[0]
    dst = edge_index[1]
    loop = jnp.arange(n, dtype=src.dtype)
    src = jnp.concatenate([src, loop])
    dst = jnp.concatenate([dst, loop])
    deg = jnp.zeros((n,), dtype=x.dtype).at[dst].add(1.0)
    deg_inv_sqrt = jnp.where(deg > 0, jax.lax.rsqrt(jnp.where(deg > 0, deg, 1.0)), 0.0)
    norm = deg_inv_sqrt[src] * deg_inv_sqrt[dst]
    xw = x @ W
    msg = xw[src] * norm[:, None]
    out = jnp.zeros((n, W.shape[1]), dtype=x.dtype).at[dst].add(msg)
    return out + b


def setup_inputs(seed: int = 0) -> dict:
    key = jax.random.key(seed)
    k1, k2, k3, k4, k5, k6 = jax.random.split(key, 6)
    x = jax.random.normal(k1, (N, F_IN), dtype=jnp.float32)
    edge_index = jax.random.randint(k2, (2, E), 0, N, dtype=jnp.int32)
    s1 = 1.0 / np.sqrt(F_IN)
    s2 = 1.0 / np.sqrt(HID)
    W1 = jax.random.uniform(k3, (F_IN, HID), dtype=jnp.float32, minval=-s1, maxval=s1)
    b1 = jnp.zeros((HID,), dtype=jnp.float32)
    W2 = jax.random.uniform(k4, (HID, NUM_CLASSES), dtype=jnp.float32, minval=-s2, maxval=s2)
    b2 = jnp.zeros((NUM_CLASSES,), dtype=jnp.float32)
    return {"x": x, "edge_index": edge_index, "W1": W1, "b1": b1, "W2": W2, "b2": b2}


def reference(x, edge_index, W1, b1, W2, b2):
    h = gcn_conv(x, edge_index, W1, b1)
    h = jax.nn.relu(h)
    # dropout is identity in eval mode
    out = gcn_conv(h, edge_index, W2, b2)
    return out

if __name__ == "__main__":
    import jax
    _d = setup_inputs()
    print(jax.jit(kernel)(*tuple(_d.values())))

</pallas_src>

<mosaic_0001>
#map = affine_map<(d0, d1) -> (0, 0)>
#map1 = affine_map<(d0, d1) -> (0, 0, 0)>
module attributes {stable_mosaic.version = 14 : i64} {
  func.func @k(%arg0: i32, %arg1: i32, %arg2: memref<10000x48xf32, #tpu.memory_space<hbm>>, %arg3: memref<32x1x10000xi32, #tpu.memory_space<hbm>>, %arg4: memref<32x125x80xi32, #tpu.memory_space<hbm>>, %arg5: memref<2x10000x48xf32, #tpu.memory_space<hbm>>, %arg6: memref<1x10000xi32, #tpu.memory_space<vmem>>, %arg7: memref<125x80xi32, #tpu.memory_space<vmem>>, %arg8: memref<80x48xf32, #tpu.memory_space<vmem>>, %arg9: memref<80x48xf32, #tpu.memory_space<vmem>>, %arg10: memref<80x48xf32, #tpu.memory_space<vmem>>, %arg11: memref<10000x48xf32, #tpu.memory_space<vmem_shared>>, %arg12: memref<!tpu.dma_semaphore, #tpu.memory_space<semaphore_mem>>, %arg13: memref<!tpu.dma_semaphore, #tpu.memory_space<semaphore_mem>>, %arg14: memref<!tpu.dma_semaphore, #tpu.memory_space<semaphore_mem>>, %arg15: memref<!tpu.dma_semaphore, #tpu.memory_space<semaphore_mem>>, %arg16: memref<!tpu.dma_semaphore, #tpu.memory_space<semaphore_mem>>, %arg17: memref<!tpu.dma_semaphore, #tpu.memory_space<semaphore_mem>>) attributes {dimension_semantics = [#tpu.dimension_semantics<core_parallel>, #tpu.dimension_semantics<subcore_parallel>], iteration_bounds = array<i64: 2, 16>, scalar_prefetch = 0 : i64, scratch_operands = 12 : i64, tpu.core_type = #tpu.core_type<sc_vector_subcore>, window_params = [{transform_indices = #map}, {transform_indices = #map1}, {transform_indices = #map1}, {transform_indices = #map1}]} {
    %mul3A = arith.constant 2 : i32
    %mul3A_0 = arith.muli %arg1, %mul3A : i32
    %add3A = arith.addi %mul3A_0, %arg0 : i32
    %broadcast_in_dim3A = arith.constant 0.000000e+00 : f32
    %broadcast_in_dim3A_1 = vector.broadcast %broadcast_in_dim3A : f32 to vector<16xf32>
    %scan3A = arith.constant 0 : i32
    %scan3A_2 = arith.constant 0 : i32
    %scan3A_3 = arith.constant 72 : i32
    %scan3A_4 = arith.addi %scan3A_2, %scan3A_3 : i32
    %scan3A_5 = arith.constant 1 : i32
    %scan3A_6 = scf.for %scan3A_170 = %scan3A_2 to %scan3A_4 step %scan3A_5 iter_args(%scan3A_171 = %scan3A) -> (i32)  : i32 {
      %swap3A = arith.index_cast %scan3A_170 : i32 to index
      %swap3A_172 = arith.constant 0 : index
      %swap3A_173 = tpu.vector_load %arg8[%swap3A, %swap3A_172] {strides = array<i32>} : memref<80x48xf32, #tpu.memory_space<vmem>>, vector<1x16xf32>,
      %swap3A_174 = vector.shape_cast %swap3A_173 : vector<1x16xf32> to vector<16xf32>
      %swap3A_175 = vector.shape_cast %broadcast_in_dim3A_1 : vector<16xf32> to vector<1x16xf32>
      tpu.vector_store %arg8[%swap3A, %swap3A_172], %swap3A_175 {strides = array<i32>} : memref<80x48xf32, #tpu.memory_space<vmem>>, vector<1x16xf32>,
      %swap3A_176 = arith.index_cast %scan3A_170 : i32 to index
      %swap3A_177 = arith.constant 16 : index
      %swap3A_178 = tpu.vector_load %arg8[%swap3A_176, %swap3A_177] {strides = array<i32>} : memref<80x48xf32, #tpu.memory_space<vmem>>, vector<1x16xf32>,
      %swap3A_179 = vector.shape_cast %swap3A_178 : vector<1x16xf32> to vector<16xf32>
      %swap3A_180 = vector.shape_cast %broadcast_in_dim3A_1 : vector<16xf32> to vector<1x16xf32>
      tpu.vector_store %arg8[%swap3A_176, %swap3A_177], %swap3A_180 {strides = array<i32>} : memref<80x48xf32, #tpu.memory_space<vmem>>, vector<1x16xf32>,
      %swap3A_181 = arith.index_cast %scan3A_170 : i32 to index
      %swap3A_182 = arith.constant 32 : index
      %swap3A_183 = tpu.vector_load %arg8[%swap3A_181, %swap3A_182] {strides = array<i32>} : memref<80x48xf32, #tpu.memory_space<vmem>>, vector<1x16xf32>,
      %swap3A_184 = vector.shape_cast %swap3A_183 : vector<1x16xf32> to vector<16xf32>
      %swap3A_185 = vector.shape_cast %broadcast_in_dim3A_1 : vector<16xf32> to vector<1x16xf32>
      tpu.vector_store %arg8[%swap3A_181, %swap3A_182], %swap3A_185 {strides = array<i32>} : memref<80x48xf32, #tpu.memory_space<vmem>>, vector<1x16xf32>,
      %scan3A_186 = arith.constant 0 : i32
      scf.yield %scan3A_186 : i32
    }
    %scan3A_7 = arith.constant 72 : i32
    %lt3A = arith.constant 15 : i32
    %lt3A_8 = arith.cmpi slt, %arg1, %lt3A : i32
    %convert_element_type3A = arith.extui %lt3A_8 : i1 to i32
    %cond3A = arith.constant 0 : i32
    %cond3A_9 = arith.cmpi ne, %convert_element_type3A, %cond3A : i32
    scf.if %cond3A_9 {
      %mul3A_170 = arith.constant 632 : i32
      %mul3A_171 = arith.muli %arg1, %mul3A_170 : i32
      %add3A_172 = arith.constant 0 : i32
      %add3A_173 = arith.addi %mul3A_171, %add3A_172 : i32
      "tpu.region"() ({
        %run_scoped3A = tpu.sem_alloc : memref<!tpu.dma_semaphore, #tpu.memory_space<semaphore_mem>>
        %dma_start3A_206 = arith.constant 0 : i32
        %dma_start3A_207 = arith.constant 0 : i32
        %dma_start3A_208 = tpu.memref_slice %arg8[%dma_start3A_206, %dma_start3A_207] : memref<80x48xf32, #tpu.memory_space<vmem>> -> memref<72x48xf32, #tpu.memory_space<vmem>>
        %dma_start3A_209 = arith.constant 0 : i32
        %dma_start3A_210 = tpu.memref_slice %arg11[%add3A_173, %dma_start3A_209] : memref<10000x48xf32, #tpu.memory_space<vmem_shared>> -> memref<72x48xf32, #tpu.memory_space<vmem_shared>>
        %dma_start3A_211 = arith.constant 0 : i32
        %dma_start3A_212 = tpu.memref_slice %arg11[%add3A_173, %dma_start3A_211] : memref<10000x48xf32, #tpu.memory_space<vmem_shared>> -> memref<72x48xf32, #tpu.memory_space<vmem_shared>>
        %dma_start3A_213 = arith.constant 0 : i32
        %dma_start3A_214 = arith.constant 0 : i32
        %dma_start3A_215 = tpu.memref_slice %arg8[%dma_start3A_213, %dma_start3A_214] : memref<80x48xf32, #tpu.memory_space<vmem>> -> memref<72x48xf32, #tpu.memory_space<vmem>>
        tpu.enqueue_dma source(%dma_start3A_215 : memref<72x48xf32, #tpu.memory_space<vmem>>) target(%dma_start3A_212 : memref<72x48xf32, #tpu.memory_space<vmem_shared>>) target_semaphore(%run_scoped3A : memref<!tpu.dma_semaphore, #tpu.memory_space<semaphore_mem>>)
        %dma_wait3A_216 = arith.constant 0 : i32
        %dma_wait3A_217 = arith.constant 0 : i32
        %dma_wait3A_218 = tpu.memref_slice %arg8[%dma_wait3A_216, %dma_wait3A_217] : memref<80x48xf32, #tpu.memory_space<vmem>> -> memref<72x48xf32, #tpu.memory_space<vmem>>
        %dma_wait3A_219 = arith.constant 0 : i32
        %dma_wait3A_220 = tpu.memref_slice %arg11[%add3A_173, %dma_wait3A_219] : memref<10000x48xf32, #tpu.memory_space<vmem_shared>> -> memref<72x48xf32, #tpu.memory_space<vmem_shared>>
        %dma_wait3A_221 = arith.constant 0 : i32
        %dma_wait3A_222 = tpu.memref_slice %arg11[%add3A_173, %dma_wait3A_221] : memref<10000x48xf32, #tpu.memory_space<vmem_shared>> -> memref<72x48xf32, #tpu.memory_space<vmem_shared>>
        %dma_wait3A_223 = arith.constant 0 : i32
        %dma_wait3A_224 = arith.constant 0 : i32
        %dma_wait3A_225 = tpu.memref_slice %arg8[%dma_wait3A_223, %dma_wait3A_224] : memref<80x48xf32, #tpu.memory_space<vmem>> -> memref<72x48xf32, #tpu.memory_space<vmem>>
        tpu.wait_dma2 semaphore(%run_scoped3A : memref<!tpu.dma_semaphore, #tpu.memory_space<semaphore_mem>>) src(%dma_wait3A_225 : memref<72x48xf32, #tpu.memory_space<vmem>>) dst(%dma_wait3A_222 : memref<72x48xf32, #tpu.memory_space<vmem_shared>>)
        tpu.yield
      }) : () -> ()
      %mul3A_174 = arith.constant 632 : i32
      %mul3A_175 = arith.muli %arg1, %mul3A_174 : i32
      %add3A_176 = arith.constant 72 : i32
      %add3A_177 = arith.addi %mul3A_175, %add3A_176 : i32
      "tpu.region"() ({
        %run_scoped3A = tpu.sem_alloc : memref<!tpu.dma_semaphore, #tpu.memory_space<semaphore_mem>>
        %dma_start3A_206 = arith.constant 0 : i32
        %dma_start3A_207 = arith.constant 0 : i32
        %dma_start3A_208 = tpu.memref_slice %arg8[%dma_start3A_206, %dma_start3A_207] : memref<80x48xf32, #tpu.memory_space<vmem>> -> memref<72x48xf32, #tpu.memory_space<vmem>>
        %dma_start3A_209 = arith.constant 0 : i32
        %dma_start3A_210 = tpu.memref_slice %arg11[%add3A_177, %dma_start3A_209] : memref<10000x48xf32, #tpu.memory_space<vmem_shared>> -> memref<72x48xf32, #tpu.memory_space<vmem_shared>>
        %dma_start3A_211 = arith.constant 0 : i32
        %dma_start3A_212 = tpu.memref_slice %arg11[%add3A_177, %dma_start3A_211] : memref<10000x48xf32, #tpu.memory_space<vmem_shared>> -> memref<72x48xf32, #tpu.memory_space<vmem_shared>>
        %dma_start3A_213 = arith.constant 0 : i32
        %dma_start3A_214 = arith.constant 0 : i32
        %dma_start3A_215 = tpu.memref_slice %arg8[%dma_start3A_213, %dma_start3A_214] : memref<80x48xf32, #tpu.memory_space<vmem>> -> memref<72x48xf32, #tpu.memory_space<vmem>>
        tpu.enqueue_dma source(%dma_start3A_215 : memref<72x48xf32, #tpu.memory_space<vmem>>) target(%dma_start3A_212 : memref<72x48xf32, #tpu.memory_space<vmem_shared>>) target_semaphore(%run_scoped3A : memref<!tpu.dma_semaphore, #tpu.memory_space<semaphore_mem>>)
        %dma_wait3A_216 = arith.constant 0 : i32
        %dma_wait3A_217 = arith.constant 0 : i32
        %dma_wait3A_218 = tpu.memref_slice %arg8[%dma_wait3A_216, %dma_wait3A_217] : memref<80x48xf32, #tpu.memory_space<vmem>> -> memref<72x48xf32, #tpu.memory_space<vmem>>
        %dma_wait3A_219 = arith.constant 0 : i32
        %dma_wait3A_220 = tpu.memref_slice %arg11[%add3A_177, %dma_wait3A_219] : memref<10000x48xf32, #tpu.memory_space<vmem_shared>> -> memref<72x48xf32, #tpu.memory_space<vmem_shared>>
        %dma_wait3A_221 = arith.constant 0 : i32
        %dma_wait3A_222 = tpu.memref_slice %arg11[%add3A_177, %dma_wait3A_221] : memref<10000x48xf32, #tpu.memory_space<vmem_shared>> -> memref<72x48xf32, #tpu.memory_space<vmem_shared>>
        %dma_wait3A_223 = arith.constant 0 : i32
        %dma_wait3A_224 = arith.constant 0 : i32
        %dma_wait3A_225 = tpu.memref_slice %arg8[%dma_wait3A_223, %dma_wait3A_224] : memref<80x48xf32, #tpu.memory_space<vmem>> -> memref<72x48xf32, #tpu.memory_space<vmem>>
        tpu.wait_dma2 semaphore(%run_scoped3A : memref<!tpu.dma_semaphore, #tpu.memory_space<semaphore_mem>>) src(%dma_wait3A_225 : memref<72x48xf32, #tpu.memory_space<vmem>>) dst(%dma_wait3A_222 : memref<72x48xf32, #tpu.memory_space<vmem_shared>>)
        tpu.yield
      }) : () -> ()
      %mul3A_178 = arith.constant 632 : i32
      %mul3A_179 = arith.muli %arg1, %mul3A_178 : i32
      %add3A_180 = arith.constant 144 : i32
      %add3A_181 = arith.addi %mul3A_179, %add3A_180 : i32
      "tpu.region"() ({
        %run_scoped3A = tpu.sem_alloc : memref<!tpu.dma_semaphore, #tpu.memory_space<semaphore_mem>>
        %dma_start3A_206 = arith.constant 0 : i32
        %dma_start3A_207 = arith.constant 0 : i32
        %dma_start3A_208 = tpu.memref_slice %arg8[%dma_start3A_206, %dma_start3A_207] : memref<80x48xf32, #tpu.memory_space<vmem>> -> memref<72x48xf32, #tpu.memory_space<vmem>>
        %dma_start3A_209 = arith.constant 0 : i32
        %dma_start3A_210 = tpu.memref_slice %arg11[%add3A_181, %dma_start3A_209] : memref<10000x48xf32, #tpu.memory_space<vmem_shared>> -> memref<72x48xf32, #tpu.memory_space<vmem_shared>>
        %dma_start3A_211 = arith.constant 0 : i32
        %dma_start3A_212 = tpu.memref_slice %arg11[%add3A_181, %dma_start3A_211] : memref<10000x48xf32, #tpu.memory_space<vmem_shared>> -> memref<72x48xf32, #tpu.memory_space<vmem_shared>>
        %dma_start3A_213 = arith.constant 0 : i32
        %dma_start3A_214 = arith.constant 0 : i32
        %dma_start3A_215 = tpu.memref_slice %arg8[%dma_start3A_213, %dma_start3A_214] : memref<80x48xf32, #tpu.memory_space<vmem>> -> memref<72x48xf32, #tpu.memory_space<vmem>>
        tpu.enqueue_dma source(%dma_start3A_215 : memref<72x48xf32, #tpu.memory_space<vmem>>) target(%dma_start3A_212 : memref<72x48xf32, #tpu.memory_space<vmem_shared>>) target_semaphore(%run_scoped3A : memref<!tpu.dma_semaphore, #tpu.memory_space<semaphore_mem>>)
        %dma_wait3A_216 = arith.constant 0 : i32
        %dma_wait3A_217 = arith.constant 0 : i32
        %dma_wait3A_218 = tpu.memref_slice %arg8[%dma_wait3A_216, %dma_wait3A_217] : memref<80x48xf32, #tpu.memory_space<vmem>> -> memref<72x48xf32, #tpu.memory_space<vmem>>
        %dma_wait3A_219 = arith.constant 0 : i32
        %dma_wait3A_220 = tpu.memref_slice %arg11[%add3A_181, %dma_wait3A_219] : memref<10000x48xf32, #tpu.memory_space<vmem_shared>> -> memref<72x48xf32, #tpu.memory_space<vmem_shared>>
        %dma_wait3A_221 = arith.constant 0 : i32
        %dma_wait3A_222 = tpu.memref_slice %arg11[%add3A_181, %dma_wait3A_221] : memref<10000x48xf32, #tpu.memory_space<vmem_shared>> -> memref<72x48xf32, #tpu.memory_space<vmem_shared>>
        %dma_wait3A_223 = arith.constant 0 : i32
        %dma_wait3A_224 = arith.constant 0 : i32
        %dma_wait3A_225 = tpu.memref_slice %arg8[%dma_wait3A_223, %dma_wait3A_224] : memref<80x48xf32, #tpu.memory_space<vmem>> -> memref<72x48xf32, #tpu.memory_space<vmem>>
        tpu.wait_dma2 semaphore(%run_scoped3A : memref<!tpu.dma_semaphore, #tpu.memory_space<semaphore_mem>>) src(%dma_wait3A_225 : memref<72x48xf32, #tpu.memory_space<vmem>>) dst(%dma_wait3A_222 : memref<72x48xf32, #tpu.memory_space<vmem_shared>>)
        tpu.yield
      }) : () -> ()
      %mul3A_182 = arith.constant 632 : i32
      %mul3A_183 = arith.muli %arg1, %mul3A_182 : i32
      %add3A_184 = arith.constant 216 : i32
      %add3A_185 = arith.addi %mul3A_183, %add3A_184 : i32
      "tpu.region"() ({
        %run_scoped3A = tpu.sem_alloc : memref<!tpu.dma_semaphore, #tpu.memory_space<semaphore_mem>>
        %dma_start3A_206 = arith.constant 0 : i32
        %dma_start3A_207 = arith.constant 0 : i32
        %dma_start3A_208 = tpu.memref_slice %arg8[%dma_start3A_206, %dma_start3A_207] : memref<80x48xf32, #tpu.memory_space<vmem>> -> memref<72x48xf32, #tpu.memory_space<vmem>>
        %dma_start3A_209 = arith.constant 0 : i32
        %dma_start3A_210 = tpu.memref_slice %arg11[%add3A_185, %dma_start3A_209] : memref<10000x48xf32, #tpu.memory_space<vmem_shared>> -> memref<72x48xf32, #tpu.memory_space<vmem_shared>>
        %dma_start3A_211 = arith.constant 0 : i32
        %dma_start3A_212 = tpu.memref_slice %arg11[%add3A_185, %dma_start3A_211] : memref<10000x48xf32, #tpu.memory_space<vmem_shared>> -> memref<72x48xf32, #tpu.memory_space<vmem_shared>>
        %dma_start3A_213 = arith.constant 0 : i32
        %dma_start3A_214 = arith.constant 0 : i32
        %dma_start3A_215 = tpu.memref_slice %arg8[%dma_start3A_213, %dma_start3A_214] : memref<80x48xf32, #tpu.memory_space<vmem>> -> memref<72x48xf32, #tpu.memory_space<vmem>>
        tpu.enqueue_dma source(%dma_start3A_215 : memref<72x48xf32, #tpu.memory_space<vmem>>) target(%dma_start3A_212 : memref<72x48xf32, #tpu.memory_space<vmem_shared>>) target_semaphore(%run_scoped3A : memref<!tpu.dma_semaphore, #tpu.memory_space<semaphore_mem>>)
        %dma_wait3A_216 = arith.constant 0 : i32
        %dma_wait3A_217 = arith.constant 0 : i32
        %dma_wait3A_218 = tpu.memref_slice %arg8[%dma_wait3A_216, %dma_wait3A_217] : memref<80x48xf32, #tpu.memory_space<vmem>> -> memref<72x48xf32, #tpu.memory_space<vmem>>
        %dma_wait3A_219 = arith.constant 0 : i32
        %dma_wait3A_220 = tpu.memref_slice %arg11[%add3A_185, %dma_wait3A_219] : memref<10000x48xf32, #tpu.memory_space<vmem_shared>> -> memref<72x48xf32, #tpu.memory_space<vmem_shared>>
        %dma_wait3A_221 = arith.constant 0 : i32
        %dma_wait3A_222 = tpu.memref_slice %arg11[%add3A_185, %dma_wait3A_221] : memref<10000x48xf32, #tpu.memory_space<vmem_shared>> -> memref<72x48xf32, #tpu.memory_space<vmem_shared>>
        %dma_wait3A_223 = arith.constant 0 : i32
        %dma_wait3A_224 = arith.constant 0 : i32
        %dma_wait3A_225 = tpu.memref_slice %arg8[%dma_wait3A_223, %dma_wait3A_224] : memref<80x48xf32, #tpu.memory_space<vmem>> -> memref<72x48xf32, #tpu.memory_space<vmem>>
        tpu.wait_dma2 semaphore(%run_scoped3A : memref<!tpu.dma_semaphore, #tpu.memory_space<semaphore_mem>>) src(%dma_wait3A_225 : memref<72x48xf32, #tpu.memory_space<vmem>>) dst(%dma_wait3A_222 : memref<72x48xf32, #tpu.memory_space<vmem_shared>>)
        tpu.yield
      }) : () -> ()
      %mul3A_186 = arith.constant 632 : i32
      %mul3A_187 = arith.muli %arg1, %mul3A_186 : i32
      %add3A_188 = arith.constant 288 : i32
      %add3A_189 = arith.addi %mul3A_187, %add3A_188 : i32
      "tpu.region"() ({
        %run_scoped3A = tpu.sem_alloc : memref<!tpu.dma_semaphore, #tpu.memory_space<semaphore_mem>>
        %dma_start3A_206 = arith.constant 0 : i32
        %dma_start3A_207 = arith.constant 0 : i32
        %dma_start3A_208 = tpu.memref_slice %arg8[%dma_start3A_206, %dma_start3A_207] : memref<80x48xf32, #tpu.memory_space<vmem>> -> memref<72x48xf32, #tpu.memory_space<vmem>>
        %dma_start3A_209 = arith.constant 0 : i32
        %dma_start3A_210 = tpu.memref_slice %arg11[%add3A_189, %dma_start3A_209] : memref<10000x48xf32, #tpu.memory_space<vmem_shared>> -> memref<72x48xf32, #tpu.memory_space<vmem_shared>>
        %dma_start3A_211 = arith.constant 0 : i32
        %dma_start3A_212 = tpu.memref_slice %arg11[%add3A_189, %dma_start3A_211] : memref<10000x48xf32, #tpu.memory_space<vmem_shared>> -> memref<72x48xf32, #tpu.memory_space<vmem_shared>>
        %dma_start3A_213 = arith.constant 0 : i32
        %dma_start3A_214 = arith.constant 0 : i32
        %dma_start3A_215 = tpu.memref_slice %arg8[%dma_start3A_213, %dma_start3A_214] : memref<80x48xf32, #tpu.memory_space<vmem>> -> memref<72x48xf32, #tpu.memory_space<vmem>>
        tpu.enqueue_dma source(%dma_start3A_215 : memref<72x48xf32, #tpu.memory_space<vmem>>) target(%dma_start3A_212 : memref<72x48xf32, #tpu.memory_space<vmem_shared>>) target_semaphore(%run_scoped3A : memref<!tpu.dma_semaphore, #tpu.memory_space<semaphore_mem>>)
        %dma_wait3A_216 = arith.constant 0 : i32
        %dma_wait3A_217 = arith.constant 0 : i32
        %dma_wait3A_218 = tpu.memref_slice %arg8[%dma_wait3A_216, %dma_wait3A_217] : memref<80x48xf32, #tpu.memory_space<vmem>> -> memref<72x48xf32, #tpu.memory_space<vmem>>
        %dma_wait3A_219 = arith.constant 0 : i32
        %dma_wait3A_220 = tpu.memref_slice %arg11[%add3A_189, %dma_wait3A_219] : memref<10000x48xf32, #tpu.memory_space<vmem_shared>> -> memref<72x48xf32, #tpu.memory_space<vmem_shared>>
        %dma_wait3A_221 = arith.constant 0 : i32
        %dma_wait3A_222 = tpu.memref_slice %arg11[%add3A_189, %dma_wait3A_221] : memref<10000x48xf32, #tpu.memory_space<vmem_shared>> -> memref<72x48xf32, #tpu.memory_space<vmem_shared>>
        %dma_wait3A_223 = arith.constant 0 : i32
        %dma_wait3A_224 = arith.constant 0 : i32
        %dma_wait3A_225 = tpu.memref_slice %arg8[%dma_wait3A_223, %dma_wait3A_224] : memref<80x48xf32, #tpu.memory_space<vmem>> -> memref<72x48xf32, #tpu.memory_space<vmem>>
        tpu.wait_dma2 semaphore(%run_scoped3A : memref<!tpu.dma_semaphore, #tpu.memory_space<semaphore_mem>>) src(%dma_wait3A_225 : memref<72x48xf32, #tpu.memory_space<vmem>>) dst(%dma_wait3A_222 : memref<72x48xf32, #tpu.memory_space<vmem_shared>>)
        tpu.yield
      }) : () -> ()
      %mul3A_190 = arith.constant 632 : i32
      %mul3A_191 = arith.muli %arg1, %mul3A_190 : i32
      %add3A_192 = arith.constant 360 : i32
      %add3A_193 = arith.addi %mul3A_191, %add3A_192 : i32
      "tpu.region"() ({
        %run_scoped3A = tpu.sem_alloc : memref<!tpu.dma_semaphore, #tpu.memory_space<semaphore_mem>>
        %dma_start3A_206 = arith.constant 0 : i32
        %dma_start3A_207 = arith.constant 0 : i32
        %dma_start3A_208 = tpu.memref_slice %arg8[%dma_start3A_206, %dma_start3A_207] : memref<80x48xf32, #tpu.memory_space<vmem>> -> memref<72x48xf32, #tpu.memory_space<vmem>>
        %dma_start3A_209 = arith.constant 0 : i32
        %dma_start3A_210 = tpu.memref_slice %arg11[%add3A_193, %dma_start3A_209] : memref<10000x48xf32, #tpu.memory_space<vmem_shared>> -> memref<72x48xf32, #tpu.memory_space<vmem_shared>>
        %dma_start3A_211 = arith.constant 0 : i32
        %dma_start3A_212 = tpu.memref_slice %arg11[%add3A_193, %dma_start3A_211] : memref<10000x48xf32, #tpu.memory_space<vmem_shared>> -> memref<72x48xf32, #tpu.memory_space<vmem_shared>>
        %dma_start3A_213 = arith.constant 0 : i32
        %dma_start3A_214 = arith.constant 0 : i32
        %dma_start3A_215 = tpu.memref_slice %arg8[%dma_start3A_213, %dma_start3A_214] : memref<80x48xf32, #tpu.memory_space<vmem>> -> memref<72x48xf32, #tpu.memory_space<vmem>>
        tpu.enqueue_dma source(%dma_start3A_215 : memref<72x48xf32, #tpu.memory_space<vmem>>) target(%dma_start3A_212 : memref<72x48xf32, #tpu.memory_space<vmem_shared>>) target_semaphore(%run_scoped3A : memref<!tpu.dma_semaphore, #tpu.memory_space<semaphore_mem>>)
        %dma_wait3A_216 = arith.constant 0 : i32
        %dma_wait3A_217 = arith.constant 0 : i32
        %dma_wait3A_218 = tpu.memref_slice %arg8[%dma_wait3A_216, %dma_wait3A_217] : memref<80x48xf32, #tpu.memory_space<vmem>> -> memref<72x48xf32, #tpu.memory_space<vmem>>
        %dma_wait3A_219 = arith.constant 0 : i32
        %dma_wait3A_220 = tpu.memref_slice %arg11[%add3A_193, %dma_wait3A_219] : memref<10000x48xf32, #tpu.memory_space<vmem_shared>> -> memref<72x48xf32, #tpu.memory_space<vmem_shared>>
        %dma_wait3A_221 = arith.constant 0 : i32
        %dma_wait3A_222 = tpu.memref_slice %arg11[%add3A_193, %dma_wait3A_221] : memref<10000x48xf32, #tpu.memory_space<vmem_shared>> -> memref<72x48xf32, #tpu.memory_space<vmem_shared>>
        %dma_wait3A_223 = arith.constant 0 : i32
        %dma_wait3A_224 = arith.constant 0 : i32
        %dma_wait3A_225 = tpu.memref_slice %arg8[%dma_wait3A_223, %dma_wait3A_224] : memref<80x48xf32, #tpu.memory_space<vmem>> -> memref<72x48xf32, #tpu.memory_space<vmem>>
        tpu.wait_dma2 semaphore(%run_scoped3A : memref<!tpu.dma_semaphore, #tpu.memory_space<semaphore_mem>>) src(%dma_wait3A_225 : memref<72x48xf32, #tpu.memory_space<vmem>>) dst(%dma_wait3A_222 : memref<72x48xf32, #tpu.memory_space<vmem_shared>>)
        tpu.yield
      }) : () -> ()
      %mul3A_194 = arith.constant 632 : i32
      %mul3A_195 = arith.muli %arg1, %mul3A_194 : i32
      %add3A_196 = arith.constant 432 : i32
      %add3A_197 = arith.addi %mul3A_195, %add3A_196 : i32
      "tpu.region"() ({
        %run_scoped3A = tpu.sem_alloc : memref<!tpu.dma_semaphore, #tpu.memory_space<semaphore_mem>>
        %dma_start3A_206 = arith.constant 0 : i32
        %dma_start3A_207 = arith.constant 0 : i32
        %dma_start3A_208 = tpu.memref_slice %arg8[%dma_start3A_206, %dma_start3A_207] : memref<80x48xf32, #tpu.memory_space<vmem>> -> memref<72x48xf32, #tpu.memory_space<vmem>>
        %dma_start3A_209 = arith.constant 0 : i32
        %dma_start3A_210 = tpu.memref_slice %arg11[%add3A_197, %dma_start3A_209] : memref<10000x48xf32, #tpu.memory_space<vmem_shared>> -> memref<72x48xf32, #tpu.memory_space<vmem_shared>>
        %dma_start3A_211 = arith.constant 0 : i32
        %dma_start3A_212 = tpu.memref_slice %arg11[%add3A_197, %dma_start3A_211] : memref<10000x48xf32, #tpu.memory_space<vmem_shared>> -> memref<72x48xf32, #tpu.memory_space<vmem_shared>>
        %dma_start3A_213 = arith.constant 0 : i32
        %dma_start3A_214 = arith.constant 0 : i32
        %dma_start3A_215 = tpu.memref_slice %arg8[%dma_start3A_213, %dma_start3A_214] : memref<80x48xf32, #tpu.memory_space<vmem>> -> memref<72x48xf32, #tpu.memory_space<vmem>>
        tpu.enqueue_dma source(%dma_start3A_215 : memref<72x48xf32, #tpu.memory_space<vmem>>) target(%dma_start3A_212 : memref<72x48xf32, #tpu.memory_space<vmem_shared>>) target_semaphore(%run_scoped3A : memref<!tpu.dma_semaphore, #tpu.memory_space<semaphore_mem>>)
        %dma_wait3A_216 = arith.constant 0 : i32
        %dma_wait3A_217 = arith.constant 0 : i32
        %dma_wait3A_218 = tpu.memref_slice %arg8[%dma_wait3A_216, %dma_wait3A_217] : memref<80x48xf32, #tpu.memory_space<vmem>> -> memref<72x48xf32, #tpu.memory_space<vmem>>
        %dma_wait3A_219 = arith.constant 0 : i32
        %dma_wait3A_220 = tpu.memref_slice %arg11[%add3A_197, %dma_wait3A_219] : memref<10000x48xf32, #tpu.memory_space<vmem_shared>> -> memref<72x48xf32, #tpu.memory_space<vmem_shared>>
        %dma_wait3A_221 = arith.constant 0 : i32
        %dma_wait3A_222 = tpu.memref_slice %arg11[%add3A_197, %dma_wait3A_221] : memref<10000x48xf32, #tpu.memory_space<vmem_shared>> -> memref<72x48xf32, #tpu.memory_space<vmem_shared>>
        %dma_wait3A_223 = arith.constant 0 : i32
        %dma_wait3A_224 = arith.constant 0 : i32
        %dma_wait3A_225 = tpu.memref_slice %arg8[%dma_wait3A_223, %dma_wait3A_224] : memref<80x48xf32, #tpu.memory_space<vmem>> -> memref<72x48xf32, #tpu.memory_space<vmem>>
        tpu.wait_dma2 semaphore(%run_scoped3A : memref<!tpu.dma_semaphore, #tpu.memory_space<semaphore_mem>>) src(%dma_wait3A_225 : memref<72x48xf32, #tpu.memory_space<vmem>>) dst(%dma_wait3A_222 : memref<72x48xf32, #tpu.memory_space<vmem_shared>>)
        tpu.yield
      }) : () -> ()
      %mul3A_198 = arith.constant 632 : i32
      %mul3A_199 = arith.muli %arg1, %mul3A_198 : i32
      %add3A_200 = arith.constant 504 : i32
      %add3A_201 = arith.addi %mul3A_199, %add3A_200 : i32
      "tpu.region"() ({
        %run_scoped3A = tpu.sem_alloc : memref<!tpu.dma_semaphore, #tpu.memory_space<semaphore_mem>>
        %dma_start3A_206 = arith.constant 0 : i32
        %dma_start3A_207 = arith.constant 0 : i32
        %dma_start3A_208 = tpu.memref_slice %arg8[%dma_start3A_206, %dma_start3A_207] : memref<80x48xf32, #tpu.memory_space<vmem>> -> memref<72x48xf32, #tpu.memory_space<vmem>>
        %dma_start3A_209 = arith.constant 0 : i32
        %dma_start3A_210 = tpu.memref_slice %arg11[%add3A_201, %dma_start3A_209] : memref<10000x48xf32, #tpu.memory_space<vmem_shared>> -> memref<72x48xf32, #tpu.memory_space<vmem_shared>>
        %dma_start3A_211 = arith.constant 0 : i32
        %dma_start3A_212 = tpu.memref_slice %arg11[%add3A_201, %dma_start3A_211] : memref<10000x48xf32, #tpu.memory_space<vmem_shared>> -> memref<72x48xf32, #tpu.memory_space<vmem_shared>>
        %dma_start3A_213 = arith.constant 0 : i32
        %dma_start3A_214 = arith.constant 0 : i32
        %dma_start3A_215 = tpu.memref_slice %arg8[%dma_start3A_213, %dma_start3A_214] : memref<80x48xf32, #tpu.memory_space<vmem>> -> memref<72x48xf32, #tpu.memory_space<vmem>>
        tpu.enqueue_dma source(%dma_start3A_215 : memref<72x48xf32, #tpu.memory_space<vmem>>) target(%dma_start3A_212 : memref<72x48xf32, #tpu.memory_space<vmem_shared>>) target_semaphore(%run_scoped3A : memref<!tpu.dma_semaphore, #tpu.memory_space<semaphore_mem>>)
        %dma_wait3A_216 = arith.constant 0 : i32
        %dma_wait3A_217 = arith.constant 0 : i32
        %dma_wait3A_218 = tpu.memref_slice %arg8[%dma_wait3A_216, %dma_wait3A_217] : memref<80x48xf32, #tpu.memory_space<vmem>> -> memref<72x48xf32, #tpu.memory_space<vmem>>
        %dma_wait3A_219 = arith.constant 0 : i32
        %dma_wait3A_220 = tpu.memref_slice %arg11[%add3A_201, %dma_wait3A_219] : memref<10000x48xf32, #tpu.memory_space<vmem_shared>> -> memref<72x48xf32, #tpu.memory_space<vmem_shared>>
        %dma_wait3A_221 = arith.constant 0 : i32
        %dma_wait3A_222 = tpu.memref_slice %arg11[%add3A_201, %dma_wait3A_221] : memref<10000x48xf32, #tpu.memory_space<vmem_shared>> -> memref<72x48xf32, #tpu.memory_space<vmem_shared>>
        %dma_wait3A_223 = arith.constant 0 : i32
        %dma_wait3A_224 = arith.constant 0 : i32
        %dma_wait3A_225 = tpu.memref_slice %arg8[%dma_wait3A_223, %dma_wait3A_224] : memref<80x48xf32, #tpu.memory_space<vmem>> -> memref<72x48xf32, #tpu.memory_space<vmem>>
        tpu.wait_dma2 semaphore(%run_scoped3A : memref<!tpu.dma_semaphore, #tpu.memory_space<semaphore_mem>>) src(%dma_wait3A_225 : memref<72x48xf32, #tpu.memory_space<vmem>>) dst(%dma_wait3A_222 : memref<72x48xf32, #tpu.memory_space<vmem_shared>>)
        tpu.yield
      }) : () -> ()
      %mul3A_202 = arith.constant 632 : i32
      %mul3A_203 = arith.muli %arg1, %mul3A_202 : i32
      %add3A_204 = arith.constant 576 : i32
      %add3A_205 = arith.addi %mul3A_203, %add3A_204 : i32
      "tpu.region"() ({
        %run_scoped3A = tpu.sem_alloc : memref<!tpu.dma_semaphore, #tpu.memory_space<semaphore_mem>>
        %dma_start3A_206 = arith.constant 0 : i32
        %dma_start3A_207 = arith.constant 0 : i32
        %dma_start3A_208 = tpu.memref_slice %arg8[%dma_start3A_206, %dma_start3A_207] : memref<80x48xf32, #tpu.memory_space<vmem>> -> memref<56x48xf32, #tpu.memory_space<vmem>>
        %dma_start3A_209 = arith.constant 0 : i32
        %dma_start3A_210 = tpu.memref_slice %arg11[%add3A_205, %dma_start3A_209] : memref<10000x48xf32, #tpu.memory_space<vmem_shared>> -> memref<56x48xf32, #tpu.memory_space<vmem_shared>>
        %dma_start3A_211 = arith.constant 0 : i32
        %dma_start3A_212 = tpu.memref_slice %arg11[%add3A_205, %dma_start3A_211] : memref<10000x48xf32, #tpu.memory_space<vmem_shared>> -> memref<56x48xf32, #tpu.memory_space<vmem_shared>>
        %dma_start3A_213 = arith.constant 0 : i32
        %dma_start3A_214 = arith.constant 0 : i32
        %dma_start3A_215 = tpu.memref_slice %arg8[%dma_start3A_213, %dma_start3A_214] : memref<80x48xf32, #tpu.memory_space<vmem>> -> memref<56x48xf32, #tpu.memory_space<vmem>>
        tpu.enqueue_dma source(%dma_start3A_215 : memref<56x48xf32, #tpu.memory_space<vmem>>) target(%dma_start3A_212 : memref<56x48xf32, #tpu.memory_space<vmem_shared>>) target_semaphore(%run_scoped3A : memref<!tpu.dma_semaphore, #tpu.memory_space<semaphore_mem>>)
        %dma_wait3A_216 = arith.constant 0 : i32
        %dma_wait3A_217 = arith.constant 0 : i32
        %dma_wait3A_218 = tpu.memref_slice %arg8[%dma_wait3A_216, %dma_wait3A_217] : memref<80x48xf32, #tpu.memory_space<vmem>> -> memref<56x48xf32, #tpu.memory_space<vmem>>
        %dma_wait3A_219 = arith.constant 0 : i32
        %dma_wait3A_220 = tpu.memref_slice %arg11[%add3A_205, %dma_wait3A_219] : memref<10000x48xf32, #tpu.memory_space<vmem_shared>> -> memref<56x48xf32, #tpu.memory_space<vmem_shared>>
        %dma_wait3A_221 = arith.constant 0 : i32
        %dma_wait3A_222 = tpu.memref_slice %arg11[%add3A_205, %dma_wait3A_221] : memref<10000x48xf32, #tpu.memory_space<vmem_shared>> -> memref<56x48xf32, #tpu.memory_space<vmem_shared>>
        %dma_wait3A_223 = arith.constant 0 : i32
        %dma_wait3A_224 = arith.constant 0 : i32
        %dma_wait3A_225 = tpu.memref_slice %arg8[%dma_wait3A_223, %dma_wait3A_224] : memref<80x48xf32, #tpu.memory_space<vmem>> -> memref<56x48xf32, #tpu.memory_space<vmem>>
        tpu.wait_dma2 semaphore(%run_scoped3A : memref<!tpu.dma_semaphore, #tpu.memory_space<semaphore_mem>>) src(%dma_wait3A_225 : memref<56x48xf32, #tpu.memory_space<vmem>>) dst(%dma_wait3A_222 : memref<56x48xf32, #tpu.memory_space<vmem_shared>>)
        tpu.yield
      }) : () -> ()
    } else {
    }
    %eq3A = arith.constant 15 : i32
    %eq3A_10 = arith.cmpi eq, %arg1, %eq3A : i32
    %convert_element_type3A_11 = arith.extui %eq3A_10 : i1 to i32
    %cond3A_12 = arith.constant 0 : i32
    %cond3A_13 = arith.cmpi ne, %convert_element_type3A_11, %cond3A_12 : i32
    scf.if %cond3A_13 {
      %mul3A_170 = arith.constant 632 : i32
      %mul3A_171 = arith.muli %arg1, %mul3A_170 : i32
      %add3A_172 = arith.constant 0 : i32
      %add3A_173 = arith.addi %mul3A_171, %add3A_172 : i32
      "tpu.region"() ({
        %run_scoped3A = tpu.sem_alloc : memref<!tpu.dma_semaphore, #tpu.memory_space<semaphore_mem>>
        %dma_start3A_202 = arith.constant 0 : i32
        %dma_start3A_203 = arith.constant 0 : i32
        %dma_start3A_204 = tpu.memref_slice %arg8[%dma_start3A_202, %dma_start3A_203] : memref<80x48xf32, #tpu.memory_space<vmem>> -> memref<72x48xf32, #tpu.memory_space<vmem>>
        %dma_start3A_205 = arith.constant 0 : i32
        %dma_start3A_206 = tpu.memref_slice %arg11[%add3A_173, %dma_start3A_205] : memref<10000x48xf32, #tpu.memory_space<vmem_shared>> -> memref<72x48xf32, #tpu.memory_space<vmem_shared>>
        %dma_start3A_207 = arith.constant 0 : i32
        %dma_start3A_208 = tpu.memref_slice %arg11[%add3A_173, %dma_start3A_207] : memref<10000x48xf32, #tpu.memory_space<vmem_shared>> -> memref<72x48xf32, #tpu.memory_space<vmem_shared>>
        %dma_start3A_209 = arith.constant 0 : i32
        %dma_start3A_210 = arith.constant 0 : i32
        %dma_start3A_211 = tpu.memref_slice %arg8[%dma_start3A_209, %dma_start3A_210] : memref<80x48xf32, #tpu.memory_space<vmem>> -> memref<72x48xf32, #tpu.memory_space<vmem>>
        tpu.enqueue_dma source(%dma_start3A_211 : memref<72x48xf32, #tpu.memory_space<vmem>>) target(%dma_start3A_208 : memref<72x48xf32, #tpu.memory_space<vmem_shared>>) target_semaphore(%run_scoped3A : memref<!tpu.dma_semaphore, #tpu.memory_space<semaphore_mem>>)
        %dma_wait3A_212 = arith.constant 0 : i32
        %dma_wait3A_213 = arith.constant 0 : i32
        %dma_wait3A_214 = tpu.memref_slice %arg8[%dma_wait3A_212, %dma_wait3A_213] : memref<80x48xf32, #tpu.memory_space<vmem>> -> memref<72x48xf32, #tpu.memory_space<vmem>>
        %dma_wait3A_215 = arith.constant 0 : i32
        %dma_wait3A_216 = tpu.memref_slice %arg11[%add3A_173, %dma_wait3A_215] : memref<10000x48xf32, #tpu.memory_space<vmem_shared>> -> memref<72x48xf32, #tpu.memory_space<vmem_shared>>
        %dma_wait3A_217 = arith.constant 0 : i32
        %dma_wait3A_218 = tpu.memref_slice %arg11[%add3A_173, %dma_wait3A_217] : memref<10000x48xf32, #tpu.memory_space<vmem_shared>> -> memref<72x48xf32, #tpu.memory_space<vmem_shared>>
        %dma_wait3A_219 = arith.constant 0 : i32
        %dma_wait3A_220 = arith.constant 0 : i32
        %dma_wait3A_221 = tpu.memref_slice %arg8[%dma_wait3A_219, %dma_wait3A_220] : memref<80x48xf32, #tpu.memory_space<vmem>> -> memref<72x48xf32, #tpu.memory_space<vmem>>
        tpu.wait_dma2 semaphore(%run_scoped3A : memref<!tpu.dma_semaphore, #tpu.memory_space<semaphore_mem>>) src(%dma_wait3A_221 : memref<72x48xf32, #tpu.memory_space<vmem>>) dst(%dma_wait3A_218 : memref<72x48xf32, #tpu.memory_space<vmem_shared>>)
        tpu.yield
      }) : () -> ()
      %mul3A_174 = arith.constant 632 : i32
      %mul3A_175 = arith.muli %arg1, %mul3A_174 : i32
      %add3A_176 = arith.constant 72 : i32
      %add3A_177 = arith.addi %mul3A_175, %add3A_176 : i32
      "tpu.region"() ({
        %run_scoped3A = tpu.sem_alloc : memref<!tpu.dma_semaphore, #tpu.memory_space<semaphore_mem>>
        %dma_start3A_202 = arith.constant 0 : i32
        %dma_start3A_203 = arith.constant 0 : i32
        %dma_start3A_204 = tpu.memref_slice %arg8[%dma_start3A_202, %dma_start3A_203] : memref<80x48xf32, #tpu.memory_space<vmem>> -> memref<72x48xf32, #tpu.memory_space<vmem>>
        %dma_start3A_205 = arith.constant 0 : i32
        %dma_start3A_206 = tpu.memref_slice %arg11[%add3A_177, %dma_start3A_205] : memref<10000x48xf32, #tpu.memory_space<vmem_shared>> -> memref<72x48xf32, #tpu.memory_space<vmem_shared>>
        %dma_start3A_207 = arith.constant 0 : i32
        %dma_start3A_208 = tpu.memref_slice %arg11[%add3A_177, %dma_start3A_207] : memref<10000x48xf32, #tpu.memory_space<vmem_shared>> -> memref<72x48xf32, #tpu.memory_space<vmem_shared>>
        %dma_start3A_209 = arith.constant 0 : i32
        %dma_start3A_210 = arith.constant 0 : i32
        %dma_start3A_211 = tpu.memref_slice %arg8[%dma_start3A_209, %dma_start3A_210] : memref<80x48xf32, #tpu.memory_space<vmem>> -> memref<72x48xf32, #tpu.memory_space<vmem>>
        tpu.enqueue_dma source(%dma_start3A_211 : memref<72x48xf32, #tpu.memory_space<vmem>>) target(%dma_start3A_208 : memref<72x48xf32, #tpu.memory_space<vmem_shared>>) target_semaphore(%run_scoped3A : memref<!tpu.dma_semaphore, #tpu.memory_space<semaphore_mem>>)
        %dma_wait3A_212 = arith.constant 0 : i32
        %dma_wait3A_213 = arith.constant 0 : i32
        %dma_wait3A_214 = tpu.memref_slice %arg8[%dma_wait3A_212, %dma_wait3A_213] : memref<80x48xf32, #tpu.memory_space<vmem>> -> memref<72x48xf32, #tpu.memory_space<vmem>>
        %dma_wait3A_215 = arith.constant 0 : i32
        %dma_wait3A_216 = tpu.memref_slice %arg11[%add3A_177, %dma_wait3A_215] : memref<10000x48xf32, #tpu.memory_space<vmem_shared>> -> memref<72x48xf32, #tpu.memory_space<vmem_shared>>
        %dma_wait3A_217 = arith.constant 0 : i32
        %dma_wait3A_218 = tpu.memref_slice %arg11[%add3A_177, %dma_wait3A_217] : memref<10000x48xf32, #tpu.memory_space<vmem_shared>> -> memref<72x48xf32, #tpu.memory_space<vmem_shared>>
        %dma_wait3A_219 = arith.constant 0 : i32
        %dma_wait3A_220 = arith.constant 0 : i32
        %dma_wait3A_221 = tpu.memref_slice %arg8[%dma_wait3A_219, %dma_wait3A_220] : memref<80x48xf32, #tpu.memory_space<vmem>> -> memref<72x48xf32, #tpu.memory_space<vmem>>
        tpu.wait_dma2 semaphore(%run_scoped3A : memref<!tpu.dma_semaphore, #tpu.memory_space<semaphore_mem>>) src(%dma_wait3A_221 : memref<72x48xf32, #tpu.memory_space<vmem>>) dst(%dma_wait3A_218 : memref<72x48xf32, #tpu.memory_space<vmem_shared>>)
        tpu.yield
      }) : () -> ()
      %mul3A_178 = arith.constant 632 : i32
      %mul3A_179 = arith.muli %arg1, %mul3A_178 : i32
      %add3A_180 = arith.constant 144 : i32
      %add3A_181 = arith.addi %mul3A_179, %add3A_180 : i32
      "tpu.region"() ({
        %run_scoped3A = tpu.sem_alloc : memref<!tpu.dma_semaphore, #tpu.memory_space<semaphore_mem>>
        %dma_start3A_202 = arith.constant 0 : i32
        %dma_start3A_203 = arith.constant 0 : i32
        %dma_start3A_204 = tpu.memref_slice %arg8[%dma_start3A_202, %dma_start3A_203] : memref<80x48xf32, #tpu.memory_space<vmem>> -> memref<72x48xf32, #tpu.memory_space<vmem>>
        %dma_start3A_205 = arith.constant 0 : i32
        %dma_start3A_206 = tpu.memref_slice %arg11[%add3A_181, %dma_start3A_205] : memref<10000x48xf32, #tpu.memory_space<vmem_shared>> -> memref<72x48xf32, #tpu.memory_space<vmem_shared>>
        %dma_start3A_207 = arith.constant 0 : i32
        %dma_start3A_208 = tpu.memref_slice %arg11[%add3A_181, %dma_start3A_207] : memref<10000x48xf32, #tpu.memory_space<vmem_shared>> -> memref<72x48xf32, #tpu.memory_space<vmem_shared>>
        %dma_start3A_209 = arith.constant 0 : i32
        %dma_start3A_210 = arith.constant 0 : i32
        %dma_start3A_211 = tpu.memref_slice %arg8[%dma_start3A_209, %dma_start3A_210] : memref<80x48xf32, #tpu.memory_space<vmem>> -> memref<72x48xf32, #tpu.memory_space<vmem>>
        tpu.enqueue_dma source(%dma_start3A_211 : memref<72x48xf32, #tpu.memory_space<vmem>>) target(%dma_start3A_208 : memref<72x48xf32, #tpu.memory_space<vmem_shared>>) target_semaphore(%run_scoped3A : memref<!tpu.dma_semaphore, #tpu.memory_space<semaphore_mem>>)
        %dma_wait3A_212 = arith.constant 0 : i32
        %dma_wait3A_213 = arith.constant 0 : i32
        %dma_wait3A_214 = tpu.memref_slice %arg8[%dma_wait3A_212, %dma_wait3A_213] : memref<80x48xf32, #tpu.memory_space<vmem>> -> memref<72x48xf32, #tpu.memory_space<vmem>>
        %dma_wait3A_215 = arith.constant 0 : i32
        %dma_wait3A_216 = tpu.memref_slice %arg11[%add3A_181, %dma_wait3A_215] : memref<10000x48xf32, #tpu.memory_space<vmem_shared>> -> memref<72x48xf32, #tpu.memory_space<vmem_shared>>
        %dma_wait3A_217 = arith.constant 0 : i32
        %dma_wait3A_218 = tpu.memref_slice %arg11[%add3A_181, %dma_wait3A_217] : memref<10000x48xf32, #tpu.memory_space<vmem_shared>> -> memref<72x48xf32, #tpu.memory_space<vmem_shared>>
        %dma_wait3A_219 = arith.constant 0 : i32
        %dma_wait3A_220 = arith.constant 0 : i32
        %dma_wait3A_221 = tpu.memref_slice %arg8[%dma_wait3A_219, %dma_wait3A_220] : memref<80x48xf32, #tpu.memory_space<vmem>> -> memref<72x48xf32, #tpu.memory_space<vmem>>
        tpu.wait_dma2 semaphore(%run_scoped3A : memref<!tpu.dma_semaphore, #tpu.memory_space<semaphore_mem>>) src(%dma_wait3A_221 : memref<72x48xf32, #tpu.memory_space<vmem>>) dst(%dma_wait3A_218 : memref<72x48xf32, #tpu.memory_space<vmem_shared>>)
        tpu.yield
      }) : () -> ()
      %mul3A_182 = arith.constant 632 : i32
      %mul3A_183 = arith.muli %arg1, %mul3A_182 : i32
      %add3A_184 = arith.constant 216 : i32
      %add3A_185 = arith.addi %mul3A_183, %add3A_184 : i32
      "tpu.region"() ({
        %run_scoped3A = tpu.sem_alloc : memref<!tpu.dma_semaphore, #tpu.memory_space<semaphore_mem>>
        %dma_start3A_202 = arith.constant 0 : i32
        %dma_start3A_203 = arith.constant 0 : i32
        %dma_start3A_204 = tpu.memref_slice %arg8[%dma_start3A_202, %dma_start3A_203] : memref<80x48xf32, #tpu.memory_space<vmem>> -> memref<72x48xf32, #tpu.memory_space<vmem>>
        %dma_start3A_205 = arith.constant 0 : i32
        %dma_start3A_206 = tpu.memref_slice %arg11[%add3A_185, %dma_start3A_205] : memref<10000x48xf32, #tpu.memory_space<vmem_shared>> -> memref<72x48xf32, #tpu.memory_space<vmem_shared>>
        %dma_start3A_207 = arith.constant 0 : i32
        %dma_start3A_208 = tpu.memref_slice %arg11[%add3A_185, %dma_start3A_207] : memref<10000x48xf32, #tpu.memory_space<vmem_shared>> -> memref<72x48xf32, #tpu.memory_space<vmem_shared>>
        %dma_start3A_209 = arith.constant 0 : i32
        %dma_start3A_210 = arith.constant 0 : i32
        %dma_start3A_211 = tpu.memref_slice %arg8[%dma_start3A_209, %dma_start3A_210] : memref<80x48xf32, #tpu.memory_space<vmem>> -> memref<72x48xf32, #tpu.memory_space<vmem>>
        tpu.enqueue_dma source(%dma_start3A_211 : memref<72x48xf32, #tpu.memory_space<vmem>>) target(%dma_start3A_208 : memref<72x48xf32, #tpu.memory_space<vmem_shared>>) target_semaphore(%run_scoped3A : memref<!tpu.dma_semaphore, #tpu.memory_space<semaphore_mem>>)
        %dma_wait3A_212 = arith.constant 0 : i32
        %dma_wait3A_213 = arith.constant 0 : i32
        %dma_wait3A_214 = tpu.memref_slice %arg8[%dma_wait3A_212, %dma_wait3A_213] : memref<80x48xf32, #tpu.memory_space<vmem>> -> memref<72x48xf32, #tpu.memory_space<vmem>>
        %dma_wait3A_215 = arith.constant 0 : i32
        %dma_wait3A_216 = tpu.memref_slice %arg11[%add3A_185, %dma_wait3A_215] : memref<10000x48xf32, #tpu.memory_space<vmem_shared>> -> memref<72x48xf32, #tpu.memory_space<vmem_shared>>
        %dma_wait3A_217 = arith.constant 0 : i32
        %dma_wait3A_218 = tpu.memref_slice %arg11[%add3A_185, %dma_wait3A_217] : memref<10000x48xf32, #tpu.memory_space<vmem_shared>> -> memref<72x48xf32, #tpu.memory_space<vmem_shared>>
        %dma_wait3A_219 = arith.constant 0 : i32
        %dma_wait3A_220 = arith.constant 0 : i32
        %dma_wait3A_221 = tpu.memref_slice %arg8[%dma_wait3A_219, %dma_wait3A_220] : memref<80x48xf32, #tpu.memory_space<vmem>> -> memref<72x48xf32, #tpu.memory_space<vmem>>
        tpu.wait_dma2 semaphore(%run_scoped3A : memref<!tpu.dma_semaphore, #tpu.memory_space<semaphore_mem>>) src(%dma_wait3A_221 : memref<72x48xf32, #tpu.memory_space<vmem>>) dst(%dma_wait3A_218 : memref<72x48xf32, #tpu.memory_space<vmem_shared>>)
        tpu.yield
      }) : () -> ()
      %mul3A_186 = arith.constant 632 : i32
      %mul3A_187 = arith.muli %arg1, %mul3A_186 : i32
      %add3A_188 = arith.constant 288 : i32
      %add3A_189 = arith.addi %mul3A_187, %add3A_188 : i32
      "tpu.region"() ({
        %run_scoped3A = tpu.sem_alloc : memref<!tpu.dma_semaphore, #tpu.memory_space<semaphore_mem>>
        %dma_start3A_202 = arith.constant 0 : i32
        %dma_start3A_203 = arith.constant 0 : i32
        %dma_start3A_204 = tpu.memref_slice %arg8[%dma_start3A_202, %dma_start3A_203] : memref<80x48xf32, #tpu.memory_space<vmem>> -> memref<72x48xf32, #tpu.memory_space<vmem>>
        %dma_start3A_205 = arith.constant 0 : i32
        %dma_start3A_206 = tpu.memref_slice %arg11[%add3A_189, %dma_start3A_205] : memref<10000x48xf32, #tpu.memory_space<vmem_shared>> -> memref<72x48xf32, #tpu.memory_space<vmem_shared>>
        %dma_start3A_207 = arith.constant 0 : i32
        %dma_start3A_208 = tpu.memref_slice %arg11[%add3A_189, %dma_start3A_207] : memref<10000x48xf32, #tpu.memory_space<vmem_shared>> -> memref<72x48xf32, #tpu.memory_space<vmem_shared>>
        %dma_start3A_209 = arith.constant 0 : i32
        %dma_start3A_210 = arith.constant 0 : i32
        %dma_start3A_211 = tpu.memref_slice %arg8[%dma_start3A_209, %dma_start3A_210] : memref<80x48xf32, #tpu.memory_space<vmem>> -> memref<72x48xf32, #tpu.memory_space<vmem>>
        tpu.enqueue_dma source(%dma_start3A_211 : memref<72x48xf32, #tpu.memory_space<vmem>>) target(%dma_start3A_208 : memref<72x48xf32, #tpu.memory_space<vmem_shared>>) target_semaphore(%run_scoped3A : memref<!tpu.dma_semaphore, #tpu.memory_space<semaphore_mem>>)
        %dma_wait3A_212 = arith.constant 0 : i32
        %dma_wait3A_213 = arith.constant 0 : i32
        %dma_wait3A_214 = tpu.memref_slice %arg8[%dma_wait3A_212, %dma_wait3A_213] : memref<80x48xf32, #tpu.memory_space<vmem>> -> memref<72x48xf32, #tpu.memory_space<vmem>>
        %dma_wait3A_215 = arith.constant 0 : i32
        %dma_wait3A_216 = tpu.memref_slice %arg11[%add3A_189, %dma_wait3A_215] : memref<10000x48xf32, #tpu.memory_space<vmem_shared>> -> memref<72x48xf32, #tpu.memory_space<vmem_shared>>
        %dma_wait3A_217 = arith.constant 0 : i32
        %dma_wait3A_218 = tpu.memref_slice %arg11[%add3A_189, %dma_wait3A_217] : memref<10000x48xf32, #tpu.memory_space<vmem_shared>> -> memref<72x48xf32, #tpu.memory_space<vmem_shared>>
        %dma_wait3A_219 = arith.constant 0 : i32
        %dma_wait3A_220 = arith.constant 0 : i32
        %dma_wait3A_221 = tpu.memref_slice %arg8[%dma_wait3A_219, %dma_wait3A_220] : memref<80x48xf32, #tpu.memory_space<vmem>> -> memref<72x48xf32, #tpu.memory_space<vmem>>
        tpu.wait_dma2 semaphore(%run_scoped3A : memref<!tpu.dma_semaphore, #tpu.memory_space<semaphore_mem>>) src(%dma_wait3A_221 : memref<72x48xf32, #tpu.memory_space<vmem>>) dst(%dma_wait3A_218 : memref<72x48xf32, #tpu.memory_space<vmem_shared>>)
        tpu.yield
      }) : () -> ()
      %mul3A_190 = arith.constant 632 : i32
      %mul3A_191 = arith.muli %arg1, %mul3A_190 : i32
      %add3A_192 = arith.constant 360 : i32
      %add3A_193 = arith.addi %mul3A_191, %add3A_192 : i32
      "tpu.region"() ({
        %run_scoped3A = tpu.sem_alloc : memref<!tpu.dma_semaphore, #tpu.memory_space<semaphore_mem>>
        %dma_start3A_202 = arith.constant 0 : i32
        %dma_start3A_203 = arith.constant 0 : i32
        %dma_start3A_204 = tpu.memref_slice %arg8[%dma_start3A_202, %dma_start3A_203] : memref<80x48xf32, #tpu.memory_space<vmem>> -> memref<72x48xf32, #tpu.memory_space<vmem>>
        %dma_start3A_205 = arith.constant 0 : i32
        %dma_start3A_206 = tpu.memref_slice %arg11[%add3A_193, %dma_start3A_205] : memref<10000x48xf32, #tpu.memory_space<vmem_shared>> -> memref<72x48xf32, #tpu.memory_space<vmem_shared>>
        %dma_start3A_207 = arith.constant 0 : i32
        %dma_start3A_208 = tpu.memref_slice %arg11[%add3A_193, %dma_start3A_207] : memref<10000x48xf32, #tpu.memory_space<vmem_shared>> -> memref<72x48xf32, #tpu.memory_space<vmem_shared>>
        %dma_start3A_209 = arith.constant 0 : i32
        %dma_start3A_210 = arith.constant 0 : i32
        %dma_start3A_211 = tpu.memref_slice %arg8[%dma_start3A_209, %dma_start3A_210] : memref<80x48xf32, #tpu.memory_space<vmem>> -> memref<72x48xf32, #tpu.memory_space<vmem>>
        tpu.enqueue_dma source(%dma_start3A_211 : memref<72x48xf32, #tpu.memory_space<vmem>>) target(%dma_start3A_208 : memref<72x48xf32, #tpu.memory_space<vmem_shared>>) target_semaphore(%run_scoped3A : memref<!tpu.dma_semaphore, #tpu.memory_space<semaphore_mem>>)
        %dma_wait3A_212 = arith.constant 0 : i32
        %dma_wait3A_213 = arith.constant 0 : i32
        %dma_wait3A_214 = tpu.memref_slice %arg8[%dma_wait3A_212, %dma_wait3A_213] : memref<80x48xf32, #tpu.memory_space<vmem>> -> memref<72x48xf32, #tpu.memory_space<vmem>>
        %dma_wait3A_215 = arith.constant 0 : i32
        %dma_wait3A_216 = tpu.memref_slice %arg11[%add3A_193, %dma_wait3A_215] : memref<10000x48xf32, #tpu.memory_space<vmem_shared>> -> memref<72x48xf32, #tpu.memory_space<vmem_shared>>
        %dma_wait3A_217 = arith.constant 0 : i32
        %dma_wait3A_218 = tpu.memref_slice %arg11[%add3A_193, %dma_wait3A_217] : memref<10000x48xf32, #tpu.memory_space<vmem_shared>> -> memref<72x48xf32, #tpu.memory_space<vmem_shared>>
        %dma_wait3A_219 = arith.constant 0 : i32
        %dma_wait3A_220 = arith.constant 0 : i32
        %dma_wait3A_221 = tpu.memref_slice %arg8[%dma_wait3A_219, %dma_wait3A_220] : memref<80x48xf32, #tpu.memory_space<vmem>> -> memref<72x48xf32, #tpu.memory_space<vmem>>
        tpu.wait_dma2 semaphore(%run_scoped3A : memref<!tpu.dma_semaphore, #tpu.memory_space<semaphore_mem>>) src(%dma_wait3A_221 : memref<72x48xf32, #tpu.memory_space<vmem>>) dst(%dma_wait3A_218 : memref<72x48xf32, #tpu.memory_space<vmem_shared>>)
        tpu.yield
      }) : () -> ()
      %mul3A_194 = arith.constant 632 : i32
      %mul3A_195 = arith.muli %arg1, %mul3A_194 : i32
      %add3A_196 = arith.constant 432 : i32
      %add3A_197 = arith.addi %mul3A_195, %add3A_196 : i32
      "tpu.region"() ({
        %run_scoped3A = tpu.sem_alloc : memref<!tpu.dma_semaphore, #tpu.memory_space<semaphore_mem>>
        %dma_start3A_202 = arith.constant 0 : i32
        %dma_start3A_203 = arith.constant 0 : i32
        %dma_start3A_204 = tpu.memref_slice %arg8[%dma_start3A_202, %dma_start3A_203] : memref<80x48xf32, #tpu.memory_space<vmem>> -> memref<72x48xf32, #tpu.memory_space<vmem>>
        %dma_start3A_205 = arith.constant 0 : i32
        %dma_start3A_206 = tpu.memref_slice %arg11[%add3A_197, %dma_start3A_205] : memref<10000x48xf32, #tpu.memory_space<vmem_shared>> -> memref<72x48xf32, #tpu.memory_space<vmem_shared>>
        %dma_start3A_207 = arith.constant 0 : i32
        %dma_start3A_208 = tpu.memref_slice %arg11[%add3A_197, %dma_start3A_207] : memref<10000x48xf32, #tpu.memory_space<vmem_shared>> -> memref<72x48xf32, #tpu.memory_space<vmem_shared>>
        %dma_start3A_209 = arith.constant 0 : i32
        %dma_start3A_210 = arith.constant 0 : i32
        %dma_start3A_211 = tpu.memref_slice %arg8[%dma_start3A_209, %dma_start3A_210] : memref<80x48xf32, #tpu.memory_space<vmem>> -> memref<72x48xf32, #tpu.memory_space<vmem>>
        tpu.enqueue_dma source(%dma_start3A_211 : memref<72x48xf32, #tpu.memory_space<vmem>>) target(%dma_start3A_208 : memref<72x48xf32, #tpu.memory_space<vmem_shared>>) target_semaphore(%run_scoped3A : memref<!tpu.dma_semaphore, #tpu.memory_space<semaphore_mem>>)
        %dma_wait3A_212 = arith.constant 0 : i32
        %dma_wait3A_213 = arith.constant 0 : i32
        %dma_wait3A_214 = tpu.memref_slice %arg8[%dma_wait3A_212, %dma_wait3A_213] : memref<80x48xf32, #tpu.memory_space<vmem>> -> memref<72x48xf32, #tpu.memory_space<vmem>>
        %dma_wait3A_215 = arith.constant 0 : i32
        %dma_wait3A_216 = tpu.memref_slice %arg11[%add3A_197, %dma_wait3A_215] : memref<10000x48xf32, #tpu.memory_space<vmem_shared>> -> memref<72x48xf32, #tpu.memory_space<vmem_shared>>
        %dma_wait3A_217 = arith.constant 0 : i32
        %dma_wait3A_218 = tpu.memref_slice %arg11[%add3A_197, %dma_wait3A_217] : memref<10000x48xf32, #tpu.memory_space<vmem_shared>> -> memref<72x48xf32, #tpu.memory_space<vmem_shared>>
        %dma_wait3A_219 = arith.constant 0 : i32
        %dma_wait3A_220 = arith.constant 0 : i32
        %dma_wait3A_221 = tpu.memref_slice %arg8[%dma_wait3A_219, %dma_wait3A_220] : memref<80x48xf32, #tpu.memory_space<vmem>> -> memref<72x48xf32, #tpu.memory_space<vmem>>
        tpu.wait_dma2 semaphore(%run_scoped3A : memref<!tpu.dma_semaphore, #tpu.memory_space<semaphore_mem>>) src(%dma_wait3A_221 : memref<72x48xf32, #tpu.memory_space<vmem>>) dst(%dma_wait3A_218 : memref<72x48xf32, #tpu.memory_space<vmem_shared>>)
        tpu.yield
      }) : () -> ()
      %mul3A_198 = arith.constant 632 : i32
      %mul3A_199 = arith.muli %arg1, %mul3A_198 : i32
      %add3A_200 = arith.constant 504 : i32
      %add3A_201 = arith.addi %mul3A_199, %add3A_200 : i32
      "tpu.region"() ({
        %run_scoped3A = tpu.sem_alloc : memref<!tpu.dma_semaphore, #tpu.memory_space<semaphore_mem>>
        %dma_start3A_202 = arith.constant 0 : i32
        %dma_start3A_203 = arith.constant 0 : i32
        %dma_start3A_204 = tpu.memref_slice %arg8[%dma_start3A_202, %dma_start3A_203] : memref<80x48xf32, #tpu.memory_space<vmem>> -> memref<16x48xf32, #tpu.memory_space<vmem>>
        %dma_start3A_205 = arith.constant 0 : i32
        %dma_start3A_206 = tpu.memref_slice %arg11[%add3A_201, %dma_start3A_205] : memref<10000x48xf32, #tpu.memory_space<vmem_shared>> -> memref<16x48xf32, #tpu.memory_space<vmem_shared>>
        %dma_start3A_207 = arith.constant 0 : i32
        %dma_start3A_208 = tpu.memref_slice %arg11[%add3A_201, %dma_start3A_207] : memref<10000x48xf32, #tpu.memory_space<vmem_shared>> -> memref<16x48xf32, #tpu.memory_space<vmem_shared>>
        %dma_start3A_209 = arith.constant 0 : i32
        %dma_start3A_210 = arith.constant 0 : i32
        %dma_start3A_211 = tpu.memref_slice %arg8[%dma_start3A_209, %dma_start3A_210] : memref<80x48xf32, #tpu.memory_space<vmem>> -> memref<16x48xf32, #tpu.memory_space<vmem>>
        tpu.enqueue_dma source(%dma_start3A_211 : memref<16x48xf32, #tpu.memory_space<vmem>>) target(%dma_start3A_208 : memref<16x48xf32, #tpu.memory_space<vmem_shared>>) target_semaphore(%run_scoped3A : memref<!tpu.dma_semaphore, #tpu.memory_space<semaphore_mem>>)
        %dma_wait3A_212 = arith.constant 0 : i32
        %dma_wait3A_213 = arith.constant 0 : i32
        %dma_wait3A_214 = tpu.memref_slice %arg8[%dma_wait3A_212, %dma_wait3A_213] : memref<80x48xf32, #tpu.memory_space<vmem>> -> memref<16x48xf32, #tpu.memory_space<vmem>>
        %dma_wait3A_215 = arith.constant 0 : i32
        %dma_wait3A_216 = tpu.memref_slice %arg11[%add3A_201, %dma_wait3A_215] : memref<10000x48xf32, #tpu.memory_space<vmem_shared>> -> memref<16x48xf32, #tpu.memory_space<vmem_shared>>
        %dma_wait3A_217 = arith.constant 0 : i32
        %dma_wait3A_218 = tpu.memref_slice %arg11[%add3A_201, %dma_wait3A_217] : memref<10000x48xf32, #tpu.memory_space<vmem_shared>> -> memref<16x48xf32, #tpu.memory_space<vmem_shared>>
        %dma_wait3A_219 = arith.constant 0 : i32
        %dma_wait3A_220 = arith.constant 0 : i32
        %dma_wait3A_221 = tpu.memref_slice %arg8[%dma_wait3A_219, %dma_wait3A_220] : memref<80x48xf32, #tpu.memory_space<vmem>> -> memref<16x48xf32, #tpu.memory_space<vmem>>
        tpu.wait_dma2 semaphore(%run_scoped3A : memref<!tpu.dma_semaphore, #tpu.memory_space<semaphore_mem>>) src(%dma_wait3A_221 : memref<16x48xf32, #tpu.memory_space<vmem>>) dst(%dma_wait3A_218 : memref<16x48xf32, #tpu.memory_space<vmem_shared>>)
        tpu.yield
      }) : () -> ()
    } else {
    }
    %barrier3A = arith.constant 0 : index
    tpu.barrier barrier_id(%barrier3A)
    "tpu.region"() ({
      %run_scoped3A = tpu.sem_alloc : memref<!tpu.dma_semaphore, #tpu.memory_space<semaphore_mem>>
      %dma_start3A_170 = arith.constant 0 : i32
      %dma_start3A_171 = arith.constant 0 : i32
      %dma_start3A_172 = tpu.memref_slice %arg3[%add3A, %dma_start3A_170, %dma_start3A_171] : memref<32x1x10000xi32, #tpu.memory_space<hbm>> -> memref<1x1x10000xi32, #tpu.memory_space<hbm>>
      %dma_start3A_173 = tpu.memref_squeeze %dma_start3A_172 : memref<1x1x10000xi32, #tpu.memory_space<hbm>> -> memref<1x10000xi32, #tpu.memory_space<hbm>>
      %dma_start3A_174 = arith.constant 0 : i32
      %dma_start3A_175 = arith.constant 0 : i32
      %dma_start3A_176 = tpu.memref_slice %arg3[%add3A, %dma_start3A_174, %dma_start3A_175] : memref<32x1x10000xi32, #tpu.memory_space<hbm>> -> memref<1x1x10000xi32, #tpu.memory_space<hbm>>
      %dma_start3A_177 = tpu.memref_squeeze %dma_start3A_176 : memref<1x1x10000xi32, #tpu.memory_space<hbm>> -> memref<1x10000xi32, #tpu.memory_space<hbm>>
      tpu.enqueue_dma source(%dma_start3A_177 : memref<1x10000xi32, #tpu.memory_space<hbm>>) target(%arg6 : memref<1x10000xi32, #tpu.memory_space<vmem>>) target_semaphore(%run_scoped3A : memref<!tpu.dma_semaphore, #tpu.memory_space<semaphore_mem>>)
      %dma_wait3A_178 = arith.constant 0 : i32
      %dma_wait3A_179 = arith.constant 0 : i32
      %dma_wait3A_180 = tpu.memref_slice %arg3[%add3A, %dma_wait3A_178, %dma_wait3A_179] : memref<32x1x10000xi32, #tpu.memory_space<hbm>> -> memref<1x1x10000xi32, #tpu.memory_space<hbm>>
      %dma_wait3A_181 = tpu.memref_squeeze %dma_wait3A_180 : memref<1x1x10000xi32, #tpu.memory_space<hbm>> -> memref<1x10000xi32, #tpu.memory_space<hbm>>
      %dma_wait3A_182 = arith.constant 0 : i32
      %dma_wait3A_183 = arith.constant 0 : i32
      %dma_wait3A_184 = tpu.memref_slice %arg3[%add3A, %dma_wait3A_182, %dma_wait3A_183] : memref<32x1x10000xi32, #tpu.memory_space<hbm>> -> memref<1x1x10000xi32, #tpu.memory_space<hbm>>
      %dma_wait3A_185 = tpu.memref_squeeze %dma_wait3A_184 : memref<1x1x10000xi32, #tpu.memory_space<hbm>> -> memref<1x10000xi32, #tpu.memory_space<hbm>>
      tpu.wait_dma2 semaphore(%run_scoped3A : memref<!tpu.dma_semaphore, #tpu.memory_space<semaphore_mem>>) src(%dma_wait3A_185 : memref<1x10000xi32, #tpu.memory_space<hbm>>) dst(%arg6 : memref<1x10000xi32, #tpu.memory_space<vmem>>)
      tpu.yield
    }) : () -> ()
    "tpu.region"() ({
      %run_scoped3A = tpu.sem_alloc : memref<!tpu.dma_semaphore, #tpu.memory_space<semaphore_mem>>
      %dma_start3A_170 = arith.constant 0 : i32
      %dma_start3A_171 = arith.constant 0 : i32
      %dma_start3A_172 = tpu.memref_slice %arg4[%add3A, %dma_start3A_170, %dma_start3A_171] : memref<32x125x80xi32, #tpu.memory_space<hbm>> -> memref<1x125x80xi32, #tpu.memory_space<hbm>>
      %dma_start3A_173 = tpu.memref_squeeze %dma_start3A_172 : memref<1x125x80xi32, #tpu.memory_space<hbm>> -> memref<125x80xi32, #tpu.memory_space<hbm>>
      %dma_start3A_174 = arith.constant 0 : i32
      %dma_start3A_175 = arith.constant 0 : i32
      %dma_start3A_176 = tpu.memref_slice %arg4[%add3A, %dma_start3A_174, %dma_start3A_175] : memref<32x125x80xi32, #tpu.memory_space<hbm>> -> memref<1x125x80xi32, #tpu.memory_space<hbm>>
      %dma_start3A_177 = tpu.memref_squeeze %dma_start3A_176 : memref<1x125x80xi32, #tpu.memory_space<hbm>> -> memref<125x80xi32, #tpu.memory_space<hbm>>
      tpu.enqueue_dma source(%dma_start3A_177 : memref<125x80xi32, #tpu.memory_space<hbm>>) target(%arg7 : memref<125x80xi32, #tpu.memory_space<vmem>>) target_semaphore(%run_scoped3A : memref<!tpu.dma_semaphore, #tpu.memory_space<semaphore_mem>>)
      %dma_wait3A_178 = arith.constant 0 : i32
      %dma_wait3A_179 = arith.constant 0 : i32
      %dma_wait3A_180 = tpu.memref_slice %arg4[%add3A, %dma_wait3A_178, %dma_wait3A_179] : memref<32x125x80xi32, #tpu.memory_space<hbm>> -> memref<1x125x80xi32, #tpu.memory_space<hbm>>
      %dma_wait3A_181 = tpu.memref_squeeze %dma_wait3A_180 : memref<1x125x80xi32, #tpu.memory_space<hbm>> -> memref<125x80xi32, #tpu.memory_space<hbm>>
      %dma_wait3A_182 = arith.constant 0 : i32
      %dma_wait3A_183 = arith.constant 0 : i32
      %dma_wait3A_184 = tpu.memref_slice %arg4[%add3A, %dma_wait3A_182, %dma_wait3A_183] : memref<32x125x80xi32, #tpu.memory_space<hbm>> -> memref<1x125x80xi32, #tpu.memory_space<hbm>>
      %dma_wait3A_185 = tpu.memref_squeeze %dma_wait3A_184 : memref<1x125x80xi32, #tpu.memory_space<hbm>> -> memref<125x80xi32, #tpu.memory_space<hbm>>
      tpu.wait_dma2 semaphore(%run_scoped3A : memref<!tpu.dma_semaphore, #tpu.memory_space<semaphore_mem>>) src(%dma_wait3A_185 : memref<125x80xi32, #tpu.memory_space<hbm>>) dst(%arg7 : memref<125x80xi32, #tpu.memory_space<vmem>>)
      tpu.yield
    }) : () -> ()
    %dma_start3A = arith.constant 0 : i32
    %dma_start3A_14 = arith.constant 0 : i32
    %dma_start3A_15 = tpu.memref_slice %arg6[%dma_start3A, %dma_start3A_14] : memref<1x10000xi32, #tpu.memory_space<vmem>> -> memref<1x80xi32, #tpu.memory_space<vmem>>
    %dma_start3A_16 = tpu.memref_squeeze %dma_start3A_15 : memref<1x80xi32, #tpu.memory_space<vmem>> -> memref<80xi32, #tpu.memory_space<vmem>>
    %dma_start3A_17 = arith.constant 0 : i32
    %dma_start3A_18 = arith.constant 0 : i32
    %dma_start3A_19 = tpu.memref_slice %arg2[%dma_start3A_17, %dma_start3A_18] : memref<10000x48xf32, #tpu.memory_space<hbm>> -> memref<10000x48xf32, #tpu.memory_space<hbm>>
    tpu.enqueue_indirect_dma source(%dma_start3A_19 : memref<10000x48xf32, #tpu.memory_space<hbm>>) target(%arg8 : memref<80x48xf32, #tpu.memory_space<vmem>>) offsets(%dma_start3A_16 : memref<80xi32, #tpu.memory_space<vmem>>) semaphore(%arg12 : memref<!tpu.dma_semaphore, #tpu.memory_space<semaphore_mem>>)
    %dma_start3A_20 = arith.constant 0 : i32
    %dma_start3A_21 = arith.constant 80 : i32
    %dma_start3A_22 = tpu.memref_slice %arg6[%dma_start3A_20, %dma_start3A_21] : memref<1x10000xi32, #tpu.memory_space<vmem>> -> memref<1x80xi32, #tpu.memory_space<vmem>>
    %dma_start3A_23 = tpu.memref_squeeze %dma_start3A_22 : memref<1x80xi32, #tpu.memory_space<vmem>> -> memref<80xi32, #tpu.memory_space<vmem>>
    %dma_start3A_24 = arith.constant 0 : i32
    %dma_start3A_25 = arith.constant 0 : i32
    %dma_start3A_26 = tpu.memref_slice %arg2[%dma_start3A_24, %dma_start3A_25] : memref<10000x48xf32, #tpu.memory_space<hbm>> -> memref<10000x48xf32, #tpu.memory_space<hbm>>
    tpu.enqueue_indirect_dma source(%dma_start3A_26 : memref<10000x48xf32, #tpu.memory_space<hbm>>) target(%arg9 : memref<80x48xf32, #tpu.memory_space<vmem>>) offsets(%dma_start3A_23 : memref<80xi32, #tpu.memory_space<vmem>>) semaphore(%arg13 : memref<!tpu.dma_semaphore, #tpu.memory_space<semaphore_mem>>)
    %dma_start3A_27 = arith.constant 0 : i32
    %dma_start3A_28 = arith.constant 160 : i32
    %dma_start3A_29 = tpu.memref_slice %arg6[%dma_start3A_27, %dma_start3A_28] : memref<1x10000xi32, #tpu.memory_space<vmem>> -> memref<1x80xi32, #tpu.memory_space<vmem>>
    %dma_start3A_30 = tpu.memref_squeeze %dma_start3A_29 : memref<1x80xi32, #tpu.memory_space<vmem>> -> memref<80xi32, #tpu.memory_space<vmem>>
    %dma_start3A_31 = arith.constant 0 : i32
    %dma_start3A_32 = arith.constant 0 : i32
    %dma_start3A_33 = tpu.memref_slice %arg2[%dma_start3A_31, %dma_start3A_32] : memref<10000x48xf32, #tpu.memory_space<hbm>> -> memref<10000x48xf32, #tpu.memory_space<hbm>>
    tpu.enqueue_indirect_dma source(%dma_start3A_33 : memref<10000x48xf32, #tpu.memory_space<hbm>>) target(%arg10 : memref<80x48xf32, #tpu.memory_space<vmem>>) offsets(%dma_start3A_30 : memref<80xi32, #tpu.memory_space<vmem>>) semaphore(%arg14 : memref<!tpu.dma_semaphore, #tpu.memory_space<semaphore_mem>>)
    %dma_wait3A = arith.constant 0 : i32
    %dma_wait3A_34 = arith.constant 0 : i32
    %dma_wait3A_35 = tpu.memref_slice %arg6[%dma_wait3A, %dma_wait3A_34] : memref<1x10000xi32, #tpu.memory_space<vmem>> -> memref<1x80xi32, #tpu.memory_space<vmem>>
    %dma_wait3A_36 = tpu.memref_squeeze %dma_wait3A_35 : memref<1x80xi32, #tpu.memory_space<vmem>> -> memref<80xi32, #tpu.memory_space<vmem>>
    %dma_wait3A_37 = arith.constant 0 : i32
    %dma_wait3A_38 = arith.constant 0 : i32
    %dma_wait3A_39 = tpu.memref_slice %arg2[%dma_wait3A_37, %dma_wait3A_38] : memref<10000x48xf32, #tpu.memory_space<hbm>> -> memref<10000x48xf32, #tpu.memory_space<hbm>>
    tpu.wait_indirect_dma semaphore(%arg12 : memref<!tpu.dma_semaphore, #tpu.memory_space<semaphore_mem>>) src(%dma_wait3A_39 : memref<10000x48xf32, #tpu.memory_space<hbm>>) dst(%arg8 : memref<80x48xf32, #tpu.memory_space<vmem>>)
    %dma_start3A_40 = arith.constant 0 : i32
    %dma_start3A_41 = arith.constant 0 : i32
    %dma_start3A_42 = tpu.memref_slice %arg7[%dma_start3A_40, %dma_start3A_41] : memref<125x80xi32, #tpu.memory_space<vmem>> -> memref<1x80xi32, #tpu.memory_space<vmem>>
    %dma_start3A_43 = tpu.memref_squeeze %dma_start3A_42 : memref<1x80xi32, #tpu.memory_space<vmem>> -> memref<80xi32, #tpu.memory_space<vmem>>
    %dma_start3A_44 = arith.constant 0 : i32
    %dma_start3A_45 = arith.constant 0 : i32
    %dma_start3A_46 = tpu.memref_slice %arg11[%dma_start3A_44, %dma_start3A_45] : memref<10000x48xf32, #tpu.memory_space<vmem_shared>> -> memref<10000x48xf32, #tpu.memory_space<vmem_shared>>
    tpu.enqueue_indirect_dma source(%arg8 : memref<80x48xf32, #tpu.memory_space<vmem>>) target(%dma_start3A_46 : memref<10000x48xf32, #tpu.memory_space<vmem_shared>>) offsets(%dma_start3A_43 : memref<80xi32, #tpu.memory_space<vmem>>) semaphore(%arg15 : memref<!tpu.dma_semaphore, #tpu.memory_space<semaphore_mem>>) {add = true}
    %scan3A_47 = arith.constant 0 : i32
    %scan3A_48 = arith.constant 0 : i32
    %scan3A_49 = arith.constant 40 : i32
    %scan3A_50 = arith.addi %scan3A_48, %scan3A_49 : i32
    %scan3A_51 = arith.constant 1 : i32
    %scan3A_52 = scf.for %scan3A_170 = %scan3A_48 to %scan3A_50 step %scan3A_51 iter_args(%scan3A_171 = %scan3A_47) -> (i32)  : i32 {
      %mul3A_172 = arith.constant 3 : i32
      %mul3A_173 = arith.muli %scan3A_170, %mul3A_172 : i32
      %add3A_174 = arith.constant 1 : i32
      %add3A_175 = arith.addi %mul3A_173, %add3A_174 : i32
      %add3A_176 = arith.constant 0 : i32
      %add3A_177 = arith.addi %add3A_175, %add3A_176 : i32
      %dma_wait3A_178 = arith.constant 0 : i32
      %dma_wait3A_179 = arith.constant 0 : i32
      %dma_wait3A_180 = tpu.memref_slice %arg7[%dma_wait3A_178, %dma_wait3A_179] : memref<125x80xi32, #tpu.memory_space<vmem>> -> memref<1x80xi32, #tpu.memory_space<vmem>>
      %dma_wait3A_181 = tpu.memref_squeeze %dma_wait3A_180 : memref<1x80xi32, #tpu.memory_space<vmem>> -> memref<80xi32, #tpu.memory_space<vmem>>
      %dma_wait3A_182 = arith.constant 0 : i32
      %dma_wait3A_183 = arith.constant 0 : i32
      %dma_wait3A_184 = tpu.memref_slice %arg11[%dma_wait3A_182, %dma_wait3A_183] : memref<10000x48xf32, #tpu.memory_space<vmem_shared>> -> memref<10000x48xf32, #tpu.memory_space<vmem_shared>>
      tpu.wait_indirect_dma semaphore(%arg15 : memref<!tpu.dma_semaphore, #tpu.memory_space<semaphore_mem>>) src(%arg8 : memref<80x48xf32, #tpu.memory_space<vmem>>) dst(%dma_wait3A_184 : memref<10000x48xf32, #tpu.memory_space<vmem_shared>>)
      %add3A_185 = arith.constant 2 : i32
      %add3A_186 = arith.addi %add3A_177, %add3A_185 : i32
      %mul3A_187 = arith.constant 80 : i32
      %mul3A_188 = arith.muli %add3A_186, %mul3A_187 : i32
      %dma_start3A_189 = arith.constant 0 : i32
      %dma_start3A_190 = tpu.memref_slice %arg6[%dma_start3A_189, %mul3A_188] : memref<1x10000xi32, #tpu.memory_space<vmem>> -> memref<1x80xi32, #tpu.memory_space<vmem>>
      %dma_start3A_191 = tpu.memref_squeeze %dma_start3A_190 : memref<1x80xi32, #tpu.memory_space<vmem>> -> memref<80xi32, #tpu.memory_space<vmem>>
      %dma_start3A_192 = arith.constant 0 : i32
      %dma_start3A_193 = arith.constant 0 : i32
      %dma_start3A_194 = tpu.memref_slice %arg2[%dma_start3A_192, %dma_start3A_193] : memref<10000x48xf32, #tpu.memory_space<hbm>> -> memref<10000x48xf32, #tpu.memory_space<hbm>>
      tpu.enqueue_indirect_dma source(%dma_start3A_194 : memref<10000x48xf32, #tpu.memory_space<hbm>>) target(%arg8 : memref<80x48xf32, #tpu.memory_space<vmem>>) offsets(%dma_start3A_191 : memref<80xi32, #tpu.memory_space<vmem>>) semaphore(%arg12 : memref<!tpu.dma_semaphore, #tpu.memory_space<semaphore_mem>>)
      %mul3A_195 = arith.constant 80 : i32
      %mul3A_196 = arith.muli %add3A_177, %mul3A_195 : i32
      %dma_wait3A_197 = arith.constant 0 : i32
      %dma_wait3A_198 = tpu.memref_slice %arg6[%dma_wait3A_197, %mul3A_196] : memref<1x10000xi32, #tpu.memory_space<vmem>> -> memref<1x80xi32, #tpu.memory_space<vmem>>
      %dma_wait3A_199 = tpu.memref_squeeze %dma_wait3A_198 : memref<1x80xi32, #tpu.memory_space<vmem>> -> memref<80xi32, #tpu.memory_space<vmem>>
      %dma_wait3A_200 = arith.constant 0 : i32
      %dma_wait3A_201 = arith.constant 0 : i32
      %dma_wait3A_202 = tpu.memref_slice %arg2[%dma_wait3A_200, %dma_wait3A_201] : memref<10000x48xf32, #tpu.memory_space<hbm>> -> memref<10000x48xf32, #tpu.memory_space<hbm>>
      tpu.wait_indirect_dma semaphore(%arg13 : memref<!tpu.dma_semaphore, #tpu.memory_space<semaphore_mem>>) src(%dma_wait3A_202 : memref<10000x48xf32, #tpu.memory_space<hbm>>) dst(%arg9 : memref<80x48xf32, #tpu.memory_space<vmem>>)
      %dma_start3A_203 = arith.constant 0 : i32
      %dma_start3A_204 = tpu.memref_slice %arg7[%add3A_177, %dma_start3A_203] : memref<125x80xi32, #tpu.memory_space<vmem>> -> memref<1x80xi32, #tpu.memory_space<vmem>>
      %dma_start3A_205 = tpu.memref_squeeze %dma_start3A_204 : memref<1x80xi32, #tpu.memory_space<vmem>> -> memref<80xi32, #tpu.memory_space<vmem>>
      %dma_start3A_206 = arith.constant 0 : i32
      %dma_start3A_207 = arith.constant 0 : i32
      %dma_start3A_208 = tpu.memref_slice %arg11[%dma_start3A_206, %dma_start3A_207] : memref<10000x48xf32, #tpu.memory_space<vmem_shared>> -> memref<10000x48xf32, #tpu.memory_space<vmem_shared>>
      tpu.enqueue_indirect_dma source(%arg9 : memref<80x48xf32, #tpu.memory_space<vmem>>) target(%dma_start3A_208 : memref<10000x48xf32, #tpu.memory_space<vmem_shared>>) offsets(%dma_start3A_205 : memref<80xi32, #tpu.memory_space<vmem>>) semaphore(%arg16 : memref<!tpu.dma_semaphore, #tpu.memory_space<semaphore_mem>>) {add = true}
      %add3A_209 = arith.constant 1 : i32
      %add3A_210 = arith.addi %mul3A_173, %add3A_209 : i32
      %add3A_211 = arith.constant 1 : i32
      %add3A_212 = arith.addi %add3A_210, %add3A_211 : i32
      %dma_wait3A_213 = arith.constant 0 : i32
      %dma_wait3A_214 = arith.constant 0 : i32
      %dma_wait3A_215 = tpu.memref_slice %arg7[%dma_wait3A_213, %dma_wait3A_214] : memref<125x80xi32, #tpu.memory_space<vmem>> -> memref<1x80xi32, #tpu.memory_space<vmem>>
      %dma_wait3A_216 = tpu.memref_squeeze %dma_wait3A_215 : memref<1x80xi32, #tpu.memory_space<vmem>> -> memref<80xi32, #tpu.memory_space<vmem>>
      %dma_wait3A_217 = arith.constant 0 : i32
      %dma_wait3A_218 = arith.constant 0 : i32
      %dma_wait3A_219 = tpu.memref_slice %arg11[%dma_wait3A_217, %dma_wait3A_218] : memref<10000x48xf32, #tpu.memory_space<vmem_shared>> -> memref<10000x48xf32, #tpu.memory_space<vmem_shared>>
      tpu.wait_indirect_dma semaphore(%arg16 : memref<!tpu.dma_semaphore, #tpu.memory_space<semaphore_mem>>) src(%arg9 : memref<80x48xf32, #tpu.memory_space<vmem>>) dst(%dma_wait3A_219 : memref<10000x48xf32, #tpu.memory_space<vmem_shared>>)
      %add3A_220 = arith.constant 2 : i32
      %add3A_221 = arith.addi %add3A_212, %add3A_220 : i32
      %mul3A_222 = arith.constant 80 : i32
      %mul3A_223 = arith.muli %add3A_221, %mul3A_222 : i32
      %dma_start3A_224 = arith.constant 0 : i32
      %dma_start3A_225 = tpu.memref_slice %arg6[%dma_start3A_224, %mul3A_223] : memref<1x10000xi32, #tpu.memory_space<vmem>> -> memref<1x80xi32, #tpu.memory_space<vmem>>
      %dma_start3A_226 = tpu.memref_squeeze %dma_start3A_225 : memref<1x80xi32, #tpu.memory_space<vmem>> -> memref<80xi32, #tpu.memory_space<vmem>>
      %dma_start3A_227 = arith.constant 0 : i32
      %dma_start3A_228 = arith.constant 0 : i32
      %dma_start3A_229 = tpu.memref_slice %arg2[%dma_start3A_227, %dma_start3A_228] : memref<10000x48xf32, #tpu.memory_space<hbm>> -> memref<10000x48xf32, #tpu.memory_space<hbm>>
      tpu.enqueue_indirect_dma source(%dma_start3A_229 : memref<10000x48xf32, #tpu.memory_space<hbm>>) target(%arg9 : memref<80x48xf32, #tpu.memory_space<vmem>>) offsets(%dma_start3A_226 : memref<80xi32, #tpu.memory_space<vmem>>) semaphore(%arg13 : memref<!tpu.dma_semaphore, #tpu.memory_space<semaphore_mem>>)
      %mul3A_230 = arith.constant 80 : i32
      %mul3A_231 = arith.muli %add3A_212, %mul3A_230 : i32
      %dma_wait3A_232 = arith.constant 0 : i32
      %dma_wait3A_233 = tpu.memref_slice %arg6[%dma_wait3A_232, %mul3A_231] : memref<1x10000xi32, #tpu.memory_space<vmem>> -> memref<1x80xi32, #tpu.memory_space<vmem>>
      %dma_wait3A_234 = tpu.memref_squeeze %dma_wait3A_233 : memref<1x80xi32, #tpu.memory_space<vmem>> -> memref<80xi32, #tpu.memory_space<vmem>>
      %dma_wait3A_235 = arith.constant 0 : i32
      %dma_wait3A_236 = arith.constant 0 : i32
      %dma_wait3A_237 = tpu.memref_slice %arg2[%dma_wait3A_235, %dma_wait3A_236] : memref<10000x48xf32, #tpu.memory_space<hbm>> -> memref<10000x48xf32, #tpu.memory_space<hbm>>
      tpu.wait_indirect_dma semaphore(%arg14 : memref<!tpu.dma_semaphore, #tpu.memory_space<semaphore_mem>>) src(%dma_wait3A_237 : memref<10000x48xf32, #tpu.memory_space<hbm>>) dst(%arg10 : memref<80x48xf32, #tpu.memory_space<vmem>>)
      %dma_start3A_238 = arith.constant 0 : i32
      %dma_start3A_239 = tpu.memref_slice %arg7[%add3A_212, %dma_start3A_238] : memref<125x80xi32, #tpu.memory_space<vmem>> -> memref<1x80xi32, #tpu.memory_space<vmem>>
      %dma_start3A_240 = tpu.memref_squeeze %dma_start3A_239 : memref<1x80xi32, #tpu.memory_space<vmem>> -> memref<80xi32, #tpu.memory_space<vmem>>
      %dma_start3A_241 = arith.constant 0 : i32
      %dma_start3A_242 = arith.constant 0 : i32
      %dma_start3A_243 = tpu.memref_slice %arg11[%dma_start3A_241, %dma_start3A_242] : memref<10000x48xf32, #tpu.memory_space<vmem_shared>> -> memref<10000x48xf32, #tpu.memory_space<vmem_shared>>
      tpu.enqueue_indirect_dma source(%arg10 : memref<80x48xf32, #tpu.memory_space<vmem>>) target(%dma_start3A_243 : memref<10000x48xf32, #tpu.memory_space<vmem_shared>>) offsets(%dma_start3A_240 : memref<80xi32, #tpu.memory_space<vmem>>) semaphore(%arg17 : memref<!tpu.dma_semaphore, #tpu.memory_space<semaphore_mem>>) {add = true}
      %add3A_244 = arith.constant 1 : i32
      %add3A_245 = arith.addi %mul3A_173, %add3A_244 : i32
      %add3A_246 = arith.constant 2 : i32
      %add3A_247 = arith.addi %add3A_245, %add3A_246 : i32
      %dma_wait3A_248 = arith.constant 0 : i32
      %dma_wait3A_249 = arith.constant 0 : i32
      %dma_wait3A_250 = tpu.memref_slice %arg7[%dma_wait3A_248, %dma_wait3A_249] : memref<125x80xi32, #tpu.memory_space<vmem>> -> memref<1x80xi32, #tpu.memory_space<vmem>>
      %dma_wait3A_251 = tpu.memref_squeeze %dma_wait3A_250 : memref<1x80xi32, #tpu.memory_space<vmem>> -> memref<80xi32, #tpu.memory_space<vmem>>
      %dma_wait3A_252 = arith.constant 0 : i32
      %dma_wait3A_253 = arith.constant 0 : i32
      %dma_wait3A_254 = tpu.memref_slice %arg11[%dma_wait3A_252, %dma_wait3A_253] : memref<10000x48xf32, #tpu.memory_space<vmem_shared>> -> memref<10000x48xf32, #tpu.memory_space<vmem_shared>>
      tpu.wait_indirect_dma semaphore(%arg17 : memref<!tpu.dma_semaphore, #tpu.memory_space<semaphore_mem>>) src(%arg10 : memref<80x48xf32, #tpu.memory_space<vmem>>) dst(%dma_wait3A_254 : memref<10000x48xf32, #tpu.memory_space<vmem_shared>>)
      %add3A_255 = arith.constant 2 : i32
      %add3A_256 = arith.addi %add3A_247, %add3A_255 : i32
      %mul3A_257 = arith.constant 80 : i32
      %mul3A_258 = arith.muli %add3A_256, %mul3A_257 : i32
      %dma_start3A_259 = arith.constant 0 : i32
      %dma_start3A_260 = tpu.memref_slice %arg6[%dma_start3A_259, %mul3A_258] : memref<1x10000xi32, #tpu.memory_space<vmem>> -> memref<1x80xi32, #tpu.memory_space<vmem>>
      %dma_start3A_261 = tpu.memref_squeeze %dma_start3A_260 : memref<1x80xi32, #tpu.memory_space<vmem>> -> memref<80xi32, #tpu.memory_space<vmem>>
      %dma_start3A_262 = arith.constant 0 : i32
      %dma_start3A_263 = arith.constant 0 : i32
      %dma_start3A_264 = tpu.memref_slice %arg2[%dma_start3A_262, %dma_start3A_263] : memref<10000x48xf32, #tpu.memory_space<hbm>> -> memref<10000x48xf32, #tpu.memory_space<hbm>>
      tpu.enqueue_indirect_dma source(%dma_start3A_264 : memref<10000x48xf32, #tpu.memory_space<hbm>>) target(%arg10 : memref<80x48xf32, #tpu.memory_space<vmem>>) offsets(%dma_start3A_261 : memref<80xi32, #tpu.memory_space<vmem>>) semaphore(%arg14 : memref<!tpu.dma_semaphore, #tpu.memory_space<semaphore_mem>>)
      %mul3A_265 = arith.constant 80 : i32
      %mul3A_266 = arith.muli %add3A_247, %mul3A_265 : i32
      %dma_wait3A_267 = arith.constant 0 : i32
      %dma_wait3A_268 = tpu.memref_slice %arg6[%dma_wait3A_267, %mul3A_266] : memref<1x10000xi32, #tpu.memory_space<vmem>> -> memref<1x80xi32, #tpu.memory_space<vmem>>
      %dma_wait3A_269 = tpu.memref_squeeze %dma_wait3A_268 : memref<1x80xi32, #tpu.memory_space<vmem>> -> memref<80xi32, #tpu.memory_space<vmem>>
      %dma_wait3A_270 = arith.constant 0 : i32
      %dma_wait3A_271 = arith.constant 0 : i32
      %dma_wait3A_272 = tpu.memref_slice %arg2[%dma_wait3A_270, %dma_wait3A_271] : memref<10000x48xf32, #tpu.memory_space<hbm>> -> memref<10000x48xf32, #tpu.memory_space<hbm>>
      tpu.wait_indirect_dma semaphore(%arg12 : memref<!tpu.dma_semaphore, #tpu.memory_space<semaphore_mem>>) src(%dma_wait3A_272 : memref<10000x48xf32, #tpu.memory_space<hbm>>) dst(%arg8 : memref<80x48xf32, #tpu.memory_space<vmem>>)
      %dma_start3A_273 = arith.constant 0 : i32
      %dma_start3A_274 = tpu.memref_slice %arg7[%add3A_247, %dma_start3A_273] : memref<125x80xi32, #tpu.memory_space<vmem>> -> memref<1x80xi32, #tpu.memory_space<vmem>>
      %dma_start3A_275 = tpu.memref_squeeze %dma_start3A_274 : memref<1x80xi32, #tpu.memory_space<vmem>> -> memref<80xi32, #tpu.memory_space<vmem>>
      %dma_start3A_276 = arith.constant 0 : i32
      %dma_start3A_277 = arith.constant 0 : i32
      %dma_start3A_278 = tpu.memref_slice %arg11[%dma_start3A_276, %dma_start3A_277] : memref<10000x48xf32, #tpu.memory_space<vmem_shared>> -> memref<10000x48xf32, #tpu.memory_space<vmem_shared>>
      tpu.enqueue_indirect_dma source(%arg8 : memref<80x48xf32, #tpu.memory_space<vmem>>) target(%dma_start3A_278 : memref<10000x48xf32, #tpu.memory_space<vmem_shared>>) offsets(%dma_start3A_275 : memref<80xi32, #tpu.memory_space<vmem>>) semaphore(%arg15 : memref<!tpu.dma_semaphore, #tpu.memory_space<semaphore_mem>>) {add = true}
      %scan3A_279 = arith.constant 0 : i32
      scf.yield %scan3A_279 : i32
    }
    %scan3A_53 = arith.constant 40 : i32
    %dma_wait3A_54 = arith.constant 0 : i32
    %dma_wait3A_55 = arith.constant 0 : i32
    %dma_wait3A_56 = tpu.memref_slice %arg7[%dma_wait3A_54, %dma_wait3A_55] : memref<125x80xi32, #tpu.memory_space<vmem>> -> memref<1x80xi32, #tpu.memory_space<vmem>>
    %dma_wait3A_57 = tpu.memref_squeeze %dma_wait3A_56 : memref<1x80xi32, #tpu.memory_space<vmem>> -> memref<80xi32, #tpu.memory_space<vmem>>
    %dma_wait3A_58 = arith.constant 0 : i32
    %dma_wait3A_59 = arith.constant 0 : i32
    %dma_wait3A_60 = tpu.memref_slice %arg11[%dma_wait3A_58, %dma_wait3A_59] : memref<10000x48xf32, #tpu.memory_space<vmem_shared>> -> memref<10000x48xf32, #tpu.memory_space<vmem_shared>>
    tpu.wait_indirect_dma semaphore(%arg15 : memref<!tpu.dma_semaphore, #tpu.memory_space<semaphore_mem>>) src(%arg8 : memref<80x48xf32, #tpu.memory_space<vmem>>) dst(%dma_wait3A_60 : memref<10000x48xf32, #tpu.memory_space<vmem_shared>>)
    %dma_start3A_61 = arith.constant 0 : i32
    %dma_start3A_62 = arith.constant 9840 : i32
    %dma_start3A_63 = tpu.memref_slice %arg6[%dma_start3A_61, %dma_start3A_62] : memref<1x10000xi32, #tpu.memory_space<vmem>> -> memref<1x80xi32, #tpu.memory_space<vmem>>
    %dma_start3A_64 = tpu.memref_squeeze %dma_start3A_63 : memref<1x80xi32, #tpu.memory_space<vmem>> -> memref<80xi32, #tpu.memory_space<vmem>>
    %dma_start3A_65 = arith.constant 0 : i32
    %dma_start3A_66 = arith.constant 0 : i32
    %dma_start3A_67 = tpu.memref_slice %arg2[%dma_start3A_65, %dma_start3A_66] : memref<10000x48xf32, #tpu.memory_space<hbm>> -> memref<10000x48xf32, #tpu.memory_space<hbm>>
    tpu.enqueue_indirect_dma source(%dma_start3A_67 : memref<10000x48xf32, #tpu.memory_space<hbm>>) target(%arg8 : memref<80x48xf32, #tpu.memory_space<vmem>>) offsets(%dma_start3A_64 : memref<80xi32, #tpu.memory_space<vmem>>) semaphore(%arg12 : memref<!tpu.dma_semaphore, #tpu.memory_space<semaphore_mem>>)
    %dma_wait3A_68 = arith.constant 0 : i32
    %dma_wait3A_69 = arith.constant 9680 : i32
    %dma_wait3A_70 = tpu.memref_slice %arg6[%dma_wait3A_68, %dma_wait3A_69] : memref<1x10000xi32, #tpu.memory_space<vmem>> -> memref<1x80xi32, #tpu.memory_space<vmem>>
    %dma_wait3A_71 = tpu.memref_squeeze %dma_wait3A_70 : memref<1x80xi32, #tpu.memory_space<vmem>> -> memref<80xi32, #tpu.memory_space<vmem>>
    %dma_wait3A_72 = arith.constant 0 : i32
    %dma_wait3A_73 = arith.constant 0 : i32
    %dma_wait3A_74 = tpu.memref_slice %arg2[%dma_wait3A_72, %dma_wait3A_73] : memref<10000x48xf32, #tpu.memory_space<hbm>> -> memref<10000x48xf32, #tpu.memory_space<hbm>>
    tpu.wait_indirect_dma semaphore(%arg13 : memref<!tpu.dma_semaphore, #tpu.memory_space<semaphore_mem>>) src(%dma_wait3A_74 : memref<10000x48xf32, #tpu.memory_space<hbm>>) dst(%arg9 : memref<80x48xf32, #tpu.memory_space<vmem>>)
    %dma_start3A_75 = arith.constant 121 : i32
    %dma_start3A_76 = arith.constant 0 : i32
    %dma_start3A_77 = tpu.memref_slice %arg7[%dma_start3A_75, %dma_start3A_76] : memref<125x80xi32, #tpu.memory_space<vmem>> -> memref<1x80xi32, #tpu.memory_space<vmem>>
    %dma_start3A_78 = tpu.memref_squeeze %dma_start3A_77 : memref<1x80xi32, #tpu.memory_space<vmem>> -> memref<80xi32, #tpu.memory_space<vmem>>
    %dma_start3A_79 = arith.constant 0 : i32
    %dma_start3A_80 = arith.constant 0 : i32
    %dma_start3A_81 = tpu.memref_slice %arg11[%dma_start3A_79, %dma_start3A_80] : memref<10000x48xf32, #tpu.memory_space<vmem_shared>> -> memref<10000x48xf32, #tpu.memory_space<vmem_shared>>
    tpu.enqueue_indirect_dma source(%arg9 : memref<80x48xf32, #tpu.memory_space<vmem>>) target(%dma_start3A_81 : memref<10000x48xf32, #tpu.memory_space<vmem_shared>>) offsets(%dma_start3A_78 : memref<80xi32, #tpu.memory_space<vmem>>) semaphore(%arg16 : memref<!tpu.dma_semaphore, #tpu.memory_space<semaphore_mem>>) {add = true}
    %dma_wait3A_82 = arith.constant 0 : i32
    %dma_wait3A_83 = arith.constant 0 : i32
    %dma_wait3A_84 = tpu.memref_slice %arg7[%dma_wait3A_82, %dma_wait3A_83] : memref<125x80xi32, #tpu.memory_space<vmem>> -> memref<1x80xi32, #tpu.memory_space<vmem>>
    %dma_wait3A_85 = tpu.memref_squeeze %dma_wait3A_84 : memref<1x80xi32, #tpu.memory_space<vmem>> -> memref<80xi32, #tpu.memory_space<vmem>>
    %dma_wait3A_86 = arith.constant 0 : i32
    %dma_wait3A_87 = arith.constant 0 : i32
    %dma_wait3A_88 = tpu.memref_slice %arg11[%dma_wait3A_86, %dma_wait3A_87] : memref<10000x48xf32, #tpu.memory_space<vmem_shared>> -> memref<10000x48xf32, #tpu.memory_space<vmem_shared>>
    tpu.wait_indirect_dma semaphore(%arg16 : memref<!tpu.dma_semaphore, #tpu.memory_space<semaphore_mem>>) src(%arg9 : memref<80x48xf32, #tpu.memory_space<vmem>>) dst(%dma_wait3A_88 : memref<10000x48xf32, #tpu.memory_space<vmem_shared>>)
    %dma_start3A_89 = arith.constant 0 : i32
    %dma_start3A_90 = arith.constant 9920 : i32
    %dma_start3A_91 = tpu.memref_slice %arg6[%dma_start3A_89, %dma_start3A_90] : memref<1x10000xi32, #tpu.memory_space<vmem>> -> memref<1x80xi32, #tpu.memory_space<vmem>>
    %dma_start3A_92 = tpu.memref_squeeze %dma_start3A_91 : memref<1x80xi32, #tpu.memory_space<vmem>> -> memref<80xi32, #tpu.memory_space<vmem>>
    %dma_start3A_93 = arith.constant 0 : i32
    %dma_start3A_94 = arith.constant 0 : i32
    %dma_start3A_95 = tpu.memref_slice %arg2[%dma_start3A_93, %dma_start3A_94] : memref<10000x48xf32, #tpu.memory_space<hbm>> -> memref<10000x48xf32, #tpu.memory_space<hbm>>
    tpu.enqueue_indirect_dma source(%dma_start3A_95 : memref<10000x48xf32, #tpu.memory_space<hbm>>) target(%arg9 : memref<80x48xf32, #tpu.memory_space<vmem>>) offsets(%dma_start3A_92 : memref<80xi32, #tpu.memory_space<vmem>>) semaphore(%arg13 : memref<!tpu.dma_semaphore, #tpu.memory_space<semaphore_mem>>)
    %dma_wait3A_96 = arith.constant 0 : i32
    %dma_wait3A_97 = arith.constant 9760 : i32
    %dma_wait3A_98 = tpu.memref_slice %arg6[%dma_wait3A_96, %dma_wait3A_97] : memref<1x10000xi32, #tpu.memory_space<vmem>> -> memref<1x80xi32, #tpu.memory_space<vmem>>
    %dma_wait3A_99 = tpu.memref_squeeze %dma_wait3A_98 : memref<1x80xi32, #tpu.memory_space<vmem>> -> memref<80xi32, #tpu.memory_space<vmem>>
    %dma_wait3A_100 = arith.constant 0 : i32
    %dma_wait3A_101 = arith.constant 0 : i32
    %dma_wait3A_102 = tpu.memref_slice %arg2[%dma_wait3A_100, %dma_wait3A_101] : memref<10000x48xf32, #tpu.memory_space<hbm>> -> memref<10000x48xf32, #tpu.memory_space<hbm>>
    tpu.wait_indirect_dma semaphore(%arg14 : memref<!tpu.dma_semaphore, #tpu.memory_space<semaphore_mem>>) src(%dma_wait3A_102 : memref<10000x48xf32, #tpu.memory_space<hbm>>) dst(%arg10 : memref<80x48xf32, #tpu.memory_space<vmem>>)
    %dma_start3A_103 = arith.constant 122 : i32
    %dma_start3A_104 = arith.constant 0 : i32
    %dma_start3A_105 = tpu.memref_slice %arg7[%dma_start3A_103, %dma_start3A_104] : memref<125x80xi32, #tpu.memory_space<vmem>> -> memref<1x80xi32, #tpu.memory_space<vmem>>
    %dma_start3A_106 = tpu.memref_squeeze %dma_start3A_105 : memref<1x80xi32, #tpu.memory_space<vmem>> -> memref<80xi32, #tpu.memory_space<vmem>>
    %dma_start3A_107 = arith.constant 0 : i32
    %dma_start3A_108 = arith.constant 0 : i32
    %dma_start3A_109 = tpu.memref_slice %arg11[%dma_start3A_107, %dma_start3A_108] : memref<10000x48xf32, #tpu.memory_space<vmem_shared>> -> memref<10000x48xf32, #tpu.memory_space<vmem_shared>>
    tpu.enqueue_indirect_dma source(%arg10 : memref<80x48xf32, #tpu.memory_space<vmem>>) target(%dma_start3A_109 : memref<10000x48xf32, #tpu.memory_space<vmem_shared>>) offsets(%dma_start3A_106 : memref<80xi32, #tpu.memory_space<vmem>>) semaphore(%arg17 : memref<!tpu.dma_semaphore, #tpu.memory_space<semaphore_mem>>) {add = true}
    %dma_wait3A_110 = arith.constant 0 : i32
    %dma_wait3A_111 = arith.constant 9840 : i32
    %dma_wait3A_112 = tpu.memref_slice %arg6[%dma_wait3A_110, %dma_wait3A_111] : memref<1x10000xi32, #tpu.memory_space<vmem>> -> memref<1x80xi32, #tpu.memory_space<vmem>>
    %dma_wait3A_113 = tpu.memref_squeeze %dma_wait3A_112 : memref<1x80xi32, #tpu.memory_space<vmem>> -> memref<80xi32, #tpu.memory_space<vmem>>
    %dma_wait3A_114 = arith.constant 0 : i32
    %dma_wait3A_115 = arith.constant 0 : i32
    %dma_wait3A_116 = tpu.memref_slice %arg2[%dma_wait3A_114, %dma_wait3A_115] : memref<10000x48xf32, #tpu.memory_space<hbm>> -> memref<10000x48xf32, #tpu.memory_space<hbm>>
    tpu.wait_indirect_dma semaphore(%arg12 : memref<!tpu.dma_semaphore, #tpu.memory_space<semaphore_mem>>) src(%dma_wait3A_116 : memref<10000x48xf32, #tpu.memory_space<hbm>>) dst(%arg8 : memref<80x48xf32, #tpu.memory_space<vmem>>)
    %dma_start3A_117 = arith.constant 123 : i32
    %dma_start3A_118 = arith.constant 0 : i32
    %dma_start3A_119 = tpu.memref_slice %arg7[%dma_start3A_117, %dma_start3A_118] : memref<125x80xi32, #tpu.memory_space<vmem>> -> memref<1x80xi32, #tpu.memory_space<vmem>>
    %dma_start3A_120 = tpu.memref_squeeze %dma_start3A_119 : memref<1x80xi32, #tpu.memory_space<vmem>> -> memref<80xi32, #tpu.memory_space<vmem>>
    %dma_start3A_121 = arith.constant 0 : i32
    %dma_start3A_122 = arith.constant 0 : i32
    %dma_start3A_123 = tpu.memref_slice %arg11[%dma_start3A_121, %dma_start3A_122] : memref<10000x48xf32, #tpu.memory_space<vmem_shared>> -> memref<10000x48xf32, #tpu.memory_space<vmem_shared>>
    tpu.enqueue_indirect_dma source(%arg8 : memref<80x48xf32, #tpu.memory_space<vmem>>) target(%dma_start3A_123 : memref<10000x48xf32, #tpu.memory_space<vmem_shared>>) offsets(%dma_start3A_120 : memref<80xi32, #tpu.memory_space<vmem>>) semaphore(%arg15 : memref<!tpu.dma_semaphore, #tpu.memory_space<semaphore_mem>>) {add = true}
    %dma_wait3A_124 = arith.constant 0 : i32
    %dma_wait3A_125 = arith.constant 9920 : i32
    %dma_wait3A_126 = tpu.memref_slice %arg6[%dma_wait3A_124, %dma_wait3A_125] : memref<1x10000xi32, #tpu.memory_space<vmem>> -> memref<1x80xi32, #tpu.memory_space<vmem>>
    %dma_wait3A_127 = tpu.memref_squeeze %dma_wait3A_126 : memref<1x80xi32, #tpu.memory_space<vmem>> -> memref<80xi32, #tpu.memory_space<vmem>>
    %dma_wait3A_128 = arith.constant 0 : i32
    %dma_wait3A_129 = arith.constant 0 : i32
    %dma_wait3A_130 = tpu.memref_slice %arg2[%dma_wait3A_128, %dma_wait3A_129] : memref<10000x48xf32, #tpu.memory_space<hbm>> -> memref<10000x48xf32, #tpu.memory_space<hbm>>
    tpu.wait_indirect_dma semaphore(%arg13 : memref<!tpu.dma_semaphore, #tpu.memory_space<semaphore_mem>>) src(%dma_wait3A_130 : memref<10000x48xf32, #tpu.memory_space<hbm>>) dst(%arg9 : memref<80x48xf32, #tpu.memory_space<vmem>>)
    %dma_start3A_131 = arith.constant 124 : i32
    %dma_start3A_132 = arith.constant 0 : i32
    %dma_start3A_133 = tpu.memref_slice %arg7[%dma_start3A_131, %dma_start3A_132] : memref<125x80xi32, #tpu.memory_space<vmem>> -> memref<1x80xi32, #tpu.memory_space<vmem>>
    %dma_start3A_134 = tpu.memref_squeeze %dma_start3A_133 : memref<1x80xi32, #tpu.memory_space<vmem>> -> memref<80xi32, #tpu.memory_space<vmem>>
    %dma_start3A_135 = arith.constant 0 : i32
    %dma_start3A_136 = arith.constant 0 : i32
    %dma_start3A_137 = tpu.memref_slice %arg11[%dma_start3A_135, %dma_start3A_136] : memref<10000x48xf32, #tpu.memory_space<vmem_shared>> -> memref<10000x48xf32, #tpu.memory_space<vmem_shared>>
    tpu.enqueue_indirect_dma source(%arg9 : memref<80x48xf32, #tpu.memory_space<vmem>>) target(%dma_start3A_137 : memref<10000x48xf32, #tpu.memory_space<vmem_shared>>) offsets(%dma_start3A_134 : memref<80xi32, #tpu.memory_space<vmem>>) semaphore(%arg16 : memref<!tpu.dma_semaphore, #tpu.memory_space<semaphore_mem>>) {add = true}
    %dma_wait3A_138 = arith.constant 0 : i32
    %dma_wait3A_139 = arith.constant 0 : i32
    %dma_wait3A_140 = tpu.memref_slice %arg7[%dma_wait3A_138, %dma_wait3A_139] : memref<125x80xi32, #tpu.memory_space<vmem>> -> memref<1x80xi32, #tpu.memory_space<vmem>>
    %dma_wait3A_141 = tpu.memref_squeeze %dma_wait3A_140 : memref<1x80xi32, #tpu.memory_space<vmem>> -> memref<80xi32, #tpu.memory_space<vmem>>
    %dma_wait3A_142 = arith.constant 0 : i32
    %dma_wait3A_143 = arith.constant 0 : i32
    %dma_wait3A_144 = tpu.memref_slice %arg11[%dma_wait3A_142, %dma_wait3A_143] : memref<10000x48xf32, #tpu.memory_space<vmem_shared>> -> memref<10000x48xf32, #tpu.memory_space<vmem_shared>>
    tpu.wait_indirect_dma semaphore(%arg17 : memref<!tpu.dma_semaphore, #tpu.memory_space<semaphore_mem>>) src(%arg10 : memref<80x48xf32, #tpu.memory_space<vmem>>) dst(%dma_wait3A_144 : memref<10000x48xf32, #tpu.memory_space<vmem_shared>>)
    %dma_wait3A_145 = arith.constant 0 : i32
    %dma_wait3A_146 = arith.constant 0 : i32
    %dma_wait3A_147 = tpu.memref_slice %arg7[%dma_wait3A_145, %dma_wait3A_146] : memref<125x80xi32, #tpu.memory_space<vmem>> -> memref<1x80xi32, #tpu.memory_space<vmem>>
    %dma_wait3A_148 = tpu.memref_squeeze %dma_wait3A_147 : memref<1x80xi32, #tpu.memory_space<vmem>> -> memref<80xi32, #tpu.memory_space<vmem>>
    %dma_wait3A_149 = arith.constant 0 : i32
    %dma_wait3A_150 = arith.constant 0 : i32
    %dma_wait3A_151 = tpu.memref_slice %arg11[%dma_wait3A_149, %dma_wait3A_150] : memref<10000x48xf32, #tpu.memory_space<vmem_shared>> -> memref<10000x48xf32, #tpu.memory_space<vmem_shared>>
    tpu.wait_indirect_dma semaphore(%arg15 : memref<!tpu.dma_semaphore, #tpu.memory_space<semaphore_mem>>) src(%arg8 : memref<80x48xf32, #tpu.memory_space<vmem>>) dst(%dma_wait3A_151 : memref<10000x48xf32, #tpu.memory_space<vmem_shared>>)
    %dma_wait3A_152 = arith.constant 0 : i32
    %dma_wait3A_153 = arith.constant 0 : i32
    %dma_wait3A_154 = tpu.memref_slice %arg7[%dma_wait3A_152, %dma_wait3A_153] : memref<125x80xi32, #tpu.memory_space<vmem>> -> memref<1x80xi32, #tpu.memory_space<vmem>>
    %dma_wait3A_155 = tpu.memref_squeeze %dma_wait3A_154 : memref<1x80xi32, #tpu.memory_space<vmem>> -> memref<80xi32, #tpu.memory_space<vmem>>
    %dma_wait3A_156 = arith.constant 0 : i32
    %dma_wait3A_157 = arith.constant 0 : i32
    %dma_wait3A_158 = tpu.memref_slice %arg11[%dma_wait3A_156, %dma_wait3A_157] : memref<10000x48xf32, #tpu.memory_space<vmem_shared>> -> memref<10000x48xf32, #tpu.memory_space<vmem_shared>>
    tpu.wait_indirect_dma semaphore(%arg16 : memref<!tpu.dma_semaphore, #tpu.memory_space<semaphore_mem>>) src(%arg9 : memref<80x48xf32, #tpu.memory_space<vmem>>) dst(%dma_wait3A_158 : memref<10000x48xf32, #tpu.memory_space<vmem_shared>>)
    %barrier3A_159 = arith.constant 0 : index
    tpu.barrier barrier_id(%barrier3A_159)
    %lt3A_160 = arith.constant 15 : i32
    %lt3A_161 = arith.cmpi slt, %arg1, %lt3A_160 : i32
    %convert_element_type3A_162 = arith.extui %lt3A_161 : i1 to i32
    %cond3A_163 = arith.constant 0 : i32
    %cond3A_164 = arith.cmpi ne, %convert_element_type3A_162, %cond3A_163 : i32
    scf.if %cond3A_164 {
      %mul3A_170 = arith.constant 632 : i32
      %mul3A_171 = arith.muli %arg1, %mul3A_170 : i32
      %mul3A_172 = arith.constant 632 : i32
      %mul3A_173 = arith.muli %arg1, %mul3A_172 : i32
      "tpu.region"() ({
        %run_scoped3A = tpu.sem_alloc : memref<!tpu.dma_semaphore, #tpu.memory_space<semaphore_mem>>
        %dma_start3A_174 = arith.constant 0 : i32
        %dma_start3A_175 = tpu.memref_slice %arg5[%arg0, %mul3A_173, %dma_start3A_174] : memref<2x10000x48xf32, #tpu.memory_space<hbm>> -> memref<1x632x48xf32, #tpu.memory_space<hbm>>
        %dma_start3A_176 = tpu.memref_squeeze %dma_start3A_175 : memref<1x632x48xf32, #tpu.memory_space<hbm>> -> memref<632x48xf32, #tpu.memory_space<hbm>>
        %dma_start3A_177 = arith.constant 0 : i32
        %dma_start3A_178 = tpu.memref_slice %arg11[%mul3A_171, %dma_start3A_177] : memref<10000x48xf32, #tpu.memory_space<vmem_shared>> -> memref<632x48xf32, #tpu.memory_space<vmem_shared>>
        tpu.enqueue_dma source(%dma_start3A_178 : memref<632x48xf32, #tpu.memory_space<vmem_shared>>) target(%dma_start3A_176 : memref<632x48xf32, #tpu.memory_space<hbm>>) target_semaphore(%run_scoped3A : memref<!tpu.dma_semaphore, #tpu.memory_space<semaphore_mem>>)
        %dma_wait3A_179 = arith.constant 0 : i32
        %dma_wait3A_180 = tpu.memref_slice %arg5[%arg0, %mul3A_173, %dma_wait3A_179] : memref<2x10000x48xf32, #tpu.memory_space<hbm>> -> memref<1x632x48xf32, #tpu.memory_space<hbm>>
        %dma_wait3A_181 = tpu.memref_squeeze %dma_wait3A_180 : memref<1x632x48xf32, #tpu.memory_space<hbm>> -> memref<632x48xf32, #tpu.memory_space<hbm>>
        %dma_wait3A_182 = arith.constant 0 : i32
        %dma_wait3A_183 = tpu.memref_slice %arg11[%mul3A_171, %dma_wait3A_182] : memref<10000x48xf32, #tpu.memory_space<vmem_shared>> -> memref<632x48xf32, #tpu.memory_space<vmem_shared>>
        tpu.wait_dma2 semaphore(%run_scoped3A : memref<!tpu.dma_semaphore, #tpu.memory_space<semaphore_mem>>) src(%dma_wait3A_183 : memref<632x48xf32, #tpu.memory_space<vmem_shared>>) dst(%dma_wait3A_181 : memref<632x48xf32, #tpu.memory_space<hbm>>)
        tpu.yield
      }) : () -> ()
    } else {
    }
    %eq3A_165 = arith.constant 15 : i32
    %eq3A_166 = arith.cmpi eq, %arg1, %eq3A_165 : i32
    %convert_element_type3A_167 = arith.extui %eq3A_166 : i1 to i32
    %cond3A_168 = arith.constant 0 : i32
    %cond3A_169 = arith.cmpi ne, %convert_element_type3A_167, %cond3A_168 : i32
    scf.if %cond3A_169 {
      %mul3A_170 = arith.constant 632 : i32
      %mul3A_171 = arith.muli %arg1, %mul3A_170 : i32
      %mul3A_172 = arith.constant 632 : i32
      %mul3A_173 = arith.muli %arg1, %mul3A_172 : i32
      "tpu.region"() ({
        %run_scoped3A = tpu.sem_alloc : memref<!tpu.dma_semaphore, #tpu.memory_space<semaphore_mem>>
        %dma_start3A_174 = arith.constant 0 : i32
        %dma_start3A_175 = tpu.memref_slice %arg5[%arg0, %mul3A_173, %dma_start3A_174] : memref<2x10000x48xf32, #tpu.memory_space<hbm>> -> memref<1x520x48xf32, #tpu.memory_space<hbm>>
        %dma_start3A_176 = tpu.memref_squeeze %dma_start3A_175 : memref<1x520x48xf32, #tpu.memory_space<hbm>> -> memref<520x48xf32, #tpu.memory_space<hbm>>
        %dma_start3A_177 = arith.constant 0 : i32
        %dma_start3A_178 = tpu.memref_slice %arg11[%mul3A_171, %dma_start3A_177] : memref<10000x48xf32, #tpu.memory_space<vmem_shared>> -> memref<520x48xf32, #tpu.memory_space<vmem_shared>>
        tpu.enqueue_dma source(%dma_start3A_178 : memref<520x48xf32, #tpu.memory_space<vmem_shared>>) target(%dma_start3A_176 : memref<520x48xf32, #tpu.memory_space<hbm>>) target_semaphore(%run_scoped3A : memref<!tpu.dma_semaphore, #tpu.memory_space<semaphore_mem>>)
        %dma_wait3A_179 = arith.constant 0 : i32
        %dma_wait3A_180 = tpu.memref_slice %arg5[%arg0, %mul3A_173, %dma_wait3A_179] : memref<2x10000x48xf32, #tpu.memory_space<hbm>> -> memref<1x520x48xf32, #tpu.memory_space<hbm>>
        %dma_wait3A_181 = tpu.memref_squeeze %dma_wait3A_180 : memref<1x520x48xf32, #tpu.memory_space<hbm>> -> memref<520x48xf32, #tpu.memory_space<hbm>>
        %dma_wait3A_182 = arith.constant 0 : i32
        %dma_wait3A_183 = tpu.memref_slice %arg11[%mul3A_171, %dma_wait3A_182] : memref<10000x48xf32, #tpu.memory_space<vmem_shared>> -> memref<520x48xf32, #tpu.memory_space<vmem_shared>>
        tpu.wait_dma2 semaphore(%run_scoped3A : memref<!tpu.dma_semaphore, #tpu.memory_space<semaphore_mem>>) src(%dma_wait3A_183 : memref<520x48xf32, #tpu.memory_space<vmem_shared>>) dst(%dma_wait3A_181 : memref<520x48xf32, #tpu.memory_space<hbm>>)
        tpu.yield
      }) : () -> ()
    } else {
    }
    return
  }
}

#map = affine_map<(d0, d1) -> (0, 0, 0)>
module attributes {stable_mosaic.version = 14 : i64} {
  func.func @k(%arg0: i32, %arg1: i32, %arg2: memref<32x125x80xi32, #tpu.memory_space<hbm>>, %arg3: memref<2x10112x16xf32, #tpu.memory_space<hbm>>, %arg4: memref<125x80xi32, #tpu.memory_space<vmem>>, %arg5: memref<80x16xf32, #tpu.memory_space<vmem>>, %arg6: memref<72x16xf32, #tpu.memory_space<vmem>>, %arg7: memref<10112x16xf32, #tpu.memory_space<vmem_shared>>, %arg8: memref<!tpu.dma_semaphore, #tpu.memory_space<semaphore_mem>>) attributes {dimension_semantics = [#tpu.dimension_semantics<core_parallel>, #tpu.dimension_semantics<subcore_parallel>], iteration_bounds = array<i64: 2, 16>, scalar_prefetch = 0 : i64, scratch_operands = 5 : i64, tpu.core_type = #tpu.core_type<sc_vector_subcore>, window_params = [{transform_indices = #map}, {transform_indices = #map}]} {
    %mul3A = arith.constant 2 : i32
    %mul3A_0 = arith.muli %arg1, %mul3A : i32
    %add3A = arith.addi %mul3A_0, %arg0 : i32
    %broadcast_in_dim3A = arith.constant 1.000000e+00 : f32
    %broadcast_in_dim3A_1 = vector.broadcast %broadcast_in_dim3A : f32 to vector<16xf32>
    %broadcast_in_dim3A_2 = arith.constant 0.000000e+00 : f32
    %broadcast_in_dim3A_3 = vector.broadcast %broadcast_in_dim3A_2 : f32 to vector<16xf32>
    %scan3A = arith.constant 0 : i32
    %scan3A_4 = arith.constant 0 : i32
    %scan3A_5 = arith.constant 80 : i32
    %scan3A_6 = arith.addi %scan3A_4, %scan3A_5 : i32
    %scan3A_7 = arith.constant 1 : i32
    %scan3A_8 = scf.for %scan3A_72 = %scan3A_4 to %scan3A_6 step %scan3A_7 iter_args(%scan3A_73 = %scan3A) -> (i32)  : i32 {
      %swap3A = arith.index_cast %scan3A_72 : i32 to index
      %swap3A_74 = arith.constant 0 : index
      %swap3A_75 = tpu.vector_load %arg5[%swap3A, %swap3A_74] {strides = array<i32>} : memref<80x16xf32, #tpu.memory_space<vmem>>, vector<1x16xf32>,
      %swap3A_76 = vector.shape_cast %swap3A_75 : vector<1x16xf32> to vector<16xf32>
      %swap3A_77 = vector.shape_cast %broadcast_in_dim3A_1 : vector<16xf32> to vector<1x16xf32>
      tpu.vector_store %arg5[%swap3A, %swap3A_74], %swap3A_77 {strides = array<i32>} : memref<80x16xf32, #tpu.memory_space<vmem>>, vector<1x16xf32>,
      %scan3A_78 = arith.constant 0 : i32
      scf.yield %scan3A_78 : i32
    }
    %scan3A_9 = arith.constant 80 : i32
    %scan3A_10 = arith.constant 0 : i32
    %scan3A_11 = arith.constant 0 : i32
    %scan3A_12 = arith.constant 72 : i32
    %scan3A_13 = arith.addi %scan3A_11, %scan3A_12 : i32
    %scan3A_14 = arith.constant 1 : i32
    %scan3A_15 = scf.for %scan3A_72 = %scan3A_11 to %scan3A_13 step %scan3A_14 iter_args(%scan3A_73 = %scan3A_10) -> (i32)  : i32 {
      %swap3A = arith.index_cast %scan3A_72 : i32 to index
      %swap3A_74 = arith.constant 0 : index
      %swap3A_75 = tpu.vector_load %arg6[%swap3A, %swap3A_74] {strides = array<i32>} : memref<72x16xf32, #tpu.memory_space<vmem>>, vector<1x16xf32>,
      %swap3A_76 = vector.shape_cast %swap3A_75 : vector<1x16xf32> to vector<16xf32>
      %swap3A_77 = vector.shape_cast %broadcast_in_dim3A_3 : vector<16xf32> to vector<1x16xf32>
      tpu.vector_store %arg6[%swap3A, %swap3A_74], %swap3A_77 {strides = array<i32>} : memref<72x16xf32, #tpu.memory_space<vmem>>, vector<1x16xf32>,
      %scan3A_78 = arith.constant 0 : i32
      scf.yield %scan3A_78 : i32
    }
    %scan3A_16 = arith.constant 72 : i32
    %mul3A_17 = arith.constant 632 : i32
    %mul3A_18 = arith.muli %arg1, %mul3A_17 : i32
    %add3A_19 = arith.constant 0 : i32
    %add3A_20 = arith.addi %mul3A_18, %add3A_19 : i32
    "tpu.region"() ({
      %run_scoped3A = tpu.sem_alloc : memref<!tpu.dma_semaphore, #tpu.memory_space<semaphore_mem>>
      %dma_start3A = arith.constant 0 : i32
      %dma_start3A_72 = tpu.memref_slice %arg7[%add3A_20, %dma_start3A] : memref<10112x16xf32, #tpu.memory_space<vmem_shared>> -> memref<72x16xf32, #tpu.memory_space<vmem_shared>>
      %dma_start3A_73 = arith.constant 0 : i32
      %dma_start3A_74 = tpu.memref_slice %arg7[%add3A_20, %dma_start3A_73] : memref<10112x16xf32, #tpu.memory_space<vmem_shared>> -> memref<72x16xf32, #tpu.memory_space<vmem_shared>>
      tpu.enqueue_dma source(%arg6 : memref<72x16xf32, #tpu.memory_space<vmem>>) target(%dma_start3A_74 : memref<72x16xf32, #tpu.memory_space<vmem_shared>>) target_semaphore(%run_scoped3A : memref<!tpu.dma_semaphore, #tpu.memory_space<semaphore_mem>>)
      %dma_wait3A = arith.constant 0 : i32
      %dma_wait3A_75 = tpu.memref_slice %arg7[%add3A_20, %dma_wait3A] : memref<10112x16xf32, #tpu.memory_space<vmem_shared>> -> memref<72x16xf32, #tpu.memory_space<vmem_shared>>
      %dma_wait3A_76 = arith.constant 0 : i32
      %dma_wait3A_77 = tpu.memref_slice %arg7[%add3A_20, %dma_wait3A_76] : memref<10112x16xf32, #tpu.memory_space<vmem_shared>> -> memref<72x16xf32, #tpu.memory_space<vmem_shared>>
      tpu.wait_dma2 semaphore(%run_scoped3A : memref<!tpu.dma_semaphore, #tpu.memory_space<semaphore_mem>>) src(%arg6 : memref<72x16xf32, #tpu.memory_space<vmem>>) dst(%dma_wait3A_77 : memref<72x16xf32, #tpu.memory_space<vmem_shared>>)
      tpu.yield
    }) : () -> ()
    %mul3A_21 = arith.constant 632 : i32
    %mul3A_22 = arith.muli %arg1, %mul3A_21 : i32
    %add3A_23 = arith.constant 72 : i32
    %add3A_24 = arith.addi %mul3A_22, %add3A_23 : i32
    "tpu.region"() ({
      %run_scoped3A = tpu.sem_alloc : memref<!tpu.dma_semaphore, #tpu.memory_space<semaphore_mem>>
      %dma_start3A = arith.constant 0 : i32
      %dma_start3A_72 = tpu.memref_slice %arg7[%add3A_24, %dma_start3A] : memref<10112x16xf32, #tpu.memory_space<vmem_shared>> -> memref<72x16xf32, #tpu.memory_space<vmem_shared>>
      %dma_start3A_73 = arith.constant 0 : i32
      %dma_start3A_74 = tpu.memref_slice %arg7[%add3A_24, %dma_start3A_73] : memref<10112x16xf32, #tpu.memory_space<vmem_shared>> -> memref<72x16xf32, #tpu.memory_space<vmem_shared>>
      tpu.enqueue_dma source(%arg6 : memref<72x16xf32, #tpu.memory_space<vmem>>) target(%dma_start3A_74 : memref<72x16xf32, #tpu.memory_space<vmem_shared>>) target_semaphore(%run_scoped3A : memref<!tpu.dma_semaphore, #tpu.memory_space<semaphore_mem>>)
      %dma_wait3A = arith.constant 0 : i32
      %dma_wait3A_75 = tpu.memref_slice %arg7[%add3A_24, %dma_wait3A] : memref<10112x16xf32, #tpu.memory_space<vmem_shared>> -> memref<72x16xf32, #tpu.memory_space<vmem_shared>>
      %dma_wait3A_76 = arith.constant 0 : i32
      %dma_wait3A_77 = tpu.memref_slice %arg7[%add3A_24, %dma_wait3A_76] : memref<10112x16xf32, #tpu.memory_space<vmem_shared>> -> memref<72x16xf32, #tpu.memory_space<vmem_shared>>
      tpu.wait_dma2 semaphore(%run_scoped3A : memref<!tpu.dma_semaphore, #tpu.memory_space<semaphore_mem>>) src(%arg6 : memref<72x16xf32, #tpu.memory_space<vmem>>) dst(%dma_wait3A_77 : memref<72x16xf32, #tpu.memory_space<vmem_shared>>)
      tpu.yield
    }) : () -> ()
    %mul3A_25 = arith.constant 632 : i32
    %mul3A_26 = arith.muli %arg1, %mul3A_25 : i32
    %add3A_27 = arith.constant 144 : i32
    %add3A_28 = arith.addi %mul3A_26, %add3A_27 : i32
    "tpu.region"() ({
      %run_scoped3A = tpu.sem_alloc : memref<!tpu.dma_semaphore, #tpu.memory_space<semaphore_mem>>
      %dma_start3A = arith.constant 0 : i32
      %dma_start3A_72 = tpu.memref_slice %arg7[%add3A_28, %dma_start3A] : memref<10112x16xf32, #tpu.memory_space<vmem_shared>> -> memref<72x16xf32, #tpu.memory_space<vmem_shared>>
      %dma_start3A_73 = arith.constant 0 : i32
      %dma_start3A_74 = tpu.memref_slice %arg7[%add3A_28, %dma_start3A_73] : memref<10112x16xf32, #tpu.memory_space<vmem_shared>> -> memref<72x16xf32, #tpu.memory_space<vmem_shared>>
      tpu.enqueue_dma source(%arg6 : memref<72x16xf32, #tpu.memory_space<vmem>>) target(%dma_start3A_74 : memref<72x16xf32, #tpu.memory_space<vmem_shared>>) target_semaphore(%run_scoped3A : memref<!tpu.dma_semaphore, #tpu.memory_space<semaphore_mem>>)
      %dma_wait3A = arith.constant 0 : i32
      %dma_wait3A_75 = tpu.memref_slice %arg7[%add3A_28, %dma_wait3A] : memref<10112x16xf32, #tpu.memory_space<vmem_shared>> -> memref<72x16xf32, #tpu.memory_space<vmem_shared>>
      %dma_wait3A_76 = arith.constant 0 : i32
      %dma_wait3A_77 = tpu.memref_slice %arg7[%add3A_28, %dma_wait3A_76] : memref<10112x16xf32, #tpu.memory_space<vmem_shared>> -> memref<72x16xf32, #tpu.memory_space<vmem_shared>>
      tpu.wait_dma2 semaphore(%run_scoped3A : memref<!tpu.dma_semaphore, #tpu.memory_space<semaphore_mem>>) src(%arg6 : memref<72x16xf32, #tpu.memory_space<vmem>>) dst(%dma_wait3A_77 : memref<72x16xf32, #tpu.memory_space<vmem_shared>>)
      tpu.yield
    }) : () -> ()
    %mul3A_29 = arith.constant 632 : i32
    %mul3A_30 = arith.muli %arg1, %mul3A_29 : i32
    %add3A_31 = arith.constant 216 : i32
    %add3A_32 = arith.addi %mul3A_30, %add3A_31 : i32
    "tpu.region"() ({
      %run_scoped3A = tpu.sem_alloc : memref<!tpu.dma_semaphore, #tpu.memory_space<semaphore_mem>>
      %dma_start3A = arith.constant 0 : i32
      %dma_start3A_72 = tpu.memref_slice %arg7[%add3A_32, %dma_start3A] : memref<10112x16xf32, #tpu.memory_space<vmem_shared>> -> memref<72x16xf32, #tpu.memory_space<vmem_shared>>
      %dma_start3A_73 = arith.constant 0 : i32
      %dma_start3A_74 = tpu.memref_slice %arg7[%add3A_32, %dma_start3A_73] : memref<10112x16xf32, #tpu.memory_space<vmem_shared>> -> memref<72x16xf32, #tpu.memory_space<vmem_shared>>
      tpu.enqueue_dma source(%arg6 : memref<72x16xf32, #tpu.memory_space<vmem>>) target(%dma_start3A_74 : memref<72x16xf32, #tpu.memory_space<vmem_shared>>) target_semaphore(%run_scoped3A : memref<!tpu.dma_semaphore, #tpu.memory_space<semaphore_mem>>)
      %dma_wait3A = arith.constant 0 : i32
      %dma_wait3A_75 = tpu.memref_slice %arg7[%add3A_32, %dma_wait3A] : memref<10112x16xf32, #tpu.memory_space<vmem_shared>> -> memref<72x16xf32, #tpu.memory_space<vmem_shared>>
      %dma_wait3A_76 = arith.constant 0 : i32
      %dma_wait3A_77 = tpu.memref_slice %arg7[%add3A_32, %dma_wait3A_76] : memref<10112x16xf32, #tpu.memory_space<vmem_shared>> -> memref<72x16xf32, #tpu.memory_space<vmem_shared>>
      tpu.wait_dma2 semaphore(%run_scoped3A : memref<!tpu.dma_semaphore, #tpu.memory_space<semaphore_mem>>) src(%arg6 : memref<72x16xf32, #tpu.memory_space<vmem>>) dst(%dma_wait3A_77 : memref<72x16xf32, #tpu.memory_space<vmem_shared>>)
      tpu.yield
    }) : () -> ()
    %mul3A_33 = arith.constant 632 : i32
    %mul3A_34 = arith.muli %arg1, %mul3A_33 : i32
    %add3A_35 = arith.constant 288 : i32
    %add3A_36 = arith.addi %mul3A_34, %add3A_35 : i32
    "tpu.region"() ({
      %run_scoped3A = tpu.sem_alloc : memref<!tpu.dma_semaphore, #tpu.memory_space<semaphore_mem>>
      %dma_start3A = arith.constant 0 : i32
      %dma_start3A_72 = tpu.memref_slice %arg7[%add3A_36, %dma_start3A] : memref<10112x16xf32, #tpu.memory_space<vmem_shared>> -> memref<72x16xf32, #tpu.memory_space<vmem_shared>>
      %dma_start3A_73 = arith.constant 0 : i32
      %dma_start3A_74 = tpu.memref_slice %arg7[%add3A_36, %dma_start3A_73] : memref<10112x16xf32, #tpu.memory_space<vmem_shared>> -> memref<72x16xf32, #tpu.memory_space<vmem_shared>>
      tpu.enqueue_dma source(%arg6 : memref<72x16xf32, #tpu.memory_space<vmem>>) target(%dma_start3A_74 : memref<72x16xf32, #tpu.memory_space<vmem_shared>>) target_semaphore(%run_scoped3A : memref<!tpu.dma_semaphore, #tpu.memory_space<semaphore_mem>>)
      %dma_wait3A = arith.constant 0 : i32
      %dma_wait3A_75 = tpu.memref_slice %arg7[%add3A_36, %dma_wait3A] : memref<10112x16xf32, #tpu.memory_space<vmem_shared>> -> memref<72x16xf32, #tpu.memory_space<vmem_shared>>
      %dma_wait3A_76 = arith.constant 0 : i32
      %dma_wait3A_77 = tpu.memref_slice %arg7[%add3A_36, %dma_wait3A_76] : memref<10112x16xf32, #tpu.memory_space<vmem_shared>> -> memref<72x16xf32, #tpu.memory_space<vmem_shared>>
      tpu.wait_dma2 semaphore(%run_scoped3A : memref<!tpu.dma_semaphore, #tpu.memory_space<semaphore_mem>>) src(%arg6 : memref<72x16xf32, #tpu.memory_space<vmem>>) dst(%dma_wait3A_77 : memref<72x16xf32, #tpu.memory_space<vmem_shared>>)
      tpu.yield
    }) : () -> ()
    %mul3A_37 = arith.constant 632 : i32
    %mul3A_38 = arith.muli %arg1, %mul3A_37 : i32
    %add3A_39 = arith.constant 360 : i32
    %add3A_40 = arith.addi %mul3A_38, %add3A_39 : i32
    "tpu.region"() ({
      %run_scoped3A = tpu.sem_alloc : memref<!tpu.dma_semaphore, #tpu.memory_space<semaphore_mem>>
      %dma_start3A = arith.constant 0 : i32
      %dma_start3A_72 = tpu.memref_slice %arg7[%add3A_40, %dma_start3A] : memref<10112x16xf32, #tpu.memory_space<vmem_shared>> -> memref<72x16xf32, #tpu.memory_space<vmem_shared>>
      %dma_start3A_73 = arith.constant 0 : i32
      %dma_start3A_74 = tpu.memref_slice %arg7[%add3A_40, %dma_start3A_73] : memref<10112x16xf32, #tpu.memory_space<vmem_shared>> -> memref<72x16xf32, #tpu.memory_space<vmem_shared>>
      tpu.enqueue_dma source(%arg6 : memref<72x16xf32, #tpu.memory_space<vmem>>) target(%dma_start3A_74 : memref<72x16xf32, #tpu.memory_space<vmem_shared>>) target_semaphore(%run_scoped3A : memref<!tpu.dma_semaphore, #tpu.memory_space<semaphore_mem>>)
      %dma_wait3A = arith.constant 0 : i32
      %dma_wait3A_75 = tpu.memref_slice %arg7[%add3A_40, %dma_wait3A] : memref<10112x16xf32, #tpu.memory_space<vmem_shared>> -> memref<72x16xf32, #tpu.memory_space<vmem_shared>>
      %dma_wait3A_76 = arith.constant 0 : i32
      %dma_wait3A_77 = tpu.memref_slice %arg7[%add3A_40, %dma_wait3A_76] : memref<10112x16xf32, #tpu.memory_space<vmem_shared>> -> memref<72x16xf32, #tpu.memory_space<vmem_shared>>
      tpu.wait_dma2 semaphore(%run_scoped3A : memref<!tpu.dma_semaphore, #tpu.memory_space<semaphore_mem>>) src(%arg6 : memref<72x16xf32, #tpu.memory_space<vmem>>) dst(%dma_wait3A_77 : memref<72x16xf32, #tpu.memory_space<vmem_shared>>)
      tpu.yield
    }) : () -> ()
    %mul3A_41 = arith.constant 632 : i32
    %mul3A_42 = arith.muli %arg1, %mul3A_41 : i32
    %add3A_43 = arith.constant 432 : i32
    %add3A_44 = arith.addi %mul3A_42, %add3A_43 : i32
    "tpu.region"() ({
      %run_scoped3A = tpu.sem_alloc : memref<!tpu.dma_semaphore, #tpu.memory_space<semaphore_mem>>
      %dma_start3A = arith.constant 0 : i32
      %dma_start3A_72 = tpu.memref_slice %arg7[%add3A_44, %dma_start3A] : memref<10112x16xf32, #tpu.memory_space<vmem_shared>> -> memref<72x16xf32, #tpu.memory_space<vmem_shared>>
      %dma_start3A_73 = arith.constant 0 : i32
      %dma_start3A_74 = tpu.memref_slice %arg7[%add3A_44, %dma_start3A_73] : memref<10112x16xf32, #tpu.memory_space<vmem_shared>> -> memref<72x16xf32, #tpu.memory_space<vmem_shared>>
      tpu.enqueue_dma source(%arg6 : memref<72x16xf32, #tpu.memory_space<vmem>>) target(%dma_start3A_74 : memref<72x16xf32, #tpu.memory_space<vmem_shared>>) target_semaphore(%run_scoped3A : memref<!tpu.dma_semaphore, #tpu.memory_space<semaphore_mem>>)
      %dma_wait3A = arith.constant 0 : i32
      %dma_wait3A_75 = tpu.memref_slice %arg7[%add3A_44, %dma_wait3A] : memref<10112x16xf32, #tpu.memory_space<vmem_shared>> -> memref<72x16xf32, #tpu.memory_space<vmem_shared>>
      %dma_wait3A_76 = arith.constant 0 : i32
      %dma_wait3A_77 = tpu.memref_slice %arg7[%add3A_44, %dma_wait3A_76] : memref<10112x16xf32, #tpu.memory_space<vmem_shared>> -> memref<72x16xf32, #tpu.memory_space<vmem_shared>>
      tpu.wait_dma2 semaphore(%run_scoped3A : memref<!tpu.dma_semaphore, #tpu.memory_space<semaphore_mem>>) src(%arg6 : memref<72x16xf32, #tpu.memory_space<vmem>>) dst(%dma_wait3A_77 : memref<72x16xf32, #tpu.memory_space<vmem_shared>>)
      tpu.yield
    }) : () -> ()
    %mul3A_45 = arith.constant 632 : i32
    %mul3A_46 = arith.muli %arg1, %mul3A_45 : i32
    %add3A_47 = arith.constant 504 : i32
    %add3A_48 = arith.addi %mul3A_46, %add3A_47 : i32
    "tpu.region"() ({
      %run_scoped3A = tpu.sem_alloc : memref<!tpu.dma_semaphore, #tpu.memory_space<semaphore_mem>>
      %dma_start3A = arith.constant 0 : i32
      %dma_start3A_72 = tpu.memref_slice %arg7[%add3A_48, %dma_start3A] : memref<10112x16xf32, #tpu.memory_space<vmem_shared>> -> memref<72x16xf32, #tpu.memory_space<vmem_shared>>
      %dma_start3A_73 = arith.constant 0 : i32
      %dma_start3A_74 = tpu.memref_slice %arg7[%add3A_48, %dma_start3A_73] : memref<10112x16xf32, #tpu.memory_space<vmem_shared>> -> memref<72x16xf32, #tpu.memory_space<vmem_shared>>
      tpu.enqueue_dma source(%arg6 : memref<72x16xf32, #tpu.memory_space<vmem>>) target(%dma_start3A_74 : memref<72x16xf32, #tpu.memory_space<vmem_shared>>) target_semaphore(%run_scoped3A : memref<!tpu.dma_semaphore, #tpu.memory_space<semaphore_mem>>)
      %dma_wait3A = arith.constant 0 : i32
      %dma_wait3A_75 = tpu.memref_slice %arg7[%add3A_48, %dma_wait3A] : memref<10112x16xf32, #tpu.memory_space<vmem_shared>> -> memref<72x16xf32, #tpu.memory_space<vmem_shared>>
      %dma_wait3A_76 = arith.constant 0 : i32
      %dma_wait3A_77 = tpu.memref_slice %arg7[%add3A_48, %dma_wait3A_76] : memref<10112x16xf32, #tpu.memory_space<vmem_shared>> -> memref<72x16xf32, #tpu.memory_space<vmem_shared>>
      tpu.wait_dma2 semaphore(%run_scoped3A : memref<!tpu.dma_semaphore, #tpu.memory_space<semaphore_mem>>) src(%arg6 : memref<72x16xf32, #tpu.memory_space<vmem>>) dst(%dma_wait3A_77 : memref<72x16xf32, #tpu.memory_space<vmem_shared>>)
      tpu.yield
    }) : () -> ()
    %mul3A_49 = arith.constant 632 : i32
    %mul3A_50 = arith.muli %arg1, %mul3A_49 : i32
    %add3A_51 = arith.constant 576 : i32
    %add3A_52 = arith.addi %mul3A_50, %add3A_51 : i32
    "tpu.region"() ({
      %run_scoped3A = tpu.sem_alloc : memref<!tpu.dma_semaphore, #tpu.memory_space<semaphore_mem>>
      %dma_start3A = arith.constant 0 : i32
      %dma_start3A_72 = arith.constant 0 : i32
      %dma_start3A_73 = tpu.memref_slice %arg6[%dma_start3A, %dma_start3A_72] : memref<72x16xf32, #tpu.memory_space<vmem>> -> memref<56x16xf32, #tpu.memory_space<vmem>>
      %dma_start3A_74 = arith.constant 0 : i32
      %dma_start3A_75 = tpu.memref_slice %arg7[%add3A_52, %dma_start3A_74] : memref<10112x16xf32, #tpu.memory_space<vmem_shared>> -> memref<56x16xf32, #tpu.memory_space<vmem_shared>>
      %dma_start3A_76 = arith.constant 0 : i32
      %dma_start3A_77 = tpu.memref_slice %arg7[%add3A_52, %dma_start3A_76] : memref<10112x16xf32, #tpu.memory_space<vmem_shared>> -> memref<56x16xf32, #tpu.memory_space<vmem_shared>>
      %dma_start3A_78 = arith.constant 0 : i32
      %dma_start3A_79 = arith.constant 0 : i32
      %dma_start3A_80 = tpu.memref_slice %arg6[%dma_start3A_78, %dma_start3A_79] : memref<72x16xf32, #tpu.memory_space<vmem>> -> memref<56x16xf32, #tpu.memory_space<vmem>>
      tpu.enqueue_dma source(%dma_start3A_80 : memref<56x16xf32, #tpu.memory_space<vmem>>) target(%dma_start3A_77 : memref<56x16xf32, #tpu.memory_space<vmem_shared>>) target_semaphore(%run_scoped3A : memref<!tpu.dma_semaphore, #tpu.memory_space<semaphore_mem>>)
      %dma_wait3A = arith.constant 0 : i32
      %dma_wait3A_81 = arith.constant 0 : i32
      %dma_wait3A_82 = tpu.memref_slice %arg6[%dma_wait3A, %dma_wait3A_81] : memref<72x16xf32, #tpu.memory_space<vmem>> -> memref<56x16xf32, #tpu.memory_space<vmem>>
      %dma_wait3A_83 = arith.constant 0 : i32
      %dma_wait3A_84 = tpu.memref_slice %arg7[%add3A_52, %dma_wait3A_83] : memref<10112x16xf32, #tpu.memory_space<vmem_shared>> -> memref<56x16xf32, #tpu.memory_space<vmem_shared>>
      %dma_wait3A_85 = arith.constant 0 : i32
      %dma_wait3A_86 = tpu.memref_slice %arg7[%add3A_52, %dma_wait3A_85] : memref<10112x16xf32, #tpu.memory_space<vmem_shared>> -> memref<56x16xf32, #tpu.memory_space<vmem_shared>>
      %dma_wait3A_87 = arith.constant 0 : i32
      %dma_wait3A_88 = arith.constant 0 : i32
      %dma_wait3A_89 = tpu.memref_slice %arg6[%dma_wait3A_87, %dma_wait3A_88] : memref<72x16xf32, #tpu.memory_space<vmem>> -> memref<56x16xf32, #tpu.memory_space<vmem>>
      tpu.wait_dma2 semaphore(%run_scoped3A : memref<!tpu.dma_semaphore, #tpu.memory_space<semaphore_mem>>) src(%dma_wait3A_89 : memref<56x16xf32, #tpu.memory_space<vmem>>) dst(%dma_wait3A_86 : memref<56x16xf32, #tpu.memory_space<vmem_shared>>)
      tpu.yield
    }) : () -> ()
    %barrier3A = arith.constant 0 : index
    tpu.barrier barrier_id(%barrier3A)
    "tpu.region"() ({
      %run_scoped3A = tpu.sem_alloc : memref<!tpu.dma_semaphore, #tpu.memory_space<semaphore_mem>>
      %dma_start3A = arith.constant 0 : i32
      %dma_start3A_72 = arith.constant 0 : i32
      %dma_start3A_73 = tpu.memref_slice %arg2[%add3A, %dma_start3A, %dma_start3A_72] : memref<32x125x80xi32, #tpu.memory_space<hbm>> -> memref<1x125x80xi32, #tpu.memory_space<hbm>>
      %dma_start3A_74 = tpu.memref_squeeze %dma_start3A_73 : memref<1x125x80xi32, #tpu.memory_space<hbm>> -> memref<125x80xi32, #tpu.memory_space<hbm>>
      %dma_start3A_75 = arith.constant 0 : i32
      %dma_start3A_76 = arith.constant 0 : i32
      %dma_start3A_77 = tpu.memref_slice %arg2[%add3A, %dma_start3A_75, %dma_start3A_76] : memref<32x125x80xi32, #tpu.memory_space<hbm>> -> memref<1x125x80xi32, #tpu.memory_space<hbm>>
      %dma_start3A_78 = tpu.memref_squeeze %dma_start3A_77 : memref<1x125x80xi32, #tpu.memory_space<hbm>> -> memref<125x80xi32, #tpu.memory_space<hbm>>
      tpu.enqueue_dma source(%dma_start3A_78 : memref<125x80xi32, #tpu.memory_space<hbm>>) target(%arg4 : memref<125x80xi32, #tpu.memory_space<vmem>>) target_semaphore(%run_scoped3A : memref<!tpu.dma_semaphore, #tpu.memory_space<semaphore_mem>>)
      %dma_wait3A = arith.constant 0 : i32
      %dma_wait3A_79 = arith.constant 0 : i32
      %dma_wait3A_80 = tpu.memref_slice %arg2[%add3A, %dma_wait3A, %dma_wait3A_79] : memref<32x125x80xi32, #tpu.memory_space<hbm>> -> memref<1x125x80xi32, #tpu.memory_space<hbm>>
      %dma_wait3A_81 = tpu.memref_squeeze %dma_wait3A_80 : memref<1x125x80xi32, #tpu.memory_space<hbm>> -> memref<125x80xi32, #tpu.memory_space<hbm>>
      %dma_wait3A_82 = arith.constant 0 : i32
      %dma_wait3A_83 = arith.constant 0 : i32
      %dma_wait3A_84 = tpu.memref_slice %arg2[%add3A, %dma_wait3A_82, %dma_wait3A_83] : memref<32x125x80xi32, #tpu.memory_space<hbm>> -> memref<1x125x80xi32, #tpu.memory_space<hbm>>
      %dma_wait3A_85 = tpu.memref_squeeze %dma_wait3A_84 : memref<1x125x80xi32, #tpu.memory_space<hbm>> -> memref<125x80xi32, #tpu.memory_space<hbm>>
      tpu.wait_dma2 semaphore(%run_scoped3A : memref<!tpu.dma_semaphore, #tpu.memory_space<semaphore_mem>>) src(%dma_wait3A_85 : memref<125x80xi32, #tpu.memory_space<hbm>>) dst(%arg4 : memref<125x80xi32, #tpu.memory_space<vmem>>)
      tpu.yield
    }) : () -> ()
    %scan3A_53 = arith.constant 0 : i32
    %scan3A_54 = arith.constant 0 : i32
    %scan3A_55 = arith.constant 125 : i32
    %scan3A_56 = arith.addi %scan3A_54, %scan3A_55 : i32
    %scan3A_57 = arith.constant 1 : i32
    %scan3A_58 = scf.for %scan3A_72 = %scan3A_54 to %scan3A_56 step %scan3A_57 iter_args(%scan3A_73 = %scan3A_53) -> (i32)  : i32 {
      %dma_start3A = arith.constant 0 : i32
      %dma_start3A_74 = tpu.memref_slice %arg4[%scan3A_72, %dma_start3A] : memref<125x80xi32, #tpu.memory_space<vmem>> -> memref<1x80xi32, #tpu.memory_space<vmem>>
      %dma_start3A_75 = tpu.memref_squeeze %dma_start3A_74 : memref<1x80xi32, #tpu.memory_space<vmem>> -> memref<80xi32, #tpu.memory_space<vmem>>
      %dma_start3A_76 = arith.constant 0 : i32
      %dma_start3A_77 = arith.constant 0 : i32
      %dma_start3A_78 = tpu.memref_slice %arg7[%dma_start3A_76, %dma_start3A_77] : memref<10112x16xf32, #tpu.memory_space<vmem_shared>> -> memref<10112x16xf32, #tpu.memory_space<vmem_shared>>
      tpu.enqueue_indirect_dma source(%arg5 : memref<80x16xf32, #tpu.memory_space<vmem>>) target(%dma_start3A_78 : memref<10112x16xf32, #tpu.memory_space<vmem_shared>>) offsets(%dma_start3A_75 : memref<80xi32, #tpu.memory_space<vmem>>) semaphore(%arg8 : memref<!tpu.dma_semaphore, #tpu.memory_space<semaphore_mem>>) {add = true}
      %scan3A_79 = arith.constant 0 : i32
      scf.yield %scan3A_79 : i32
    }
    %scan3A_59 = arith.constant 125 : i32
    %scan3A_60 = arith.constant 0 : i32
    %scan3A_61 = arith.constant 0 : i32
    %scan3A_62 = arith.constant 125 : i32
    %scan3A_63 = arith.addi %scan3A_61, %scan3A_62 : i32
    %scan3A_64 = arith.constant 1 : i32
    %scan3A_65 = scf.for %scan3A_72 = %scan3A_61 to %scan3A_63 step %scan3A_64 iter_args(%scan3A_73 = %scan3A_60) -> (i32)  : i32 {
      %dma_wait3A = arith.constant 0 : i32
      %dma_wait3A_74 = arith.constant 0 : i32
      %dma_wait3A_75 = tpu.memref_slice %arg4[%dma_wait3A, %dma_wait3A_74] : memref<125x80xi32, #tpu.memory_space<vmem>> -> memref<1x80xi32, #tpu.memory_space<vmem>>
      %dma_wait3A_76 = tpu.memref_squeeze %dma_wait3A_75 : memref<1x80xi32, #tpu.memory_space<vmem>> -> memref<80xi32, #tpu.memory_space<vmem>>
      %dma_wait3A_77 = arith.constant 0 : i32
      %dma_wait3A_78 = arith.constant 0 : i32
      %dma_wait3A_79 = tpu.memref_slice %arg7[%dma_wait3A_77, %dma_wait3A_78] : memref<10112x16xf32, #tpu.memory_space<vmem_shared>> -> memref<10112x16xf32, #tpu.memory_space<vmem_shared>>
      tpu.wait_indirect_dma semaphore(%arg8 : memref<!tpu.dma_semaphore, #tpu.memory_space<semaphore_mem>>) src(%arg5 : memref<80x16xf32, #tpu.memory_space<vmem>>) dst(%dma_wait3A_79 : memref<10112x16xf32, #tpu.memory_space<vmem_shared>>)
      %scan3A_80 = arith.constant 0 : i32
      scf.yield %scan3A_80 : i32
    }
    %scan3A_66 = arith.constant 125 : i32
    %barrier3A_67 = arith.constant 0 : index
    tpu.barrier barrier_id(%barrier3A_67)
    %mul3A_68 = arith.constant 632 : i32
    %mul3A_69 = arith.muli %arg1, %mul3A_68 : i32
    %mul3A_70 = arith.constant 632 : i32
    %mul3A_71 = arith.muli %arg1, %mul3A_70 : i32
    "tpu.region"() ({
      %run_scoped3A = tpu.sem_alloc : memref<!tpu.dma_semaphore, #tpu.memory_space<semaphore_mem>>
      %dma_start3A = arith.constant 0 : i32
      %dma_start3A_72 = tpu.memref_slice %arg3[%arg0, %mul3A_71, %dma_start3A] : memref<2x10112x16xf32, #tpu.memory_space<hbm>> -> memref<1x632x16xf32, #tpu.memory_space<hbm>>
      %dma_start3A_73 = tpu.memref_squeeze %dma_start3A_72 : memref<1x632x16xf32, #tpu.memory_space<hbm>> -> memref<632x16xf32, #tpu.memory_space<hbm>>
      %dma_start3A_74 = arith.constant 0 : i32
      %dma_start3A_75 = tpu.memref_slice %arg7[%mul3A_69, %dma_start3A_74] : memref<10112x16xf32, #tpu.memory_space<vmem_shared>> -> memref<632x16xf32, #tpu.memory_space<vmem_shared>>
      tpu.enqueue_dma source(%dma_start3A_75 : memref<632x16xf32, #tpu.memory_space<vmem_shared>>) target(%dma_start3A_73 : memref<632x16xf32, #tpu.memory_space<hbm>>) target_semaphore(%run_scoped3A : memref<!tpu.dma_semaphore, #tpu.memory_space<semaphore_mem>>)
      %dma_wait3A = arith.constant 0 : i32
      %dma_wait3A_76 = tpu.memref_slice %arg3[%arg0, %mul3A_71, %dma_wait3A] : memref<2x10112x16xf32, #tpu.memory_space<hbm>> -> memref<1x632x16xf32, #tpu.memory_space<hbm>>
      %dma_wait3A_77 = tpu.memref_squeeze %dma_wait3A_76 : memref<1x632x16xf32, #tpu.memory_space<hbm>> -> memref<632x16xf32, #tpu.memory_space<hbm>>
      %dma_wait3A_78 = arith.constant 0 : i32
      %dma_wait3A_79 = tpu.memref_slice %arg7[%mul3A_69, %dma_wait3A_78] : memref<10112x16xf32, #tpu.memory_space<vmem_shared>> -> memref<632x16xf32, #tpu.memory_space<vmem_shared>>
      tpu.wait_dma2 semaphore(%run_scoped3A : memref<!tpu.dma_semaphore, #tpu.memory_space<semaphore_mem>>) src(%dma_wait3A_79 : memref<632x16xf32, #tpu.memory_space<vmem_shared>>) dst(%dma_wait3A_77 : memref<632x16xf32, #tpu.memory_space<hbm>>)
      tpu.yield
    }) : () -> ()
    return
  }
}

#map = affine_map<(d0, d1) -> (0, 0)>
#map1 = affine_map<(d0, d1) -> (0, 0, 0)>
module attributes {stable_mosaic.version = 14 : i64} {
  func.func @k(%arg0: i32, %arg1: i32, %arg2: memref<10000x128xf32, #tpu.memory_space<hbm>>, %arg3: memref<32x1x10000xi32, #tpu.memory_space<hbm>>, %arg4: memref<32x125x80xi32, #tpu.memory_space<hbm>>, %arg5: memref<2x10000x128xf32, #tpu.memory_space<hbm>>, %arg6: memref<1x10000xi32, #tpu.memory_space<vmem>>, %arg7: memref<125x80xi32, #tpu.memory_space<vmem>>, %arg8: memref<80x128xf32, #tpu.memory_space<vmem>>, %arg9: memref<80x128xf32, #tpu.memory_space<vmem>>, %arg10: memref<80x128xf32, #tpu.memory_space<vmem>>, %arg11: memref<10000x128xf32, #tpu.memory_space<vmem_shared>>, %arg12: memref<!tpu.dma_semaphore, #tpu.memory_space<semaphore_mem>>, %arg13: memref<!tpu.dma_semaphore, #tpu.memory_space<semaphore_mem>>, %arg14: memref<!tpu.dma_semaphore, #tpu.memory_space<semaphore_mem>>, %arg15: memref<!tpu.dma_semaphore, #tpu.memory_space<semaphore_mem>>, %arg16: memref<!tpu.dma_semaphore, #tpu.memory_space<semaphore_mem>>, %arg17: memref<!tpu.dma_semaphore, #tpu.memory_space<semaphore_mem>>) attributes {dimension_semantics = [#tpu.dimension_semantics<core_parallel>, #tpu.dimension_semantics<subcore_parallel>], iteration_bounds = array<i64: 2, 16>, scalar_prefetch = 0 : i64, scratch_operands = 12 : i64, tpu.core_type = #tpu.core_type<sc_vector_subcore>, window_params = [{transform_indices = #map}, {transform_indices = #map1}, {transform_indices = #map1}, {transform_indices = #map1}]} {
    %mul3A = arith.constant 2 : i32
    %mul3A_0 = arith.muli %arg1, %mul3A : i32
    %add3A = arith.addi %mul3A_0, %arg0 : i32
    %broadcast_in_dim3A = arith.constant 0.000000e+00 : f32
    %broadcast_in_dim3A_1 = vector.broadcast %broadcast_in_dim3A : f32 to vector<16xf32>
    %scan3A = arith.constant 0 : i32
    %scan3A_2 = arith.constant 0 : i32
    %scan3A_3 = arith.constant 72 : i32
    %scan3A_4 = arith.addi %scan3A_2, %scan3A_3 : i32
    %scan3A_5 = arith.constant 1 : i32
    %scan3A_6 = scf.for %scan3A_170 = %scan3A_2 to %scan3A_4 step %scan3A_5 iter_args(%scan3A_171 = %scan3A) -> (i32)  : i32 {
      %swap3A = arith.index_cast %scan3A_170 : i32 to index
      %swap3A_172 = arith.constant 0 : index
      %swap3A_173 = tpu.vector_load %arg8[%swap3A, %swap3A_172] {strides = array<i32>} : memref<80x128xf32, #tpu.memory_space<vmem>>, vector<1x16xf32>,
      %swap3A_174 = vector.shape_cast %swap3A_173 : vector<1x16xf32> to vector<16xf32>
      %swap3A_175 = vector.shape_cast %broadcast_in_dim3A_1 : vector<16xf32> to vector<1x16xf32>
      tpu.vector_store %arg8[%swap3A, %swap3A_172], %swap3A_175 {strides = array<i32>} : memref<80x128xf32, #tpu.memory_space<vmem>>, vector<1x16xf32>,
      %swap3A_176 = arith.index_cast %scan3A_170 : i32 to index
      %swap3A_177 = arith.constant 16 : index
      %swap3A_178 = tpu.vector_load %arg8[%swap3A_176, %swap3A_177] {strides = array<i32>} : memref<80x128xf32, #tpu.memory_space<vmem>>, vector<1x16xf32>,
      %swap3A_179 = vector.shape_cast %swap3A_178 : vector<1x16xf32> to vector<16xf32>
      %swap3A_180 = vector.shape_cast %broadcast_in_dim3A_1 : vector<16xf32> to vector<1x16xf32>
      tpu.vector_store %arg8[%swap3A_176, %swap3A_177], %swap3A_180 {strides = array<i32>} : memref<80x128xf32, #tpu.memory_space<vmem>>, vector<1x16xf32>,
      %swap3A_181 = arith.index_cast %scan3A_170 : i32 to index
      %swap3A_182 = arith.constant 32 : index
      %swap3A_183 = tpu.vector_load %arg8[%swap3A_181, %swap3A_182] {strides = array<i32>} : memref<80x128xf32, #tpu.memory_space<vmem>>, vector<1x16xf32>,
      %swap3A_184 = vector.shape_cast %swap3A_183 : vector<1x16xf32> to vector<16xf32>
      %swap3A_185 = vector.shape_cast %broadcast_in_dim3A_1 : vector<16xf32> to vector<1x16xf32>
      tpu.vector_store %arg8[%swap3A_181, %swap3A_182], %swap3A_185 {strides = array<i32>} : memref<80x128xf32, #tpu.memory_space<vmem>>, vector<1x16xf32>,
      %swap3A_186 = arith.index_cast %scan3A_170 : i32 to index
      %swap3A_187 = arith.constant 48 : index
      %swap3A_188 = tpu.vector_load %arg8[%swap3A_186, %swap3A_187] {strides = array<i32>} : memref<80x128xf32, #tpu.memory_space<vmem>>, vector<1x16xf32>,
      %swap3A_189 = vector.shape_cast %swap3A_188 : vector<1x16xf32> to vector<16xf32>
      %swap3A_190 = vector.shape_cast %broadcast_in_dim3A_1 : vector<16xf32> to vector<1x16xf32>
      tpu.vector_store %arg8[%swap3A_186, %swap3A_187], %swap3A_190 {strides = array<i32>} : memref<80x128xf32, #tpu.memory_space<vmem>>, vector<1x16xf32>,
      %swap3A_191 = arith.index_cast %scan3A_170 : i32 to index
      %swap3A_192 = arith.constant 64 : index
      %swap3A_193 = tpu.vector_load %arg8[%swap3A_191, %swap3A_192] {strides = array<i32>} : memref<80x128xf32, #tpu.memory_space<vmem>>, vector<1x16xf32>,
      %swap3A_194 = vector.shape_cast %swap3A_193 : vector<1x16xf32> to vector<16xf32>
      %swap3A_195 = vector.shape_cast %broadcast_in_dim3A_1 : vector<16xf32> to vector<1x16xf32>
      tpu.vector_store %arg8[%swap3A_191, %swap3A_192], %swap3A_195 {strides = array<i32>} : memref<80x128xf32, #tpu.memory_space<vmem>>, vector<1x16xf32>,
      %swap3A_196 = arith.index_cast %scan3A_170 : i32 to index
      %swap3A_197 = arith.constant 80 : index
      %swap3A_198 = tpu.vector_load %arg8[%swap3A_196, %swap3A_197] {strides = array<i32>} : memref<80x128xf32, #tpu.memory_space<vmem>>, vector<1x16xf32>,
      %swap3A_199 = vector.shape_cast %swap3A_198 : vector<1x16xf32> to vector<16xf32>
      %swap3A_200 = vector.shape_cast %broadcast_in_dim3A_1 : vector<16xf32> to vector<1x16xf32>
      tpu.vector_store %arg8[%swap3A_196, %swap3A_197], %swap3A_200 {strides = array<i32>} : memref<80x128xf32, #tpu.memory_space<vmem>>, vector<1x16xf32>,
      %swap3A_201 = arith.index_cast %scan3A_170 : i32 to index
      %swap3A_202 = arith.constant 96 : index
      %swap3A_203 = tpu.vector_load %arg8[%swap3A_201, %swap3A_202] {strides = array<i32>} : memref<80x128xf32, #tpu.memory_space<vmem>>, vector<1x16xf32>,
      %swap3A_204 = vector.shape_cast %swap3A_203 : vector<1x16xf32> to vector<16xf32>
      %swap3A_205 = vector.shape_cast %broadcast_in_dim3A_1 : vector<16xf32> to vector<1x16xf32>
      tpu.vector_store %arg8[%swap3A_201, %swap3A_202], %swap3A_205 {strides = array<i32>} : memref<80x128xf32, #tpu.memory_space<vmem>>, vector<1x16xf32>,
      %swap3A_206 = arith.index_cast %scan3A_170 : i32 to index
      %swap3A_207 = arith.constant 112 : index
      %swap3A_208 = tpu.vector_load %arg8[%swap3A_206, %swap3A_207] {strides = array<i32>} : memref<80x128xf32, #tpu.memory_space<vmem>>, vector<1x16xf32>,
      %swap3A_209 = vector.shape_cast %swap3A_208 : vector<1x16xf32> to vector<16xf32>
      %swap3A_210 = vector.shape_cast %broadcast_in_dim3A_1 : vector<16xf32> to vector<1x16xf32>
      tpu.vector_store %arg8[%swap3A_206, %swap3A_207], %swap3A_210 {strides = array<i32>} : memref<80x128xf32, #tpu.memory_space<vmem>>, vector<1x16xf32>,
      %scan3A_211 = arith.constant 0 : i32
      scf.yield %scan3A_211 : i32
    }
    %scan3A_7 = arith.constant 72 : i32
    %lt3A = arith.constant 15 : i32
    %lt3A_8 = arith.cmpi slt, %arg1, %lt3A : i32
    %convert_element_type3A = arith.extui %lt3A_8 : i1 to i32
    %cond3A = arith.constant 0 : i32
    %cond3A_9 = arith.cmpi ne, %convert_element_type3A, %cond3A : i32
    scf.if %cond3A_9 {
      %mul3A_170 = arith.constant 632 : i32
      %mul3A_171 = arith.muli %arg1, %mul3A_170 : i32
      %add3A_172 = arith.constant 0 : i32
      %add3A_173 = arith.addi %mul3A_171, %add3A_172 : i32
      "tpu.region"() ({
        %run_scoped3A = tpu.sem_alloc : memref<!tpu.dma_semaphore, #tpu.memory_space<semaphore_mem>>
        %dma_start3A_206 = arith.constant 0 : i32
        %dma_start3A_207 = arith.constant 0 : i32
        %dma_start3A_208 = tpu.memref_slice %arg8[%dma_start3A_206, %dma_start3A_207] : memref<80x128xf32, #tpu.memory_space<vmem>> -> memref<72x128xf32, #tpu.memory_space<vmem>>
        %dma_start3A_209 = arith.constant 0 : i32
        %dma_start3A_210 = tpu.memref_slice %arg11[%add3A_173, %dma_start3A_209] : memref<10000x128xf32, #tpu.memory_space<vmem_shared>> -> memref<72x128xf32, #tpu.memory_space<vmem_shared>>
        %dma_start3A_211 = arith.constant 0 : i32
        %dma_start3A_212 = tpu.memref_slice %arg11[%add3A_173, %dma_start3A_211] : memref<10000x128xf32, #tpu.memory_space<vmem_shared>> -> memref<72x128xf32, #tpu.memory_space<vmem_shared>>
        %dma_start3A_213 = arith.constant 0 : i32
        %dma_start3A_214 = arith.constant 0 : i32
        %dma_start3A_215 = tpu.memref_slice %arg8[%dma_start3A_213, %dma_start3A_214] : memref<80x128xf32, #tpu.memory_space<vmem>> -> memref<72x128xf32, #tpu.memory_space<vmem>>
        tpu.enqueue_dma source(%dma_start3A_215 : memref<72x128xf32, #tpu.memory_space<vmem>>) target(%dma_start3A_212 : memref<72x128xf32, #tpu.memory_space<vmem_shared>>) target_semaphore(%run_scoped3A : memref<!tpu.dma_semaphore, #tpu.memory_space<semaphore_mem>>)
        %dma_wait3A_216 = arith.constant 0 : i32
        %dma_wait3A_217 = arith.constant 0 : i32
        %dma_wait3A_218 = tpu.memref_slice %arg8[%dma_wait3A_216, %dma_wait3A_217] : memref<80x128xf32, #tpu.memory_space<vmem>> -> memref<72x128xf32, #tpu.memory_space<vmem>>
        %dma_wait3A_219 = arith.constant 0 : i32
        %dma_wait3A_220 = tpu.memref_slice %arg11[%add3A_173, %dma_wait3A_219] : memref<10000x128xf32, #tpu.memory_space<vmem_shared>> -> memref<72x128xf32, #tpu.memory_space<vmem_shared>>
        %dma_wait3A_221 = arith.constant 0 : i32
        %dma_wait3A_222 = tpu.memref_slice %arg11[%add3A_173, %dma_wait3A_221] : memref<10000x128xf32, #tpu.memory_space<vmem_shared>> -> memref<72x128xf32, #tpu.memory_space<vmem_shared>>
        %dma_wait3A_223 = arith.constant 0 : i32
        %dma_wait3A_224 = arith.constant 0 : i32
        %dma_wait3A_225 = tpu.memref_slice %arg8[%dma_wait3A_223, %dma_wait3A_224] : memref<80x128xf32, #tpu.memory_space<vmem>> -> memref<72x128xf32, #tpu.memory_space<vmem>>
        tpu.wait_dma2 semaphore(%run_scoped3A : memref<!tpu.dma_semaphore, #tpu.memory_space<semaphore_mem>>) src(%dma_wait3A_225 : memref<72x128xf32, #tpu.memory_space<vmem>>) dst(%dma_wait3A_222 : memref<72x128xf32, #tpu.memory_space<vmem_shared>>)
        tpu.yield
      }) : () -> ()
      %mul3A_174 = arith.constant 632 : i32
      %mul3A_175 = arith.muli %arg1, %mul3A_174 : i32
      %add3A_176 = arith.constant 72 : i32
      %add3A_177 = arith.addi %mul3A_175, %add3A_176 : i32
      "tpu.region"() ({
        %run_scoped3A = tpu.sem_alloc : memref<!tpu.dma_semaphore, #tpu.memory_space<semaphore_mem>>
        %dma_start3A_206 = arith.constant 0 : i32
        %dma_start3A_207 = arith.constant 0 : i32
        %dma_start3A_208 = tpu.memref_slice %arg8[%dma_start3A_206, %dma_start3A_207] : memref<80x128xf32, #tpu.memory_space<vmem>> -> memref<72x128xf32, #tpu.memory_space<vmem>>
        %dma_start3A_209 = arith.constant 0 : i32
        %dma_start3A_210 = tpu.memref_slice %arg11[%add3A_177, %dma_start3A_209] : memref<10000x128xf32, #tpu.memory_space<vmem_shared>> -> memref<72x128xf32, #tpu.memory_space<vmem_shared>>
        %dma_start3A_211 = arith.constant 0 : i32
        %dma_start3A_212 = tpu.memref_slice %arg11[%add3A_177, %dma_start3A_211] : memref<10000x128xf32, #tpu.memory_space<vmem_shared>> -> memref<72x128xf32, #tpu.memory_space<vmem_shared>>
        %dma_start3A_213 = arith.constant 0 : i32
        %dma_start3A_214 = arith.constant 0 : i32
        %dma_start3A_215 = tpu.memref_slice %arg8[%dma_start3A_213, %dma_start3A_214] : memref<80x128xf32, #tpu.memory_space<vmem>> -> memref<72x128xf32, #tpu.memory_space<vmem>>
        tpu.enqueue_dma source(%dma_start3A_215 : memref<72x128xf32, #tpu.memory_space<vmem>>) target(%dma_start3A_212 : memref<72x128xf32, #tpu.memory_space<vmem_shared>>) target_semaphore(%run_scoped3A : memref<!tpu.dma_semaphore, #tpu.memory_space<semaphore_mem>>)
        %dma_wait3A_216 = arith.constant 0 : i32
        %dma_wait3A_217 = arith.constant 0 : i32
        %dma_wait3A_218 = tpu.memref_slice %arg8[%dma_wait3A_216, %dma_wait3A_217] : memref<80x128xf32, #tpu.memory_space<vmem>> -> memref<72x128xf32, #tpu.memory_space<vmem>>
        %dma_wait3A_219 = arith.constant 0 : i32
        %dma_wait3A_220 = tpu.memref_slice %arg11[%add3A_177, %dma_wait3A_219] : memref<10000x128xf32, #tpu.memory_space<vmem_shared>> -> memref<72x128xf32, #tpu.memory_space<vmem_shared>>
        %dma_wait3A_221 = arith.constant 0 : i32
        %dma_wait3A_222 = tpu.memref_slice %arg11[%add3A_177, %dma_wait3A_221] : memref<10000x128xf32, #tpu.memory_space<vmem_shared>> -> memref<72x128xf32, #tpu.memory_space<vmem_shared>>
        %dma_wait3A_223 = arith.constant 0 : i32
        %dma_wait3A_224 = arith.constant 0 : i32
        %dma_wait3A_225 = tpu.memref_slice %arg8[%dma_wait3A_223, %dma_wait3A_224] : memref<80x128xf32, #tpu.memory_space<vmem>> -> memref<72x128xf32, #tpu.memory_space<vmem>>
        tpu.wait_dma2 semaphore(%run_scoped3A : memref<!tpu.dma_semaphore, #tpu.memory_space<semaphore_mem>>) src(%dma_wait3A_225 : memref<72x128xf32, #tpu.memory_space<vmem>>) dst(%dma_wait3A_222 : memref<72x128xf32, #tpu.memory_space<vmem_shared>>)
        tpu.yield
      }) : () -> ()
      %mul3A_178 = arith.constant 632 : i32
      %mul3A_179 = arith.muli %arg1, %mul3A_178 : i32
      %add3A_180 = arith.constant 144 : i32
      %add3A_181 = arith.addi %mul3A_179, %add3A_180 : i32
      "tpu.region"() ({
        %run_scoped3A = tpu.sem_alloc : memref<!tpu.dma_semaphore, #tpu.memory_space<semaphore_mem>>
        %dma_start3A_206 = arith.constant 0 : i32
        %dma_start3A_207 = arith.constant 0 : i32
        %dma_start3A_208 = tpu.memref_slice %arg8[%dma_start3A_206, %dma_start3A_207] : memref<80x128xf32, #tpu.memory_space<vmem>> -> memref<72x128xf32, #tpu.memory_space<vmem>>
        %dma_start3A_209 = arith.constant 0 : i32
        %dma_start3A_210 = tpu.memref_slice %arg11[%add3A_181, %dma_start3A_209] : memref<10000x128xf32, #tpu.memory_space<vmem_shared>> -> memref<72x128xf32, #tpu.memory_space<vmem_shared>>
        %dma_start3A_211 = arith.constant 0 : i32
        %dma_start3A_212 = tpu.memref_slice %arg11[%add3A_181, %dma_start3A_211] : memref<10000x128xf32, #tpu.memory_space<vmem_shared>> -> memref<72x128xf32, #tpu.memory_space<vmem_shared>>
        %dma_start3A_213 = arith.constant 0 : i32
        %dma_start3A_214 = arith.constant 0 : i32
        %dma_start3A_215 = tpu.memref_slice %arg8[%dma_start3A_213, %dma_start3A_214] : memref<80x128xf32, #tpu.memory_space<vmem>> -> memref<72x128xf32, #tpu.memory_space<vmem>>
        tpu.enqueue_dma source(%dma_start3A_215 : memref<72x128xf32, #tpu.memory_space<vmem>>) target(%dma_start3A_212 : memref<72x128xf32, #tpu.memory_space<vmem_shared>>) target_semaphore(%run_scoped3A : memref<!tpu.dma_semaphore, #tpu.memory_space<semaphore_mem>>)
        %dma_wait3A_216 = arith.constant 0 : i32
        %dma_wait3A_217 = arith.constant 0 : i32
        %dma_wait3A_218 = tpu.memref_slice %arg8[%dma_wait3A_216, %dma_wait3A_217] : memref<80x128xf32, #tpu.memory_space<vmem>> -> memref<72x128xf32, #tpu.memory_space<vmem>>
        %dma_wait3A_219 = arith.constant 0 : i32
        %dma_wait3A_220 = tpu.memref_slice %arg11[%add3A_181, %dma_wait3A_219] : memref<10000x128xf32, #tpu.memory_space<vmem_shared>> -> memref<72x128xf32, #tpu.memory_space<vmem_shared>>
        %dma_wait3A_221 = arith.constant 0 : i32
        %dma_wait3A_222 = tpu.memref_slice %arg11[%add3A_181, %dma_wait3A_221] : memref<10000x128xf32, #tpu.memory_space<vmem_shared>> -> memref<72x128xf32, #tpu.memory_space<vmem_shared>>
        %dma_wait3A_223 = arith.constant 0 : i32
        %dma_wait3A_224 = arith.constant 0 : i32
        %dma_wait3A_225 = tpu.memref_slice %arg8[%dma_wait3A_223, %dma_wait3A_224] : memref<80x128xf32, #tpu.memory_space<vmem>> -> memref<72x128xf32, #tpu.memory_space<vmem>>
        tpu.wait_dma2 semaphore(%run_scoped3A : memref<!tpu.dma_semaphore, #tpu.memory_space<semaphore_mem>>) src(%dma_wait3A_225 : memref<72x128xf32, #tpu.memory_space<vmem>>) dst(%dma_wait3A_222 : memref<72x128xf32, #tpu.memory_space<vmem_shared>>)
        tpu.yield
      }) : () -> ()
      %mul3A_182 = arith.constant 632 : i32
      %mul3A_183 = arith.muli %arg1, %mul3A_182 : i32
      %add3A_184 = arith.constant 216 : i32
      %add3A_185 = arith.addi %mul3A_183, %add3A_184 : i32
      "tpu.region"() ({
        %run_scoped3A = tpu.sem_alloc : memref<!tpu.dma_semaphore, #tpu.memory_space<semaphore_mem>>
        %dma_start3A_206 = arith.constant 0 : i32
        %dma_start3A_207 = arith.constant 0 : i32
        %dma_start3A_208 = tpu.memref_slice %arg8[%dma_start3A_206, %dma_start3A_207] : memref<80x128xf32, #tpu.memory_space<vmem>> -> memref<72x128xf32, #tpu.memory_space<vmem>>
        %dma_start3A_209 = arith.constant 0 : i32
        %dma_start3A_210 = tpu.memref_slice %arg11[%add3A_185, %dma_start3A_209] : memref<10000x128xf32, #tpu.memory_space<vmem_shared>> -> memref<72x128xf32, #tpu.memory_space<vmem_shared>>
        %dma_start3A_211 = arith.constant 0 : i32
        %dma_start3A_212 = tpu.memref_slice %arg11[%add3A_185, %dma_start3A_211] : memref<10000x128xf32, #tpu.memory_space<vmem_shared>> -> memref<72x128xf32, #tpu.memory_space<vmem_shared>>
        %dma_start3A_213 = arith.constant 0 : i32
        %dma_start3A_214 = arith.constant 0 : i32
        %dma_start3A_215 = tpu.memref_slice %arg8[%dma_start3A_213, %dma_start3A_214] : memref<80x128xf32, #tpu.memory_space<vmem>> -> memref<72x128xf32, #tpu.memory_space<vmem>>
        tpu.enqueue_dma source(%dma_start3A_215 : memref<72x128xf32, #tpu.memory_space<vmem>>) target(%dma_start3A_212 : memref<72x128xf32, #tpu.memory_space<vmem_shared>>) target_semaphore(%run_scoped3A : memref<!tpu.dma_semaphore, #tpu.memory_space<semaphore_mem>>)
        %dma_wait3A_216 = arith.constant 0 : i32
        %dma_wait3A_217 = arith.constant 0 : i32
        %dma_wait3A_218 = tpu.memref_slice %arg8[%dma_wait3A_216, %dma_wait3A_217] : memref<80x128xf32, #tpu.memory_space<vmem>> -> memref<72x128xf32, #tpu.memory_space<vmem>>
        %dma_wait3A_219 = arith.constant 0 : i32
        %dma_wait3A_220 = tpu.memref_slice %arg11[%add3A_185, %dma_wait3A_219] : memref<10000x128xf32, #tpu.memory_space<vmem_shared>> -> memref<72x128xf32, #tpu.memory_space<vmem_shared>>
        %dma_wait3A_221 = arith.constant 0 : i32
        %dma_wait3A_222 = tpu.memref_slice %arg11[%add3A_185, %dma_wait3A_221] : memref<10000x128xf32, #tpu.memory_space<vmem_shared>> -> memref<72x128xf32, #tpu.memory_space<vmem_shared>>
        %dma_wait3A_223 = arith.constant 0 : i32
        %dma_wait3A_224 = arith.constant 0 : i32
        %dma_wait3A_225 = tpu.memref_slice %arg8[%dma_wait3A_223, %dma_wait3A_224] : memref<80x128xf32, #tpu.memory_space<vmem>> -> memref<72x128xf32, #tpu.memory_space<vmem>>
        tpu.wait_dma2 semaphore(%run_scoped3A : memref<!tpu.dma_semaphore, #tpu.memory_space<semaphore_mem>>) src(%dma_wait3A_225 : memref<72x128xf32, #tpu.memory_space<vmem>>) dst(%dma_wait3A_222 : memref<72x128xf32, #tpu.memory_space<vmem_shared>>)
        tpu.yield
      }) : () -> ()
      %mul3A_186 = arith.constant 632 : i32
      %mul3A_187 = arith.muli %arg1, %mul3A_186 : i32
      %add3A_188 = arith.constant 288 : i32
      %add3A_189 = arith.addi %mul3A_187, %add3A_188 : i32
      "tpu.region"() ({
        %run_scoped3A = tpu.sem_alloc : memref<!tpu.dma_semaphore, #tpu.memory_space<semaphore_mem>>
        %dma_start3A_206 = arith.constant 0 : i32
        %dma_start3A_207 = arith.constant 0 : i32
        %dma_start3A_208 = tpu.memref_slice %arg8[%dma_start3A_206, %dma_start3A_207] : memref<80x128xf32, #tpu.memory_space<vmem>> -> memref<72x128xf32, #tpu.memory_space<vmem>>
        %dma_start3A_209 = arith.constant 0 : i32
        %dma_start3A_210 = tpu.memref_slice %arg11[%add3A_189, %dma_start3A_209] : memref<10000x128xf32, #tpu.memory_space<vmem_shared>> -> memref<72x128xf32, #tpu.memory_space<vmem_shared>>
        %dma_start3A_211 = arith.constant 0 : i32
        %dma_start3A_212 = tpu.memref_slice %arg11[%add3A_189, %dma_start3A_211] : memref<10000x128xf32, #tpu.memory_space<vmem_shared>> -> memref<72x128xf32, #tpu.memory_space<vmem_shared>>
        %dma_start3A_213 = arith.constant 0 : i32
        %dma_start3A_214 = arith.constant 0 : i32
        %dma_start3A_215 = tpu.memref_slice %arg8[%dma_start3A_213, %dma_start3A_214] : memref<80x128xf32, #tpu.memory_space<vmem>> -> memref<72x128xf32, #tpu.memory_space<vmem>>
        tpu.enqueue_dma source(%dma_start3A_215 : memref<72x128xf32, #tpu.memory_space<vmem>>) target(%dma_start3A_212 : memref<72x128xf32, #tpu.memory_space<vmem_shared>>) target_semaphore(%run_scoped3A : memref<!tpu.dma_semaphore, #tpu.memory_space<semaphore_mem>>)
        %dma_wait3A_216 = arith.constant 0 : i32
        %dma_wait3A_217 = arith.constant 0 : i32
        %dma_wait3A_218 = tpu.memref_slice %arg8[%dma_wait3A_216, %dma_wait3A_217] : memref<80x128xf32, #tpu.memory_space<vmem>> -> memref<72x128xf32, #tpu.memory_space<vmem>>
        %dma_wait3A_219 = arith.constant 0 : i32
        %dma_wait3A_220 = tpu.memref_slice %arg11[%add3A_189, %dma_wait3A_219] : memref<10000x128xf32, #tpu.memory_space<vmem_shared>> -> memref<72x128xf32, #tpu.memory_space<vmem_shared>>
        %dma_wait3A_221 = arith.constant 0 : i32
        %dma_wait3A_222 = tpu.memref_slice %arg11[%add3A_189, %dma_wait3A_221] : memref<10000x128xf32, #tpu.memory_space<vmem_shared>> -> memref<72x128xf32, #tpu.memory_space<vmem_shared>>
        %dma_wait3A_223 = arith.constant 0 : i32
        %dma_wait3A_224 = arith.constant 0 : i32
        %dma_wait3A_225 = tpu.memref_slice %arg8[%dma_wait3A_223, %dma_wait3A_224] : memref<80x128xf32, #tpu.memory_space<vmem>> -> memref<72x128xf32, #tpu.memory_space<vmem>>
        tpu.wait_dma2 semaphore(%run_scoped3A : memref<!tpu.dma_semaphore, #tpu.memory_space<semaphore_mem>>) src(%dma_wait3A_225 : memref<72x128xf32, #tpu.memory_space<vmem>>) dst(%dma_wait3A_222 : memref<72x128xf32, #tpu.memory_space<vmem_shared>>)
        tpu.yield
      }) : () -> ()
      %mul3A_190 = arith.constant 632 : i32
      %mul3A_191 = arith.muli %arg1, %mul3A_190 : i32
      %add3A_192 = arith.constant 360 : i32
      %add3A_193 = arith.addi %mul3A_191, %add3A_192 : i32
      "tpu.region"() ({
        %run_scoped3A = tpu.sem_alloc : memref<!tpu.dma_semaphore, #tpu.memory_space<semaphore_mem>>
        %dma_start3A_206 = arith.constant 0 : i32
        %dma_start3A_207 = arith.constant 0 : i32
        %dma_start3A_208 = tpu.memref_slice %arg8[%dma_start3A_206, %dma_start3A_207] : memref<80x128xf32, #tpu.memory_space<vmem>> -> memref<72x128xf32, #tpu.memory_space<vmem>>
        %dma_start3A_209 = arith.constant 0 : i32
        %dma_start3A_210 = tpu.memref_slice %arg11[%add3A_193, %dma_start3A_209] : memref<10000x128xf32, #tpu.memory_space<vmem_shared>> -> memref<72x128xf32, #tpu.memory_space<vmem_shared>>
        %dma_start3A_211 = arith.constant 0 : i32
        %dma_start3A_212 = tpu.memref_slice %arg11[%add3A_193, %dma_start3A_211] : memref<10000x128xf32, #tpu.memory_space<vmem_shared>> -> memref<72x128xf32, #tpu.memory_space<vmem_shared>>
        %dma_start3A_213 = arith.constant 0 : i32
        %dma_start3A_214 = arith.constant 0 : i32
        %dma_start3A_215 = tpu.memref_slice %arg8[%dma_start3A_213, %dma_start3A_214] : memref<80x128xf32, #tpu.memory_space<vmem>> -> memref<72x128xf32, #tpu.memory_space<vmem>>
        tpu.enqueue_dma source(%dma_start3A_215 : memref<72x128xf32, #tpu.memory_space<vmem>>) target(%dma_start3A_212 : memref<72x128xf32, #tpu.memory_space<vmem_shared>>) target_semaphore(%run_scoped3A : memref<!tpu.dma_semaphore, #tpu.memory_space<semaphore_mem>>)
        %dma_wait3A_216 = arith.constant 0 : i32
        %dma_wait3A_217 = arith.constant 0 : i32
        %dma_wait3A_218 = tpu.memref_slice %arg8[%dma_wait3A_216, %dma_wait3A_217] : memref<80x128xf32, #tpu.memory_space<vmem>> -> memref<72x128xf32, #tpu.memory_space<vmem>>
        %dma_wait3A_219 = arith.constant 0 : i32
        %dma_wait3A_220 = tpu.memref_slice %arg11[%add3A_193, %dma_wait3A_219] : memref<10000x128xf32, #tpu.memory_space<vmem_shared>> -> memref<72x128xf32, #tpu.memory_space<vmem_shared>>
        %dma_wait3A_221 = arith.constant 0 : i32
        %dma_wait3A_222 = tpu.memref_slice %arg11[%add3A_193, %dma_wait3A_221] : memref<10000x128xf32, #tpu.memory_space<vmem_shared>> -> memref<72x128xf32, #tpu.memory_space<vmem_shared>>
        %dma_wait3A_223 = arith.constant 0 : i32
        %dma_wait3A_224 = arith.constant 0 : i32
        %dma_wait3A_225 = tpu.memref_slice %arg8[%dma_wait3A_223, %dma_wait3A_224] : memref<80x128xf32, #tpu.memory_space<vmem>> -> memref<72x128xf32, #tpu.memory_space<vmem>>
        tpu.wait_dma2 semaphore(%run_scoped3A : memref<!tpu.dma_semaphore, #tpu.memory_space<semaphore_mem>>) src(%dma_wait3A_225 : memref<72x128xf32, #tpu.memory_space<vmem>>) dst(%dma_wait3A_222 : memref<72x128xf32, #tpu.memory_space<vmem_shared>>)
        tpu.yield
      }) : () -> ()
      %mul3A_194 = arith.constant 632 : i32
      %mul3A_195 = arith.muli %arg1, %mul3A_194 : i32
      %add3A_196 = arith.constant 432 : i32
      %add3A_197 = arith.addi %mul3A_195, %add3A_196 : i32
      "tpu.region"() ({
        %run_scoped3A = tpu.sem_alloc : memref<!tpu.dma_semaphore, #tpu.memory_space<semaphore_mem>>
        %dma_start3A_206 = arith.constant 0 : i32
        %dma_start3A_207 = arith.constant 0 : i32
        %dma_start3A_208 = tpu.memref_slice %arg8[%dma_start3A_206, %dma_start3A_207] : memref<80x128xf32, #tpu.memory_space<vmem>> -> memref<72x128xf32, #tpu.memory_space<vmem>>
        %dma_start3A_209 = arith.constant 0 : i32
        %dma_start3A_210 = tpu.memref_slice %arg11[%add3A_197, %dma_start3A_209] : memref<10000x128xf32, #tpu.memory_space<vmem_shared>> -> memref<72x128xf32, #tpu.memory_space<vmem_shared>>
        %dma_start3A_211 = arith.constant 0 : i32
        %dma_start3A_212 = tpu.memref_slice %arg11[%add3A_197, %dma_start3A_211] : memref<10000x128xf32, #tpu.memory_space<vmem_shared>> -> memref<72x128xf32, #tpu.memory_space<vmem_shared>>
        %dma_start3A_213 = arith.constant 0 : i32
        %dma_start3A_214 = arith.constant 0 : i32
        %dma_start3A_215 = tpu.memref_slice %arg8[%dma_start3A_213, %dma_start3A_214] : memref<80x128xf32, #tpu.memory_space<vmem>> -> memref<72x128xf32, #tpu.memory_space<vmem>>
        tpu.enqueue_dma source(%dma_start3A_215 : memref<72x128xf32, #tpu.memory_space<vmem>>) target(%dma_start3A_212 : memref<72x128xf32, #tpu.memory_space<vmem_shared>>) target_semaphore(%run_scoped3A : memref<!tpu.dma_semaphore, #tpu.memory_space<semaphore_mem>>)
        %dma_wait3A_216 = arith.constant 0 : i32
        %dma_wait3A_217 = arith.constant 0 : i32
        %dma_wait3A_218 = tpu.memref_slice %arg8[%dma_wait3A_216, %dma_wait3A_217] : memref<80x128xf32, #tpu.memory_space<vmem>> -> memref<72x128xf32, #tpu.memory_space<vmem>>
        %dma_wait3A_219 = arith.constant 0 : i32
        %dma_wait3A_220 = tpu.memref_slice %arg11[%add3A_197, %dma_wait3A_219] : memref<10000x128xf32, #tpu.memory_space<vmem_shared>> -> memref<72x128xf32, #tpu.memory_space<vmem_shared>>
        %dma_wait3A_221 = arith.constant 0 : i32
        %dma_wait3A_222 = tpu.memref_slice %arg11[%add3A_197, %dma_wait3A_221] : memref<10000x128xf32, #tpu.memory_space<vmem_shared>> -> memref<72x128xf32, #tpu.memory_space<vmem_shared>>
        %dma_wait3A_223 = arith.constant 0 : i32
        %dma_wait3A_224 = arith.constant 0 : i32
        %dma_wait3A_225 = tpu.memref_slice %arg8[%dma_wait3A_223, %dma_wait3A_224] : memref<80x128xf32, #tpu.memory_space<vmem>> -> memref<72x128xf32, #tpu.memory_space<vmem>>
        tpu.wait_dma2 semaphore(%run_scoped3A : memref<!tpu.dma_semaphore, #tpu.memory_space<semaphore_mem>>) src(%dma_wait3A_225 : memref<72x128xf32, #tpu.memory_space<vmem>>) dst(%dma_wait3A_222 : memref<72x128xf32, #tpu.memory_space<vmem_shared>>)
        tpu.yield
      }) : () -> ()
      %mul3A_198 = arith.constant 632 : i32
      %mul3A_199 = arith.muli %arg1, %mul3A_198 : i32
      %add3A_200 = arith.constant 504 : i32
      %add3A_201 = arith.addi %mul3A_199, %add3A_200 : i32
      "tpu.region"() ({
        %run_scoped3A = tpu.sem_alloc : memref<!tpu.dma_semaphore, #tpu.memory_space<semaphore_mem>>
        %dma_start3A_206 = arith.constant 0 : i32
        %dma_start3A_207 = arith.constant 0 : i32
        %dma_start3A_208 = tpu.memref_slice %arg8[%dma_start3A_206, %dma_start3A_207] : memref<80x128xf32, #tpu.memory_space<vmem>> -> memref<72x128xf32, #tpu.memory_space<vmem>>
        %dma_start3A_209 = arith.constant 0 : i32
        %dma_start3A_210 = tpu.memref_slice %arg11[%add3A_201, %dma_start3A_209] : memref<10000x128xf32, #tpu.memory_space<vmem_shared>> -> memref<72x128xf32, #tpu.memory_space<vmem_shared>>
        %dma_start3A_211 = arith.constant 0 : i32
        %dma_start3A_212 = tpu.memref_slice %arg11[%add3A_201, %dma_start3A_211] : memref<10000x128xf32, #tpu.memory_space<vmem_shared>> -> memref<72x128xf32, #tpu.memory_space<vmem_shared>>
        %dma_start3A_213 = arith.constant 0 : i32
        %dma_start3A_214 = arith.constant 0 : i32
        %dma_start3A_215 = tpu.memref_slice %arg8[%dma_start3A_213, %dma_start3A_214] : memref<80x128xf32, #tpu.memory_space<vmem>> -> memref<72x128xf32, #tpu.memory_space<vmem>>
        tpu.enqueue_dma source(%dma_start3A_215 : memref<72x128xf32, #tpu.memory_space<vmem>>) target(%dma_start3A_212 : memref<72x128xf32, #tpu.memory_space<vmem_shared>>) target_semaphore(%run_scoped3A : memref<!tpu.dma_semaphore, #tpu.memory_space<semaphore_mem>>)
        %dma_wait3A_216 = arith.constant 0 : i32
        %dma_wait3A_217 = arith.constant 0 : i32
        %dma_wait3A_218 = tpu.memref_slice %arg8[%dma_wait3A_216, %dma_wait3A_217] : memref<80x128xf32, #tpu.memory_space<vmem>> -> memref<72x128xf32, #tpu.memory_space<vmem>>
        %dma_wait3A_219 = arith.constant 0 : i32
        %dma_wait3A_220 = tpu.memref_slice %arg11[%add3A_201, %dma_wait3A_219] : memref<10000x128xf32, #tpu.memory_space<vmem_shared>> -> memref<72x128xf32, #tpu.memory_space<vmem_shared>>
        %dma_wait3A_221 = arith.constant 0 : i32
        %dma_wait3A_222 = tpu.memref_slice %arg11[%add3A_201, %dma_wait3A_221] : memref<10000x128xf32, #tpu.memory_space<vmem_shared>> -> memref<72x128xf32, #tpu.memory_space<vmem_shared>>
        %dma_wait3A_223 = arith.constant 0 : i32
        %dma_wait3A_224 = arith.constant 0 : i32
        %dma_wait3A_225 = tpu.memref_slice %arg8[%dma_wait3A_223, %dma_wait3A_224] : memref<80x128xf32, #tpu.memory_space<vmem>> -> memref<72x128xf32, #tpu.memory_space<vmem>>
        tpu.wait_dma2 semaphore(%run_scoped3A : memref<!tpu.dma_semaphore, #tpu.memory_space<semaphore_mem>>) src(%dma_wait3A_225 : memref<72x128xf32, #tpu.memory_space<vmem>>) dst(%dma_wait3A_222 : memref<72x128xf32, #tpu.memory_space<vmem_shared>>)
        tpu.yield
      }) : () -> ()
      %mul3A_202 = arith.constant 632 : i32
      %mul3A_203 = arith.muli %arg1, %mul3A_202 : i32
      %add3A_204 = arith.constant 576 : i32
      %add3A_205 = arith.addi %mul3A_203, %add3A_204 : i32
      "tpu.region"() ({
        %run_scoped3A = tpu.sem_alloc : memref<!tpu.dma_semaphore, #tpu.memory_space<semaphore_mem>>
        %dma_start3A_206 = arith.constant 0 : i32
        %dma_start3A_207 = arith.constant 0 : i32
        %dma_start3A_208 = tpu.memref_slice %arg8[%dma_start3A_206, %dma_start3A_207] : memref<80x128xf32, #tpu.memory_space<vmem>> -> memref<56x128xf32, #tpu.memory_space<vmem>>
        %dma_start3A_209 = arith.constant 0 : i32
        %dma_start3A_210 = tpu.memref_slice %arg11[%add3A_205, %dma_start3A_209] : memref<10000x128xf32, #tpu.memory_space<vmem_shared>> -> memref<56x128xf32, #tpu.memory_space<vmem_shared>>
        %dma_start3A_211 = arith.constant 0 : i32
        %dma_start3A_212 = tpu.memref_slice %arg11[%add3A_205, %dma_start3A_211] : memref<10000x128xf32, #tpu.memory_space<vmem_shared>> -> memref<56x128xf32, #tpu.memory_space<vmem_shared>>
        %dma_start3A_213 = arith.constant 0 : i32
        %dma_start3A_214 = arith.constant 0 : i32
        %dma_start3A_215 = tpu.memref_slice %arg8[%dma_start3A_213, %dma_start3A_214] : memref<80x128xf32, #tpu.memory_space<vmem>> -> memref<56x128xf32, #tpu.memory_space<vmem>>
        tpu.enqueue_dma source(%dma_start3A_215 : memref<56x128xf32, #tpu.memory_space<vmem>>) target(%dma_start3A_212 : memref<56x128xf32, #tpu.memory_space<vmem_shared>>) target_semaphore(%run_scoped3A : memref<!tpu.dma_semaphore, #tpu.memory_space<semaphore_mem>>)
        %dma_wait3A_216 = arith.constant 0 : i32
        %dma_wait3A_217 = arith.constant 0 : i32
        %dma_wait3A_218 = tpu.memref_slice %arg8[%dma_wait3A_216, %dma_wait3A_217] : memref<80x128xf32, #tpu.memory_space<vmem>> -> memref<56x128xf32, #tpu.memory_space<vmem>>
        %dma_wait3A_219 = arith.constant 0 : i32
        %dma_wait3A_220 = tpu.memref_slice %arg11[%add3A_205, %dma_wait3A_219] : memref<10000x128xf32, #tpu.memory_space<vmem_shared>> -> memref<56x128xf32, #tpu.memory_space<vmem_shared>>
        %dma_wait3A_221 = arith.constant 0 : i32
        %dma_wait3A_222 = tpu.memref_slice %arg11[%add3A_205, %dma_wait3A_221] : memref<10000x128xf32, #tpu.memory_space<vmem_shared>> -> memref<56x128xf32, #tpu.memory_space<vmem_shared>>
        %dma_wait3A_223 = arith.constant 0 : i32
        %dma_wait3A_224 = arith.constant 0 : i32
        %dma_wait3A_225 = tpu.memref_slice %arg8[%dma_wait3A_223, %dma_wait3A_224] : memref<80x128xf32, #tpu.memory_space<vmem>> -> memref<56x128xf32, #tpu.memory_space<vmem>>
        tpu.wait_dma2 semaphore(%run_scoped3A : memref<!tpu.dma_semaphore, #tpu.memory_space<semaphore_mem>>) src(%dma_wait3A_225 : memref<56x128xf32, #tpu.memory_space<vmem>>) dst(%dma_wait3A_222 : memref<56x128xf32, #tpu.memory_space<vmem_shared>>)
        tpu.yield
      }) : () -> ()
    } else {
    }
    %eq3A = arith.constant 15 : i32
    %eq3A_10 = arith.cmpi eq, %arg1, %eq3A : i32
    %convert_element_type3A_11 = arith.extui %eq3A_10 : i1 to i32
    %cond3A_12 = arith.constant 0 : i32
    %cond3A_13 = arith.cmpi ne, %convert_element_type3A_11, %cond3A_12 : i32
    scf.if %cond3A_13 {
      %mul3A_170 = arith.constant 632 : i32
      %mul3A_171 = arith.muli %arg1, %mul3A_170 : i32
      %add3A_172 = arith.constant 0 : i32
      %add3A_173 = arith.addi %mul3A_171, %add3A_172 : i32
      "tpu.region"() ({
        %run_scoped3A = tpu.sem_alloc : memref<!tpu.dma_semaphore, #tpu.memory_space<semaphore_mem>>
        %dma_start3A_202 = arith.constant 0 : i32
        %dma_start3A_203 = arith.constant 0 : i32
        %dma_start3A_204 = tpu.memref_slice %arg8[%dma_start3A_202, %dma_start3A_203] : memref<80x128xf32, #tpu.memory_space<vmem>> -> memref<72x128xf32, #tpu.memory_space<vmem>>
        %dma_start3A_205 = arith.constant 0 : i32
        %dma_start3A_206 = tpu.memref_slice %arg11[%add3A_173, %dma_start3A_205] : memref<10000x128xf32, #tpu.memory_space<vmem_shared>> -> memref<72x128xf32, #tpu.memory_space<vmem_shared>>
        %dma_start3A_207 = arith.constant 0 : i32
        %dma_start3A_208 = tpu.memref_slice %arg11[%add3A_173, %dma_start3A_207] : memref<10000x128xf32, #tpu.memory_space<vmem_shared>> -> memref<72x128xf32, #tpu.memory_space<vmem_shared>>
        %dma_start3A_209 = arith.constant 0 : i32
        %dma_start3A_210 = arith.constant 0 : i32
        %dma_start3A_211 = tpu.memref_slice %arg8[%dma_start3A_209, %dma_start3A_210] : memref<80x128xf32, #tpu.memory_space<vmem>> -> memref<72x128xf32, #tpu.memory_space<vmem>>
        tpu.enqueue_dma source(%dma_start3A_211 : memref<72x128xf32, #tpu.memory_space<vmem>>) target(%dma_start3A_208 : memref<72x128xf32, #tpu.memory_space<vmem_shared>>) target_semaphore(%run_scoped3A : memref<!tpu.dma_semaphore, #tpu.memory_space<semaphore_mem>>)
        %dma_wait3A_212 = arith.constant 0 : i32
        %dma_wait3A_213 = arith.constant 0 : i32
        %dma_wait3A_214 = tpu.memref_slice %arg8[%dma_wait3A_212, %dma_wait3A_213] : memref<80x128xf32, #tpu.memory_space<vmem>> -> memref<72x128xf32, #tpu.memory_space<vmem>>
        %dma_wait3A_215 = arith.constant 0 : i32
        %dma_wait3A_216 = tpu.memref_slice %arg11[%add3A_173, %dma_wait3A_215] : memref<10000x128xf32, #tpu.memory_space<vmem_shared>> -> memref<72x128xf32, #tpu.memory_space<vmem_shared>>
        %dma_wait3A_217 = arith.constant 0 : i32
        %dma_wait3A_218 = tpu.memref_slice %arg11[%add3A_173, %dma_wait3A_217] : memref<10000x128xf32, #tpu.memory_space<vmem_shared>> -> memref<72x128xf32, #tpu.memory_space<vmem_shared>>
        %dma_wait3A_219 = arith.constant 0 : i32
        %dma_wait3A_220 = arith.constant 0 : i32
        %dma_wait3A_221 = tpu.memref_slice %arg8[%dma_wait3A_219, %dma_wait3A_220] : memref<80x128xf32, #tpu.memory_space<vmem>> -> memref<72x128xf32, #tpu.memory_space<vmem>>
        tpu.wait_dma2 semaphore(%run_scoped3A : memref<!tpu.dma_semaphore, #tpu.memory_space<semaphore_mem>>) src(%dma_wait3A_221 : memref<72x128xf32, #tpu.memory_space<vmem>>) dst(%dma_wait3A_218 : memref<72x128xf32, #tpu.memory_space<vmem_shared>>)
        tpu.yield
      }) : () -> ()
      %mul3A_174 = arith.constant 632 : i32
      %mul3A_175 = arith.muli %arg1, %mul3A_174 : i32
      %add3A_176 = arith.constant 72 : i32
      %add3A_177 = arith.addi %mul3A_175, %add3A_176 : i32
      "tpu.region"() ({
        %run_scoped3A = tpu.sem_alloc : memref<!tpu.dma_semaphore, #tpu.memory_space<semaphore_mem>>
        %dma_start3A_202 = arith.constant 0 : i32
        %dma_start3A_203 = arith.constant 0 : i32
        %dma_start3A_204 = tpu.memref_slice %arg8[%dma_start3A_202, %dma_start3A_203] : memref<80x128xf32, #tpu.memory_space<vmem>> -> memref<72x128xf32, #tpu.memory_space<vmem>>
        %dma_start3A_205 = arith.constant 0 : i32
        %dma_start3A_206 = tpu.memref_slice %arg11[%add3A_177, %dma_start3A_205] : memref<10000x128xf32, #tpu.memory_space<vmem_shared>> -> memref<72x128xf32, #tpu.memory_space<vmem_shared>>
        %dma_start3A_207 = arith.constant 0 : i32
        %dma_start3A_208 = tpu.memref_slice %arg11[%add3A_177, %dma_start3A_207] : memref<10000x128xf32, #tpu.memory_space<vmem_shared>> -> memref<72x128xf32, #tpu.memory_space<vmem_shared>>
        %dma_start3A_209 = arith.constant 0 : i32
        %dma_start3A_210 = arith.constant 0 : i32
        %dma_start3A_211 = tpu.memref_slice %arg8[%dma_start3A_209, %dma_start3A_210] : memref<80x128xf32, #tpu.memory_space<vmem>> -> memref<72x128xf32, #tpu.memory_space<vmem>>
        tpu.enqueue_dma source(%dma_start3A_211 : memref<72x128xf32, #tpu.memory_space<vmem>>) target(%dma_start3A_208 : memref<72x128xf32, #tpu.memory_space<vmem_shared>>) target_semaphore(%run_scoped3A : memref<!tpu.dma_semaphore, #tpu.memory_space<semaphore_mem>>)
        %dma_wait3A_212 = arith.constant 0 : i32
        %dma_wait3A_213 = arith.constant 0 : i32
        %dma_wait3A_214 = tpu.memref_slice %arg8[%dma_wait3A_212, %dma_wait3A_213] : memref<80x128xf32, #tpu.memory_space<vmem>> -> memref<72x128xf32, #tpu.memory_space<vmem>>
        %dma_wait3A_215 = arith.constant 0 : i32
        %dma_wait3A_216 = tpu.memref_slice %arg11[%add3A_177, %dma_wait3A_215] : memref<10000x128xf32, #tpu.memory_space<vmem_shared>> -> memref<72x128xf32, #tpu.memory_space<vmem_shared>>
        %dma_wait3A_217 = arith.constant 0 : i32
        %dma_wait3A_218 = tpu.memref_slice %arg11[%add3A_177, %dma_wait3A_217] : memref<10000x128xf32, #tpu.memory_space<vmem_shared>> -> memref<72x128xf32, #tpu.memory_space<vmem_shared>>
        %dma_wait3A_219 = arith.constant 0 : i32
        %dma_wait3A_220 = arith.constant 0 : i32
        %dma_wait3A_221 = tpu.memref_slice %arg8[%dma_wait3A_219, %dma_wait3A_220] : memref<80x128xf32, #tpu.memory_space<vmem>> -> memref<72x128xf32, #tpu.memory_space<vmem>>
        tpu.wait_dma2 semaphore(%run_scoped3A : memref<!tpu.dma_semaphore, #tpu.memory_space<semaphore_mem>>) src(%dma_wait3A_221 : memref<72x128xf32, #tpu.memory_space<vmem>>) dst(%dma_wait3A_218 : memref<72x128xf32, #tpu.memory_space<vmem_shared>>)
        tpu.yield
      }) : () -> ()
      %mul3A_178 = arith.constant 632 : i32
      %mul3A_179 = arith.muli %arg1, %mul3A_178 : i32
      %add3A_180 = arith.constant 144 : i32
      %add3A_181 = arith.addi %mul3A_179, %add3A_180 : i32
      "tpu.region"() ({
        %run_scoped3A = tpu.sem_alloc : memref<!tpu.dma_semaphore, #tpu.memory_space<semaphore_mem>>
        %dma_start3A_202 = arith.constant 0 : i32
        %dma_start3A_203 = arith.constant 0 : i32
        %dma_start3A_204 = tpu.memref_slice %arg8[%dma_start3A_202, %dma_start3A_203] : memref<80x128xf32, #tpu.memory_space<vmem>> -> memref<72x128xf32, #tpu.memory_space<vmem>>
        %dma_start3A_205 = arith.constant 0 : i32
        %dma_start3A_206 = tpu.memref_slice %arg11[%add3A_181, %dma_start3A_205] : memref<10000x128xf32, #tpu.memory_space<vmem_shared>> -> memref<72x128xf32, #tpu.memory_space<vmem_shared>>
        %dma_start3A_207 = arith.constant 0 : i32
        %dma_start3A_208 = tpu.memref_slice %arg11[%add3A_181, %dma_start3A_207] : memref<10000x128xf32, #tpu.memory_space<vmem_shared>> -> memref<72x128xf32, #tpu.memory_space<vmem_shared>>
        %dma_start3A_209 = arith.constant 0 : i32
        %dma_start3A_210 = arith.constant 0 : i32
        %dma_start3A_211 = tpu.memref_slice %arg8[%dma_start3A_209, %dma_start3A_210] : memref<80x128xf32, #tpu.memory_space<vmem>> -> memref<72x128xf32, #tpu.memory_space<vmem>>
        tpu.enqueue_dma source(%dma_start3A_211 : memref<72x128xf32, #tpu.memory_space<vmem>>) target(%dma_start3A_208 : memref<72x128xf32, #tpu.memory_space<vmem_shared>>) target_semaphore(%run_scoped3A : memref<!tpu.dma_semaphore, #tpu.memory_space<semaphore_mem>>)
        %dma_wait3A_212 = arith.constant 0 : i32
        %dma_wait3A_213 = arith.constant 0 : i32
        %dma_wait3A_214 = tpu.memref_slice %arg8[%dma_wait3A_212, %dma_wait3A_213] : memref<80x128xf32, #tpu.memory_space<vmem>> -> memref<72x128xf32, #tpu.memory_space<vmem>>
        %dma_wait3A_215 = arith.constant 0 : i32
        %dma_wait3A_216 = tpu.memref_slice %arg11[%add3A_181, %dma_wait3A_215] : memref<10000x128xf32, #tpu.memory_space<vmem_shared>> -> memref<72x128xf32, #tpu.memory_space<vmem_shared>>
        %dma_wait3A_217 = arith.constant 0 : i32
        %dma_wait3A_218 = tpu.memref_slice %arg11[%add3A_181, %dma_wait3A_217] : memref<10000x128xf32, #tpu.memory_space<vmem_shared>> -> memref<72x128xf32, #tpu.memory_space<vmem_shared>>
        %dma_wait3A_219 = arith.constant 0 : i32
        %dma_wait3A_220 = arith.constant 0 : i32
        %dma_wait3A_221 = tpu.memref_slice %arg8[%dma_wait3A_219, %dma_wait3A_220] : memref<80x128xf32, #tpu.memory_space<vmem>> -> memref<72x128xf32, #tpu.memory_space<vmem>>
        tpu.wait_dma2 semaphore(%run_scoped3A : memref<!tpu.dma_semaphore, #tpu.memory_space<semaphore_mem>>) src(%dma_wait3A_221 : memref<72x128xf32, #tpu.memory_space<vmem>>) dst(%dma_wait3A_218 : memref<72x128xf32, #tpu.memory_space<vmem_shared>>)
        tpu.yield
      }) : () -> ()
      %mul3A_182 = arith.constant 632 : i32
      %mul3A_183 = arith.muli %arg1, %mul3A_182 : i32
      %add3A_184 = arith.constant 216 : i32
      %add3A_185 = arith.addi %mul3A_183, %add3A_184 : i32
      "tpu.region"() ({
        %run_scoped3A = tpu.sem_alloc : memref<!tpu.dma_semaphore, #tpu.memory_space<semaphore_mem>>
        %dma_start3A_202 = arith.constant 0 : i32
        %dma_start3A_203 = arith.constant 0 : i32
        %dma_start3A_204 = tpu.memref_slice %arg8[%dma_start3A_202, %dma_start3A_203] : memref<80x128xf32, #tpu.memory_space<vmem>> -> memref<72x128xf32, #tpu.memory_space<vmem>>
        %dma_start3A_205 = arith.constant 0 : i32
        %dma_start3A_206 = tpu.memref_slice %arg11[%add3A_185, %dma_start3A_205] : memref<10000x128xf32, #tpu.memory_space<vmem_shared>> -> memref<72x128xf32, #tpu.memory_space<vmem_shared>>
        %dma_start3A_207 = arith.constant 0 : i32
        %dma_start3A_208 = tpu.memref_slice %arg11[%add3A_185, %dma_start3A_207] : memref<10000x128xf32, #tpu.memory_space<vmem_shared>> -> memref<72x128xf32, #tpu.memory_space<vmem_shared>>
        %dma_start3A_209 = arith.constant 0 : i32
        %dma_start3A_210 = arith.constant 0 : i32
        %dma_start3A_211 = tpu.memref_slice %arg8[%dma_start3A_209, %dma_start3A_210] : memref<80x128xf32, #tpu.memory_space<vmem>> -> memref<72x128xf32, #tpu.memory_space<vmem>>
        tpu.enqueue_dma source(%dma_start3A_211 : memref<72x128xf32, #tpu.memory_space<vmem>>) target(%dma_start3A_208 : memref<72x128xf32, #tpu.memory_space<vmem_shared>>) target_semaphore(%run_scoped3A : memref<!tpu.dma_semaphore, #tpu.memory_space<semaphore_mem>>)
        %dma_wait3A_212 = arith.constant 0 : i32
        %dma_wait3A_213 = arith.constant 0 : i32
        %dma_wait3A_214 = tpu.memref_slice %arg8[%dma_wait3A_212, %dma_wait3A_213] : memref<80x128xf32, #tpu.memory_space<vmem>> -> memref<72x128xf32, #tpu.memory_space<vmem>>
        %dma_wait3A_215 = arith.constant 0 : i32
        %dma_wait3A_216 = tpu.memref_slice %arg11[%add3A_185, %dma_wait3A_215] : memref<10000x128xf32, #tpu.memory_space<vmem_shared>> -> memref<72x128xf32, #tpu.memory_space<vmem_shared>>
        %dma_wait3A_217 = arith.constant 0 : i32
        %dma_wait3A_218 = tpu.memref_slice %arg11[%add3A_185, %dma_wait3A_217] : memref<10000x128xf32, #tpu.memory_space<vmem_shared>> -> memref<72x128xf32, #tpu.memory_space<vmem_shared>>
        %dma_wait3A_219 = arith.constant 0 : i32
        %dma_wait3A_220 = arith.constant 0 : i32
        %dma_wait3A_221 = tpu.memref_slice %arg8[%dma_wait3A_219, %dma_wait3A_220] : memref<80x128xf32, #tpu.memory_space<vmem>> -> memref<72x128xf32, #tpu.memory_space<vmem>>
        tpu.wait_dma2 semaphore(%run_scoped3A : memref<!tpu.dma_semaphore, #tpu.memory_space<semaphore_mem>>) src(%dma_wait3A_221 : memref<72x128xf32, #tpu.memory_space<vmem>>) dst(%dma_wait3A_218 : memref<72x128xf32, #tpu.memory_space<vmem_shared>>)
        tpu.yield
      }) : () -> ()
      %mul3A_186 = arith.constant 632 : i32
      %mul3A_187 = arith.muli %arg1, %mul3A_186 : i32
      %add3A_188 = arith.constant 288 : i32
      %add3A_189 = arith.addi %mul3A_187, %add3A_188 : i32
      "tpu.region"() ({
        %run_scoped3A = tpu.sem_alloc : memref<!tpu.dma_semaphore, #tpu.memory_space<semaphore_mem>>
        %dma_start3A_202 = arith.constant 0 : i32
        %dma_start3A_203 = arith.constant 0 : i32
        %dma_start3A_204 = tpu.memref_slice %arg8[%dma_start3A_202, %dma_start3A_203] : memref<80x128xf32, #tpu.memory_space<vmem>> -> memref<72x128xf32, #tpu.memory_space<vmem>>
        %dma_start3A_205 = arith.constant 0 : i32
        %dma_start3A_206 = tpu.memref_slice %arg11[%add3A_189, %dma_start3A_205] : memref<10000x128xf32, #tpu.memory_space<vmem_shared>> -> memref<72x128xf32, #tpu.memory_space<vmem_shared>>
        %dma_start3A_207 = arith.constant 0 : i32
        %dma_start3A_208 = tpu.memref_slice %arg11[%add3A_189, %dma_start3A_207] : memref<10000x128xf32, #tpu.memory_space<vmem_shared>> -> memref<72x128xf32, #tpu.memory_space<vmem_shared>>
        %dma_start3A_209 = arith.constant 0 : i32
        %dma_start3A_210 = arith.constant 0 : i32
        %dma_start3A_211 = tpu.memref_slice %arg8[%dma_start3A_209, %dma_start3A_210] : memref<80x128xf32, #tpu.memory_space<vmem>> -> memref<72x128xf32, #tpu.memory_space<vmem>>
        tpu.enqueue_dma source(%dma_start3A_211 : memref<72x128xf32, #tpu.memory_space<vmem>>) target(%dma_start3A_208 : memref<72x128xf32, #tpu.memory_space<vmem_shared>>) target_semaphore(%run_scoped3A : memref<!tpu.dma_semaphore, #tpu.memory_space<semaphore_mem>>)
        %dma_wait3A_212 = arith.constant 0 : i32
        %dma_wait3A_213 = arith.constant 0 : i32
        %dma_wait3A_214 = tpu.memref_slice %arg8[%dma_wait3A_212, %dma_wait3A_213] : memref<80x128xf32, #tpu.memory_space<vmem>> -> memref<72x128xf32, #tpu.memory_space<vmem>>
        %dma_wait3A_215 = arith.constant 0 : i32
        %dma_wait3A_216 = tpu.memref_slice %arg11[%add3A_189, %dma_wait3A_215] : memref<10000x128xf32, #tpu.memory_space<vmem_shared>> -> memref<72x128xf32, #tpu.memory_space<vmem_shared>>
        %dma_wait3A_217 = arith.constant 0 : i32
        %dma_wait3A_218 = tpu.memref_slice %arg11[%add3A_189, %dma_wait3A_217] : memref<10000x128xf32, #tpu.memory_space<vmem_shared>> -> memref<72x128xf32, #tpu.memory_space<vmem_shared>>
        %dma_wait3A_219 = arith.constant 0 : i32
        %dma_wait3A_220 = arith.constant 0 : i32
        %dma_wait3A_221 = tpu.memref_slice %arg8[%dma_wait3A_219, %dma_wait3A_220] : memref<80x128xf32, #tpu.memory_space<vmem>> -> memref<72x128xf32, #tpu.memory_space<vmem>>
        tpu.wait_dma2 semaphore(%run_scoped3A : memref<!tpu.dma_semaphore, #tpu.memory_space<semaphore_mem>>) src(%dma_wait3A_221 : memref<72x128xf32, #tpu.memory_space<vmem>>) dst(%dma_wait3A_218 : memref<72x128xf32, #tpu.memory_space<vmem_shared>>)
        tpu.yield
      }) : () -> ()
      %mul3A_190 = arith.constant 632 : i32
      %mul3A_191 = arith.muli %arg1, %mul3A_190 : i32
      %add3A_192 = arith.constant 360 : i32
      %add3A_193 = arith.addi %mul3A_191, %add3A_192 : i32
      "tpu.region"() ({
        %run_scoped3A = tpu.sem_alloc : memref<!tpu.dma_semaphore, #tpu.memory_space<semaphore_mem>>
        %dma_start3A_202 = arith.constant 0 : i32
        %dma_start3A_203 = arith.constant 0 : i32
        %dma_start3A_204 = tpu.memref_slice %arg8[%dma_start3A_202, %dma_start3A_203] : memref<80x128xf32, #tpu.memory_space<vmem>> -> memref<72x128xf32, #tpu.memory_space<vmem>>
        %dma_start3A_205 = arith.constant 0 : i32
        %dma_start3A_206 = tpu.memref_slice %arg11[%add3A_193, %dma_start3A_205] : memref<10000x128xf32, #tpu.memory_space<vmem_shared>> -> memref<72x128xf32, #tpu.memory_space<vmem_shared>>
        %dma_start3A_207 = arith.constant 0 : i32
        %dma_start3A_208 = tpu.memref_slice %arg11[%add3A_193, %dma_start3A_207] : memref<10000x128xf32, #tpu.memory_space<vmem_shared>> -> memref<72x128xf32, #tpu.memory_space<vmem_shared>>
        %dma_start3A_209 = arith.constant 0 : i32
        %dma_start3A_210 = arith.constant 0 : i32
        %dma_start3A_211 = tpu.memref_slice %arg8[%dma_start3A_209, %dma_start3A_210] : memref<80x128xf32, #tpu.memory_space<vmem>> -> memref<72x128xf32, #tpu.memory_space<vmem>>
        tpu.enqueue_dma source(%dma_start3A_211 : memref<72x128xf32, #tpu.memory_space<vmem>>) target(%dma_start3A_208 : memref<72x128xf32, #tpu.memory_space<vmem_shared>>) target_semaphore(%run_scoped3A : memref<!tpu.dma_semaphore, #tpu.memory_space<semaphore_mem>>)
        %dma_wait3A_212 = arith.constant 0 : i32
        %dma_wait3A_213 = arith.constant 0 : i32
        %dma_wait3A_214 = tpu.memref_slice %arg8[%dma_wait3A_212, %dma_wait3A_213] : memref<80x128xf32, #tpu.memory_space<vmem>> -> memref<72x128xf32, #tpu.memory_space<vmem>>
        %dma_wait3A_215 = arith.constant 0 : i32
        %dma_wait3A_216 = tpu.memref_slice %arg11[%add3A_193, %dma_wait3A_215] : memref<10000x128xf32, #tpu.memory_space<vmem_shared>> -> memref<72x128xf32, #tpu.memory_space<vmem_shared>>
        %dma_wait3A_217 = arith.constant 0 : i32
        %dma_wait3A_218 = tpu.memref_slice %arg11[%add3A_193, %dma_wait3A_217] : memref<10000x128xf32, #tpu.memory_space<vmem_shared>> -> memref<72x128xf32, #tpu.memory_space<vmem_shared>>
        %dma_wait3A_219 = arith.constant 0 : i32
        %dma_wait3A_220 = arith.constant 0 : i32
        %dma_wait3A_221 = tpu.memref_slice %arg8[%dma_wait3A_219, %dma_wait3A_220] : memref<80x128xf32, #tpu.memory_space<vmem>> -> memref<72x128xf32, #tpu.memory_space<vmem>>
        tpu.wait_dma2 semaphore(%run_scoped3A : memref<!tpu.dma_semaphore, #tpu.memory_space<semaphore_mem>>) src(%dma_wait3A_221 : memref<72x128xf32, #tpu.memory_space<vmem>>) dst(%dma_wait3A_218 : memref<72x128xf32, #tpu.memory_space<vmem_shared>>)
        tpu.yield
      }) : () -> ()
      %mul3A_194 = arith.constant 632 : i32
      %mul3A_195 = arith.muli %arg1, %mul3A_194 : i32
      %add3A_196 = arith.constant 432 : i32
      %add3A_197 = arith.addi %mul3A_195, %add3A_196 : i32
      "tpu.region"() ({
        %run_scoped3A = tpu.sem_alloc : memref<!tpu.dma_semaphore, #tpu.memory_space<semaphore_mem>>
        %dma_start3A_202 = arith.constant 0 : i32
        %dma_start3A_203 = arith.constant 0 : i32
        %dma_start3A_204 = tpu.memref_slice %arg8[%dma_start3A_202, %dma_start3A_203] : memref<80x128xf32, #tpu.memory_space<vmem>> -> memref<72x128xf32, #tpu.memory_space<vmem>>
        %dma_start3A_205 = arith.constant 0 : i32
        %dma_start3A_206 = tpu.memref_slice %arg11[%add3A_197, %dma_start3A_205] : memref<10000x128xf32, #tpu.memory_space<vmem_shared>> -> memref<72x128xf32, #tpu.memory_space<vmem_shared>>
        %dma_start3A_207 = arith.constant 0 : i32
        %dma_start3A_208 = tpu.memref_slice %arg11[%add3A_197, %dma_start3A_207] : memref<10000x128xf32, #tpu.memory_space<vmem_shared>> -> memref<72x128xf32, #tpu.memory_space<vmem_shared>>
        %dma_start3A_209 = arith.constant 0 : i32
        %dma_start3A_210 = arith.constant 0 : i32
        %dma_start3A_211 = tpu.memref_slice %arg8[%dma_start3A_209, %dma_start3A_210] : memref<80x128xf32, #tpu.memory_space<vmem>> -> memref<72x128xf32, #tpu.memory_space<vmem>>
        tpu.enqueue_dma source(%dma_start3A_211 : memref<72x128xf32, #tpu.memory_space<vmem>>) target(%dma_start3A_208 : memref<72x128xf32, #tpu.memory_space<vmem_shared>>) target_semaphore(%run_scoped3A : memref<!tpu.dma_semaphore, #tpu.memory_space<semaphore_mem>>)
        %dma_wait3A_212 = arith.constant 0 : i32
        %dma_wait3A_213 = arith.constant 0 : i32
        %dma_wait3A_214 = tpu.memref_slice %arg8[%dma_wait3A_212, %dma_wait3A_213] : memref<80x128xf32, #tpu.memory_space<vmem>> -> memref<72x128xf32, #tpu.memory_space<vmem>>
        %dma_wait3A_215 = arith.constant 0 : i32
        %dma_wait3A_216 = tpu.memref_slice %arg11[%add3A_197, %dma_wait3A_215] : memref<10000x128xf32, #tpu.memory_space<vmem_shared>> -> memref<72x128xf32, #tpu.memory_space<vmem_shared>>
        %dma_wait3A_217 = arith.constant 0 : i32
        %dma_wait3A_218 = tpu.memref_slice %arg11[%add3A_197, %dma_wait3A_217] : memref<10000x128xf32, #tpu.memory_space<vmem_shared>> -> memref<72x128xf32, #tpu.memory_space<vmem_shared>>
        %dma_wait3A_219 = arith.constant 0 : i32
        %dma_wait3A_220 = arith.constant 0 : i32
        %dma_wait3A_221 = tpu.memref_slice %arg8[%dma_wait3A_219, %dma_wait3A_220] : memref<80x128xf32, #tpu.memory_space<vmem>> -> memref<72x128xf32, #tpu.memory_space<vmem>>
        tpu.wait_dma2 semaphore(%run_scoped3A : memref<!tpu.dma_semaphore, #tpu.memory_space<semaphore_mem>>) src(%dma_wait3A_221 : memref<72x128xf32, #tpu.memory_space<vmem>>) dst(%dma_wait3A_218 : memref<72x128xf32, #tpu.memory_space<vmem_shared>>)
        tpu.yield
      }) : () -> ()
      %mul3A_198 = arith.constant 632 : i32
      %mul3A_199 = arith.muli %arg1, %mul3A_198 : i32
      %add3A_200 = arith.constant 504 : i32
      %add3A_201 = arith.addi %mul3A_199, %add3A_200 : i32
      "tpu.region"() ({
        %run_scoped3A = tpu.sem_alloc : memref<!tpu.dma_semaphore, #tpu.memory_space<semaphore_mem>>
        %dma_start3A_202 = arith.constant 0 : i32
        %dma_start3A_203 = arith.constant 0 : i32
        %dma_start3A_204 = tpu.memref_slice %arg8[%dma_start3A_202, %dma_start3A_203] : memref<80x128xf32, #tpu.memory_space<vmem>> -> memref<16x128xf32, #tpu.memory_space<vmem>>
        %dma_start3A_205 = arith.constant 0 : i32
        %dma_start3A_206 = tpu.memref_slice %arg11[%add3A_201, %dma_start3A_205] : memref<10000x128xf32, #tpu.memory_space<vmem_shared>> -> memref<16x128xf32, #tpu.memory_space<vmem_shared>>
        %dma_start3A_207 = arith.constant 0 : i32
        %dma_start3A_208 = tpu.memref_slice %arg11[%add3A_201, %dma_start3A_207] : memref<10000x128xf32, #tpu.memory_space<vmem_shared>> -> memref<16x128xf32, #tpu.memory_space<vmem_shared>>
        %dma_start3A_209 = arith.constant 0 : i32
        %dma_start3A_210 = arith.constant 0 : i32
        %dma_start3A_211 = tpu.memref_slice %arg8[%dma_start3A_209, %dma_start3A_210] : memref<80x128xf32, #tpu.memory_space<vmem>> -> memref<16x128xf32, #tpu.memory_space<vmem>>
        tpu.enqueue_dma source(%dma_start3A_211 : memref<16x128xf32, #tpu.memory_space<vmem>>) target(%dma_start3A_208 : memref<16x128xf32, #tpu.memory_space<vmem_shared>>) target_semaphore(%run_scoped3A : memref<!tpu.dma_semaphore, #tpu.memory_space<semaphore_mem>>)
        %dma_wait3A_212 = arith.constant 0 : i32
        %dma_wait3A_213 = arith.constant 0 : i32
        %dma_wait3A_214 = tpu.memref_slice %arg8[%dma_wait3A_212, %dma_wait3A_213] : memref<80x128xf32, #tpu.memory_space<vmem>> -> memref<16x128xf32, #tpu.memory_space<vmem>>
        %dma_wait3A_215 = arith.constant 0 : i32
        %dma_wait3A_216 = tpu.memref_slice %arg11[%add3A_201, %dma_wait3A_215] : memref<10000x128xf32, #tpu.memory_space<vmem_shared>> -> memref<16x128xf32, #tpu.memory_space<vmem_shared>>
        %dma_wait3A_217 = arith.constant 0 : i32
        %dma_wait3A_218 = tpu.memref_slice %arg11[%add3A_201, %dma_wait3A_217] : memref<10000x128xf32, #tpu.memory_space<vmem_shared>> -> memref<16x128xf32, #tpu.memory_space<vmem_shared>>
        %dma_wait3A_219 = arith.constant 0 : i32
        %dma_wait3A_220 = arith.constant 0 : i32
        %dma_wait3A_221 = tpu.memref_slice %arg8[%dma_wait3A_219, %dma_wait3A_220] : memref<80x128xf32, #tpu.memory_space<vmem>> -> memref<16x128xf32, #tpu.memory_space<vmem>>
        tpu.wait_dma2 semaphore(%run_scoped3A : memref<!tpu.dma_semaphore, #tpu.memory_space<semaphore_mem>>) src(%dma_wait3A_221 : memref<16x128xf32, #tpu.memory_space<vmem>>) dst(%dma_wait3A_218 : memref<16x128xf32, #tpu.memory_space<vmem_shared>>)
        tpu.yield
      }) : () -> ()
    } else {
    }
    %barrier3A = arith.constant 0 : index
    tpu.barrier barrier_id(%barrier3A)
    "tpu.region"() ({
      %run_scoped3A = tpu.sem_alloc : memref<!tpu.dma_semaphore, #tpu.memory_space<semaphore_mem>>
      %dma_start3A_170 = arith.constant 0 : i32
      %dma_start3A_171 = arith.constant 0 : i32
      %dma_start3A_172 = tpu.memref_slice %arg3[%add3A, %dma_start3A_170, %dma_start3A_171] : memref<32x1x10000xi32, #tpu.memory_space<hbm>> -> memref<1x1x10000xi32, #tpu.memory_space<hbm>>
      %dma_start3A_173 = tpu.memref_squeeze %dma_start3A_172 : memref<1x1x10000xi32, #tpu.memory_space<hbm>> -> memref<1x10000xi32, #tpu.memory_space<hbm>>
      %dma_start3A_174 = arith.constant 0 : i32
      %dma_start3A_175 = arith.constant 0 : i32
      %dma_start3A_176 = tpu.memref_slice %arg3[%add3A, %dma_start3A_174, %dma_start3A_175] : memref<32x1x10000xi32, #tpu.memory_space<hbm>> -> memref<1x1x10000xi32, #tpu.memory_space<hbm>>
      %dma_start3A_177 = tpu.memref_squeeze %dma_start3A_176 : memref<1x1x10000xi32, #tpu.memory_space<hbm>> -> memref<1x10000xi32, #tpu.memory_space<hbm>>
      tpu.enqueue_dma source(%dma_start3A_177 : memref<1x10000xi32, #tpu.memory_space<hbm>>) target(%arg6 : memref<1x10000xi32, #tpu.memory_space<vmem>>) target_semaphore(%run_scoped3A : memref<!tpu.dma_semaphore, #tpu.memory_space<semaphore_mem>>)
      %dma_wait3A_178 = arith.constant 0 : i32
      %dma_wait3A_179 = arith.constant 0 : i32
      %dma_wait3A_180 = tpu.memref_slice %arg3[%add3A, %dma_wait3A_178, %dma_wait3A_179] : memref<32x1x10000xi32, #tpu.memory_space<hbm>> -> memref<1x1x10000xi32, #tpu.memory_space<hbm>>
      %dma_wait3A_181 = tpu.memref_squeeze %dma_wait3A_180 : memref<1x1x10000xi32, #tpu.memory_space<hbm>> -> memref<1x10000xi32, #tpu.memory_space<hbm>>
      %dma_wait3A_182 = arith.constant 0 : i32
      %dma_wait3A_183 = arith.constant 0 : i32
      %dma_wait3A_184 = tpu.memref_slice %arg3[%add3A, %dma_wait3A_182, %dma_wait3A_183] : memref<32x1x10000xi32, #tpu.memory_space<hbm>> -> memref<1x1x10000xi32, #tpu.memory_space<hbm>>
      %dma_wait3A_185 = tpu.memref_squeeze %dma_wait3A_184 : memref<1x1x10000xi32, #tpu.memory_space<hbm>> -> memref<1x10000xi32, #tpu.memory_space<hbm>>
      tpu.wait_dma2 semaphore(%run_scoped3A : memref<!tpu.dma_semaphore, #tpu.memory_space<semaphore_mem>>) src(%dma_wait3A_185 : memref<1x10000xi32, #tpu.memory_space<hbm>>) dst(%arg6 : memref<1x10000xi32, #tpu.memory_space<vmem>>)
      tpu.yield
    }) : () -> ()
    "tpu.region"() ({
      %run_scoped3A = tpu.sem_alloc : memref<!tpu.dma_semaphore, #tpu.memory_space<semaphore_mem>>
      %dma_start3A_170 = arith.constant 0 : i32
      %dma_start3A_171 = arith.constant 0 : i32
      %dma_start3A_172 = tpu.memref_slice %arg4[%add3A, %dma_start3A_170, %dma_start3A_171] : memref<32x125x80xi32, #tpu.memory_space<hbm>> -> memref<1x125x80xi32, #tpu.memory_space<hbm>>
      %dma_start3A_173 = tpu.memref_squeeze %dma_start3A_172 : memref<1x125x80xi32, #tpu.memory_space<hbm>> -> memref<125x80xi32, #tpu.memory_space<hbm>>
      %dma_start3A_174 = arith.constant 0 : i32
      %dma_start3A_175 = arith.constant 0 : i32
      %dma_start3A_176 = tpu.memref_slice %arg4[%add3A, %dma_start3A_174, %dma_start3A_175] : memref<32x125x80xi32, #tpu.memory_space<hbm>> -> memref<1x125x80xi32, #tpu.memory_space<hbm>>
      %dma_start3A_177 = tpu.memref_squeeze %dma_start3A_176 : memref<1x125x80xi32, #tpu.memory_space<hbm>> -> memref<125x80xi32, #tpu.memory_space<hbm>>
      tpu.enqueue_dma source(%dma_start3A_177 : memref<125x80xi32, #tpu.memory_space<hbm>>) target(%arg7 : memref<125x80xi32, #tpu.memory_space<vmem>>) target_semaphore(%run_scoped3A : memref<!tpu.dma_semaphore, #tpu.memory_space<semaphore_mem>>)
      %dma_wait3A_178 = arith.constant 0 : i32
      %dma_wait3A_179 = arith.constant 0 : i32
      %dma_wait3A_180 = tpu.memref_slice %arg4[%add3A, %dma_wait3A_178, %dma_wait3A_179] : memref<32x125x80xi32, #tpu.memory_space<hbm>> -> memref<1x125x80xi32, #tpu.memory_space<hbm>>
      %dma_wait3A_181 = tpu.memref_squeeze %dma_wait3A_180 : memref<1x125x80xi32, #tpu.memory_space<hbm>> -> memref<125x80xi32, #tpu.memory_space<hbm>>
      %dma_wait3A_182 = arith.constant 0 : i32
      %dma_wait3A_183 = arith.constant 0 : i32
      %dma_wait3A_184 = tpu.memref_slice %arg4[%add3A, %dma_wait3A_182, %dma_wait3A_183] : memref<32x125x80xi32, #tpu.memory_space<hbm>> -> memref<1x125x80xi32, #tpu.memory_space<hbm>>
      %dma_wait3A_185 = tpu.memref_squeeze %dma_wait3A_184 : memref<1x125x80xi32, #tpu.memory_space<hbm>> -> memref<125x80xi32, #tpu.memory_space<hbm>>
      tpu.wait_dma2 semaphore(%run_scoped3A : memref<!tpu.dma_semaphore, #tpu.memory_space<semaphore_mem>>) src(%dma_wait3A_185 : memref<125x80xi32, #tpu.memory_space<hbm>>) dst(%arg7 : memref<125x80xi32, #tpu.memory_space<vmem>>)
      tpu.yield
    }) : () -> ()
    %dma_start3A = arith.constant 0 : i32
    %dma_start3A_14 = arith.constant 0 : i32
    %dma_start3A_15 = tpu.memref_slice %arg6[%dma_start3A, %dma_start3A_14] : memref<1x10000xi32, #tpu.memory_space<vmem>> -> memref<1x80xi32, #tpu.memory_space<vmem>>
    %dma_start3A_16 = tpu.memref_squeeze %dma_start3A_15 : memref<1x80xi32, #tpu.memory_space<vmem>> -> memref<80xi32, #tpu.memory_space<vmem>>
    %dma_start3A_17 = arith.constant 0 : i32
    %dma_start3A_18 = arith.constant 0 : i32
    %dma_start3A_19 = tpu.memref_slice %arg2[%dma_start3A_17, %dma_start3A_18] : memref<10000x128xf32, #tpu.memory_space<hbm>> -> memref<10000x128xf32, #tpu.memory_space<hbm>>
    tpu.enqueue_indirect_dma source(%dma_start3A_19 : memref<10000x128xf32, #tpu.memory_space<hbm>>) target(%arg8 : memref<80x128xf32, #tpu.memory_space<vmem>>) offsets(%dma_start3A_16 : memref<80xi32, #tpu.memory_space<vmem>>) semaphore(%arg12 : memref<!tpu.dma_semaphore, #tpu.memory_space<semaphore_mem>>)
    %dma_start3A_20 = arith.constant 0 : i32
    %dma_start3A_21 = arith.constant 80 : i32
    %dma_start3A_22 = tpu.memref_slice %arg6[%dma_start3A_20, %dma_start3A_21] : memref<1x10000xi32, #tpu.memory_space<vmem>> -> memref<1x80xi32, #tpu.memory_space<vmem>>
    %dma_start3A_23 = tpu.memref_squeeze %dma_start3A_22 : memref<1x80xi32, #tpu.memory_space<vmem>> -> memref<80xi32, #tpu.memory_space<vmem>>
    %dma_start3A_24 = arith.constant 0 : i32
    %dma_start3A_25 = arith.constant 0 : i32
    %dma_start3A_26 = tpu.memref_slice %arg2[%dma_start3A_24, %dma_start3A_25] : memref<10000x128xf32, #tpu.memory_space<hbm>> -> memref<10000x128xf32, #tpu.memory_space<hbm>>
    tpu.enqueue_indirect_dma source(%dma_start3A_26 : memref<10000x128xf32, #tpu.memory_space<hbm>>) target(%arg9 : memref<80x128xf32, #tpu.memory_space<vmem>>) offsets(%dma_start3A_23 : memref<80xi32, #tpu.memory_space<vmem>>) semaphore(%arg13 : memref<!tpu.dma_semaphore, #tpu.memory_space<semaphore_mem>>)
    %dma_start3A_27 = arith.constant 0 : i32
    %dma_start3A_28 = arith.constant 160 : i32
    %dma_start3A_29 = tpu.memref_slice %arg6[%dma_start3A_27, %dma_start3A_28] : memref<1x10000xi32, #tpu.memory_space<vmem>> -> memref<1x80xi32, #tpu.memory_space<vmem>>
    %dma_start3A_30 = tpu.memref_squeeze %dma_start3A_29 : memref<1x80xi32, #tpu.memory_space<vmem>> -> memref<80xi32, #tpu.memory_space<vmem>>
    %dma_start3A_31 = arith.constant 0 : i32
    %dma_start3A_32 = arith.constant 0 : i32
    %dma_start3A_33 = tpu.memref_slice %arg2[%dma_start3A_31, %dma_start3A_32] : memref<10000x128xf32, #tpu.memory_space<hbm>> -> memref<10000x128xf32, #tpu.memory_space<hbm>>
    tpu.enqueue_indirect_dma source(%dma_start3A_33 : memref<10000x128xf32, #tpu.memory_space<hbm>>) target(%arg10 : memref<80x128xf32, #tpu.memory_space<vmem>>) offsets(%dma_start3A_30 : memref<80xi32, #tpu.memory_space<vmem>>) semaphore(%arg14 : memref<!tpu.dma_semaphore, #tpu.memory_space<semaphore_mem>>)
    %dma_wait3A = arith.constant 0 : i32
    %dma_wait3A_34 = arith.constant 0 : i32
    %dma_wait3A_35 = tpu.memref_slice %arg6[%dma_wait3A, %dma_wait3A_34] : memref<1x10000xi32, #tpu.memory_space<vmem>> -> memref<1x80xi32, #tpu.memory_space<vmem>>
    %dma_wait3A_36 = tpu.memref_squeeze %dma_wait3A_35 : memref<1x80xi32, #tpu.memory_space<vmem>> -> memref<80xi32, #tpu.memory_space<vmem>>
    %dma_wait3A_37 = arith.constant 0 : i32
    %dma_wait3A_38 = arith.constant 0 : i32
    %dma_wait3A_39 = tpu.memref_slice %arg2[%dma_wait3A_37, %dma_wait3A_38] : memref<10000x128xf32, #tpu.memory_space<hbm>> -> memref<10000x128xf32, #tpu.memory_space<hbm>>
    tpu.wait_indirect_dma semaphore(%arg12 : memref<!tpu.dma_semaphore, #tpu.memory_space<semaphore_mem>>) src(%dma_wait3A_39 : memref<10000x128xf32, #tpu.memory_space<hbm>>) dst(%arg8 : memref<80x128xf32, #tpu.memory_space<vmem>>)
    %dma_start3A_40 = arith.constant 0 : i32
    %dma_start3A_41 = arith.constant 0 : i32
    %dma_start3A_42 = tpu.memref_slice %arg7[%dma_start3A_40, %dma_start3A_41] : memref<125x80xi32, #tpu.memory_space<vmem>> -> memref<1x80xi32, #tpu.memory_space<vmem>>
    %dma_start3A_43 = tpu.memref_squeeze %dma_start3A_42 : memref<1x80xi32, #tpu.memory_space<vmem>> -> memref<80xi32, #tpu.memory_space<vmem>>
    %dma_start3A_44 = arith.constant 0 : i32
    %dma_start3A_45 = arith.constant 0 : i32
    %dma_start3A_46 = tpu.memref_slice %arg11[%dma_start3A_44, %dma_start3A_45] : memref<10000x128xf32, #tpu.memory_space<vmem_shared>> -> memref<10000x128xf32, #tpu.memory_space<vmem_shared>>
    tpu.enqueue_indirect_dma source(%arg8 : memref<80x128xf32, #tpu.memory_space<vmem>>) target(%dma_start3A_46 : memref<10000x128xf32, #tpu.memory_space<vmem_shared>>) offsets(%dma_start3A_43 : memref<80xi32, #tpu.memory_space<vmem>>) semaphore(%arg15 : memref<!tpu.dma_semaphore, #tpu.memory_space<semaphore_mem>>) {add = true}
    %scan3A_47 = arith.constant 0 : i32
    %scan3A_48 = arith.constant 0 : i32
    %scan3A_49 = arith.constant 40 : i32
    %scan3A_50 = arith.addi %scan3A_48, %scan3A_49 : i32
    %scan3A_51 = arith.constant 1 : i32
    %scan3A_52 = scf.for %scan3A_170 = %scan3A_48 to %scan3A_50 step %scan3A_51 iter_args(%scan3A_171 = %scan3A_47) -> (i32)  : i32 {
      %mul3A_172 = arith.constant 3 : i32
      %mul3A_173 = arith.muli %scan3A_170, %mul3A_172 : i32
      %add3A_174 = arith.constant 1 : i32
      %add3A_175 = arith.addi %mul3A_173, %add3A_174 : i32
      %add3A_176 = arith.constant 0 : i32
      %add3A_177 = arith.addi %add3A_175, %add3A_176 : i32
      %dma_wait3A_178 = arith.constant 0 : i32
      %dma_wait3A_179 = arith.constant 0 : i32
      %dma_wait3A_180 = tpu.memref_slice %arg7[%dma_wait3A_178, %dma_wait3A_179] : memref<125x80xi32, #tpu.memory_space<vmem>> -> memref<1x80xi32, #tpu.memory_space<vmem>>
      %dma_wait3A_181 = tpu.memref_squeeze %dma_wait3A_180 : memref<1x80xi32, #tpu.memory_space<vmem>> -> memref<80xi32, #tpu.memory_space<vmem>>
      %dma_wait3A_182 = arith.constant 0 : i32
      %dma_wait3A_183 = arith.constant 0 : i32
      %dma_wait3A_184 = tpu.memref_slice %arg11[%dma_wait3A_182, %dma_wait3A_183] : memref<10000x128xf32, #tpu.memory_space<vmem_shared>> -> memref<10000x128xf32, #tpu.memory_space<vmem_shared>>
      tpu.wait_indirect_dma semaphore(%arg15 : memref<!tpu.dma_semaphore, #tpu.memory_space<semaphore_mem>>) src(%arg8 : memref<80x128xf32, #tpu.memory_space<vmem>>) dst(%dma_wait3A_184 : memref<10000x128xf32, #tpu.memory_space<vmem_shared>>)
      %add3A_185 = arith.constant 2 : i32
      %add3A_186 = arith.addi %add3A_177, %add3A_185 : i32
      %mul3A_187 = arith.constant 80 : i32
      %mul3A_188 = arith.muli %add3A_186, %mul3A_187 : i32
      %dma_start3A_189 = arith.constant 0 : i32
      %dma_start3A_190 = tpu.memref_slice %arg6[%dma_start3A_189, %mul3A_188] : memref<1x10000xi32, #tpu.memory_space<vmem>> -> memref<1x80xi32, #tpu.memory_space<vmem>>
      %dma_start3A_191 = tpu.memref_squeeze %dma_start3A_190 : memref<1x80xi32, #tpu.memory_space<vmem>> -> memref<80xi32, #tpu.memory_space<vmem>>
      %dma_start3A_192 = arith.constant 0 : i32
      %dma_start3A_193 = arith.constant 0 : i32
      %dma_start3A_194 = tpu.memref_slice %arg2[%dma_start3A_192, %dma_start3A_193] : memref<10000x128xf32, #tpu.memory_space<hbm>> -> memref<10000x128xf32, #tpu.memory_space<hbm>>
      tpu.enqueue_indirect_dma source(%dma_start3A_194 : memref<10000x128xf32, #tpu.memory_space<hbm>>) target(%arg8 : memref<80x128xf32, #tpu.memory_space<vmem>>) offsets(%dma_start3A_191 : memref<80xi32, #tpu.memory_space<vmem>>) semaphore(%arg12 : memref<!tpu.dma_semaphore, #tpu.memory_space<semaphore_mem>>)
      %mul3A_195 = arith.constant 80 : i32
      %mul3A_196 = arith.muli %add3A_177, %mul3A_195 : i32
      %dma_wait3A_197 = arith.constant 0 : i32
      %dma_wait3A_198 = tpu.memref_slice %arg6[%dma_wait3A_197, %mul3A_196] : memref<1x10000xi32, #tpu.memory_space<vmem>> -> memref<1x80xi32, #tpu.memory_space<vmem>>
      %dma_wait3A_199 = tpu.memref_squeeze %dma_wait3A_198 : memref<1x80xi32, #tpu.memory_space<vmem>> -> memref<80xi32, #tpu.memory_space<vmem>>
      %dma_wait3A_200 = arith.constant 0 : i32
      %dma_wait3A_201 = arith.constant 0 : i32
      %dma_wait3A_202 = tpu.memref_slice %arg2[%dma_wait3A_200, %dma_wait3A_201] : memref<10000x128xf32, #tpu.memory_space<hbm>> -> memref<10000x128xf32, #tpu.memory_space<hbm>>
      tpu.wait_indirect_dma semaphore(%arg13 : memref<!tpu.dma_semaphore, #tpu.memory_space<semaphore_mem>>) src(%dma_wait3A_202 : memref<10000x128xf32, #tpu.memory_space<hbm>>) dst(%arg9 : memref<80x128xf32, #tpu.memory_space<vmem>>)
      %dma_start3A_203 = arith.constant 0 : i32
      %dma_start3A_204 = tpu.memref_slice %arg7[%add3A_177, %dma_start3A_203] : memref<125x80xi32, #tpu.memory_space<vmem>> -> memref<1x80xi32, #tpu.memory_space<vmem>>
      %dma_start3A_205 = tpu.memref_squeeze %dma_start3A_204 : memref<1x80xi32, #tpu.memory_space<vmem>> -> memref<80xi32, #tpu.memory_space<vmem>>
      %dma_start3A_206 = arith.constant 0 : i32
      %dma_start3A_207 = arith.constant 0 : i32
      %dma_start3A_208 = tpu.memref_slice %arg11[%dma_start3A_206, %dma_start3A_207] : memref<10000x128xf32, #tpu.memory_space<vmem_shared>> -> memref<10000x128xf32, #tpu.memory_space<vmem_shared>>
      tpu.enqueue_indirect_dma source(%arg9 : memref<80x128xf32, #tpu.memory_space<vmem>>) target(%dma_start3A_208 : memref<10000x128xf32, #tpu.memory_space<vmem_shared>>) offsets(%dma_start3A_205 : memref<80xi32, #tpu.memory_space<vmem>>) semaphore(%arg16 : memref<!tpu.dma_semaphore, #tpu.memory_space<semaphore_mem>>) {add = true}
      %add3A_209 = arith.constant 1 : i32
      %add3A_210 = arith.addi %mul3A_173, %add3A_209 : i32
      %add3A_211 = arith.constant 1 : i32
      %add3A_212 = arith.addi %add3A_210, %add3A_211 : i32
      %dma_wait3A_213 = arith.constant 0 : i32
      %dma_wait3A_214 = arith.constant 0 : i32
      %dma_wait3A_215 = tpu.memref_slice %arg7[%dma_wait3A_213, %dma_wait3A_214] : memref<125x80xi32, #tpu.memory_space<vmem>> -> memref<1x80xi32, #tpu.memory_space<vmem>>
      %dma_wait3A_216 = tpu.memref_squeeze %dma_wait3A_215 : memref<1x80xi32, #tpu.memory_space<vmem>> -> memref<80xi32, #tpu.memory_space<vmem>>
      %dma_wait3A_217 = arith.constant 0 : i32
      %dma_wait3A_218 = arith.constant 0 : i32
      %dma_wait3A_219 = tpu.memref_slice %arg11[%dma_wait3A_217, %dma_wait3A_218] : memref<10000x128xf32, #tpu.memory_space<vmem_shared>> -> memref<10000x128xf32, #tpu.memory_space<vmem_shared>>
      tpu.wait_indirect_dma semaphore(%arg16 : memref<!tpu.dma_semaphore, #tpu.memory_space<semaphore_mem>>) src(%arg9 : memref<80x128xf32, #tpu.memory_space<vmem>>) dst(%dma_wait3A_219 : memref<10000x128xf32, #tpu.memory_space<vmem_shared>>)
      %add3A_220 = arith.constant 2 : i32
      %add3A_221 = arith.addi %add3A_212, %add3A_220 : i32
      %mul3A_222 = arith.constant 80 : i32
      %mul3A_223 = arith.muli %add3A_221, %mul3A_222 : i32
      %dma_start3A_224 = arith.constant 0 : i32
      %dma_start3A_225 = tpu.memref_slice %arg6[%dma_start3A_224, %mul3A_223] : memref<1x10000xi32, #tpu.memory_space<vmem>> -> memref<1x80xi32, #tpu.memory_space<vmem>>
      %dma_start3A_226 = tpu.memref_squeeze %dma_start3A_225 : memref<1x80xi32, #tpu.memory_space<vmem>> -> memref<80xi32, #tpu.memory_space<vmem>>
      %dma_start3A_227 = arith.constant 0 : i32
      %dma_start3A_228 = arith.constant 0 : i32
      %dma_start3A_229 = tpu.memref_slice %arg2[%dma_start3A_227, %dma_start3A_228] : memref<10000x128xf32, #tpu.memory_space<hbm>> -> memref<10000x128xf32, #tpu.memory_space<hbm>>
      tpu.enqueue_indirect_dma source(%dma_start3A_229 : memref<10000x128xf32, #tpu.memory_space<hbm>>) target(%arg9 : memref<80x128xf32, #tpu.memory_space<vmem>>) offsets(%dma_start3A_226 : memref<80xi32, #tpu.memory_space<vmem>>) semaphore(%arg13 : memref<!tpu.dma_semaphore, #tpu.memory_space<semaphore_mem>>)
      %mul3A_230 = arith.constant 80 : i32
      %mul3A_231 = arith.muli %add3A_212, %mul3A_230 : i32
      %dma_wait3A_232 = arith.constant 0 : i32
      %dma_wait3A_233 = tpu.memref_slice %arg6[%dma_wait3A_232, %mul3A_231] : memref<1x10000xi32, #tpu.memory_space<vmem>> -> memref<1x80xi32, #tpu.memory_space<vmem>>
      %dma_wait3A_234 = tpu.memref_squeeze %dma_wait3A_233 : memref<1x80xi32, #tpu.memory_space<vmem>> -> memref<80xi32, #tpu.memory_space<vmem>>
      %dma_wait3A_235 = arith.constant 0 : i32
      %dma_wait3A_236 = arith.constant 0 : i32
      %dma_wait3A_237 = tpu.memref_slice %arg2[%dma_wait3A_235, %dma_wait3A_236] : memref<10000x128xf32, #tpu.memory_space<hbm>> -> memref<10000x128xf32, #tpu.memory_space<hbm>>
      tpu.wait_indirect_dma semaphore(%arg14 : memref<!tpu.dma_semaphore, #tpu.memory_space<semaphore_mem>>) src(%dma_wait3A_237 : memref<10000x128xf32, #tpu.memory_space<hbm>>) dst(%arg10 : memref<80x128xf32, #tpu.memory_space<vmem>>)
      %dma_start3A_238 = arith.constant 0 : i32
      %dma_start3A_239 = tpu.memref_slice %arg7[%add3A_212, %dma_start3A_238] : memref<125x80xi32, #tpu.memory_space<vmem>> -> memref<1x80xi32, #tpu.memory_space<vmem>>
      %dma_start3A_240 = tpu.memref_squeeze %dma_start3A_239 : memref<1x80xi32, #tpu.memory_space<vmem>> -> memref<80xi32, #tpu.memory_space<vmem>>
      %dma_start3A_241 = arith.constant 0 : i32
      %dma_start3A_242 = arith.constant 0 : i32
      %dma_start3A_243 = tpu.memref_slice %arg11[%dma_start3A_241, %dma_start3A_242] : memref<10000x128xf32, #tpu.memory_space<vmem_shared>> -> memref<10000x128xf32, #tpu.memory_space<vmem_shared>>
      tpu.enqueue_indirect_dma source(%arg10 : memref<80x128xf32, #tpu.memory_space<vmem>>) target(%dma_start3A_243 : memref<10000x128xf32, #tpu.memory_space<vmem_shared>>) offsets(%dma_start3A_240 : memref<80xi32, #tpu.memory_space<vmem>>) semaphore(%arg17 : memref<!tpu.dma_semaphore, #tpu.memory_space<semaphore_mem>>) {add = true}
      %add3A_244 = arith.constant 1 : i32
      %add3A_245 = arith.addi %mul3A_173, %add3A_244 : i32
      %add3A_246 = arith.constant 2 : i32
      %add3A_247 = arith.addi %add3A_245, %add3A_246 : i32
      %dma_wait3A_248 = arith.constant 0 : i32
      %dma_wait3A_249 = arith.constant 0 : i32
      %dma_wait3A_250 = tpu.memref_slice %arg7[%dma_wait3A_248, %dma_wait3A_249] : memref<125x80xi32, #tpu.memory_space<vmem>> -> memref<1x80xi32, #tpu.memory_space<vmem>>
      %dma_wait3A_251 = tpu.memref_squeeze %dma_wait3A_250 : memref<1x80xi32, #tpu.memory_space<vmem>> -> memref<80xi32, #tpu.memory_space<vmem>>
      %dma_wait3A_252 = arith.constant 0 : i32
      %dma_wait3A_253 = arith.constant 0 : i32
      %dma_wait3A_254 = tpu.memref_slice %arg11[%dma_wait3A_252, %dma_wait3A_253] : memref<10000x128xf32, #tpu.memory_space<vmem_shared>> -> memref<10000x128xf32, #tpu.memory_space<vmem_shared>>
      tpu.wait_indirect_dma semaphore(%arg17 : memref<!tpu.dma_semaphore, #tpu.memory_space<semaphore_mem>>) src(%arg10 : memref<80x128xf32, #tpu.memory_space<vmem>>) dst(%dma_wait3A_254 : memref<10000x128xf32, #tpu.memory_space<vmem_shared>>)
      %add3A_255 = arith.constant 2 : i32
      %add3A_256 = arith.addi %add3A_247, %add3A_255 : i32
      %mul3A_257 = arith.constant 80 : i32
      %mul3A_258 = arith.muli %add3A_256, %mul3A_257 : i32
      %dma_start3A_259 = arith.constant 0 : i32
      %dma_start3A_260 = tpu.memref_slice %arg6[%dma_start3A_259, %mul3A_258] : memref<1x10000xi32, #tpu.memory_space<vmem>> -> memref<1x80xi32, #tpu.memory_space<vmem>>
      %dma_start3A_261 = tpu.memref_squeeze %dma_start3A_260 : memref<1x80xi32, #tpu.memory_space<vmem>> -> memref<80xi32, #tpu.memory_space<vmem>>
      %dma_start3A_262 = arith.constant 0 : i32
      %dma_start3A_263 = arith.constant 0 : i32
      %dma_start3A_264 = tpu.memref_slice %arg2[%dma_start3A_262, %dma_start3A_263] : memref<10000x128xf32, #tpu.memory_space<hbm>> -> memref<10000x128xf32, #tpu.memory_space<hbm>>
      tpu.enqueue_indirect_dma source(%dma_start3A_264 : memref<10000x128xf32, #tpu.memory_space<hbm>>) target(%arg10 : memref<80x128xf32, #tpu.memory_space<vmem>>) offsets(%dma_start3A_261 : memref<80xi32, #tpu.memory_space<vmem>>) semaphore(%arg14 : memref<!tpu.dma_semaphore, #tpu.memory_space<semaphore_mem>>)
      %mul3A_265 = arith.constant 80 : i32
      %mul3A_266 = arith.muli %add3A_247, %mul3A_265 : i32
      %dma_wait3A_267 = arith.constant 0 : i32
      %dma_wait3A_268 = tpu.memref_slice %arg6[%dma_wait3A_267, %mul3A_266] : memref<1x10000xi32, #tpu.memory_space<vmem>> -> memref<1x80xi32, #tpu.memory_space<vmem>>
      %dma_wait3A_269 = tpu.memref_squeeze %dma_wait3A_268 : memref<1x80xi32, #tpu.memory_space<vmem>> -> memref<80xi32, #tpu.memory_space<vmem>>
      %dma_wait3A_270 = arith.constant 0 : i32
      %dma_wait3A_271 = arith.constant 0 : i32
      %dma_wait3A_272 = tpu.memref_slice %arg2[%dma_wait3A_270, %dma_wait3A_271] : memref<10000x128xf32, #tpu.memory_space<hbm>> -> memref<10000x128xf32, #tpu.memory_space<hbm>>
      tpu.wait_indirect_dma semaphore(%arg12 : memref<!tpu.dma_semaphore, #tpu.memory_space<semaphore_mem>>) src(%dma_wait3A_272 : memref<10000x128xf32, #tpu.memory_space<hbm>>) dst(%arg8 : memref<80x128xf32, #tpu.memory_space<vmem>>)
      %dma_start3A_273 = arith.constant 0 : i32
      %dma_start3A_274 = tpu.memref_slice %arg7[%add3A_247, %dma_start3A_273] : memref<125x80xi32, #tpu.memory_space<vmem>> -> memref<1x80xi32, #tpu.memory_space<vmem>>
      %dma_start3A_275 = tpu.memref_squeeze %dma_start3A_274 : memref<1x80xi32, #tpu.memory_space<vmem>> -> memref<80xi32, #tpu.memory_space<vmem>>
      %dma_start3A_276 = arith.constant 0 : i32
      %dma_start3A_277 = arith.constant 0 : i32
      %dma_start3A_278 = tpu.memref_slice %arg11[%dma_start3A_276, %dma_start3A_277] : memref<10000x128xf32, #tpu.memory_space<vmem_shared>> -> memref<10000x128xf32, #tpu.memory_space<vmem_shared>>
      tpu.enqueue_indirect_dma source(%arg8 : memref<80x128xf32, #tpu.memory_space<vmem>>) target(%dma_start3A_278 : memref<10000x128xf32, #tpu.memory_space<vmem_shared>>) offsets(%dma_start3A_275 : memref<80xi32, #tpu.memory_space<vmem>>) semaphore(%arg15 : memref<!tpu.dma_semaphore, #tpu.memory_space<semaphore_mem>>) {add = true}
      %scan3A_279 = arith.constant 0 : i32
      scf.yield %scan3A_279 : i32
    }
    %scan3A_53 = arith.constant 40 : i32
    %dma_wait3A_54 = arith.constant 0 : i32
    %dma_wait3A_55 = arith.constant 0 : i32
    %dma_wait3A_56 = tpu.memref_slice %arg7[%dma_wait3A_54, %dma_wait3A_55] : memref<125x80xi32, #tpu.memory_space<vmem>> -> memref<1x80xi32, #tpu.memory_space<vmem>>
    %dma_wait3A_57 = tpu.memref_squeeze %dma_wait3A_56 : memref<1x80xi32, #tpu.memory_space<vmem>> -> memref<80xi32, #tpu.memory_space<vmem>>
    %dma_wait3A_58 = arith.constant 0 : i32
    %dma_wait3A_59 = arith.constant 0 : i32
    %dma_wait3A_60 = tpu.memref_slice %arg11[%dma_wait3A_58, %dma_wait3A_59] : memref<10000x128xf32, #tpu.memory_space<vmem_shared>> -> memref<10000x128xf32, #tpu.memory_space<vmem_shared>>
    tpu.wait_indirect_dma semaphore(%arg15 : memref<!tpu.dma_semaphore, #tpu.memory_space<semaphore_mem>>) src(%arg8 : memref<80x128xf32, #tpu.memory_space<vmem>>) dst(%dma_wait3A_60 : memref<10000x128xf32, #tpu.memory_space<vmem_shared>>)
    %dma_start3A_61 = arith.constant 0 : i32
    %dma_start3A_62 = arith.constant 9840 : i32
    %dma_start3A_63 = tpu.memref_slice %arg6[%dma_start3A_61, %dma_start3A_62] : memref<1x10000xi32, #tpu.memory_space<vmem>> -> memref<1x80xi32, #tpu.memory_space<vmem>>
    %dma_start3A_64 = tpu.memref_squeeze %dma_start3A_63 : memref<1x80xi32, #tpu.memory_space<vmem>> -> memref<80xi32, #tpu.memory_space<vmem>>
    %dma_start3A_65 = arith.constant 0 : i32
    %dma_start3A_66 = arith.constant 0 : i32
    %dma_start3A_67 = tpu.memref_slice %arg2[%dma_start3A_65, %dma_start3A_66] : memref<10000x128xf32, #tpu.memory_space<hbm>> -> memref<10000x128xf32, #tpu.memory_space<hbm>>
    tpu.enqueue_indirect_dma source(%dma_start3A_67 : memref<10000x128xf32, #tpu.memory_space<hbm>>) target(%arg8 : memref<80x128xf32, #tpu.memory_space<vmem>>) offsets(%dma_start3A_64 : memref<80xi32, #tpu.memory_space<vmem>>) semaphore(%arg12 : memref<!tpu.dma_semaphore, #tpu.memory_space<semaphore_mem>>)
    %dma_wait3A_68 = arith.constant 0 : i32
    %dma_wait3A_69 = arith.constant 9680 : i32
    %dma_wait3A_70 = tpu.memref_slice %arg6[%dma_wait3A_68, %dma_wait3A_69] : memref<1x10000xi32, #tpu.memory_space<vmem>> -> memref<1x80xi32, #tpu.memory_space<vmem>>
    %dma_wait3A_71 = tpu.memref_squeeze %dma_wait3A_70 : memref<1x80xi32, #tpu.memory_space<vmem>> -> memref<80xi32, #tpu.memory_space<vmem>>
    %dma_wait3A_72 = arith.constant 0 : i32
    %dma_wait3A_73 = arith.constant 0 : i32
    %dma_wait3A_74 = tpu.memref_slice %arg2[%dma_wait3A_72, %dma_wait3A_73] : memref<10000x128xf32, #tpu.memory_space<hbm>> -> memref<10000x128xf32, #tpu.memory_space<hbm>>
    tpu.wait_indirect_dma semaphore(%arg13 : memref<!tpu.dma_semaphore, #tpu.memory_space<semaphore_mem>>) src(%dma_wait3A_74 : memref<10000x128xf32, #tpu.memory_space<hbm>>) dst(%arg9 : memref<80x128xf32, #tpu.memory_space<vmem>>)
    %dma_start3A_75 = arith.constant 121 : i32
    %dma_start3A_76 = arith.constant 0 : i32
    %dma_start3A_77 = tpu.memref_slice %arg7[%dma_start3A_75, %dma_start3A_76] : memref<125x80xi32, #tpu.memory_space<vmem>> -> memref<1x80xi32, #tpu.memory_space<vmem>>
    %dma_start3A_78 = tpu.memref_squeeze %dma_start3A_77 : memref<1x80xi32, #tpu.memory_space<vmem>> -> memref<80xi32, #tpu.memory_space<vmem>>
    %dma_start3A_79 = arith.constant 0 : i32
    %dma_start3A_80 = arith.constant 0 : i32
    %dma_start3A_81 = tpu.memref_slice %arg11[%dma_start3A_79, %dma_start3A_80] : memref<10000x128xf32, #tpu.memory_space<vmem_shared>> -> memref<10000x128xf32, #tpu.memory_space<vmem_shared>>
    tpu.enqueue_indirect_dma source(%arg9 : memref<80x128xf32, #tpu.memory_space<vmem>>) target(%dma_start3A_81 : memref<10000x128xf32, #tpu.memory_space<vmem_shared>>) offsets(%dma_start3A_78 : memref<80xi32, #tpu.memory_space<vmem>>) semaphore(%arg16 : memref<!tpu.dma_semaphore, #tpu.memory_space<semaphore_mem>>) {add = true}
    %dma_wait3A_82 = arith.constant 0 : i32
    %dma_wait3A_83 = arith.constant 0 : i32
    %dma_wait3A_84 = tpu.memref_slice %arg7[%dma_wait3A_82, %dma_wait3A_83] : memref<125x80xi32, #tpu.memory_space<vmem>> -> memref<1x80xi32, #tpu.memory_space<vmem>>
    %dma_wait3A_85 = tpu.memref_squeeze %dma_wait3A_84 : memref<1x80xi32, #tpu.memory_space<vmem>> -> memref<80xi32, #tpu.memory_space<vmem>>
    %dma_wait3A_86 = arith.constant 0 : i32
    %dma_wait3A_87 = arith.constant 0 : i32
    %dma_wait3A_88 = tpu.memref_slice %arg11[%dma_wait3A_86, %dma_wait3A_87] : memref<10000x128xf32, #tpu.memory_space<vmem_shared>> -> memref<10000x128xf32, #tpu.memory_space<vmem_shared>>
    tpu.wait_indirect_dma semaphore(%arg16 : memref<!tpu.dma_semaphore, #tpu.memory_space<semaphore_mem>>) src(%arg9 : memref<80x128xf32, #tpu.memory_space<vmem>>) dst(%dma_wait3A_88 : memref<10000x128xf32, #tpu.memory_space<vmem_shared>>)
    %dma_start3A_89 = arith.constant 0 : i32
    %dma_start3A_90 = arith.constant 9920 : i32
    %dma_start3A_91 = tpu.memref_slice %arg6[%dma_start3A_89, %dma_start3A_90] : memref<1x10000xi32, #tpu.memory_space<vmem>> -> memref<1x80xi32, #tpu.memory_space<vmem>>
    %dma_start3A_92 = tpu.memref_squeeze %dma_start3A_91 : memref<1x80xi32, #tpu.memory_space<vmem>> -> memref<80xi32, #tpu.memory_space<vmem>>
    %dma_start3A_93 = arith.constant 0 : i32
    %dma_start3A_94 = arith.constant 0 : i32
    %dma_start3A_95 = tpu.memref_slice %arg2[%dma_start3A_93, %dma_start3A_94] : memref<10000x128xf32, #tpu.memory_space<hbm>> -> memref<10000x128xf32, #tpu.memory_space<hbm>>
    tpu.enqueue_indirect_dma source(%dma_start3A_95 : memref<10000x128xf32, #tpu.memory_space<hbm>>) target(%arg9 : memref<80x128xf32, #tpu.memory_space<vmem>>) offsets(%dma_start3A_92 : memref<80xi32, #tpu.memory_space<vmem>>) semaphore(%arg13 : memref<!tpu.dma_semaphore, #tpu.memory_space<semaphore_mem>>)
    %dma_wait3A_96 = arith.constant 0 : i32
    %dma_wait3A_97 = arith.constant 9760 : i32
    %dma_wait3A_98 = tpu.memref_slice %arg6[%dma_wait3A_96, %dma_wait3A_97] : memref<1x10000xi32, #tpu.memory_space<vmem>> -> memref<1x80xi32, #tpu.memory_space<vmem>>
    %dma_wait3A_99 = tpu.memref_squeeze %dma_wait3A_98 : memref<1x80xi32, #tpu.memory_space<vmem>> -> memref<80xi32, #tpu.memory_space<vmem>>
    %dma_wait3A_100 = arith.constant 0 : i32
    %dma_wait3A_101 = arith.constant 0 : i32
    %dma_wait3A_102 = tpu.memref_slice %arg2[%dma_wait3A_100, %dma_wait3A_101] : memref<10000x128xf32, #tpu.memory_space<hbm>> -> memref<10000x128xf32, #tpu.memory_space<hbm>>
    tpu.wait_indirect_dma semaphore(%arg14 : memref<!tpu.dma_semaphore, #tpu.memory_space<semaphore_mem>>) src(%dma_wait3A_102 : memref<10000x128xf32, #tpu.memory_space<hbm>>) dst(%arg10 : memref<80x128xf32, #tpu.memory_space<vmem>>)
    %dma_start3A_103 = arith.constant 122 : i32
    %dma_start3A_104 = arith.constant 0 : i32
    %dma_start3A_105 = tpu.memref_slice %arg7[%dma_start3A_103, %dma_start3A_104] : memref<125x80xi32, #tpu.memory_space<vmem>> -> memref<1x80xi32, #tpu.memory_space<vmem>>
    %dma_start3A_106 = tpu.memref_squeeze %dma_start3A_105 : memref<1x80xi32, #tpu.memory_space<vmem>> -> memref<80xi32, #tpu.memory_space<vmem>>
    %dma_start3A_107 = arith.constant 0 : i32
    %dma_start3A_108 = arith.constant 0 : i32
    %dma_start3A_109 = tpu.memref_slice %arg11[%dma_start3A_107, %dma_start3A_108] : memref<10000x128xf32, #tpu.memory_space<vmem_shared>> -> memref<10000x128xf32, #tpu.memory_space<vmem_shared>>
    tpu.enqueue_indirect_dma source(%arg10 : memref<80x128xf32, #tpu.memory_space<vmem>>) target(%dma_start3A_109 : memref<10000x128xf32, #tpu.memory_space<vmem_shared>>) offsets(%dma_start3A_106 : memref<80xi32, #tpu.memory_space<vmem>>) semaphore(%arg17 : memref<!tpu.dma_semaphore, #tpu.memory_space<semaphore_mem>>) {add = true}
    %dma_wait3A_110 = arith.constant 0 : i32
    %dma_wait3A_111 = arith.constant 9840 : i32
    %dma_wait3A_112 = tpu.memref_slice %arg6[%dma_wait3A_110, %dma_wait3A_111] : memref<1x10000xi32, #tpu.memory_space<vmem>> -> memref<1x80xi32, #tpu.memory_space<vmem>>
    %dma_wait3A_113 = tpu.memref_squeeze %dma_wait3A_112 : memref<1x80xi32, #tpu.memory_space<vmem>> -> memref<80xi32, #tpu.memory_space<vmem>>
    %dma_wait3A_114 = arith.constant 0 : i32
    %dma_wait3A_115 = arith.constant 0 : i32
    %dma_wait3A_116 = tpu.memref_slice %arg2[%dma_wait3A_114, %dma_wait3A_115] : memref<10000x128xf32, #tpu.memory_space<hbm>> -> memref<10000x128xf32, #tpu.memory_space<hbm>>
    tpu.wait_indirect_dma semaphore(%arg12 : memref<!tpu.dma_semaphore, #tpu.memory_space<semaphore_mem>>) src(%dma_wait3A_116 : memref<10000x128xf32, #tpu.memory_space<hbm>>) dst(%arg8 : memref<80x128xf32, #tpu.memory_space<vmem>>)
    %dma_start3A_117 = arith.constant 123 : i32
    %dma_start3A_118 = arith.constant 0 : i32
    %dma_start3A_119 = tpu.memref_slice %arg7[%dma_start3A_117, %dma_start3A_118] : memref<125x80xi32, #tpu.memory_space<vmem>> -> memref<1x80xi32, #tpu.memory_space<vmem>>
    %dma_start3A_120 = tpu.memref_squeeze %dma_start3A_119 : memref<1x80xi32, #tpu.memory_space<vmem>> -> memref<80xi32, #tpu.memory_space<vmem>>
    %dma_start3A_121 = arith.constant 0 : i32
    %dma_start3A_122 = arith.constant 0 : i32
    %dma_start3A_123 = tpu.memref_slice %arg11[%dma_start3A_121, %dma_start3A_122] : memref<10000x128xf32, #tpu.memory_space<vmem_shared>> -> memref<10000x128xf32, #tpu.memory_space<vmem_shared>>
    tpu.enqueue_indirect_dma source(%arg8 : memref<80x128xf32, #tpu.memory_space<vmem>>) target(%dma_start3A_123 : memref<10000x128xf32, #tpu.memory_space<vmem_shared>>) offsets(%dma_start3A_120 : memref<80xi32, #tpu.memory_space<vmem>>) semaphore(%arg15 : memref<!tpu.dma_semaphore, #tpu.memory_space<semaphore_mem>>) {add = true}
    %dma_wait3A_124 = arith.constant 0 : i32
    %dma_wait3A_125 = arith.constant 9920 : i32
    %dma_wait3A_126 = tpu.memref_slice %arg6[%dma_wait3A_124, %dma_wait3A_125] : memref<1x10000xi32, #tpu.memory_space<vmem>> -> memref<1x80xi32, #tpu.memory_space<vmem>>
    %dma_wait3A_127 = tpu.memref_squeeze %dma_wait3A_126 : memref<1x80xi32, #tpu.memory_space<vmem>> -> memref<80xi32, #tpu.memory_space<vmem>>
    %dma_wait3A_128 = arith.constant 0 : i32
    %dma_wait3A_129 = arith.constant 0 : i32
    %dma_wait3A_130 = tpu.memref_slice %arg2[%dma_wait3A_128, %dma_wait3A_129] : memref<10000x128xf32, #tpu.memory_space<hbm>> -> memref<10000x128xf32, #tpu.memory_space<hbm>>
    tpu.wait_indirect_dma semaphore(%arg13 : memref<!tpu.dma_semaphore, #tpu.memory_space<semaphore_mem>>) src(%dma_wait3A_130 : memref<10000x128xf32, #tpu.memory_space<hbm>>) dst(%arg9 : memref<80x128xf32, #tpu.memory_space<vmem>>)
    %dma_start3A_131 = arith.constant 124 : i32
    %dma_start3A_132 = arith.constant 0 : i32
    %dma_start3A_133 = tpu.memref_slice %arg7[%dma_start3A_131, %dma_start3A_132] : memref<125x80xi32, #tpu.memory_space<vmem>> -> memref<1x80xi32, #tpu.memory_space<vmem>>
    %dma_start3A_134 = tpu.memref_squeeze %dma_start3A_133 : memref<1x80xi32, #tpu.memory_space<vmem>> -> memref<80xi32, #tpu.memory_space<vmem>>
    %dma_start3A_135 = arith.constant 0 : i32
    %dma_start3A_136 = arith.constant 0 : i32
    %dma_start3A_137 = tpu.memref_slice %arg11[%dma_start3A_135, %dma_start3A_136] : memref<10000x128xf32, #tpu.memory_space<vmem_shared>> -> memref<10000x128xf32, #tpu.memory_space<vmem_shared>>
    tpu.enqueue_indirect_dma source(%arg9 : memref<80x128xf32, #tpu.memory_space<vmem>>) target(%dma_start3A_137 : memref<10000x128xf32, #tpu.memory_space<vmem_shared>>) offsets(%dma_start3A_134 : memref<80xi32, #tpu.memory_space<vmem>>) semaphore(%arg16 : memref<!tpu.dma_semaphore, #tpu.memory_space<semaphore_mem>>) {add = true}
    %dma_wait3A_138 = arith.constant 0 : i32
    %dma_wait3A_139 = arith.constant 0 : i32
    %dma_wait3A_140 = tpu.memref_slice %arg7[%dma_wait3A_138, %dma_wait3A_139] : memref<125x80xi32, #tpu.memory_space<vmem>> -> memref<1x80xi32, #tpu.memory_space<vmem>>
    %dma_wait3A_141 = tpu.memref_squeeze %dma_wait3A_140 : memref<1x80xi32, #tpu.memory_space<vmem>> -> memref<80xi32, #tpu.memory_space<vmem>>
    %dma_wait3A_142 = arith.constant 0 : i32
    %dma_wait3A_143 = arith.constant 0 : i32
    %dma_wait3A_144 = tpu.memref_slice %arg11[%dma_wait3A_142, %dma_wait3A_143] : memref<10000x128xf32, #tpu.memory_space<vmem_shared>> -> memref<10000x128xf32, #tpu.memory_space<vmem_shared>>
    tpu.wait_indirect_dma semaphore(%arg17 : memref<!tpu.dma_semaphore, #tpu.memory_space<semaphore_mem>>) src(%arg10 : memref<80x128xf32, #tpu.memory_space<vmem>>) dst(%dma_wait3A_144 : memref<10000x128xf32, #tpu.memory_space<vmem_shared>>)
    %dma_wait3A_145 = arith.constant 0 : i32
    %dma_wait3A_146 = arith.constant 0 : i32
    %dma_wait3A_147 = tpu.memref_slice %arg7[%dma_wait3A_145, %dma_wait3A_146] : memref<125x80xi32, #tpu.memory_space<vmem>> -> memref<1x80xi32, #tpu.memory_space<vmem>>
    %dma_wait3A_148 = tpu.memref_squeeze %dma_wait3A_147 : memref<1x80xi32, #tpu.memory_space<vmem>> -> memref<80xi32, #tpu.memory_space<vmem>>
    %dma_wait3A_149 = arith.constant 0 : i32
    %dma_wait3A_150 = arith.constant 0 : i32
    %dma_wait3A_151 = tpu.memref_slice %arg11[%dma_wait3A_149, %dma_wait3A_150] : memref<10000x128xf32, #tpu.memory_space<vmem_shared>> -> memref<10000x128xf32, #tpu.memory_space<vmem_shared>>
    tpu.wait_indirect_dma semaphore(%arg15 : memref<!tpu.dma_semaphore, #tpu.memory_space<semaphore_mem>>) src(%arg8 : memref<80x128xf32, #tpu.memory_space<vmem>>) dst(%dma_wait3A_151 : memref<10000x128xf32, #tpu.memory_space<vmem_shared>>)
    %dma_wait3A_152 = arith.constant 0 : i32
    %dma_wait3A_153 = arith.constant 0 : i32
    %dma_wait3A_154 = tpu.memref_slice %arg7[%dma_wait3A_152, %dma_wait3A_153] : memref<125x80xi32, #tpu.memory_space<vmem>> -> memref<1x80xi32, #tpu.memory_space<vmem>>
    %dma_wait3A_155 = tpu.memref_squeeze %dma_wait3A_154 : memref<1x80xi32, #tpu.memory_space<vmem>> -> memref<80xi32, #tpu.memory_space<vmem>>
    %dma_wait3A_156 = arith.constant 0 : i32
    %dma_wait3A_157 = arith.constant 0 : i32
    %dma_wait3A_158 = tpu.memref_slice %arg11[%dma_wait3A_156, %dma_wait3A_157] : memref<10000x128xf32, #tpu.memory_space<vmem_shared>> -> memref<10000x128xf32, #tpu.memory_space<vmem_shared>>
    tpu.wait_indirect_dma semaphore(%arg16 : memref<!tpu.dma_semaphore, #tpu.memory_space<semaphore_mem>>) src(%arg9 : memref<80x128xf32, #tpu.memory_space<vmem>>) dst(%dma_wait3A_158 : memref<10000x128xf32, #tpu.memory_space<vmem_shared>>)
    %barrier3A_159 = arith.constant 0 : index
    tpu.barrier barrier_id(%barrier3A_159)
    %lt3A_160 = arith.constant 15 : i32
    %lt3A_161 = arith.cmpi slt, %arg1, %lt3A_160 : i32
    %convert_element_type3A_162 = arith.extui %lt3A_161 : i1 to i32
    %cond3A_163 = arith.constant 0 : i32
    %cond3A_164 = arith.cmpi ne, %convert_element_type3A_162, %cond3A_163 : i32
    scf.if %cond3A_164 {
      %mul3A_170 = arith.constant 632 : i32
      %mul3A_171 = arith.muli %arg1, %mul3A_170 : i32
      %mul3A_172 = arith.constant 632 : i32
      %mul3A_173 = arith.muli %arg1, %mul3A_172 : i32
      "tpu.region"() ({
        %run_scoped3A = tpu.sem_alloc : memref<!tpu.dma_semaphore, #tpu.memory_space<semaphore_mem>>
        %dma_start3A_174 = arith.constant 0 : i32
        %dma_start3A_175 = tpu.memref_slice %arg5[%arg0, %mul3A_173, %dma_start3A_174] : memref<2x10000x128xf32, #tpu.memory_space<hbm>> -> memref<1x632x128xf32, #tpu.memory_space<hbm>>
        %dma_start3A_176 = tpu.memref_squeeze %dma_start3A_175 : memref<1x632x128xf32, #tpu.memory_space<hbm>> -> memref<632x128xf32, #tpu.memory_space<hbm>>
        %dma_start3A_177 = arith.constant 0 : i32
        %dma_start3A_178 = tpu.memref_slice %arg11[%mul3A_171, %dma_start3A_177] : memref<10000x128xf32, #tpu.memory_space<vmem_shared>> -> memref<632x128xf32, #tpu.memory_space<vmem_shared>>
        tpu.enqueue_dma source(%dma_start3A_178 : memref<632x128xf32, #tpu.memory_space<vmem_shared>>) target(%dma_start3A_176 : memref<632x128xf32, #tpu.memory_space<hbm>>) target_semaphore(%run_scoped3A : memref<!tpu.dma_semaphore, #tpu.memory_space<semaphore_mem>>)
        %dma_wait3A_179 = arith.constant 0 : i32
        %dma_wait3A_180 = tpu.memref_slice %arg5[%arg0, %mul3A_173, %dma_wait3A_179] : memref<2x10000x128xf32, #tpu.memory_space<hbm>> -> memref<1x632x128xf32, #tpu.memory_space<hbm>>
        %dma_wait3A_181 = tpu.memref_squeeze %dma_wait3A_180 : memref<1x632x128xf32, #tpu.memory_space<hbm>> -> memref<632x128xf32, #tpu.memory_space<hbm>>
        %dma_wait3A_182 = arith.constant 0 : i32
        %dma_wait3A_183 = tpu.memref_slice %arg11[%mul3A_171, %dma_wait3A_182] : memref<10000x128xf32, #tpu.memory_space<vmem_shared>> -> memref<632x128xf32, #tpu.memory_space<vmem_shared>>
        tpu.wait_dma2 semaphore(%run_scoped3A : memref<!tpu.dma_semaphore, #tpu.memory_space<semaphore_mem>>) src(%dma_wait3A_183 : memref<632x128xf32, #tpu.memory_space<vmem_shared>>) dst(%dma_wait3A_181 : memref<632x128xf32, #tpu.memory_space<hbm>>)
        tpu.yield
      }) : () -> ()
    } else {
    }
    %eq3A_165 = arith.constant 15 : i32
    %eq3A_166 = arith.cmpi eq, %arg1, %eq3A_165 : i32
    %convert_element_type3A_167 = arith.extui %eq3A_166 : i1 to i32
    %cond3A_168 = arith.constant 0 : i32
    %cond3A_169 = arith.cmpi ne, %convert_element_type3A_167, %cond3A_168 : i32
    scf.if %cond3A_169 {
      %mul3A_170 = arith.constant 632 : i32
      %mul3A_171 = arith.muli %arg1, %mul3A_170 : i32
      %mul3A_172 = arith.constant 632 : i32
      %mul3A_173 = arith.muli %arg1, %mul3A_172 : i32
      "tpu.region"() ({
        %run_scoped3A = tpu.sem_alloc : memref<!tpu.dma_semaphore, #tpu.memory_space<semaphore_mem>>
        %dma_start3A_174 = arith.constant 0 : i32
        %dma_start3A_175 = tpu.memref_slice %arg5[%arg0, %mul3A_173, %dma_start3A_174] : memref<2x10000x128xf32, #tpu.memory_space<hbm>> -> memref<1x520x128xf32, #tpu.memory_space<hbm>>
        %dma_start3A_176 = tpu.memref_squeeze %dma_start3A_175 : memref<1x520x128xf32, #tpu.memory_space<hbm>> -> memref<520x128xf32, #tpu.memory_space<hbm>>
        %dma_start3A_177 = arith.constant 0 : i32
        %dma_start3A_178 = tpu.memref_slice %arg11[%mul3A_171, %dma_start3A_177] : memref<10000x128xf32, #tpu.memory_space<vmem_shared>> -> memref<520x128xf32, #tpu.memory_space<vmem_shared>>
        tpu.enqueue_dma source(%dma_start3A_178 : memref<520x128xf32, #tpu.memory_space<vmem_shared>>) target(%dma_start3A_176 : memref<520x128xf32, #tpu.memory_space<hbm>>) target_semaphore(%run_scoped3A : memref<!tpu.dma_semaphore, #tpu.memory_space<semaphore_mem>>)
        %dma_wait3A_179 = arith.constant 0 : i32
        %dma_wait3A_180 = tpu.memref_slice %arg5[%arg0, %mul3A_173, %dma_wait3A_179] : memref<2x10000x128xf32, #tpu.memory_space<hbm>> -> memref<1x520x128xf32, #tpu.memory_space<hbm>>
        %dma_wait3A_181 = tpu.memref_squeeze %dma_wait3A_180 : memref<1x520x128xf32, #tpu.memory_space<hbm>> -> memref<520x128xf32, #tpu.memory_space<hbm>>
        %dma_wait3A_182 = arith.constant 0 : i32
        %dma_wait3A_183 = tpu.memref_slice %arg11[%mul3A_171, %dma_wait3A_182] : memref<10000x128xf32, #tpu.memory_space<vmem_shared>> -> memref<520x128xf32, #tpu.memory_space<vmem_shared>>
        tpu.wait_dma2 semaphore(%run_scoped3A : memref<!tpu.dma_semaphore, #tpu.memory_space<semaphore_mem>>) src(%dma_wait3A_183 : memref<520x128xf32, #tpu.memory_space<vmem_shared>>) dst(%dma_wait3A_181 : memref<520x128xf32, #tpu.memory_space<hbm>>)
        tpu.yield
      }) : () -> ()
    } else {
    }
    return
  }
}

module attributes {stable_mosaic.version = 14 : i64} {
  func.func @body(%arg0: i32, %arg1: memref<10000x128xf32, #tpu.memory_space<vmem>>, %arg2: memref<128x128xf32, #tpu.memory_space<vmem>>, %arg3: memref<2x10000x16xf32, #tpu.memory_space<vmem>>, %arg4: memref<10000x128xf32, #tpu.memory_space<vmem>>) attributes {dimension_semantics = [#tpu.dimension_semantics<arbitrary>], iteration_bounds = array<i64: 1>, scalar_prefetch = 0 : i64, scratch_operands = 0 : i64, tpu.core_type = #tpu.core_type<tc>, window_params = [{transform_indices = @transform_0, window_bounds = array<i64: 10000, 128>}, {pipeline_mode = #tpu.pipeline_mode<synchronous>, transform_indices = @transform_1, window_bounds = array<i64: 128, 128>}, {transform_indices = @transform_2, window_bounds = array<i64: 2, 10000, 16>}, {transform_indices = @transform_3, window_bounds = array<i64: 10000, 128>}]} {
    %get3A = arith.constant 0 : index
    %get3A_0 = arith.constant 0 : index
    %get3A_1 = arith.constant 0 : index
    %get3A_2 = vector.load %arg3[%get3A, %get3A_0, %get3A_1] : memref<2x10000x16xf32, #tpu.memory_space<vmem>>, vector<1x10000x16xf32>
    %get3A_3 = vector.shape_cast %get3A_2 : vector<1x10000x16xf32> to vector<10000x16xf32>
    %get3A_4 = arith.constant 1 : index
    %get3A_5 = arith.constant 0 : index
    %get3A_6 = arith.constant 0 : index
    %get3A_7 = vector.load %arg3[%get3A_4, %get3A_5, %get3A_6] : memref<2x10000x16xf32, #tpu.memory_space<vmem>>, vector<1x10000x16xf32>
    %get3A_8 = vector.shape_cast %get3A_7 : vector<1x10000x16xf32> to vector<10000x16xf32>
    %add3A = arith.addf %get3A_3, %get3A_8 : vector<10000x16xf32>
    %slice3A = vector.extract_strided_slice %add3A {offsets = [0, 0], sizes = [10000, 1], strides = [1, 1]} : vector<10000x16xf32> to vector<10000x1xf32>
    %add3A_9 = arith.constant 1.000000e+00 : f32
    %add3A_10 = vector.broadcast %add3A_9 : f32 to vector<10000x1xf32>
    %add3A_11 = arith.addf %slice3A, %add3A_10 : vector<10000x1xf32>
    %rsqrt3A = math.rsqrt %add3A_11 : vector<10000x1xf32>
    %get3A_12 = arith.constant 0 : index
    %get3A_13 = arith.constant 0 : index
    %get3A_14 = vector.load %arg1[%get3A_12, %get3A_13] : memref<10000x128xf32, #tpu.memory_space<vmem>>, vector<10000x128xf32>
    %get3A_15 = arith.constant 0 : index
    %get3A_16 = arith.constant 0 : index
    %get3A_17 = vector.load %arg2[%get3A_15, %get3A_16] : memref<128x128xf32, #tpu.memory_space<vmem>>, vector<128x128xf32>
    %dot_general3A = arith.constant dense<0.000000e+00> : vector<10000x128xf32>
    %dot_general3A_18 = tpu.matmul %get3A_14, %get3A_17, %dot_general3A {dimension_numbers = #tpu.dot_dimension_numbers<[1], [0], [0], [1], [0, 0, 1, 1], [], []>, transpose_lhs_hint = false} : vector<10000x128xf32>, vector<128x128xf32>, vector<10000x128xf32> -> vector<10000x128xf32>
    %mul3A = vector.broadcast %rsqrt3A : vector<10000x1xf32> to vector<10000x128xf32>
    %mul3A_19 = arith.mulf %dot_general3A_18, %mul3A : vector<10000x128xf32>
    %swap3A = arith.constant 0 : index
    %swap3A_20 = arith.constant 0 : index
    %swap3A_21 = vector.load %arg4[%swap3A, %swap3A_20] : memref<10000x128xf32, #tpu.memory_space<vmem>>, vector<10000x128xf32>
    tpu.vector_store %arg4[%swap3A, %swap3A_20], %mul3A_19 {strides = array<i32>} : memref<10000x128xf32, #tpu.memory_space<vmem>>, vector<10000x128xf32>,
    return
  }
  func.func @transform_0(%arg0: i32) -> (i32, i32) {
    %c0_i32 = arith.constant 0 : i32
    %c0_i32_0 = arith.constant 0 : i32
    return %arg0, %c0_i32 : i32, i32
  }
  func.func @transform_1(%arg0: i32) -> (i32, i32) {
    %c0_i32 = arith.constant 0 : i32
    %c0_i32_0 = arith.constant 0 : i32
    %c0_i32_1 = arith.constant 0 : i32
    return %c0_i32, %c0_i32_0 : i32, i32
  }
  func.func @transform_2(%arg0: i32) -> (i32, i32, i32) {
    %c0_i32 = arith.constant 0 : i32
    %c0_i32_0 = arith.constant 0 : i32
    %c0_i32_1 = arith.constant 0 : i32
    return %c0_i32, %arg0, %c0_i32_0 : i32, i32, i32
  }
  func.func @transform_3(%arg0: i32) -> (i32, i32) {
    %c0_i32 = arith.constant 0 : i32
    %c0_i32_0 = arith.constant 0 : i32
    return %arg0, %c0_i32 : i32, i32
  }
}

module attributes {stable_mosaic.version = 14 : i64} {
  func.func @body(%arg0: i32, %arg1: memref<2x10000x128xf32, #tpu.memory_space<vmem>>, %arg2: memref<10000x128xf32, #tpu.memory_space<vmem>>, %arg3: memref<2x10000x16xf32, #tpu.memory_space<vmem>>, %arg4: memref<1x128xf32, #tpu.memory_space<vmem>>, %arg5: memref<128x48xf32, #tpu.memory_space<vmem>>, %arg6: memref<10000x48xf32, #tpu.memory_space<vmem>>) attributes {dimension_semantics = [#tpu.dimension_semantics<arbitrary>], iteration_bounds = array<i64: 1>, scalar_prefetch = 0 : i64, scratch_operands = 0 : i64, tpu.core_type = #tpu.core_type<tc>, window_params = [{transform_indices = @transform_0, window_bounds = array<i64: 2, 10000, 128>}, {transform_indices = @transform_1, window_bounds = array<i64: 10000, 128>}, {transform_indices = @transform_2, window_bounds = array<i64: 2, 10000, 16>}, {pipeline_mode = #tpu.pipeline_mode<synchronous>, transform_indices = @transform_3, window_bounds = array<i64: 1, 128>}, {pipeline_mode = #tpu.pipeline_mode<synchronous>, transform_indices = @transform_4, window_bounds = array<i64: 128, 48>}, {transform_indices = @transform_5, window_bounds = array<i64: 10000, 48>}]} {
    %get3A = arith.constant 0 : index
    %get3A_0 = arith.constant 0 : index
    %get3A_1 = arith.constant 0 : index
    %get3A_2 = vector.load %arg3[%get3A, %get3A_0, %get3A_1] : memref<2x10000x16xf32, #tpu.memory_space<vmem>>, vector<1x10000x16xf32>
    %get3A_3 = vector.shape_cast %get3A_2 : vector<1x10000x16xf32> to vector<10000x16xf32>
    %get3A_4 = arith.constant 1 : index
    %get3A_5 = arith.constant 0 : index
    %get3A_6 = arith.constant 0 : index
    %get3A_7 = vector.load %arg3[%get3A_4, %get3A_5, %get3A_6] : memref<2x10000x16xf32, #tpu.memory_space<vmem>>, vector<1x10000x16xf32>
    %get3A_8 = vector.shape_cast %get3A_7 : vector<1x10000x16xf32> to vector<10000x16xf32>
    %add3A = arith.addf %get3A_3, %get3A_8 : vector<10000x16xf32>
    %slice3A = vector.extract_strided_slice %add3A {offsets = [0, 0], sizes = [10000, 1], strides = [1, 1]} : vector<10000x16xf32> to vector<10000x1xf32>
    %add3A_9 = arith.constant 1.000000e+00 : f32
    %add3A_10 = vector.broadcast %add3A_9 : f32 to vector<10000x1xf32>
    %add3A_11 = arith.addf %slice3A, %add3A_10 : vector<10000x1xf32>
    %rsqrt3A = math.rsqrt %add3A_11 : vector<10000x1xf32>
    %get3A_12 = arith.constant 0 : index
    %get3A_13 = arith.constant 0 : index
    %get3A_14 = arith.constant 0 : index
    %get3A_15 = vector.load %arg1[%get3A_12, %get3A_13, %get3A_14] : memref<2x10000x128xf32, #tpu.memory_space<vmem>>, vector<1x10000x128xf32>
    %get3A_16 = vector.shape_cast %get3A_15 : vector<1x10000x128xf32> to vector<10000x128xf32>
    %get3A_17 = arith.constant 1 : index
    %get3A_18 = arith.constant 0 : index
    %get3A_19 = arith.constant 0 : index
    %get3A_20 = vector.load %arg1[%get3A_17, %get3A_18, %get3A_19] : memref<2x10000x128xf32, #tpu.memory_space<vmem>>, vector<1x10000x128xf32>
    %get3A_21 = vector.shape_cast %get3A_20 : vector<1x10000x128xf32> to vector<10000x128xf32>
    %add3A_22 = arith.addf %get3A_16, %get3A_21 : vector<10000x128xf32>
    %get3A_23 = arith.constant 0 : index
    %get3A_24 = arith.constant 0 : index
    %get3A_25 = vector.load %arg2[%get3A_23, %get3A_24] : memref<10000x128xf32, #tpu.memory_space<vmem>>, vector<10000x128xf32>
    %add3A_26 = arith.addf %add3A_22, %get3A_25 : vector<10000x128xf32>
    %mul3A = vector.broadcast %rsqrt3A : vector<10000x1xf32> to vector<10000x128xf32>
    %mul3A_27 = arith.mulf %add3A_26, %mul3A : vector<10000x128xf32>
    %get3A_28 = arith.constant 0 : index
    %get3A_29 = arith.constant 0 : index
    %get3A_30 = vector.load %arg4[%get3A_28, %get3A_29] : memref<1x128xf32, #tpu.memory_space<vmem>>, vector<1x128xf32>
    %add3A_31 = vector.broadcast %get3A_30 : vector<1x128xf32> to vector<10000x128xf32>
    %add3A_32 = arith.addf %mul3A_27, %add3A_31 : vector<10000x128xf32>
    %max3A = arith.constant 0.000000e+00 : f32
    %max3A_33 = vector.broadcast %max3A : f32 to vector<10000x128xf32>
    %max3A_34 = arith.maximumf %add3A_32, %max3A_33 : vector<10000x128xf32>
    %get3A_35 = arith.constant 0 : index
    %get3A_36 = arith.constant 0 : index
    %get3A_37 = vector.load %arg5[%get3A_35, %get3A_36] : memref<128x48xf32, #tpu.memory_space<vmem>>, vector<128x48xf32>
    %dot_general3A = arith.constant dense<0.000000e+00> : vector<10000x48xf32>
    %dot_general3A_38 = tpu.matmul %max3A_34, %get3A_37, %dot_general3A {dimension_numbers = #tpu.dot_dimension_numbers<[1], [0], [0], [1], [0, 0, 1, 1], [], []>, transpose_lhs_hint = false} : vector<10000x128xf32>, vector<128x48xf32>, vector<10000x48xf32> -> vector<10000x48xf32>
    %mul3A_39 = vector.broadcast %rsqrt3A : vector<10000x1xf32> to vector<10000x48xf32>
    %mul3A_40 = arith.mulf %dot_general3A_38, %mul3A_39 : vector<10000x48xf32>
    %swap3A = arith.constant 0 : index
    %swap3A_41 = arith.constant 0 : index
    %swap3A_42 = vector.load %arg6[%swap3A, %swap3A_41] : memref<10000x48xf32, #tpu.memory_space<vmem>>, vector<10000x48xf32>
    tpu.vector_store %arg6[%swap3A, %swap3A_41], %mul3A_40 {strides = array<i32>} : memref<10000x48xf32, #tpu.memory_space<vmem>>, vector<10000x48xf32>,
    return
  }
  func.func @transform_0(%arg0: i32) -> (i32, i32, i32) {
    %c0_i32 = arith.constant 0 : i32
    %c0_i32_0 = arith.constant 0 : i32
    %c0_i32_1 = arith.constant 0 : i32
    return %c0_i32, %arg0, %c0_i32_0 : i32, i32, i32
  }
  func.func @transform_1(%arg0: i32) -> (i32, i32) {
    %c0_i32 = arith.constant 0 : i32
    %c0_i32_0 = arith.constant 0 : i32
    return %arg0, %c0_i32 : i32, i32
  }
  func.func @transform_2(%arg0: i32) -> (i32, i32, i32) {
    %c0_i32 = arith.constant 0 : i32
    %c0_i32_0 = arith.constant 0 : i32
    %c0_i32_1 = arith.constant 0 : i32
    return %c0_i32, %arg0, %c0_i32_0 : i32, i32, i32
  }
  func.func @transform_3(%arg0: i32) -> (i32, i32) {
    %c0_i32 = arith.constant 0 : i32
    %c0_i32_0 = arith.constant 0 : i32
    %c0_i32_1 = arith.constant 0 : i32
    return %c0_i32, %c0_i32_0 : i32, i32
  }
  func.func @transform_4(%arg0: i32) -> (i32, i32) {
    %c0_i32 = arith.constant 0 : i32
    %c0_i32_0 = arith.constant 0 : i32
    %c0_i32_1 = arith.constant 0 : i32
    return %c0_i32, %c0_i32_0 : i32, i32
  }
  func.func @transform_5(%arg0: i32) -> (i32, i32) {
    %c0_i32 = arith.constant 0 : i32
    %c0_i32_0 = arith.constant 0 : i32
    return %arg0, %c0_i32 : i32, i32
  }
}

module attributes {stable_mosaic.version = 14 : i64} {
  func.func @body(%arg0: i32, %arg1: memref<2x10000x48xf32, #tpu.memory_space<vmem>>, %arg2: memref<10000x48xf32, #tpu.memory_space<vmem>>, %arg3: memref<2x10000x16xf32, #tpu.memory_space<vmem>>, %arg4: memref<1x40xf32, #tpu.memory_space<vmem>>, %arg5: memref<10000x40xf32, #tpu.memory_space<vmem>>) attributes {dimension_semantics = [#tpu.dimension_semantics<arbitrary>], iteration_bounds = array<i64: 1>, scalar_prefetch = 0 : i64, scratch_operands = 0 : i64, tpu.core_type = #tpu.core_type<tc>, window_params = [{transform_indices = @transform_0, window_bounds = array<i64: 2, 10000, 48>}, {transform_indices = @transform_1, window_bounds = array<i64: 10000, 48>}, {transform_indices = @transform_2, window_bounds = array<i64: 2, 10000, 16>}, {pipeline_mode = #tpu.pipeline_mode<synchronous>, transform_indices = @transform_3, window_bounds = array<i64: 1, 40>}, {transform_indices = @transform_4, window_bounds = array<i64: 10000, 40>}]} {
    %get3A = arith.constant 0 : index
    %get3A_0 = arith.constant 0 : index
    %get3A_1 = arith.constant 0 : index
    %get3A_2 = vector.load %arg3[%get3A, %get3A_0, %get3A_1] : memref<2x10000x16xf32, #tpu.memory_space<vmem>>, vector<1x10000x16xf32>
    %get3A_3 = vector.shape_cast %get3A_2 : vector<1x10000x16xf32> to vector<10000x16xf32>
    %get3A_4 = arith.constant 1 : index
    %get3A_5 = arith.constant 0 : index
    %get3A_6 = arith.constant 0 : index
    %get3A_7 = vector.load %arg3[%get3A_4, %get3A_5, %get3A_6] : memref<2x10000x16xf32, #tpu.memory_space<vmem>>, vector<1x10000x16xf32>
    %get3A_8 = vector.shape_cast %get3A_7 : vector<1x10000x16xf32> to vector<10000x16xf32>
    %add3A = arith.addf %get3A_3, %get3A_8 : vector<10000x16xf32>
    %slice3A = vector.extract_strided_slice %add3A {offsets = [0, 0], sizes = [10000, 1], strides = [1, 1]} : vector<10000x16xf32> to vector<10000x1xf32>
    %add3A_9 = arith.constant 1.000000e+00 : f32
    %add3A_10 = vector.broadcast %add3A_9 : f32 to vector<10000x1xf32>
    %add3A_11 = arith.addf %slice3A, %add3A_10 : vector<10000x1xf32>
    %rsqrt3A = math.rsqrt %add3A_11 : vector<10000x1xf32>
    %get3A_12 = arith.constant 0 : index
    %get3A_13 = arith.constant 0 : index
    %get3A_14 = arith.constant 0 : index
    %get3A_15 = vector.load %arg1[%get3A_12, %get3A_13, %get3A_14] : memref<2x10000x48xf32, #tpu.memory_space<vmem>>, vector<1x10000x48xf32>
    %get3A_16 = vector.shape_cast %get3A_15 : vector<1x10000x48xf32> to vector<10000x48xf32>
    %get3A_17 = arith.constant 1 : index
    %get3A_18 = arith.constant 0 : index
    %get3A_19 = arith.constant 0 : index
    %get3A_20 = vector.load %arg1[%get3A_17, %get3A_18, %get3A_19] : memref<2x10000x48xf32, #tpu.memory_space<vmem>>, vector<1x10000x48xf32>
    %get3A_21 = vector.shape_cast %get3A_20 : vector<1x10000x48xf32> to vector<10000x48xf32>
    %add3A_22 = arith.addf %get3A_16, %get3A_21 : vector<10000x48xf32>
    %get3A_23 = arith.constant 0 : index
    %get3A_24 = arith.constant 0 : index
    %get3A_25 = vector.load %arg2[%get3A_23, %get3A_24] : memref<10000x48xf32, #tpu.memory_space<vmem>>, vector<10000x48xf32>
    %add3A_26 = arith.addf %add3A_22, %get3A_25 : vector<10000x48xf32>
    %mul3A = vector.broadcast %rsqrt3A : vector<10000x1xf32> to vector<10000x48xf32>
    %mul3A_27 = arith.mulf %add3A_26, %mul3A : vector<10000x48xf32>
    %slice3A_28 = vector.extract_strided_slice %mul3A_27 {offsets = [0, 0], sizes = [10000, 40], strides = [1, 1]} : vector<10000x48xf32> to vector<10000x40xf32>
    %get3A_29 = arith.constant 0 : index
    %get3A_30 = arith.constant 0 : index
    %get3A_31 = vector.load %arg4[%get3A_29, %get3A_30] : memref<1x40xf32, #tpu.memory_space<vmem>>, vector<1x40xf32>
    %add3A_32 = vector.broadcast %get3A_31 : vector<1x40xf32> to vector<10000x40xf32>
    %add3A_33 = arith.addf %slice3A_28, %add3A_32 : vector<10000x40xf32>
    %swap3A = arith.constant 0 : index
    %swap3A_34 = arith.constant 0 : index
    %swap3A_35 = vector.load %arg5[%swap3A, %swap3A_34] : memref<10000x40xf32, #tpu.memory_space<vmem>>, vector<10000x40xf32>
    tpu.vector_store %arg5[%swap3A, %swap3A_34], %add3A_33 {strides = array<i32>} : memref<10000x40xf32, #tpu.memory_space<vmem>>, vector<10000x40xf32>,
    return
  }
  func.func @transform_0(%arg0: i32) -> (i32, i32, i32) {
    %c0_i32 = arith.constant 0 : i32
    %c0_i32_0 = arith.constant 0 : i32
    %c0_i32_1 = arith.constant 0 : i32
    return %c0_i32, %arg0, %c0_i32_0 : i32, i32, i32
  }
  func.func @transform_1(%arg0: i32) -> (i32, i32) {
    %c0_i32 = arith.constant 0 : i32
    %c0_i32_0 = arith.constant 0 : i32
    return %arg0, %c0_i32 : i32, i32
  }
  func.func @transform_2(%arg0: i32) -> (i32, i32, i32) {
    %c0_i32 = arith.constant 0 : i32
    %c0_i32_0 = arith.constant 0 : i32
    %c0_i32_1 = arith.constant 0 : i32
    return %c0_i32, %arg0, %c0_i32_0 : i32, i32, i32
  }
  func.func @transform_3(%arg0: i32) -> (i32, i32) {
    %c0_i32 = arith.constant 0 : i32
    %c0_i32_0 = arith.constant 0 : i32
    %c0_i32_1 = arith.constant 0 : i32
    return %c0_i32, %c0_i32_0 : i32, i32
  }
  func.func @transform_4(%arg0: i32) -> (i32, i32) {
    %c0_i32 = arith.constant 0 : i32
    %c0_i32_0 = arith.constant 0 : i32
    return %arg0, %c0_i32 : i32, i32
  }
}

</mosaic_0001>

<sc_bundles>
// kernel: kernel.11.cloned.1.call-start
scs
__scs_entry_jumppad:
0x0: {  	(pc) =	sbr.rel $0x88, $3  }
0x1: {  	(tag) =	ssettag $0x0;
	lr =	simm.s32 $0x1  }
0x2: {  	[smem:$0x3F9B] =	sst lr;
	_ =	strace $0xD0000000  }
0x3: {  	_ = 	snop  }
0x4: {  	_ = 	snop  }
0x5: {  	_ = 	snop  }
0x6: {  	_ = 	snop  }
0x7: {  	_ = 	snop  }
__scs_overlays_trampoline_lowered:
0x8: {  	[smem:$0x3FAA] =	sst s0  }
0x9: {  	[smem:$0x3FAB] =	sst s1  }
0xa: {  	[smem:$0x3FAC] =	sst s2  }
0xb: {  	[smem:$0x3FAD] =	sst s3  }
0xc: {  	[smem:$0x3FAE] =	sst s4  }
0xd: {  	[smem:$0x3FAF] =	sst s5  }
0xe: {  	[smem:$0x3FB0] =	sst s6  }
0xf: {  	[smem:$0x3FB1] =	sst s7  }
0x10: {  	[smem:$0x3FB2] =	sst s8  }
0x11: {  	[smem:$0x3FB3] =	sst s9;
	s0 =	simm.s32 @!p0 $0x0  }
0x12: {  	s1 =	sld [smem:$0x3F99];
	s0 =	simm.s32 @p0 $0x1  }
0x13: {  	[smem:$0x3FB4] =	sst s0;
	s0 =	simm.s32 @!p1 $0x0  }
0x14: {  	s2 =	sld [smem:$0x3F98];
	s0 =	simm.s32 @p1 $0x1  }
0x15: {  	[smem:$0x3FB5] =	sst s0;
	s0 =	simm.s32 @!p2 $0x0  }
0x16: {  	s3 =	sld [smem:$0x3FDB];
	s0 =	simm.s32 @p2 $0x1  }
0x17: {  	s4 =	simm.s32 $0x1BF5;
	[smem:$0x3FB7] =	sst s0  }
0x18: {  	s0 =	sld [smem:$0x3F9A];
	_ =	swait.ge [sflag:s4], $0x0  }
0x19: {  	s7 =	sld [smem:$0x3F9B]  }
0x1a: {  	s8 =	sadd.s32 $0xFFFFE003, lr  }
0x1b: {  	s9 =	sadd.s32 $0xFFFFFEF7, lr;
	s5 =	simm.s32 $0xFFFFFFFF;
	p2 =	slt.u32 s8, $0xFFFFF086  }
0x1c: {  	p1 =	slt.u32 s9, $0xF7A;
	s5 =	simm.s32 @!p2 $0x0  }
0x1d: {  	s5 =	simm.s32 @p1 $0x1;
	p0 =	seq.s32 s7, s2  }
0x1e: {  	s7 =	smul.u32 @!p0 $0xF7A, s2;
	p2 =	seq.s32 @!p0 s5, $0x0  }
0x1f: {  	s9 =	smul.u32 $0xF7A, s1;
	s8 =	simm.s32 @!p0 $0x1BF5;
	p2 =	por !p2, p0  }
0x20: {  	[sflag:s8] =	ssyncset.s32 @!p0 $0xFFFFF086;
	s6 =	sadd.s32 @!p0 s3, s7;
	s7 =	simm.s32 @!p0 $0x108  }
0x21: {  	s3 =	sadd.s32 s3, s9;
	s6 =	sadd.s32 @!p0 $0x88, s6;
	s7 =	simm.s32 @p2 $0x1082  }
0x22: {  	[simem:s7], [sflag:s8] =	dma.local @!p0 [hbm:s6], $0xF7A  }
0x23: {  	s9 =	sor.u32 $0xD0000000, s2;
	s6 =	simm.s32 $0x108;
	_ =	swait.ge @!p0 [sflag:s8], $0x0  }
0x24: {  	s3 =	sadd.s32 $0x88, s3;
	s6 =	simm.s32 @!p1 $0x1082;
	[sflag:s4] =	ssyncset.s32 $0xFFFFF086  }
0x25: {  	[simem:s6], [sflag:s4] =	dma.local [hbm:s3], $0xF7A  }
0x26: {  	[smem:$0x3F9B] =	sst s1;
	(tag) =	ssettag s2;
	_ =	strace s9  }
0x27: {  	s1 =	sld [smem:$0x3FAB]  }
0x28: {  	s2 =	sld [smem:$0x3FAC]  }
0x29: {  	s4 =	sld [smem:$0x3FAE]  }
0x2a: {  	p0 =	seq.s32 s5, $0x0;
	s5 =	sld [smem:$0x3FAF]  }
0x2b: {  	s6 =	sld [smem:$0x3FB0]  }
0x2c: {  	s7 =	sld [smem:$0x3FB1]  }
0x2d: {  	s3 =	simm.s32 $0x108;
	s8 =	sld [smem:$0x3FB2]  }
0x2e: {  	s3 =	simm.s32 @!p0 $0x1082;
	s9 =	sld [smem:$0x3FB3]  }
0x2f: {  	lr =	sadd.s32 s0, s3;
	s0 =	sld [smem:$0x3FAA]  }
0x30: {  	s3 =	sld [smem:$0x3FAD]  }
0x31: {  	[smem:$0x3FB6] =	sst s10  }
0x32: {  	s10 =	sld [smem:$0x3FB4];
	_ =	sdelay $0x3  }
0x33: {  	p0 =	seq.s32 s10, $0x1;
	s10 =	sld [smem:$0x3FB6];
	_ =	sdelay $0x3  }
0x34: {  	[smem:$0x3FB6] =	sst s10  }
0x35: {  	s10 =	sld [smem:$0x3FB5];
	_ =	sdelay $0x3  }
0x36: {  	p1 =	seq.s32 s10, $0x1;
	s10 =	sld [smem:$0x3FB6];
	_ =	sdelay $0x3  }
0x37: {  	[smem:$0x3FB6] =	sst s10  }
0x38: {  	s10 =	sld [smem:$0x3FB7]  }
0x39: {  	_ = 	snop;
	(pc) =	sbr.ind lr, $3  }
0x3a: {  	_ = 	snop  }
0x3b: {  	_ = 	snop  }
0x3c: {  	p2 =	seq.s32 s10, $0x1;
	s10 =	sld [smem:$0x3FB6]  }
0x3d: {  	_ =	shalt  }
0x3e: {  	_ =	shalt  }
0x3f: {  	_ =	shalt  }
0x40: {  	_ =	shalt  }
0x41: {  	_ =	shalt  }
0x42: {  	_ =	shalt  }
0x43: {  	_ =	shalt  }
0x44: {  	_ =	shalt  }
0x45: {  	_ =	shalt  }
0x46: {  	_ =	shalt  }
0x47: {  	_ =	shalt  }
0x48: {  	_ =	shalt  }
0x49: {  	_ =	shalt  }
0x4a: {  	_ =	shalt  }
0x4b: {  	_ =	shalt  }
0x4c: {  	_ =	shalt  }
0x4d: {  	_ =	shalt  }
0x4e: {  	_ =	shalt  }
0x4f: {  	_ =	shalt  }
0x50: {  	_ =	shalt  }
0x51: {  	_ =	shalt  }
0x52: {  	_ =	shalt  }
0x53: {  	_ =	shalt  }
0x54: {  	_ =	shalt  }
0x55: {  	_ =	shalt  }
0x56: {  	_ =	shalt  }
0x57: {  	_ =	shalt  }
0x58: {  	_ =	shalt  }
0x59: {  	_ =	shalt  }
0x5a: {  	_ =	shalt  }
0x5b: {  	_ =	shalt  }
0x5c: {  	_ =	shalt  }
0x5d: {  	_ =	shalt  }
0x5e: {  	_ =	shalt  }
0x5f: {  	_ =	shalt  }
0x60: {  	_ =	shalt  }
0x61: {  	_ =	shalt  }
0x62: {  	_ =	shalt  }
0x63: {  	_ =	shalt  }
0x64: {  	_ =	shalt  }
0x65: {  	_ =	shalt  }
0x66: {  	_ =	shalt  }
0x67: {  	_ =	shalt  }
0x68: {  	_ =	shalt  }
0x69: {  	_ =	shalt  }
0x6a: {  	_ =	shalt  }
0x6b: {  	_ =	shalt  }
0x6c: {  	_ =	shalt  }
0x6d: {  	_ =	shalt  }
0x6e: {  	_ =	shalt  }
0x6f: {  	_ =	shalt  }
0x70: {  	_ =	shalt  }
0x71: {  	_ =	shalt  }
0x72: {  	_ =	shalt  }
0x73: {  	_ =	shalt  }
0x74: {  	_ =	shalt  }
0x75: {  	_ =	shalt  }
0x76: {  	_ =	shalt  }
0x77: {  	_ =	shalt  }
0x78: {  	_ =	shalt  }
0x79: {  	_ =	shalt  }
0x7a: {  	_ =	shalt  }
0x7b: {  	_ =	shalt  }
0x7c: {  	_ =	shalt  }
0x7d: {  	_ =	shalt  }
0x7e: {  	_ =	shalt  }
0x7f: {  	_ =	shalt  }
0x80: {  	_ =	shalt  }
0x81: {  	_ =	shalt  }
0x82: {  	_ =	shalt  }
0x83: {  	_ =	shalt  }
0x84: {  	_ =	shalt  }
0x85: {  	_ =	shalt  }
0x86: {  	_ =	shalt  }
0x87: {  	_ =	shalt  }
.Lfunc_end0:
.L_simem_size_0:
called_computation.1_lowered:
.L_overlay_start_0:
0x88: {  	s2 =	sld [smem:$0x3FD9]  }
0x89: {  	s3 =	sld [smem:$0x3FFE];
	_ =	sdelay $0x1  }
0x8a: {  	s1 =	srdreg.scid  }
0x8b: {  	s0 =	sand.u32 $0x1, s1  }
0x8c: {  	s16 =	sshll.u32 s0, $0xA;
	s2 =	sadd.s32 s3, s2  }
0x8d: {  	s2 =	sadd.s32 s2, s16  }
0x8e: {  	[smem:$0x3FC2] =	sst s2  }
0x8f: {  	_ = 	snop  }
0x90: {  	(tm) =	ssettm $0x1  }
0x91: {  	s17 =	sld [smem:$0x3FFB];
	_ =	sdelay $0x3  }
0x92: {  	_ =	strace s17  }
0x93: {  	s2 =	sld [smem:$0x3FFC];
	_ =	sdelay $0x3  }
0x94: {  	_ =	strace s2  }
0x95: {  	s2 =	sld [smem:$0x3FFD];
	_ =	sdelay $0x3  }
0x96: {  	_ =	strace s2  }
0x97: {  	_ =	strace $0x8FFFFFFF  }
0x98: {  	s18 =	sld [smem:$0x3FDB];
	_ =	sdelay $0x1  }
0x99: {  	s19 =	simm.s32 $_scs_section_size  }
0x9a: {  	s4 =	simm.s32 $_size__tile_overlayer_lowered;
	s5 =	simm.s32 $_tile_overlayer_lowered  }
0x9b: {  	s22 =	simm.s32 $0x1BFF;
	s21 =	sshll.u32 s5, $0x1;
	s2 =	sadd.s32 s19, s18  }
0x9c: {  	s6 =	simm.s32 $0x0;
	s20 =	sshll.u32 s4, $0x1;
	s4 =	sadd.s32 s21, s2  }
0x9d: {  	[timem:s6], [sflag:s22] =	dma.local [hbm:s4], s20  }
0x9e: {  	_ =	swait.ge [sflag:s22], s20  }
0x9f: {  	s3 =	ssub.s32 $0x0, s20;
	[sflag:s22] =	ssyncset.done $0x0  }
0xa0: {  	[sflag:s22] =	ssyncadd.s32 s3;
	_ =	sdelay $0x1  }
0xa1: {  	s23 =	simm.s32 $0x1B8B  }
0xa2: {  	_ =	swait.ge [sflag:s23], $0x1  }
0xa3: {  	[sflag:s23] =	ssyncset.done $0x0  }
0xa4: {  	s25 =	simm.s32 $0x1B8E;
	s24 =	sld [smem:$0x3FFE];
	[sflag:s23] =	ssyncadd.s32 $0xFFFFFFFF  }
0xa5: {  	s26 =	simm.s32 $execute0_lowered;
	[smem:$0x3FD2] =	sst s25  }
0xa6: {  	s4 =	sshll.u32 s26, $0x1;
	_ =	strace $0x80000049;
	[dreg:$0x1] =	wrdreg $0xFFFFFFFF  }
0xa7: {  	s28 =	simm.s32 $_size_execute0_lowered;
	s2 =	sadd.s32 s2, s4;
	[dreg:$0x0] =	wrdreg $0x0  }
0xa8: {  	s4 =	sshll.u32 s28, $0x1;
	[dreg:$0x2] =	wrdreg s2  }
0xa9: {  	[dreg:$0x3] =	wrdreg s4  }
0xaa: {  	[dreg:$0x4] =	wrdreg $0xC0  }
0xab: {  	_ =	task [dreg:s6], $0x5FFFF  }
0xac: {  	[dreg:$0x1] =	wrdreg $0xFFFFFFFF  }
0xad: {  	[dreg:$0x0] =	wrdreg $0x60  }
0xae: {  	[dreg:$0x2] =	wrdreg s24  }
0xaf: {  	[dreg:$0x3] =	wrdreg $0xC6200  }
0xb0: {  	[dreg:$0x4] =	wrdreg $0x9  }
0xb1: {  	_ =	task.clear_ibuf [dreg:s6], $0x5FFFF;
	_ =	strace $0x90000049  }
0xb2: {  	s29 =	simm.s32 $0x9;
	_ =	strace $0x8000004B  }
0xb3: {  	_ =	swait.ge [sflag:s29], $0x1  }
0xb4: {  	[sflag:s29] =	ssyncadd.s32 $0xFFFFFFFF  }
0xb5: {  	_ =	strace $0x9000004B  }
0xb6: {  	_ =	sfence  }
0xb7: {  	s30 =	sld [smem:$0x0];
	_ =	sdelay $0x2  }
0xb8: {  	s31 =	sshll.u32 s1, $0xD;
	s1 =	sshrl.u32 s1, $0x2  }
0xb9: {  	s3 =	sand.u32 $0x4000, s31;
	s1 =	sadd.s32 s1, s30  }
0xba: {  	s0 =	sor.u32 s3, s0;
	s1 =	sshll.u32 s1, $0x11  }
0xbb: {  	s0 =	sor.u32 s1, s0  }
0xbc: {  	s0 =	sadd.s32 $0x8F2B, s0  }
0xbd: {  	[sflag:s0] =	ssyncadd.remote.s32 $0x1  }
0xbe: {  	_ =	sfence.sel $0xFFFF  }
0xbf: {  	[dreg:$0x0] =	wrdreg $0xFFFFFFFF;
	(pc) =	sbr.abs _section_cstart, $3  }
0xc0: {  	[dreg:$0x1] =	wrdreg $0xFFFFFFFF  }
0xc1: {  	_ =	task.clear_ibuf [dreg:s6], $0x2FFFF;
	_ =	strace $0x9FFFFFFF  }
0xc2: {  	(tm) =	ssettm $0x7FFFFFFF  }
0xc3: {  	_ =	shalt  }
tec
execute0_lowered:
.L_overlay_start_1:
0x0: {  	(tag) =	ssettag $0x1  }
0x1: {  	s0 =	srdreg.scid  }
0x2: {  	s10 =	stileid.u32;
	s1 =	rddreg [dreg:$0x0]  }
0x3: {  	s2 =	rddreg [dreg:$0x1];
	s29 =	simm.s32 $0x7;
	s30 =	simm.s32 $0x2710  }
0x4: {  	s31 =	simm.s32 $0x50;
	s11 =	simm.s32 $0x3;
	s6 =	smul.u32 $0x4F000, s10  }
0x5: {  	s12 =	simm.s32 $0x6;
	s0 =	sand.u32 $0x1, s0;
	s23 =	smul.u32 $0x13C00, s10  }
0x6: {  	s3 =	sshll.u32 s10, $0x1;
	s24 =	sadd.s32 $0x12A800, s2;
	s25 =	sadd.s32 $0x12CC00, s2  }
0x7: {  	p0 =	seq.s32 s10, $0xF;
	s28 =	sadd.s32 $0x138000, s2;
	s4 =	sor.u32 s0, s3  }
0x8: {  	s3 =	simm.s32 $0x0;
	s15 =	ssub.s32 $0x2, s0;
	s0 =	smul.u32 $0x138800, s0  }
0x9: {  	s10 =	simm.s32 $0x5;
	s5 =	smul.u32 $0x4E2, s4;
	[smem:$0x7FF] =	sst s3  }
0xa: {  	s4 =	sadd.s32 $0x64E00, s1;
	s14 =	sshrl.u32 s6, $0x2;
	s8 =	sshrl.u32 s15, $0x1  }
0xb: {  	_ =	strace $0x8000004A;
	s6 =	ssub.s32 s15, s8;
	[dreg:$0xb] =	wrdreg s24  }
0xc: {  	[dreg:$0xc] =	wrdreg s25;
	s7 =	sadd.s32 s5, s1;
	s5 =	sadd.s32 s14, s2  }
0xd: {  	s26 =	sadd.s32 s23, s0;
	s0 =	sshrl.u32 s0, $0x3;
	s9 =	sadd.s32 $0x2400, s5  }
0xe: {  	s1 =	sadd.s32 $0x8C000, s1;
	s16 =	sadd.s32 $0x4800, s5;
	[dreg:$0x3] =	wrdreg s9  }
0xf: {  	s14 =	sadd.s32 $0x128400, s2;
	s17 =	sadd.s32 $0x6C00, s5;
	[dreg:$0x4] =	wrdreg s16  }
0x10: {  	s8 =	sshrl.u32 s26, $0x3;
	s18 =	sadd.s32 $0x9000, s5;
	[dreg:$0x5] =	wrdreg s17  }
0x11: {  	s24 =	smax.u32 s6, $0x1;
	s19 =	sadd.s32 $0xB400, s5;
	[dreg:$0x6] =	wrdreg s18  }
0x12: {  	s26 =	sadd.s32 $0x135C00, s2;
	s20 =	sadd.s32 $0xD800, s5;
	[dreg:$0x7] =	wrdreg s19  }
0x13: {  	s6 =	simm.s32 $0x9E20;
	s21 =	sadd.s32 $0xFC00, s5;
	[dreg:$0x8] =	wrdreg s20  }
0x14: {  	s22 =	sadd.s32 $0x12000, s5;
	s0 =	sadd.s32 s1, s0;
	[dreg:$0x9] =	wrdreg s21  }
0x15: {  	[dreg:$0xa] =	wrdreg s22;
	s17 =	sadd.s32 $0x12F000, s2;
	s18 =	sadd.s32 $0x131400, s2  }
0x16: {  	s19 =	sadd.s32 $0x133800, s2;
	s20 =	sadd.s32 s1, s8;
	s21 =	sadd.s32 $0x2200, s7  }
0x17: {  	s22 =	sadd.s32 $0xC000, s7;
	s1 =	sadd.s32 s23, s2;
	s23 =	sadd.s32 $0x25080, s0  }
0x18: {  	s0 =	simm.s32 $0x7620;
	s7 =	simm.s32 $0x1;
	s8 =	simm.s32 $0x4  }
0x19: {  	v0 =	vimm.f32 $0.0e+00;
	s9 =	simm.s32 $0x2;
	s25 =	sshrl.u32 @!p0 s1, $0x3;
	s1 =	simm.s32 $0x4E20  }
.LBB2_1:
0x1a: {  	s13 =	simm.s32 $0x0;
	s15 =	simm.s32 $0x200  }
.LBB2_2:
0x1b: {  	p1 =	sne.s32 s15, $0x8E00;
	[tilespmem:s13+$0x4E90] =	vst v0  }
0x1c: {  	[tilespmem:s13+$0x4E20] =	vst v0  }
0x1d: {  	[tilespmem:s13+$0x4E30] =	vst v0  }
.Ltmp0:
0x1e: {  	[tilespmem:s13+$0x4E40] =	vst v0;
	(pc) =	sbr.rel @p1 .LBB2_2-.Ltmp0, $4  }
0x1f: {  	[tilespmem:s13+$0x4E50] =	vst v0  }
0x20: {  	[tilespmem:s13+$0x4E60] =	vst v0  }
0x21: {  	[tilespmem:s13+$0x4E70] =	vst v0  }
0x22: {  	[tilespmem:s13+$0x4E80] =	vst v0;
	s13 =	sshra.s32 s15, $0x2;
	s15 =	sadd.s32 $0x200, s15  }
0x23: {  	[tilespmem:s13+$0x4E90] =	vst v0  }
0x24: {  	[tilespmem:s13+$0x4E20] =	vst v0  }
0x25: {  	[tilespmem:s13+$0x4E30] =	vst v0  }
0x26: {  	[tilespmem:s13+$0x4E40] =	vst v0  }
0x27: {  	[tilespmem:s13+$0x4E50] =	vst v0  }
0x28: {  	[tilespmem:s13+$0x4E60] =	vst v0  }
0x29: {  	[tilespmem:s13+$0x4E70] =	vst v0  }
0x2a: {  	[tilespmem:s13+$0x4E80] =	vst v0;
	s13 =	simm.s32 @p0 $0x4E20;
	s15 =	simm.s32 @p0 $0x7  }
0x2b: {  	[spmem:s14] =	stream.linear.scatter @p0 [tilespmem:s13], [sflag:$0x7], $0x2400, $0x38;
	[tilespmem:$0x1FEA0] =	vst v63  }
0x2c: {  	_ =	swait.ge @p0 [sflag:s15], $0x2400  }
0x2d: {  	[sflag:s15] =	ssyncset.done @p0 $0x0  }
0x2e: {  	s16 =	rddreg [dreg:$0xb];
	[sflag:s15] =	ssyncadd.s32 @p0 $0xFFFFDC00  }
0x2f: {  	[spmem:s16] =	stream.linear.scatter @p0 [tilespmem:s13], [sflag:$0x7], $0x2400, $0x38;
	[tilespmem:$0x1FEA0] =	vst v63  }
0x30: {  	_ =	swait.ge @p0 [sflag:s15], $0x2400  }
0x31: {  	[sflag:s15] =	ssyncset.done @p0 $0x0  }
0x32: {  	s16 =	rddreg [dreg:$0xc];
	[sflag:s15] =	ssyncadd.s32 @p0 $0xFFFFDC00  }
0x33: {  	[spmem:s16] =	stream.linear.scatter @p0 [tilespmem:s13], [sflag:$0x7], $0x2400, $0x38;
	[tilespmem:$0x1FEA0] =	vst v63  }
0x34: {  	_ =	swait.ge @p0 [sflag:s15], $0x2400  }
0x35: {  	[sflag:s15] =	ssyncset.done @p0 $0x0  }
0x36: {  	[sflag:s15] =	ssyncadd.s32 @p0 $0xFFFFDC00  }
0x37: {  	[spmem:s17] =	stream.linear.scatter @p0 [tilespmem:s13], [sflag:$0x7], $0x2400, $0x38;
	[tilespmem:$0x1FEA0] =	vst v63  }
0x38: {  	_ =	swait.ge @p0 [sflag:s15], $0x2400  }
0x39: {  	[sflag:s15] =	ssyncset.done @p0 $0x0  }
0x3a: {  	[sflag:s15] =	ssyncadd.s32 @p0 $0xFFFFDC00  }
0x3b: {  	[spmem:s18] =	stream.linear.scatter @p0 [tilespmem:s13], [sflag:$0x7], $0x2400, $0x38;
	[tilespmem:$0x1FEA0] =	vst v63  }
0x3c: {  	_ =	swait.ge @p0 [sflag:s15], $0x2400  }
0x3d: {  	[sflag:s15] =	ssyncset.done @p0 $0x0  }
0x3e: {  	[sflag:s15] =	ssyncadd.s32 @p0 $0xFFFFDC00  }
0x3f: {  	[spmem:s19] =	stream.linear.scatter @p0 [tilespmem:s13], [sflag:$0x7], $0x2400, $0x38;
	[tilespmem:$0x1FEA0] =	vst v63  }
0x40: {  	_ =	swait.ge @p0 [sflag:s15], $0x2400  }
0x41: {  	[sflag:s15] =	ssyncset.done @p0 $0x0  }
0x42: {  	[sflag:s15] =	ssyncadd.s32 @p0 $0xFFFFDC00  }
0x43: {  	[spmem:s26] =	stream.linear.scatter @p0 [tilespmem:s13], [sflag:$0x7], $0x2400, $0x38;
	[tilespmem:$0x1FEA0] =	vst v63  }
0x44: {  	_ =	swait.ge @p0 [sflag:s15], $0x2400  }
0x45: {  	[sflag:s15] =	ssyncset.done @p0 $0x0  }
0x46: {  	[sflag:s15] =	ssyncadd.s32 @p0 $0xFFFFDC00  }
0x47: {  	[spmem:s28] =	stream.linear.scatter @p0 [tilespmem:s13], [sflag:$0x7], $0x800, $0x38;
	[tilespmem:$0x1FEA0] =	vst v63  }
0x48: {  	_ =	swait.ge @p0 [sflag:s15], $0x800  }
0x49: {  	[sflag:s15] =	ssyncset.done @p0 $0x0  }
0x4a: {  	s13 =	simm.s32 @!p0 $0x4E20;
	[sflag:s15] =	ssyncadd.s32 @p0 $0xFFFFF800;
	s15 =	simm.s32 @!p0 $0x7  }
0x4b: {  	[spmem:s5] =	stream.linear.scatter @!p0 [tilespmem:s13], [sflag:$0x7], $0x2400, $0x38;
	[tilespmem:$0x1FEA0] =	vst v63  }
0x4c: {  	_ =	swait.ge @!p0 [sflag:s15], $0x2400  }
0x4d: {  	[sflag:s15] =	ssyncset.done @!p0 $0x0  }
0x4e: {  	s16 =	rddreg [dreg:$0x3];
	[sflag:s15] =	ssyncadd.s32 @!p0 $0xFFFFDC00  }
0x4f: {  	[spmem:s16] =	stream.linear.scatter @!p0 [tilespmem:s13], [sflag:$0x7], $0x2400, $0x38;
	[tilespmem:$0x1FEA0] =	vst v63  }
0x50: {  	_ =	swait.ge @!p0 [sflag:s15], $0x2400  }
0x51: {  	[sflag:s15] =	ssyncset.done @!p0 $0x0  }
0x52: {  	s16 =	rddreg [dreg:$0x4];
	[sflag:s15] =	ssyncadd.s32 @!p0 $0xFFFFDC00  }
0x53: {  	[spmem:s16] =	stream.linear.scatter @!p0 [tilespmem:s13], [sflag:$0x7], $0x2400, $0x38;
	[tilespmem:$0x1FEA0] =	vst v63  }
0x54: {  	_ =	swait.ge @!p0 [sflag:s15], $0x2400  }
0x55: {  	[sflag:s15] =	ssyncset.done @!p0 $0x0  }
0x56: {  	s16 =	rddreg [dreg:$0x5];
	[sflag:s15] =	ssyncadd.s32 @!p0 $0xFFFFDC00  }
0x57: {  	[spmem:s16] =	stream.linear.scatter @!p0 [tilespmem:s13], [sflag:$0x7], $0x2400, $0x38;
	[tilespmem:$0x1FEA0] =	vst v63  }
0x58: {  	_ =	swait.ge @!p0 [sflag:s15], $0x2400  }
0x59: {  	[sflag:s15] =	ssyncset.done @!p0 $0x0  }
0x5a: {  	s16 =	rddreg [dreg:$0x6];
	[sflag:s15] =	ssyncadd.s32 @!p0 $0xFFFFDC00  }
0x5b: {  	[spmem:s16] =	stream.linear.scatter @!p0 [tilespmem:s13], [sflag:$0x7], $0x2400, $0x38;
	[tilespmem:$0x1FEA0] =	vst v63  }
0x5c: {  	_ =	swait.ge @!p0 [sflag:s15], $0x2400  }
0x5d: {  	[sflag:s15] =	ssyncset.done @!p0 $0x0  }
0x5e: {  	s16 =	rddreg [dreg:$0x7];
	[sflag:s15] =	ssyncadd.s32 @!p0 $0xFFFFDC00  }
0x5f: {  	[spmem:s16] =	stream.linear.scatter @!p0 [tilespmem:s13], [sflag:$0x7], $0x2400, $0x38;
	[tilespmem:$0x1FEA0] =	vst v63  }
0x60: {  	_ =	swait.ge @!p0 [sflag:s15], $0x2400  }
0x61: {  	[sflag:s15] =	ssyncset.done @!p0 $0x0  }
0x62: {  	s16 =	rddreg [dreg:$0x8];
	[sflag:s15] =	ssyncadd.s32 @!p0 $0xFFFFDC00  }
0x63: {  	[spmem:s16] =	stream.linear.scatter @!p0 [tilespmem:s13], [sflag:$0x7], $0x2400, $0x38;
	[tilespmem:$0x1FEA0] =	vst v63  }
0x64: {  	_ =	swait.ge @!p0 [sflag:s15], $0x2400  }
0x65: {  	[sflag:s15] =	ssyncset.done @!p0 $0x0  }
0x66: {  	s16 =	rddreg [dreg:$0x9];
	[sflag:s15] =	ssyncadd.s32 @!p0 $0xFFFFDC00  }
0x67: {  	[spmem:s16] =	stream.linear.scatter @!p0 [tilespmem:s13], [sflag:$0x7], $0x2400, $0x38;
	[tilespmem:$0x1FEA0] =	vst v63  }
0x68: {  	_ =	swait.ge @!p0 [sflag:s15], $0x2400  }
0x69: {  	[sflag:s15] =	ssyncset.done @!p0 $0x0  }
0x6a: {  	s16 =	rddreg [dreg:$0xa];
	[sflag:s15] =	ssyncadd.s32 @!p0 $0xFFFFDC00  }
0x6b: {  	[spmem:s16] =	stream.linear.scatter @!p0 [tilespmem:s13], [sflag:$0x7], $0x1C00, $0x38;
	[tilespmem:$0x1FEA0] =	vst v63  }
0x6c: {  	_ =	swait.ge @!p0 [sflag:s15], $0x1C00  }
0x6d: {  	[sflag:s15] =	ssyncset.done @!p0 $0x0  }
0x6e: {  	[sflag:s15] =	ssyncadd.s32 @!p0 $0xFFFFE400  }
0x6f: {  	s16 =	simm.s32 $0x0;
	[bflag:$0x0] =	sbarrier.arrive $0xFFFF  }
0x70: {  	[tilespmem:s16], [sflag:$0x7] =	stream.linear.gather [hbm4b:s21+s16], $0x2710, $0x38;
	[tilespmem:$0x1FEA0] =	vst v63  }
0x71: {  	_ =	swait.ge [sflag:s29], $0x2710  }
0x72: {  	[sflag:s29] =	ssyncset.done $0x0  }
0x73: {  	[sflag:s29] =	ssyncadd.s32 $0xFFFFD8F0  }
0x74: {  	[tilespmem:s30], [sflag:$0x7] =	stream.linear.gather [hbm4b:s22+s16], $0x2710, $0x38;
	[tilespmem:$0x1FEA0] =	vst v63  }
0x75: {  	_ =	swait.ge [sflag:s29], $0x2710  }
0x76: {  	[sflag:s29] =	ssyncset.done $0x0  }
0x77: {  	[sflag:s29] =	ssyncadd.s32 $0xFFFFD8F0  }
0x78: {  	[tilespmem:s1], [sflag:$0x1] =	stream.indirect.gather [hbm4b:s4+s31], $0x80, s16, s31, $0xb8;
	[tilespmem:$0x1FEA0] =	vst v63  }
0x79: {  	_ = 	snop  }
0x7a: {  	[tilespmem:s0], [sflag:$0x2] =	stream.indirect.gather [hbm4b:s4+s31], $0x80, s31, s31, $0xb8;
	[tilespmem:$0x1FEA0] =	vst v63  }
0x7b: {  	s15 =	simm.s32 $0xA0  }
0x7c: {  	[tilespmem:s6], [sflag:$0x3] =	stream.indirect.gather [hbm4b:s4+s31], $0x80, s15, s31, $0xb8;
	[tilespmem:$0x1FEA0] =	vst v63  }
0x7d: {  	_ =	swait.ge [sflag:s7], $0x2800  }
0x7e: {  	[sflag:s7] =	ssyncset.done $0x0  }
0x7f: {  	[sflag:s7] =	ssyncadd.s32 $0xFFFFD800  }
0x80: {  	[spmem:s2] =	stream.indirect.scatter.add.f32 [tilespmem:s1], [sflag:$0x4], $0x80, s30, s31, $0xb8;
	[tilespmem:$0x1FEA0] =	vst v63  }
0x81: {  	_ =	swait.ge [sflag:s8], $0x2800  }
0x82: {  	[sflag:s8] =	ssyncset.done $0x0  }
0x83: {  	s16 =	simm.s32 $0xF0;
	[sflag:s8] =	ssyncadd.s32 $0xFFFFD800  }
0x84: {  	[tilespmem:s1], [sflag:$0x1] =	stream.indirect.gather [hbm4b:s4+s31], $0x80, s16, s31, $0xb8;
	[tilespmem:$0x1FEA0] =	vst v63  }
0x85: {  	_ =	swait.ge [sflag:s9], $0x2800  }
0x86: {  	[sflag:s9] =	ssyncset.done $0x0  }
0x87: {  	s15 =	simm.s32 $0x2760;
	[sflag:s9] =	ssyncadd.s32 $0xFFFFD800  }
0x88: {  	[spmem:s2] =	stream.indirect.scatter.add.f32 [tilespmem:s0], [sflag:$0x5], $0x80, s15, s31, $0xb8;
	[tilespmem:$0x1FEA0] =	vst v63  }
0x89: {  	_ =	swait.ge [sflag:s10], $0x2800  }
0x8a: {  	[sflag:s10] =	ssyncset.done $0x0  }
0x8b: {  	s16 =	simm.s32 $0x140;
	[sflag:s10] =	ssyncadd.s32 $0xFFFFD800  }
0x8c: {  	[tilespmem:s0], [sflag:$0x2] =	stream.indirect.gather [hbm4b:s4+s31], $0x80, s16, s31, $0xb8;
	[tilespmem:$0x1FEA0] =	vst v63  }
0x8d: {  	_ =	swait.ge [sflag:s11], $0x2800  }
0x8e: {  	[sflag:s11] =	ssyncset.done $0x0  }
0x8f: {  	s15 =	simm.s32 $0x27B0;
	[sflag:s11] =	ssyncadd.s32 $0xFFFFD800  }
0x90: {  	[spmem:s2] =	stream.indirect.scatter.add.f32 [tilespmem:s6], [sflag:$0x6], $0x80, s15, s31, $0xb8;
	[tilespmem:$0x1FEA0] =	vst v63  }
0x91: {  	_ =	swait.ge [sflag:s12], $0x2800  }
0x92: {  	[sflag:s12] =	ssyncset.done $0x0  }
0x93: {  	s16 =	simm.s32 $0x190;
	[sflag:s12] =	ssyncadd.s32 $0xFFFFD800  }
0x94: {  	[tilespmem:s6], [sflag:$0x3] =	stream.indirect.gather [hbm4b:s4+s31], $0x80, s16, s31, $0xb8;
	[tilespmem:$0x1FEA0] =	vst v63  }
0x95: {  	_ =	swait.ge [sflag:s7], $0x2800  }
0x96: {  	[sflag:s7] =	ssyncset.done $0x0  }
0x97: {  	s13 =	simm.s32 $0x3C0;
	s15 =	simm.s32 $0x2800;
	[sflag:s7] =	ssyncadd.s32 $0xFFFFD800  }
.LBB2_4:
0x98: {  	[spmem:s2] =	stream.indirect.scatter.add.f32 [tilespmem:s1], [sflag:$0x4], $0x80, s15, s31, $0xb8;
	[tilespmem:$0x1FEA0] =	vst v63  }
0x99: {  	s15 =	smov.u32 s13  }
0x9a: {  	p1 =	sne.s32 s13, $0x9240;
	s13 =	sadd.s32 $0x3C0, s13;
	_ =	swait.ge [sflag:s8], $0x2800  }
0x9b: {  	s15 =	sshra.s32 s15, $0x2;
	[sflag:s8] =	ssyncset.done $0x0  }
0x9c: {  	s16 =	sadd.s32 $0xF0, s15;
	[sflag:s8] =	ssyncadd.s32 $0xFFFFD800  }
0x9d: {  	[tilespmem:s1], [sflag:$0x1] =	stream.indirect.gather [hbm4b:s4+s31], $0x80, s16, s31, $0xb8;
	[tilespmem:$0x1FEA0] =	vst v63  }
0x9e: {  	_ =	swait.ge [sflag:s9], $0x2800  }
0x9f: {  	[sflag:s9] =	ssyncset.done $0x0  }
0xa0: {  	s16 =	sadd.s32 $0x2760, s15;
	[sflag:s9] =	ssyncadd.s32 $0xFFFFD800  }
0xa1: {  	[spmem:s2] =	stream.indirect.scatter.add.f32 [tilespmem:s0], [sflag:$0x5], $0x80, s16, s31, $0xb8;
	[tilespmem:$0x1FEA0] =	vst v63  }
0xa2: {  	_ =	swait.ge [sflag:s10], $0x2800  }
0xa3: {  	[sflag:s10] =	ssyncset.done $0x0  }
0xa4: {  	s16 =	sadd.s32 $0x140, s15;
	[sflag:s10] =	ssyncadd.s32 $0xFFFFD800  }
0xa5: {  	[tilespmem:s0], [sflag:$0x2] =	stream.indirect.gather [hbm4b:s4+s31], $0x80, s16, s31, $0xb8;
	[tilespmem:$0x1FEA0] =	vst v63  }
0xa6: {  	_ =	swait.ge [sflag:s11], $0x2800  }
0xa7: {  	[sflag:s11] =	ssyncset.done $0x0  }
0xa8: {  	s16 =	sadd.s32 $0x27B0, s15;
	[sflag:s11] =	ssyncadd.s32 $0xFFFFD800  }
0xa9: {  	[spmem:s2] =	stream.indirect.scatter.add.f32 [tilespmem:s6], [sflag:$0x6], $0x80, s16, s31, $0xb8;
	[tilespmem:$0x1FEA0] =	vst v63  }
0xaa: {  	_ =	swait.ge [sflag:s12], $0x2800  }
0xab: {  	[sflag:s12] =	ssyncset.done $0x0  }
.Ltmp1:
0xac: {  	s16 =	sadd.s32 $0x190, s15;
	[sflag:s12] =	ssyncadd.s32 $0xFFFFD800;
	(pc) =	sbr.rel @p1 .LBB2_4-.Ltmp1, $4  }
0xad: {  	[tilespmem:s6], [sflag:$0x3] =	stream.indirect.gather [hbm4b:s4+s31], $0x80, s16, s31, $0xb8;
	[tilespmem:$0x1FEA0] =	vst v63  }
0xae: {  	_ =	swait.ge [sflag:s7], $0x2800  }
0xaf: {  	[sflag:s7] =	ssyncset.done $0x0  }
0xb0: {  	s15 =	sadd.s32 $0x2800, s15;
	[sflag:s7] =	ssyncadd.s32 $0xFFFFD800  }
0xb1: {  	[spmem:s2] =	stream.indirect.scatter.add.f32 [tilespmem:s1], [sflag:$0x4], $0x80, s15, s31, $0xb8;
	[tilespmem:$0x1FEA0] =	vst v63  }
0xb2: {  	_ =	swait.ge [sflag:s8], $0x2800  }
0xb3: {  	[sflag:s8] =	ssyncset.done $0x0  }
0xb4: {  	s13 =	simm.s32 $0x2670;
	[sflag:s8] =	ssyncadd.s32 $0xFFFFD800  }
0xb5: {  	[tilespmem:s1], [sflag:$0x1] =	stream.indirect.gather [hbm4b:s4+s31], $0x80, s13, s31, $0xb8;
	[tilespmem:$0x1FEA0] =	vst v63  }
0xb6: {  	_ =	swait.ge [sflag:s9], $0x2800  }
0xb7: {  	[sflag:s9] =	ssyncset.done $0x0  }
0xb8: {  	s16 =	simm.s32 $0x4CE0;
	[sflag:s9] =	ssyncadd.s32 $0xFFFFD800  }
0xb9: {  	[spmem:s2] =	stream.indirect.scatter.add.f32 [tilespmem:s0], [sflag:$0x5], $0x80, s16, s31, $0xb8;
	[tilespmem:$0x1FEA0] =	vst v63  }
0xba: {  	_ =	swait.ge [sflag:s10], $0x2800  }
0xbb: {  	[sflag:s10] =	ssyncset.done $0x0  }
0xbc: {  	s15 =	simm.s32 $0x26C0;
	[sflag:s10] =	ssyncadd.s32 $0xFFFFD800  }
0xbd: {  	[tilespmem:s0], [sflag:$0x2] =	stream.indirect.gather [hbm4b:s4+s31], $0x80, s15, s31, $0xb8;
	[tilespmem:$0x1FEA0] =	vst v63  }
0xbe: {  	_ =	swait.ge [sflag:s11], $0x2800  }
0xbf: {  	[sflag:s11] =	ssyncset.done $0x0  }
0xc0: {  	s16 =	simm.s32 $0x4D30;
	[sflag:s11] =	ssyncadd.s32 $0xFFFFD800  }
0xc1: {  	[spmem:s2] =	stream.indirect.scatter.add.f32 [tilespmem:s6], [sflag:$0x6], $0x80, s16, s31, $0xb8;
	[tilespmem:$0x1FEA0] =	vst v63  }
0xc2: {  	_ =	swait.ge [sflag:s7], $0x2800  }
0xc3: {  	[sflag:s7] =	ssyncset.done $0x0  }
0xc4: {  	s15 =	simm.s32 $0x4D80;
	[sflag:s7] =	ssyncadd.s32 $0xFFFFD800  }
0xc5: {  	[spmem:s2] =	stream.indirect.scatter.add.f32 [tilespmem:s1], [sflag:$0x4], $0x80, s15, s31, $0xb8;
	[tilespmem:$0x1FEA0] =	vst v63  }
0xc6: {  	_ =	swait.ge [sflag:s9], $0x2800  }
0xc7: {  	[sflag:s9] =	ssyncset.done $0x0  }
0xc8: {  	s16 =	simm.s32 $0x4DD0;
	[sflag:s9] =	ssyncadd.s32 $0xFFFFD800  }
0xc9: {  	[spmem:s2] =	stream.indirect.scatter.add.f32 [tilespmem:s0], [sflag:$0x5], $0x80, s16, s31, $0xb8;
	[tilespmem:$0x1FEA0] =	vst v63  }
0xca: {  	_ =	swait.ge [sflag:s12], $0x2800  }
0xcb: {  	[sflag:s12] =	ssyncset.done $0x0  }
0xcc: {  	[sflag:s12] =	ssyncadd.s32 $0xFFFFD800  }
0xcd: {  	_ =	swait.ge [sflag:s8], $0x2800  }
0xce: {  	[sflag:s8] =	ssyncset.done $0x0  }
0xcf: {  	[sflag:s8] =	ssyncadd.s32 $0xFFFFD800  }
0xd0: {  	_ =	swait.ge [sflag:s10], $0x2800  }
0xd1: {  	[sflag:s10] =	ssyncset.done $0x0  }
0xd2: {  	[sflag:s10] =	ssyncadd.s32 $0xFFFFD800  }
0xd3: {  	s13 =	sshrl.u32 @p0 s14, $0x3;
	s15 =	simm.s32 @p0 $0x1FC7;
	[bflag:$0x0] =	sbarrier.arrive $0xFFFF  }
0xd4: {  	[hbm:s23], [sflag:s15] =	dma.local @p0 [spmem:s13], $0x2080  }
0xd5: {  	s13 =	simm.s32 @p0 $0x7  }
0xd6: {  	s15 =	stileid.u32;
	_ =	swait.ge @p0 [sflag:s13], $0x2080  }
0xd7: {  	s3 =	sadd.s32 $0x1, s3;
	s15 =	sshll.u32 @!p0 s15, $0x6;
	[sflag:s13] =	ssyncset.done @p0 $0x0  }
0xd8: {  	p1 =	sne.s32 s3, s24;
	[sflag:s13] =	ssyncadd.s32 @p0 $0xFFFFDF80;
	s13 =	sor.u32 @!p0 $0x1C07, s15  }
0xd9: {  	[hbm:s20], [sflag:s13] =	dma.local @!p0 [spmem:s25], $0x2780  }
.Ltmp2:
0xda: {  	_ = 	snop;
	(pc) =	sbr.rel @p1 .LBB2_1-.Ltmp2, $4  }
0xdb: {  	s13 =	simm.s32 @!p0 $0x7  }
0xdc: {  	_ =	swait.ge @!p0 [sflag:s13], $0x2780  }
0xdd: {  	[sflag:s13] =	ssyncset.done @!p0 $0x0  }
0xde: {  	[sflag:s13] =	ssyncadd.s32 @!p0 $0xFFFFD880  }
0xdf: {  	_ =	sfence.sel $0x180000  }
0xe0: {  	[bflag:$0x0] =	sbarrier.arrive $0xFFFF  }
0xe1: {  	_ =	strace $0x9000004A  }
0xe2: {  	s0 =	stileid.u32;
	[bflag:$0x2] =	sbarrier.arrive $0xFFFF  }
0xe3: {  	p0 =	sne.s32 s0, $0x0;
	s0 =	rddreg [dreg:$0x2]  }
0xe4: {  	s0 =	sadd.s32 @!p0 $0x100000, s0  }
0xe5: {  	[sflag:s0] =	ssyncadd.tile.s32 @!p0 $0x1;
	_ =	shalt  }
.Lfunc_end2:
_tile_overlayer_lowered:
.L_overlay_start_2:
0xe6: {  	(tag) =	ssettag $0x2  }
0xe7: {  	s0 =	rddreg [dreg:$0x0];
	s2 =	stileid.u32  }
0xe8: {  	s1 =	rddreg [dreg:$0x1];
	p0 =	sne.s32 s2, $0x0  }
0xe9: {  	s3 =	rddreg [dreg:$0x2];
	[bflag:$0x3] =	sbarrier.arrive $0xFFFF;
	s2 =	simm.s32 @!p0 $0x1C07  }
0xea: {  	[timem:s3], [sflag:s2] =	dma.local @!p0 [hbm:s0], s1  }
0xeb: {  	s0 =	simm.s32 @!p0 $0x7  }
0xec: {  	_ =	swait.ge @!p0 [sflag:s0], s1  }
0xed: {  	s1 =	ssub.s32 @!p0 $0x0, s1;
	[sflag:s0] =	ssyncset.done @!p0 $0x0  }
0xee: {  	[sflag:s0] =	ssyncadd.s32 @!p0 s1  }
0xef: {  	[bflag:$0x3] =	sbarrier.arrive $0xFFFF  }
0xf0: {  	_ =	shalt  }

// kernel: kernel.14.cloned.1.call-start
scs
__scs_entry_jumppad:
0x0: {  	(pc) =	sbr.rel $0x88, $3  }
0x1: {  	(tag) =	ssettag $0x0;
	lr =	simm.s32 $0x1  }
0x2: {  	[smem:$0x3F9B] =	sst lr;
	_ =	strace $0xD0000000  }
0x3: {  	_ = 	snop  }
0x4: {  	_ = 	snop  }
0x5: {  	_ = 	snop  }
0x6: {  	_ = 	snop  }
0x7: {  	_ = 	snop  }
__scs_overlays_trampoline_lowered:
0x8: {  	[smem:$0x3FAA] =	sst s0  }
0x9: {  	[smem:$0x3FAB] =	sst s1  }
0xa: {  	[smem:$0x3FAC] =	sst s2  }
0xb: {  	[smem:$0x3FAD] =	sst s3  }
0xc: {  	[smem:$0x3FAE] =	sst s4  }
0xd: {  	[smem:$0x3FAF] =	sst s5  }
0xe: {  	[smem:$0x3FB0] =	sst s6  }
0xf: {  	[smem:$0x3FB1] =	sst s7  }
0x10: {  	[smem:$0x3FB2] =	sst s8  }
0x11: {  	[smem:$0x3FB3] =	sst s9;
	s0 =	simm.s32 @!p0 $0x0  }
0x12: {  	s1 =	sld [smem:$0x3F99];
	s0 =	simm.s32 @p0 $0x1  }
0x13: {  	[smem:$0x3FB4] =	sst s0;
	s0 =	simm.s32 @!p1 $0x0  }
0x14: {  	s2 =	sld [smem:$0x3F98];
	s0 =	simm.s32 @p1 $0x1  }
0x15: {  	[smem:$0x3FB5] =	sst s0;
	s0 =	simm.s32 @!p2 $0x0  }
0x16: {  	s3 =	sld [smem:$0x3FDB];
	s0 =	simm.s32 @p2 $0x1  }
0x17: {  	s4 =	simm.s32 $0x1BF5;
	[smem:$0x3FB7] =	sst s0  }
0x18: {  	s0 =	sld [smem:$0x3F9A];
	_ =	swait.ge [sflag:s4], $0x0  }
0x19: {  	s7 =	sld [smem:$0x3F9B]  }
0x1a: {  	s8 =	sadd.s32 $0xFFFFE003, lr  }
0x1b: {  	s9 =	sadd.s32 $0xFFFFFEF7, lr;
	s5 =	simm.s32 $0xFFFFFFFF;
	p2 =	slt.u32 s8, $0xFFFFF086  }
0x1c: {  	p1 =	slt.u32 s9, $0xF7A;
	s5 =	simm.s32 @!p2 $0x0  }
0x1d: {  	s5 =	simm.s32 @p1 $0x1;
	p0 =	seq.s32 s7, s2  }
0x1e: {  	s7 =	smul.u32 @!p0 $0xF7A, s2;
	p2 =	seq.s32 @!p0 s5, $0x0  }
0x1f: {  	s9 =	smul.u32 $0xF7A, s1;
	s8 =	simm.s32 @!p0 $0x1BF5;
	p2 =	por !p2, p0  }
0x20: {  	[sflag:s8] =	ssyncset.s32 @!p0 $0xFFFFF086;
	s6 =	sadd.s32 @!p0 s3, s7;
	s7 =	simm.s32 @!p0 $0x108  }
0x21: {  	s3 =	sadd.s32 s3, s9;
	s6 =	sadd.s32 @!p0 $0x88, s6;
	s7 =	simm.s32 @p2 $0x1082  }
0x22: {  	[simem:s7], [sflag:s8] =	dma.local @!p0 [hbm:s6], $0xF7A  }
0x23: {  	s9 =	sor.u32 $0xD0000000, s2;
	s6 =	simm.s32 $0x108;
	_ =	swait.ge @!p0 [sflag:s8], $0x0  }
0x24: {  	s3 =	sadd.s32 $0x88, s3;
	s6 =	simm.s32 @!p1 $0x1082;
	[sflag:s4] =	ssyncset.s32 $0xFFFFF086  }
0x25: {  	[simem:s6], [sflag:s4] =	dma.local [hbm:s3], $0xF7A  }
0x26: {  	[smem:$0x3F9B] =	sst s1;
	(tag) =	ssettag s2;
	_ =	strace s9  }
0x27: {  	s1 =	sld [smem:$0x3FAB]  }
0x28: {  	s2 =	sld [smem:$0x3FAC]  }
0x29: {  	s4 =	sld [smem:$0x3FAE]  }
0x2a: {  	p0 =	seq.s32 s5, $0x0;
	s5 =	sld [smem:$0x3FAF]  }
0x2b: {  	s6 =	sld [smem:$0x3FB0]  }
0x2c: {  	s7 =	sld [smem:$0x3FB1]  }
0x2d: {  	s3 =	simm.s32 $0x108;
	s8 =	sld [smem:$0x3FB2]  }
0x2e: {  	s3 =	simm.s32 @!p0 $0x1082;
	s9 =	sld [smem:$0x3FB3]  }
0x2f: {  	lr =	sadd.s32 s0, s3;
	s0 =	sld [smem:$0x3FAA]  }
0x30: {  	s3 =	sld [smem:$0x3FAD]  }
0x31: {  	[smem:$0x3FB6] =	sst s10  }
0x32: {  	s10 =	sld [smem:$0x3FB4];
	_ =	sdelay $0x3  }
0x33: {  	p0 =	seq.s32 s10, $0x1;
	s10 =	sld [smem:$0x3FB6];
	_ =	sdelay $0x3  }
0x34: {  	[smem:$0x3FB6] =	sst s10  }
0x35: {  	s10 =	sld [smem:$0x3FB5];
	_ =	sdelay $0x3  }
0x36: {  	p1 =	seq.s32 s10, $0x1;
	s10 =	sld [smem:$0x3FB6];
	_ =	sdelay $0x3  }
0x37: {  	[smem:$0x3FB6] =	sst s10  }
0x38: {  	s10 =	sld [smem:$0x3FB7]  }
0x39: {  	_ = 	snop;
	(pc) =	sbr.ind lr, $3  }
0x3a: {  	_ = 	snop  }
0x3b: {  	_ = 	snop  }
0x3c: {  	p2 =	seq.s32 s10, $0x1;
	s10 =	sld [smem:$0x3FB6]  }
0x3d: {  	_ =	shalt  }
0x3e: {  	_ =	shalt  }
0x3f: {  	_ =	shalt  }
0x40: {  	_ =	shalt  }
0x41: {  	_ =	shalt  }
0x42: {  	_ =	shalt  }
0x43: {  	_ =	shalt  }
0x44: {  	_ =	shalt  }
0x45: {  	_ =	shalt  }
0x46: {  	_ =	shalt  }
0x47: {  	_ =	shalt  }
0x48: {  	_ =	shalt  }
0x49: {  	_ =	shalt  }
0x4a: {  	_ =	shalt  }
0x4b: {  	_ =	shalt  }
0x4c: {  	_ =	shalt  }
0x4d: {  	_ =	shalt  }
0x4e: {  	_ =	shalt  }
0x4f: {  	_ =	shalt  }
0x50: {  	_ =	shalt  }
0x51: {  	_ =	shalt  }
0x52: {  	_ =	shalt  }
0x53: {  	_ =	shalt  }
0x54: {  	_ =	shalt  }
0x55: {  	_ =	shalt  }
0x56: {  	_ =	shalt  }
0x57: {  	_ =	shalt  }
0x58: {  	_ =	shalt  }
0x59: {  	_ =	shalt  }
0x5a: {  	_ =	shalt  }
0x5b: {  	_ =	shalt  }
0x5c: {  	_ =	shalt  }
0x5d: {  	_ =	shalt  }
0x5e: {  	_ =	shalt  }
0x5f: {  	_ =	shalt  }
0x60: {  	_ =	shalt  }
0x61: {  	_ =	shalt  }
0x62: {  	_ =	shalt  }
0x63: {  	_ =	shalt  }
0x64: {  	_ =	shalt  }
0x65: {  	_ =	shalt  }
0x66: {  	_ =	shalt  }
0x67: {  	_ =	shalt  }
0x68: {  	_ =	shalt  }
0x69: {  	_ =	shalt  }
0x6a: {  	_ =	shalt  }
0x6b: {  	_ =	shalt  }
0x6c: {  	_ =	shalt  }
0x6d: {  	_ =	shalt  }
0x6e: {  	_ =	shalt  }
0x6f: {  	_ =	shalt  }
0x70: {  	_ =	shalt  }
0x71: {  	_ =	shalt  }
0x72: {  	_ =	shalt  }
0x73: {  	_ =	shalt  }
0x74: {  	_ =	shalt  }
0x75: {  	_ =	shalt  }
0x76: {  	_ =	shalt  }
0x77: {  	_ =	shalt  }
0x78: {  	_ =	shalt  }
0x79: {  	_ =	shalt  }
0x7a: {  	_ =	shalt  }
0x7b: {  	_ =	shalt  }
0x7c: {  	_ =	shalt  }
0x7d: {  	_ =	shalt  }
0x7e: {  	_ =	shalt  }
0x7f: {  	_ =	shalt  }
0x80: {  	_ =	shalt  }
0x81: {  	_ =	shalt  }
0x82: {  	_ =	shalt  }
0x83: {  	_ =	shalt  }
0x84: {  	_ =	shalt  }
0x85: {  	_ =	shalt  }
0x86: {  	_ =	shalt  }
0x87: {  	_ =	shalt  }
.Lfunc_end0:
.L_simem_size_0:
called_computation.2_lowered:
.L_overlay_start_0:
0x88: {  	s2 =	sld [smem:$0x3FD9]  }
0x89: {  	s3 =	sld [smem:$0x3FFE];
	_ =	sdelay $0x1  }
0x8a: {  	s1 =	srdreg.scid  }
0x8b: {  	s0 =	sand.u32 $0x1, s1  }
0x8c: {  	s16 =	sshll.u32 s0, $0xA;
	s2 =	sadd.s32 s3, s2  }
0x8d: {  	s2 =	sadd.s32 s2, s16  }
0x8e: {  	[smem:$0x3FC2] =	sst s2  }
0x8f: {  	_ = 	snop  }
0x90: {  	(tm) =	ssettm $0x1  }
0x91: {  	s17 =	sld [smem:$0x3FFB];
	_ =	sdelay $0x3  }
0x92: {  	_ =	strace s17  }
0x93: {  	s2 =	sld [smem:$0x3FFC];
	_ =	sdelay $0x3  }
0x94: {  	_ =	strace s2  }
0x95: {  	s2 =	sld [smem:$0x3FFD];
	_ =	sdelay $0x3  }
0x96: {  	_ =	strace s2  }
0x97: {  	_ =	strace $0x8FFFFFFF  }
0x98: {  	s18 =	sld [smem:$0x3FDB];
	_ =	sdelay $0x1  }
0x99: {  	s19 =	simm.s32 $_scs_section_size  }
0x9a: {  	s4 =	simm.s32 $_size__tile_overlayer_lowered;
	s5 =	simm.s32 $_tile_overlayer_lowered  }
0x9b: {  	s22 =	simm.s32 $0x1BFF;
	s21 =	sshll.u32 s5, $0x1;
	s2 =	sadd.s32 s19, s18  }
0x9c: {  	s6 =	simm.s32 $0x0;
	s20 =	sshll.u32 s4, $0x1;
	s4 =	sadd.s32 s21, s2  }
0x9d: {  	[timem:s6], [sflag:s22] =	dma.local [hbm:s4], s20  }
0x9e: {  	_ =	swait.ge [sflag:s22], s20  }
0x9f: {  	s3 =	ssub.s32 $0x0, s20;
	[sflag:s22] =	ssyncset.done $0x0  }
0xa0: {  	[sflag:s22] =	ssyncadd.s32 s3;
	_ =	sdelay $0x1  }
0xa1: {  	s23 =	simm.s32 $0x1B8B  }
0xa2: {  	_ =	swait.ge [sflag:s23], $0x1  }
0xa3: {  	[sflag:s23] =	ssyncset.done $0x0  }
0xa4: {  	s25 =	simm.s32 $0x1B8E;
	s24 =	sld [smem:$0x3FFE];
	[sflag:s23] =	ssyncadd.s32 $0xFFFFFFFF  }
0xa5: {  	s26 =	simm.s32 $execute0_lowered;
	[smem:$0x3FD2] =	sst s25  }
0xa6: {  	s4 =	sshll.u32 s26, $0x1;
	_ =	strace $0x8000004C;
	[dreg:$0x1] =	wrdreg $0xFFFFFFFF  }
0xa7: {  	s28 =	simm.s32 $_size_execute0_lowered;
	s2 =	sadd.s32 s2, s4;
	[dreg:$0x0] =	wrdreg $0x0  }
0xa8: {  	s4 =	sshll.u32 s28, $0x1;
	[dreg:$0x2] =	wrdreg s2  }
0xa9: {  	[dreg:$0x3] =	wrdreg s4  }
0xaa: {  	[dreg:$0x4] =	wrdreg $0xC0  }
0xab: {  	_ =	task [dreg:s6], $0x5FFFF  }
0xac: {  	[dreg:$0x1] =	wrdreg $0xFFFFFFFF  }
0xad: {  	[dreg:$0x0] =	wrdreg $0x60  }
0xae: {  	[dreg:$0x2] =	wrdreg s24  }
0xaf: {  	[dreg:$0x3] =	wrdreg $0x7B200  }
0xb0: {  	[dreg:$0x4] =	wrdreg $0x9  }
0xb1: {  	_ =	task.clear_ibuf [dreg:s6], $0x5FFFF;
	_ =	strace $0x9000004C  }
0xb2: {  	s29 =	simm.s32 $0x9;
	_ =	strace $0x8000004E  }
0xb3: {  	_ =	swait.ge [sflag:s29], $0x1  }
0xb4: {  	[sflag:s29] =	ssyncadd.s32 $0xFFFFFFFF  }
0xb5: {  	_ =	strace $0x9000004E  }
0xb6: {  	_ =	sfence  }
0xb7: {  	s30 =	sld [smem:$0x0];
	_ =	sdelay $0x2  }
0xb8: {  	s31 =	sshll.u32 s1, $0xD;
	s1 =	sshrl.u32 s1, $0x2  }
0xb9: {  	s3 =	sand.u32 $0x4000, s31;
	s1 =	sadd.s32 s1, s30  }
0xba: {  	s0 =	sor.u32 s3, s0;
	s1 =	sshll.u32 s1, $0x11  }
0xbb: {  	s0 =	sor.u32 s1, s0  }
0xbc: {  	s0 =	sadd.s32 $0x8F2B, s0  }
0xbd: {  	[sflag:s0] =	ssyncadd.remote.s32 $0x1  }
0xbe: {  	_ =	sfence.sel $0xFFFF  }
0xbf: {  	[dreg:$0x0] =	wrdreg $0xFFFFFFFF;
	(pc) =	sbr.abs _section_cstart, $3  }
0xc0: {  	[dreg:$0x1] =	wrdreg $0xFFFFFFFF  }
0xc1: {  	_ =	task.clear_ibuf [dreg:s6], $0x2FFFF;
	_ =	strace $0x9FFFFFFF  }
0xc2: {  	(tm) =	ssettm $0x7FFFFFFF  }
0xc3: {  	_ =	shalt  }
tec
execute0_lowered:
.L_overlay_start_1:
0x0: {  	(tag) =	ssettag $0x1  }
0x1: {  	s0 =	rddreg [dreg:$0x0]  }
0x2: {  	s2 =	rddreg [dreg:$0x1];
	s1 =	srdreg.scid  }
0x3: {  	s10 =	stileid.u32;
	s3 =	simm.s32 $0x0;
	s29 =	simm.s32 $0x7  }
0x4: {  	s30 =	simm.s32 $0x2710;
	s31 =	simm.s32 $0x50;
	s11 =	simm.s32 $0x3  }
0x5: {  	s12 =	simm.s32 $0x6;
	s1 =	sand.u32 $0x1, s1;
	s5 =	smul.u32 $0x1DA00, s10  }
0x6: {  	s4 =	sshll.u32 s10, $0x1;
	[smem:$0x7FF] =	sst s3;
	s24 =	smul.u32 $0x7680, s10  }
0x7: {  	s14 =	sadd.s32 $0x6F180, s2;
	s9 =	sadd.s32 $0x6FF00, s2;
	s25 =	sadd.s32 $0x70C80, s2  }
0x8: {  	p0 =	seq.s32 s10, $0xF;
	s28 =	sadd.s32 $0x75000, s2;
	s10 =	simm.s32 $0x5  }
0x9: {  	s4 =	sor.u32 s1, s4;
	_ =	strace $0x8000004D;
	s7 =	ssub.s32 $0x2, s1  }
0xa: {  	s1 =	smul.u32 $0x75300, s1;
	[dreg:$0xb] =	wrdreg s9;
	s5 =	sshrl.u32 s5, $0x2  }
0xb: {  	[dreg:$0xc] =	wrdreg s25;
	s6 =	smul.u32 $0x4E2, s4;
	s5 =	sadd.s32 s5, s2  }
0xc: {  	s4 =	sadd.s32 $0x64E00, s0;
	s8 =	sshrl.u32 s7, $0x1;
	s16 =	sadd.s32 $0xD80, s5  }
0xd: {  	s7 =	ssub.s32 s7, s8;
	s17 =	sadd.s32 $0x1B00, s5;
	[dreg:$0x3] =	wrdreg s16  }
0xe: {  	s26 =	sadd.s32 s24, s1;
	s18 =	sadd.s32 $0x2880, s5;
	[dreg:$0x4] =	wrdreg s17  }
0xf: {  	s1 =	sshrl.u32 s1, $0x3;
	s19 =	sadd.s32 $0x3600, s5;
	[dreg:$0x5] =	wrdreg s18  }
0x10: {  	s8 =	simm.s32 $0x4;
	s20 =	sadd.s32 $0x4380, s5;
	[dreg:$0x6] =	wrdreg s19  }
0x11: {  	s6 =	sadd.s32 s6, s0;
	s21 =	sadd.s32 $0x5100, s5;
	[dreg:$0x7] =	wrdreg s20  }
0x12: {  	s0 =	sadd.s32 $0x73A00, s0;
	s22 =	sadd.s32 $0x5E80, s5;
	[dreg:$0x8] =	wrdreg s21  }
0x13: {  	s23 =	sadd.s32 $0x6C00, s5;
	s9 =	sshrl.u32 s26, $0x3;
	[dreg:$0x9] =	wrdreg s22  }
0x14: {  	s26 =	sadd.s32 $0x74280, s2;
	[dreg:$0xa] =	wrdreg s23;
	s17 =	sadd.s32 $0x71A00, s2  }
0x15: {  	s18 =	sadd.s32 $0x72780, s2;
	s19 =	sadd.s32 $0x73500, s2;
	s20 =	sadd.s32 s0, s9  }
0x16: {  	s0 =	sadd.s32 s0, s1;
	s21 =	sadd.s32 $0x2200, s6;
	s22 =	sadd.s32 $0xC000, s6  }
0x17: {  	s1 =	sadd.s32 s24, s2;
	s24 =	smax.u32 s7, $0x1;
	s6 =	simm.s32 $0x6C20  }
0x18: {  	s7 =	simm.s32 $0x1;
	s9 =	simm.s32 $0x2;
	s23 =	sadd.s32 $0xDE30, s0  }
0x19: {  	v0 =	vimm.f32 $0.0e+00;
	s25 =	sshrl.u32 @!p0 s1, $0x3;
	s0 =	simm.s32 $0x4E20;
	s1 =	simm.s32 $0x5D20  }
.LBB2_1:
0x1a: {  	s13 =	simm.s32 $0xC0;
	s15 =	simm.s32 $0x0  }
.LBB2_2:
0x1b: {  	p1 =	sne.s32 s13, $0x3540;
	[tilespmem:s15+$0x4E40] =	vst v0;
	s16 =	smov.u32 s13;
	s13 =	sadd.s32 $0xC0, s13  }
.Ltmp0:
0x1c: {  	[tilespmem:s15+$0x4E20] =	vst v0;
	(pc) =	sbr.rel @p1 .LBB2_2-.Ltmp0, $2  }
0x1d: {  	[tilespmem:s15+$0x4E30] =	vst v0;
	_ =	sdelay $0x2  }
0x1e: {  	s15 =	sshra.s32 s16, $0x2  }
0x1f: {  	[tilespmem:s15+$0x4E40] =	vst v0  }
0x20: {  	[tilespmem:s15+$0x4E20] =	vst v0  }
0x21: {  	[tilespmem:s15+$0x4E30] =	vst v0;
	s13 =	simm.s32 @p0 $0x4E20;
	s15 =	simm.s32 @p0 $0x7  }
0x22: {  	[spmem:s14] =	stream.linear.scatter @p0 [tilespmem:s13], [sflag:$0x7], $0xD80, $0x38;
	[tilespmem:$0xF050] =	vst v63  }
0x23: {  	_ =	swait.ge @p0 [sflag:s15], $0xD80  }
0x24: {  	[sflag:s15] =	ssyncset.done @p0 $0x0  }
0x25: {  	s16 =	rddreg [dreg:$0xb];
	[sflag:s15] =	ssyncadd.s32 @p0 $0xFFFFF280  }
0x26: {  	[spmem:s16] =	stream.linear.scatter @p0 [tilespmem:s13], [sflag:$0x7], $0xD80, $0x38;
	[tilespmem:$0xF050] =	vst v63  }
0x27: {  	_ =	swait.ge @p0 [sflag:s15], $0xD80  }
0x28: {  	[sflag:s15] =	ssyncset.done @p0 $0x0  }
0x29: {  	s16 =	rddreg [dreg:$0xc];
	[sflag:s15] =	ssyncadd.s32 @p0 $0xFFFFF280  }
0x2a: {  	[spmem:s16] =	stream.linear.scatter @p0 [tilespmem:s13], [sflag:$0x7], $0xD80, $0x38;
	[tilespmem:$0xF050] =	vst v63  }
0x2b: {  	_ =	swait.ge @p0 [sflag:s15], $0xD80  }
0x2c: {  	[sflag:s15] =	ssyncset.done @p0 $0x0  }
0x2d: {  	[sflag:s15] =	ssyncadd.s32 @p0 $0xFFFFF280  }
0x2e: {  	[spmem:s17] =	stream.linear.scatter @p0 [tilespmem:s13], [sflag:$0x7], $0xD80, $0x38;
	[tilespmem:$0xF050] =	vst v63  }
0x2f: {  	_ =	swait.ge @p0 [sflag:s15], $0xD80  }
0x30: {  	[sflag:s15] =	ssyncset.done @p0 $0x0  }
0x31: {  	[sflag:s15] =	ssyncadd.s32 @p0 $0xFFFFF280  }
0x32: {  	[spmem:s18] =	stream.linear.scatter @p0 [tilespmem:s13], [sflag:$0x7], $0xD80, $0x38;
	[tilespmem:$0xF050] =	vst v63  }
0x33: {  	_ =	swait.ge @p0 [sflag:s15], $0xD80  }
0x34: {  	[sflag:s15] =	ssyncset.done @p0 $0x0  }
0x35: {  	[sflag:s15] =	ssyncadd.s32 @p0 $0xFFFFF280  }
0x36: {  	[spmem:s19] =	stream.linear.scatter @p0 [tilespmem:s13], [sflag:$0x7], $0xD80, $0x38;
	[tilespmem:$0xF050] =	vst v63  }
0x37: {  	_ =	swait.ge @p0 [sflag:s15], $0xD80  }
0x38: {  	[sflag:s15] =	ssyncset.done @p0 $0x0  }
0x39: {  	[sflag:s15] =	ssyncadd.s32 @p0 $0xFFFFF280  }
0x3a: {  	[spmem:s26] =	stream.linear.scatter @p0 [tilespmem:s13], [sflag:$0x7], $0xD80, $0x38;
	[tilespmem:$0xF050] =	vst v63  }
0x3b: {  	_ =	swait.ge @p0 [sflag:s15], $0xD80  }
0x3c: {  	[sflag:s15] =	ssyncset.done @p0 $0x0  }
0x3d: {  	[sflag:s15] =	ssyncadd.s32 @p0 $0xFFFFF280  }
0x3e: {  	[spmem:s28] =	stream.linear.scatter @p0 [tilespmem:s13], [sflag:$0x7], $0x300, $0x38;
	[tilespmem:$0xF050] =	vst v63  }
0x3f: {  	_ =	swait.ge @p0 [sflag:s15], $0x300  }
0x40: {  	[sflag:s15] =	ssyncset.done @p0 $0x0  }
0x41: {  	s13 =	simm.s32 @!p0 $0x4E20;
	[sflag:s15] =	ssyncadd.s32 @p0 $0xFFFFFD00;
	s15 =	simm.s32 @!p0 $0x7  }
0x42: {  	[spmem:s5] =	stream.linear.scatter @!p0 [tilespmem:s13], [sflag:$0x7], $0xD80, $0x38;
	[tilespmem:$0xF050] =	vst v63  }
0x43: {  	_ =	swait.ge @!p0 [sflag:s15], $0xD80  }
0x44: {  	[sflag:s15] =	ssyncset.done @!p0 $0x0  }
0x45: {  	s16 =	rddreg [dreg:$0x3];
	[sflag:s15] =	ssyncadd.s32 @!p0 $0xFFFFF280  }
0x46: {  	[spmem:s16] =	stream.linear.scatter @!p0 [tilespmem:s13], [sflag:$0x7], $0xD80, $0x38;
	[tilespmem:$0xF050] =	vst v63  }
0x47: {  	_ =	swait.ge @!p0 [sflag:s15], $0xD80  }
0x48: {  	[sflag:s15] =	ssyncset.done @!p0 $0x0  }
0x49: {  	s16 =	rddreg [dreg:$0x4];
	[sflag:s15] =	ssyncadd.s32 @!p0 $0xFFFFF280  }
0x4a: {  	[spmem:s16] =	stream.linear.scatter @!p0 [tilespmem:s13], [sflag:$0x7], $0xD80, $0x38;
	[tilespmem:$0xF050] =	vst v63  }
0x4b: {  	_ =	swait.ge @!p0 [sflag:s15], $0xD80  }
0x4c: {  	[sflag:s15] =	ssyncset.done @!p0 $0x0  }
0x4d: {  	s16 =	rddreg [dreg:$0x5];
	[sflag:s15] =	ssyncadd.s32 @!p0 $0xFFFFF280  }
0x4e: {  	[spmem:s16] =	stream.linear.scatter @!p0 [tilespmem:s13], [sflag:$0x7], $0xD80, $0x38;
	[tilespmem:$0xF050] =	vst v63  }
0x4f: {  	_ =	swait.ge @!p0 [sflag:s15], $0xD80  }
0x50: {  	[sflag:s15] =	ssyncset.done @!p0 $0x0  }
0x51: {  	s16 =	rddreg [dreg:$0x6];
	[sflag:s15] =	ssyncadd.s32 @!p0 $0xFFFFF280  }
0x52: {  	[spmem:s16] =	stream.linear.scatter @!p0 [tilespmem:s13], [sflag:$0x7], $0xD80, $0x38;
	[tilespmem:$0xF050] =	vst v63  }
0x53: {  	_ =	swait.ge @!p0 [sflag:s15], $0xD80  }
0x54: {  	[sflag:s15] =	ssyncset.done @!p0 $0x0  }
0x55: {  	s16 =	rddreg [dreg:$0x7];
	[sflag:s15] =	ssyncadd.s32 @!p0 $0xFFFFF280  }
0x56: {  	[spmem:s16] =	stream.linear.scatter @!p0 [tilespmem:s13], [sflag:$0x7], $0xD80, $0x38;
	[tilespmem:$0xF050] =	vst v63  }
0x57: {  	_ =	swait.ge @!p0 [sflag:s15], $0xD80  }
0x58: {  	[sflag:s15] =	ssyncset.done @!p0 $0x0  }
0x59: {  	s16 =	rddreg [dreg:$0x8];
	[sflag:s15] =	ssyncadd.s32 @!p0 $0xFFFFF280  }
0x5a: {  	[spmem:s16] =	stream.linear.scatter @!p0 [tilespmem:s13], [sflag:$0x7], $0xD80, $0x38;
	[tilespmem:$0xF050] =	vst v63  }
0x5b: {  	_ =	swait.ge @!p0 [sflag:s15], $0xD80  }
0x5c: {  	[sflag:s15] =	ssyncset.done @!p0 $0x0  }
0x5d: {  	s16 =	rddreg [dreg:$0x9];
	[sflag:s15] =	ssyncadd.s32 @!p0 $0xFFFFF280  }
0x5e: {  	[spmem:s16] =	stream.linear.scatter @!p0 [tilespmem:s13], [sflag:$0x7], $0xD80, $0x38;
	[tilespmem:$0xF050] =	vst v63  }
0x5f: {  	_ =	swait.ge @!p0 [sflag:s15], $0xD80  }
0x60: {  	[sflag:s15] =	ssyncset.done @!p0 $0x0  }
0x61: {  	s16 =	rddreg [dreg:$0xa];
	[sflag:s15] =	ssyncadd.s32 @!p0 $0xFFFFF280  }
0x62: {  	[spmem:s16] =	stream.linear.scatter @!p0 [tilespmem:s13], [sflag:$0x7], $0xA80, $0x38;
	[tilespmem:$0xF050] =	vst v63  }
0x63: {  	_ =	swait.ge @!p0 [sflag:s15], $0xA80  }
0x64: {  	[sflag:s15] =	ssyncset.done @!p0 $0x0  }
0x65: {  	[sflag:s15] =	ssyncadd.s32 @!p0 $0xFFFFF580  }
0x66: {  	s16 =	simm.s32 $0x0;
	[bflag:$0x0] =	sbarrier.arrive $0xFFFF  }
0x67: {  	[tilespmem:s16], [sflag:$0x7] =	stream.linear.gather [hbm4b:s21+s16], $0x2710, $0x38;
	[tilespmem:$0xF050] =	vst v63  }
0x68: {  	_ =	swait.ge [sflag:s29], $0x2710  }
0x69: {  	[sflag:s29] =	ssyncset.done $0x0  }
0x6a: {  	[sflag:s29] =	ssyncadd.s32 $0xFFFFD8F0  }
0x6b: {  	[tilespmem:s30], [sflag:$0x7] =	stream.linear.gather [hbm4b:s22+s16], $0x2710, $0x38;
	[tilespmem:$0xF050] =	vst v63  }
0x6c: {  	_ =	swait.ge [sflag:s29], $0x2710  }
0x6d: {  	[sflag:s29] =	ssyncset.done $0x0  }
0x6e: {  	[sflag:s29] =	ssyncadd.s32 $0xFFFFD8F0  }
0x6f: {  	[tilespmem:s0], [sflag:$0x1] =	stream.indirect.gather [hbm4b:s4+s31], $0x30, s16, s31, $0xb8;
	[tilespmem:$0xF050] =	vst v63  }
0x70: {  	_ = 	snop  }
0x71: {  	[tilespmem:s1], [sflag:$0x2] =	stream.indirect.gather [hbm4b:s4+s31], $0x30, s31, s31, $0xb8;
	[tilespmem:$0xF050] =	vst v63  }
0x72: {  	s15 =	simm.s32 $0xA0  }
0x73: {  	[tilespmem:s6], [sflag:$0x3] =	stream.indirect.gather [hbm4b:s4+s31], $0x30, s15, s31, $0xb8;
	[tilespmem:$0xF050] =	vst v63  }
0x74: {  	_ =	swait.ge [sflag:s7], $0xF00  }
0x75: {  	[sflag:s7] =	ssyncset.done $0x0  }
0x76: {  	[sflag:s7] =	ssyncadd.s32 $0xFFFFF100  }
0x77: {  	[spmem:s2] =	stream.indirect.scatter.add.f32 [tilespmem:s0], [sflag:$0x4], $0x30, s30, s31, $0xb8;
	[tilespmem:$0xF050] =	vst v63  }
0x78: {  	_ =	swait.ge [sflag:s8], $0xF00  }
0x79: {  	[sflag:s8] =	ssyncset.done $0x0  }
0x7a: {  	s16 =	simm.s32 $0xF0;
	[sflag:s8] =	ssyncadd.s32 $0xFFFFF100  }
0x7b: {  	[tilespmem:s0], [sflag:$0x1] =	stream.indirect.gather [hbm4b:s4+s31], $0x30, s16, s31, $0xb8;
	[tilespmem:$0xF050] =	vst v63  }
0x7c: {  	_ =	swait.ge [sflag:s9], $0xF00  }
0x7d: {  	[sflag:s9] =	ssyncset.done $0x0  }
0x7e: {  	s15 =	simm.s32 $0x2760;
	[sflag:s9] =	ssyncadd.s32 $0xFFFFF100  }
0x7f: {  	[spmem:s2] =	stream.indirect.scatter.add.f32 [tilespmem:s1], [sflag:$0x5], $0x30, s15, s31, $0xb8;
	[tilespmem:$0xF050] =	vst v63  }
0x80: {  	_ =	swait.ge [sflag:s10], $0xF00  }
0x81: {  	[sflag:s10] =	ssyncset.done $0x0  }
0x82: {  	s16 =	simm.s32 $0x140;
	[sflag:s10] =	ssyncadd.s32 $0xFFFFF100  }
0x83: {  	[tilespmem:s1], [sflag:$0x2] =	stream.indirect.gather [hbm4b:s4+s31], $0x30, s16, s31, $0xb8;
	[tilespmem:$0xF050] =	vst v63  }
0x84: {  	_ =	swait.ge [sflag:s11], $0xF00  }
0x85: {  	[sflag:s11] =	ssyncset.done $0x0  }
0x86: {  	s15 =	simm.s32 $0x27B0;
	[sflag:s11] =	ssyncadd.s32 $0xFFFFF100  }
0x87: {  	[spmem:s2] =	stream.indirect.scatter.add.f32 [tilespmem:s6], [sflag:$0x6], $0x30, s15, s31, $0xb8;
	[tilespmem:$0xF050] =	vst v63  }
0x88: {  	_ =	swait.ge [sflag:s12], $0xF00  }
0x89: {  	[sflag:s12] =	ssyncset.done $0x0  }
0x8a: {  	s16 =	simm.s32 $0x190;
	[sflag:s12] =	ssyncadd.s32 $0xFFFFF100  }
0x8b: {  	[tilespmem:s6], [sflag:$0x3] =	stream.indirect.gather [hbm4b:s4+s31], $0x30, s16, s31, $0xb8;
	[tilespmem:$0xF050] =	vst v63  }
0x8c: {  	_ =	swait.ge [sflag:s7], $0xF00  }
0x8d: {  	[sflag:s7] =	ssyncset.done $0x0  }
0x8e: {  	s13 =	simm.s32 $0x3C0;
	s15 =	simm.s32 $0x2800;
	[sflag:s7] =	ssyncadd.s32 $0xFFFFF100  }
.LBB2_4:
0x8f: {  	[spmem:s2] =	stream.indirect.scatter.add.f32 [tilespmem:s0], [sflag:$0x4], $0x30, s15, s31, $0xb8;
	[tilespmem:$0xF050] =	vst v63  }
0x90: {  	s15 =	smov.u32 s13  }
0x91: {  	p1 =	sne.s32 s13, $0x9240;
	s13 =	sadd.s32 $0x3C0, s13;
	_ =	swait.ge [sflag:s8], $0xF00  }
0x92: {  	s15 =	sshra.s32 s15, $0x2;
	[sflag:s8] =	ssyncset.done $0x0  }
0x93: {  	s16 =	sadd.s32 $0xF0, s15;
	[sflag:s8] =	ssyncadd.s32 $0xFFFFF100  }
0x94: {  	[tilespmem:s0], [sflag:$0x1] =	stream.indirect.gather [hbm4b:s4+s31], $0x30, s16, s31, $0xb8;
	[tilespmem:$0xF050] =	vst v63  }
0x95: {  	_ =	swait.ge [sflag:s9], $0xF00  }
0x96: {  	[sflag:s9] =	ssyncset.done $0x0  }
0x97: {  	s16 =	sadd.s32 $0x2760, s15;
	[sflag:s9] =	ssyncadd.s32 $0xFFFFF100  }
0x98: {  	[spmem:s2] =	stream.indirect.scatter.add.f32 [tilespmem:s1], [sflag:$0x5], $0x30, s16, s31, $0xb8;
	[tilespmem:$0xF050] =	vst v63  }
0x99: {  	_ =	swait.ge [sflag:s10], $0xF00  }
0x9a: {  	[sflag:s10] =	ssyncset.done $0x0  }
0x9b: {  	s16 =	sadd.s32 $0x140, s15;
	[sflag:s10] =	ssyncadd.s32 $0xFFFFF100  }
0x9c: {  	[tilespmem:s1], [sflag:$0x2] =	stream.indirect.gather [hbm4b:s4+s31], $0x30, s16, s31, $0xb8;
	[tilespmem:$0xF050] =	vst v63  }
0x9d: {  	_ =	swait.ge [sflag:s11], $0xF00  }
0x9e: {  	[sflag:s11] =	ssyncset.done $0x0  }
0x9f: {  	s16 =	sadd.s32 $0x27B0, s15;
	[sflag:s11] =	ssyncadd.s32 $0xFFFFF100  }
0xa0: {  	[spmem:s2] =	stream.indirect.scatter.add.f32 [tilespmem:s6], [sflag:$0x6], $0x30, s16, s31, $0xb8;
	[tilespmem:$0xF050] =	vst v63  }
0xa1: {  	_ =	swait.ge [sflag:s12], $0xF00  }
0xa2: {  	[sflag:s12] =	ssyncset.done $0x0  }
.Ltmp1:
0xa3: {  	s16 =	sadd.s32 $0x190, s15;
	[sflag:s12] =	ssyncadd.s32 $0xFFFFF100;
	(pc) =	sbr.rel @p1 .LBB2_4-.Ltmp1, $4  }
0xa4: {  	[tilespmem:s6], [sflag:$0x3] =	stream.indirect.gather [hbm4b:s4+s31], $0x30, s16, s31, $0xb8;
	[tilespmem:$0xF050] =	vst v63  }
0xa5: {  	_ =	swait.ge [sflag:s7], $0xF00  }
0xa6: {  	[sflag:s7] =	ssyncset.done $0x0  }
0xa7: {  	s15 =	sadd.s32 $0x2800, s15;
	[sflag:s7] =	ssyncadd.s32 $0xFFFFF100  }
0xa8: {  	[spmem:s2] =	stream.indirect.scatter.add.f32 [tilespmem:s0], [sflag:$0x4], $0x30, s15, s31, $0xb8;
	[tilespmem:$0xF050] =	vst v63  }
0xa9: {  	_ =	swait.ge [sflag:s8], $0xF00  }
0xaa: {  	[sflag:s8] =	ssyncset.done $0x0  }
0xab: {  	s13 =	simm.s32 $0x2670;
	[sflag:s8] =	ssyncadd.s32 $0xFFFFF100  }
0xac: {  	[tilespmem:s0], [sflag:$0x1] =	stream.indirect.gather [hbm4b:s4+s31], $0x30, s13, s31, $0xb8;
	[tilespmem:$0xF050] =	vst v63  }
0xad: {  	_ =	swait.ge [sflag:s9], $0xF00  }
0xae: {  	[sflag:s9] =	ssyncset.done $0x0  }
0xaf: {  	s16 =	simm.s32 $0x4CE0;
	[sflag:s9] =	ssyncadd.s32 $0xFFFFF100  }
0xb0: {  	[spmem:s2] =	stream.indirect.scatter.add.f32 [tilespmem:s1], [sflag:$0x5], $0x30, s16, s31, $0xb8;
	[tilespmem:$0xF050] =	vst v63  }
0xb1: {  	_ =	swait.ge [sflag:s10], $0xF00  }
0xb2: {  	[sflag:s10] =	ssyncset.done $0x0  }
0xb3: {  	s15 =	simm.s32 $0x26C0;
	[sflag:s10] =	ssyncadd.s32 $0xFFFFF100  }
0xb4: {  	[tilespmem:s1], [sflag:$0x2] =	stream.indirect.gather [hbm4b:s4+s31], $0x30, s15, s31, $0xb8;
	[tilespmem:$0xF050] =	vst v63  }
0xb5: {  	_ =	swait.ge [sflag:s11], $0xF00  }
0xb6: {  	[sflag:s11] =	ssyncset.done $0x0  }
0xb7: {  	s16 =	simm.s32 $0x4D30;
	[sflag:s11] =	ssyncadd.s32 $0xFFFFF100  }
0xb8: {  	[spmem:s2] =	stream.indirect.scatter.add.f32 [tilespmem:s6], [sflag:$0x6], $0x30, s16, s31, $0xb8;
	[tilespmem:$0xF050] =	vst v63  }
0xb9: {  	_ =	swait.ge [sflag:s7], $0xF00  }
0xba: {  	[sflag:s7] =	ssyncset.done $0x0  }
0xbb: {  	s15 =	simm.s32 $0x4D80;
	[sflag:s7] =	ssyncadd.s32 $0xFFFFF100  }
0xbc: {  	[spmem:s2] =	stream.indirect.scatter.add.f32 [tilespmem:s0], [sflag:$0x4], $0x30, s15, s31, $0xb8;
	[tilespmem:$0xF050] =	vst v63  }
0xbd: {  	_ =	swait.ge [sflag:s9], $0xF00  }
0xbe: {  	[sflag:s9] =	ssyncset.done $0x0  }
0xbf: {  	s16 =	simm.s32 $0x4DD0;
	[sflag:s9] =	ssyncadd.s32 $0xFFFFF100  }
0xc0: {  	[spmem:s2] =	stream.indirect.scatter.add.f32 [tilespmem:s1], [sflag:$0x5], $0x30, s16, s31, $0xb8;
	[tilespmem:$0xF050] =	vst v63  }
0xc1: {  	_ =	swait.ge [sflag:s12], $0xF00  }
0xc2: {  	[sflag:s12] =	ssyncset.done $0x0  }
0xc3: {  	[sflag:s12] =	ssyncadd.s32 $0xFFFFF100  }
0xc4: {  	_ =	swait.ge [sflag:s8], $0xF00  }
0xc5: {  	[sflag:s8] =	ssyncset.done $0x0  }
0xc6: {  	[sflag:s8] =	ssyncadd.s32 $0xFFFFF100  }
0xc7: {  	_ =	swait.ge [sflag:s10], $0xF00  }
0xc8: {  	[sflag:s10] =	ssyncset.done $0x0  }
0xc9: {  	[sflag:s10] =	ssyncadd.s32 $0xFFFFF100  }
0xca: {  	s13 =	sshrl.u32 @p0 s14, $0x3;
	s15 =	simm.s32 @p0 $0x1FC7;
	[bflag:$0x0] =	sbarrier.arrive $0xFFFF  }
0xcb: {  	[hbm:s23], [sflag:s15] =	dma.local @p0 [spmem:s13], $0xC30  }
0xcc: {  	s13 =	simm.s32 @p0 $0x7  }
0xcd: {  	s15 =	stileid.u32;
	_ =	swait.ge @p0 [sflag:s13], $0xC30  }
0xce: {  	s3 =	sadd.s32 $0x1, s3;
	s15 =	sshll.u32 @!p0 s15, $0x6;
	[sflag:s13] =	ssyncset.done @p0 $0x0  }
0xcf: {  	p1 =	sne.s32 s3, s24;
	[sflag:s13] =	ssyncadd.s32 @p0 $0xFFFFF3D0;
	s13 =	sor.u32 @!p0 $0x1C07, s15  }
0xd0: {  	[hbm:s20], [sflag:s13] =	dma.local @!p0 [spmem:s25], $0xED0  }
.Ltmp2:
0xd1: {  	_ = 	snop;
	(pc) =	sbr.rel @p1 .LBB2_1-.Ltmp2, $4  }
0xd2: {  	s13 =	simm.s32 @!p0 $0x7  }
0xd3: {  	_ =	swait.ge @!p0 [sflag:s13], $0xED0  }
0xd4: {  	[sflag:s13] =	ssyncset.done @!p0 $0x0  }
0xd5: {  	[sflag:s13] =	ssyncadd.s32 @!p0 $0xFFFFF130  }
0xd6: {  	_ =	sfence.sel $0x180000  }
0xd7: {  	[bflag:$0x0] =	sbarrier.arrive $0xFFFF  }
0xd8: {  	_ =	strace $0x9000004D  }
0xd9: {  	s0 =	stileid.u32;
	[bflag:$0x2] =	sbarrier.arrive $0xFFFF  }
0xda: {  	p0 =	sne.s32 s0, $0x0;
	s0 =	rddreg [dreg:$0x2]  }
0xdb: {  	s0 =	sadd.s32 @!p0 $0x100000, s0  }
0xdc: {  	[sflag:s0] =	ssyncadd.tile.s32 @!p0 $0x1;
	_ =	shalt  }
.Lfunc_end2:
_tile_overlayer_lowered:
.L_overlay_start_2:
0xdd: {  	(tag) =	ssettag $0x2  }
0xde: {  	s0 =	rddreg [dreg:$0x0];
	s2 =	stileid.u32  }
0xdf: {  	s1 =	rddreg [dreg:$0x1];
	p0 =	sne.s32 s2, $0x0  }
0xe0: {  	s3 =	rddreg [dreg:$0x2];
	[bflag:$0x3] =	sbarrier.arrive $0xFFFF;
	s2 =	simm.s32 @!p0 $0x1C07  }
0xe1: {  	[timem:s3], [sflag:s2] =	dma.local @!p0 [hbm:s0], s1  }
0xe2: {  	s0 =	simm.s32 @!p0 $0x7  }
0xe3: {  	_ =	swait.ge @!p0 [sflag:s0], s1  }
0xe4: {  	s1 =	ssub.s32 @!p0 $0x0, s1;
	[sflag:s0] =	ssyncset.done @!p0 $0x0  }
0xe5: {  	[sflag:s0] =	ssyncadd.s32 @!p0 s1  }
0xe6: {  	[bflag:$0x3] =	sbarrier.arrive $0xFFFF  }
0xe7: {  	_ =	shalt  }

// kernel: kernel.8.cloned.1.call-start
scs
__scs_entry_jumppad:
0x0: {  	(pc) =	sbr.rel $0x88, $3  }
0x1: {  	(tag) =	ssettag $0x0;
	lr =	simm.s32 $0x1  }
0x2: {  	[smem:$0x3F9B] =	sst lr;
	_ =	strace $0xD0000000  }
0x3: {  	_ = 	snop  }
0x4: {  	_ = 	snop  }
0x5: {  	_ = 	snop  }
0x6: {  	_ = 	snop  }
0x7: {  	_ = 	snop  }
__scs_overlays_trampoline_lowered:
0x8: {  	[smem:$0x3FAA] =	sst s0  }
0x9: {  	[smem:$0x3FAB] =	sst s1  }
0xa: {  	[smem:$0x3FAC] =	sst s2  }
0xb: {  	[smem:$0x3FAD] =	sst s3  }
0xc: {  	[smem:$0x3FAE] =	sst s4  }
0xd: {  	[smem:$0x3FAF] =	sst s5  }
0xe: {  	[smem:$0x3FB0] =	sst s6  }
0xf: {  	[smem:$0x3FB1] =	sst s7  }
0x10: {  	[smem:$0x3FB2] =	sst s8  }
0x11: {  	[smem:$0x3FB3] =	sst s9;
	s0 =	simm.s32 @!p0 $0x0  }
0x12: {  	s1 =	sld [smem:$0x3F99];
	s0 =	simm.s32 @p0 $0x1  }
0x13: {  	[smem:$0x3FB4] =	sst s0;
	s0 =	simm.s32 @!p1 $0x0  }
0x14: {  	s2 =	sld [smem:$0x3F98];
	s0 =	simm.s32 @p1 $0x1  }
0x15: {  	[smem:$0x3FB5] =	sst s0;
	s0 =	simm.s32 @!p2 $0x0  }
0x16: {  	s3 =	sld [smem:$0x3FDB];
	s0 =	simm.s32 @p2 $0x1  }
0x17: {  	s4 =	simm.s32 $0x1BF5;
	[smem:$0x3FB7] =	sst s0  }
0x18: {  	s0 =	sld [smem:$0x3F9A];
	_ =	swait.ge [sflag:s4], $0x0  }
0x19: {  	s7 =	sld [smem:$0x3F9B]  }
0x1a: {  	s8 =	sadd.s32 $0xFFFFE003, lr  }
0x1b: {  	s9 =	sadd.s32 $0xFFFFFEF7, lr;
	s5 =	simm.s32 $0xFFFFFFFF;
	p2 =	slt.u32 s8, $0xFFFFF086  }
0x1c: {  	p1 =	slt.u32 s9, $0xF7A;
	s5 =	simm.s32 @!p2 $0x0  }
0x1d: {  	s5 =	simm.s32 @p1 $0x1;
	p0 =	seq.s32 s7, s2  }
0x1e: {  	s7 =	smul.u32 @!p0 $0xF7A, s2;
	p2 =	seq.s32 @!p0 s5, $0x0  }
0x1f: {  	s9 =	smul.u32 $0xF7A, s1;
	s8 =	simm.s32 @!p0 $0x1BF5;
	p2 =	por !p2, p0  }
0x20: {  	[sflag:s8] =	ssyncset.s32 @!p0 $0xFFFFF086;
	s6 =	sadd.s32 @!p0 s3, s7;
	s7 =	simm.s32 @!p0 $0x108  }
0x21: {  	s3 =	sadd.s32 s3, s9;
	s6 =	sadd.s32 @!p0 $0x88, s6;
	s7 =	simm.s32 @p2 $0x1082  }
0x22: {  	[simem:s7], [sflag:s8] =	dma.local @!p0 [hbm:s6], $0xF7A  }
0x23: {  	s9 =	sor.u32 $0xD0000000, s2;
	s6 =	simm.s32 $0x108;
	_ =	swait.ge @!p0 [sflag:s8], $0x0  }
0x24: {  	s3 =	sadd.s32 $0x88, s3;
	s6 =	simm.s32 @!p1 $0x1082;
	[sflag:s4] =	ssyncset.s32 $0xFFFFF086  }
0x25: {  	[simem:s6], [sflag:s4] =	dma.local [hbm:s3], $0xF7A  }
0x26: {  	[smem:$0x3F9B] =	sst s1;
	(tag) =	ssettag s2;
	_ =	strace s9  }
0x27: {  	s1 =	sld [smem:$0x3FAB]  }
0x28: {  	s2 =	sld [smem:$0x3FAC]  }
0x29: {  	s4 =	sld [smem:$0x3FAE]  }
0x2a: {  	p0 =	seq.s32 s5, $0x0;
	s5 =	sld [smem:$0x3FAF]  }
0x2b: {  	s6 =	sld [smem:$0x3FB0]  }
0x2c: {  	s7 =	sld [smem:$0x3FB1]  }
0x2d: {  	s3 =	simm.s32 $0x108;
	s8 =	sld [smem:$0x3FB2]  }
0x2e: {  	s3 =	simm.s32 @!p0 $0x1082;
	s9 =	sld [smem:$0x3FB3]  }
0x2f: {  	lr =	sadd.s32 s0, s3;
	s0 =	sld [smem:$0x3FAA]  }
0x30: {  	s3 =	sld [smem:$0x3FAD]  }
0x31: {  	[smem:$0x3FB6] =	sst s10  }
0x32: {  	s10 =	sld [smem:$0x3FB4];
	_ =	sdelay $0x3  }
0x33: {  	p0 =	seq.s32 s10, $0x1;
	s10 =	sld [smem:$0x3FB6];
	_ =	sdelay $0x3  }
0x34: {  	[smem:$0x3FB6] =	sst s10  }
0x35: {  	s10 =	sld [smem:$0x3FB5];
	_ =	sdelay $0x3  }
0x36: {  	p1 =	seq.s32 s10, $0x1;
	s10 =	sld [smem:$0x3FB6];
	_ =	sdelay $0x3  }
0x37: {  	[smem:$0x3FB6] =	sst s10  }
0x38: {  	s10 =	sld [smem:$0x3FB7]  }
0x39: {  	_ = 	snop;
	(pc) =	sbr.ind lr, $3  }
0x3a: {  	_ = 	snop  }
0x3b: {  	_ = 	snop  }
0x3c: {  	p2 =	seq.s32 s10, $0x1;
	s10 =	sld [smem:$0x3FB6]  }
0x3d: {  	_ =	shalt  }
0x3e: {  	_ =	shalt  }
0x3f: {  	_ =	shalt  }
0x40: {  	_ =	shalt  }
0x41: {  	_ =	shalt  }
0x42: {  	_ =	shalt  }
0x43: {  	_ =	shalt  }
0x44: {  	_ =	shalt  }
0x45: {  	_ =	shalt  }
0x46: {  	_ =	shalt  }
0x47: {  	_ =	shalt  }
0x48: {  	_ =	shalt  }
0x49: {  	_ =	shalt  }
0x4a: {  	_ =	shalt  }
0x4b: {  	_ =	shalt  }
0x4c: {  	_ =	shalt  }
0x4d: {  	_ =	shalt  }
0x4e: {  	_ =	shalt  }
0x4f: {  	_ =	shalt  }
0x50: {  	_ =	shalt  }
0x51: {  	_ =	shalt  }
0x52: {  	_ =	shalt  }
0x53: {  	_ =	shalt  }
0x54: {  	_ =	shalt  }
0x55: {  	_ =	shalt  }
0x56: {  	_ =	shalt  }
0x57: {  	_ =	shalt  }
0x58: {  	_ =	shalt  }
0x59: {  	_ =	shalt  }
0x5a: {  	_ =	shalt  }
0x5b: {  	_ =	shalt  }
0x5c: {  	_ =	shalt  }
0x5d: {  	_ =	shalt  }
0x5e: {  	_ =	shalt  }
0x5f: {  	_ =	shalt  }
0x60: {  	_ =	shalt  }
0x61: {  	_ =	shalt  }
0x62: {  	_ =	shalt  }
0x63: {  	_ =	shalt  }
0x64: {  	_ =	shalt  }
0x65: {  	_ =	shalt  }
0x66: {  	_ =	shalt  }
0x67: {  	_ =	shalt  }
0x68: {  	_ =	shalt  }
0x69: {  	_ =	shalt  }
0x6a: {  	_ =	shalt  }
0x6b: {  	_ =	shalt  }
0x6c: {  	_ =	shalt  }
0x6d: {  	_ =	shalt  }
0x6e: {  	_ =	shalt  }
0x6f: {  	_ =	shalt  }
0x70: {  	_ =	shalt  }
0x71: {  	_ =	shalt  }
0x72: {  	_ =	shalt  }
0x73: {  	_ =	shalt  }
0x74: {  	_ =	shalt  }
0x75: {  	_ =	shalt  }
0x76: {  	_ =	shalt  }
0x77: {  	_ =	shalt  }
0x78: {  	_ =	shalt  }
0x79: {  	_ =	shalt  }
0x7a: {  	_ =	shalt  }
0x7b: {  	_ =	shalt  }
0x7c: {  	_ =	shalt  }
0x7d: {  	_ =	shalt  }
0x7e: {  	_ =	shalt  }
0x7f: {  	_ =	shalt  }
0x80: {  	_ =	shalt  }
0x81: {  	_ =	shalt  }
0x82: {  	_ =	shalt  }
0x83: {  	_ =	shalt  }
0x84: {  	_ =	shalt  }
0x85: {  	_ =	shalt  }
0x86: {  	_ =	shalt  }
0x87: {  	_ =	shalt  }
.Lfunc_end0:
.L_simem_size_0:
called_computation_lowered:
.L_overlay_start_0:
0x88: {  	s2 =	sld [smem:$0x3FD9]  }
0x89: {  	s3 =	sld [smem:$0x3FFE];
	_ =	sdelay $0x1  }
0x8a: {  	s1 =	srdreg.scid  }
0x8b: {  	s0 =	sand.u32 $0x1, s1  }
0x8c: {  	s17 =	sshll.u32 s0, $0xA;
	s2 =	sadd.s32 s3, s2  }
0x8d: {  	s2 =	sadd.s32 s2, s17  }
0x8e: {  	[smem:$0x3FC2] =	sst s2  }
0x8f: {  	_ = 	snop  }
0x90: {  	s2 =	sld [smem:$0x3FD0];
	(tm) =	ssettm $0x1  }
0x91: {  	s18 =	sld [smem:$0x3FFB];
	_ =	sdelay $0x3  }
0x92: {  	_ =	strace s18  }
0x93: {  	s3 =	sld [smem:$0x3FFC];
	_ =	sdelay $0x3  }
0x94: {  	_ =	strace s3  }
0x95: {  	s3 =	sld [smem:$0x3FFD];
	_ =	sdelay $0x3  }
0x96: {  	_ =	strace s3  }
0x97: {  	_ =	strace $0x8FFFFFFF  }
0x98: {  	s19 =	sld [smem:$0x3FDB];
	_ =	sdelay $0x1  }
0x99: {  	s4 =	simm.s32 $_scs_section_size  }
0x9a: {  	s5 =	simm.s32 $_size__tile_overlayer_lowered;
	s6 =	simm.s32 $_tile_overlayer_lowered  }
0x9b: {  	s22 =	simm.s32 $0x1BFF;
	s21 =	sshll.u32 s6, $0x1;
	s3 =	sadd.s32 s4, s19  }
0x9c: {  	s7 =	simm.s32 $0x0;
	s20 =	sshll.u32 s5, $0x1;
	s5 =	sadd.s32 s21, s3  }
0x9d: {  	[timem:s7], [sflag:s22] =	dma.local [hbm:s5], s20  }
0x9e: {  	_ =	swait.ge [sflag:s22], s20  }
0x9f: {  	s4 =	ssub.s32 $0x0, s20;
	[sflag:s22] =	ssyncset.done $0x0  }
0xa0: {  	[sflag:s22] =	ssyncadd.s32 s4;
	_ =	sdelay $0x1  }
0xa1: {  	s23 =	simm.s32 $0x1B8B  }
0xa2: {  	_ =	swait.ge [sflag:s23], $0x1  }
0xa3: {  	[sflag:s23] =	ssyncset.done $0x0  }
0xa4: {  	s25 =	simm.s32 $0x1B8E;
	s24 =	sld [smem:$0x3FFE];
	[sflag:s23] =	ssyncadd.s32 $0xFFFFFFFF  }
0xa5: {  	s26 =	simm.s32 $execute0_lowered;
	[smem:$0x3FD2] =	sst s25  }
0xa6: {  	s5 =	sshll.u32 s26, $0x1;
	_ =	strace $0x80000046;
	[dreg:$0x1] =	wrdreg $0xFFFFFFFF  }
0xa7: {  	s28 =	simm.s32 $_size_execute0_lowered;
	s3 =	sadd.s32 s3, s5;
	[dreg:$0x0] =	wrdreg $0x0  }
0xa8: {  	s5 =	sshll.u32 s28, $0x1;
	[dreg:$0x2] =	wrdreg s3  }
0xa9: {  	[dreg:$0x3] =	wrdreg s5  }
0xaa: {  	[dreg:$0x4] =	wrdreg $0xC0  }
0xab: {  	_ =	task [dreg:s7], $0x5FFFF  }
0xac: {  	[dreg:$0x1] =	wrdreg $0xFFFFFFFF  }
0xad: {  	[dreg:$0x0] =	wrdreg $0x60  }
0xae: {  	[dreg:$0x2] =	wrdreg s24  }
0xaf: {  	[dreg:$0x3] =	wrdreg s2  }
0xb0: {  	[dreg:$0x4] =	wrdreg $0x30900  }
0xb1: {  	[dreg:$0x5] =	wrdreg $0x9  }
0xb2: {  	_ =	task.clear_ibuf [dreg:s7], $0x6FFFF;
	_ =	strace $0x90000046  }
0xb3: {  	s29 =	simm.s32 $0x9;
	_ =	strace $0x80000048  }
0xb4: {  	_ =	swait.ge [sflag:s29], $0x1  }
0xb5: {  	[sflag:s29] =	ssyncadd.s32 $0xFFFFFFFF  }
0xb6: {  	_ =	strace $0x90000048  }
0xb7: {  	_ =	sfence  }
0xb8: {  	s30 =	sld [smem:$0x0];
	_ =	sdelay $0x2  }
0xb9: {  	s31 =	sshll.u32 s1, $0xD;
	s1 =	sshrl.u32 s1, $0x2  }
0xba: {  	s3 =	sand.u32 $0x4000, s31;
	s1 =	sadd.s32 s1, s30  }
0xbb: {  	s0 =	sor.u32 s3, s0;
	s1 =	sshll.u32 s1, $0x11  }
0xbc: {  	s0 =	sor.u32 s1, s0  }
0xbd: {  	s0 =	sadd.s32 $0x8F2B, s0  }
0xbe: {  	[sflag:s0] =	ssyncadd.remote.s32 $0x1  }
0xbf: {  	_ =	sfence.sel $0xFFFF  }
0xc0: {  	[dreg:$0x0] =	wrdreg $0xFFFFFFFF;
	(pc) =	sbr.abs _section_cstart, $3  }
0xc1: {  	[dreg:$0x1] =	wrdreg $0xFFFFFFFF  }
0xc2: {  	_ =	task.clear_ibuf [dreg:s7], $0x2FFFF;
	_ =	strace $0x9FFFFFFF  }
0xc3: {  	(tm) =	ssettm $0x7FFFFFFF  }
tec
execute0_lowered:
.L_overlay_start_1:
0x0: {  	(tag) =	ssettag $0x1  }
0x1: {  	s4 =	rddreg [dreg:$0x0]  }
0x2: {  	s1 =	srdreg.scid;
	s14 =	rddreg [dreg:$0x1]  }
0x3: {  	s0 =	stileid.u32;
	s2 =	rddreg [dreg:$0x2]  }
0x4: {  	s3 =	simm.s32 $0x0;
	s17 =	simm.s32 $0x2;
	s18 =	simm.s32 $0x50  }
0x5: {  	s19 =	simm.s32 $0x2710;
	s20 =	simm.s32 $0x1;
	s5 =	sand.u32 $0x1, s1  }
0x6: {  	s30 =	sshll.u32 s0, $0x1;
	s1 =	rddreg [dreg:$0x3];
	s8 =	smul.u32 $0x9E00, s0  }
0x7: {  	[smem:$0x7FF] =	sst s3;
	s10 =	smul.u32 $0x2780, s0;
	s6 =	sor.u32 s5, s30  }
0x8: {  	s7 =	ssub.s32 $0x2, s5;
	_ =	strace $0x80000047;
	s11 =	smul.u32 $0x27800, s5  }
0x9: {  	s6 =	smul.u32 $0x4E2, s6;
	s9 =	sshrl.u32 s7, $0x1;
	s31 =	sshrl.u32 s8, $0x2  }
0xa: {  	s15 =	ssub.s32 s7, s9;
	s12 =	sadd.s32 s31, s2;
	s16 =	sadd.s32 s10, s11  }
0xb: {  	s13 =	sadd.s32 s6, s4;
	s4 =	sadd.s32 s10, s2;
	s5 =	sadd.s32 $0x480, s12  }
0xc: {  	s6 =	sadd.s32 $0x900, s12;
	s7 =	sadd.s32 $0xD80, s12;
	s8 =	sadd.s32 $0x1200, s12  }
0xd: {  	s9 =	sadd.s32 $0x1680, s12;
	s10 =	sadd.s32 $0x1B00, s12;
	s11 =	sadd.s32 $0x1F80, s12  }
0xe: {  	s16 =	sshrl.u32 s16, $0x3;
	s12 =	sadd.s32 $0x2400, s12;
	s15 =	smax.u32 s15, $0x1  }
0xf: {  	v0 =	vimm.f32 $1.000000000e+00;
	v1 =	vimm.f32 $0.0e+00;
	s13 =	sadd.s32 $0xC000, s13;
	s14 =	sadd.s32 s14, s16;
	s16 =	simm.s32 $0x2C10  }
.LBB2_1:
0x10: {  	s21 =	simm.s32 $0x0  }
.LBB2_2:
0x11: {  	p0 =	sne.s32 s21, $0x13C0  }
.Ltmp0:
0x12: {  	_ = 	snop;
	(pc) =	sbr.rel @p0 .LBB2_2-.Ltmp0, $3  }
0x13: {  	_ =	sdelay $0x1  }
0x14: {  	s22 =	sshra.s32 s21, $0x2  }
0x15: {  	s21 =	sadd.s32 $0x40, s21;
	[tilespmem:s22+$0x2710] =	vst v0  }
0x16: {  	s21 =	simm.s32 $0x40;
	s22 =	simm.s32 $0x0  }
.LBB2_4:
0x17: {  	p0 =	sne.s32 s21, $0x11C0;
	[tilespmem:s22+$0x2C10] =	vst v1;
	s22 =	smov.u32 s21;
	s21 =	sadd.s32 $0x40, s21  }
.Ltmp1:
0x18: {  	(pc) =	sbr.rel @p0 .LBB2_4-.Ltmp1, $2  }
0x19: {  	_ =	sdelay $0x2  }
0x1a: {  	s22 =	sshra.s32 s22, $0x2  }
0x1b: {  	[tilespmem:s22+$0x2C10] =	vst v1  }
0x1c: {  	[spmem:s4] =	stream.linear.scatter [tilespmem:s16], [sflag:$0x2], $0x480, $0x38;
	[tilespmem:$0x5810] =	vst v63  }
0x1d: {  	_ =	swait.ge [sflag:s17], $0x480  }
0x1e: {  	[sflag:s17] =	ssyncset.done $0x0  }
0x1f: {  	[sflag:s17] =	ssyncadd.s32 $0xFFFFFB80  }
0x20: {  	[spmem:s5] =	stream.linear.scatter [tilespmem:s16], [sflag:$0x2], $0x480, $0x38;
	[tilespmem:$0x5810] =	vst v63  }
0x21: {  	_ =	swait.ge [sflag:s17], $0x480  }
0x22: {  	[sflag:s17] =	ssyncset.done $0x0  }
0x23: {  	[sflag:s17] =	ssyncadd.s32 $0xFFFFFB80  }
0x24: {  	[spmem:s6] =	stream.linear.scatter [tilespmem:s16], [sflag:$0x2], $0x480, $0x38;
	[tilespmem:$0x5810] =	vst v63  }
0x25: {  	_ =	swait.ge [sflag:s17], $0x480  }
0x26: {  	[sflag:s17] =	ssyncset.done $0x0  }
0x27: {  	[sflag:s17] =	ssyncadd.s32 $0xFFFFFB80  }
0x28: {  	[spmem:s7] =	stream.linear.scatter [tilespmem:s16], [sflag:$0x2], $0x480, $0x38;
	[tilespmem:$0x5810] =	vst v63  }
0x29: {  	_ =	swait.ge [sflag:s17], $0x480  }
0x2a: {  	[sflag:s17] =	ssyncset.done $0x0  }
0x2b: {  	[sflag:s17] =	ssyncadd.s32 $0xFFFFFB80  }
0x2c: {  	[spmem:s8] =	stream.linear.scatter [tilespmem:s16], [sflag:$0x2], $0x480, $0x38;
	[tilespmem:$0x5810] =	vst v63  }
0x2d: {  	_ =	swait.ge [sflag:s17], $0x480  }
0x2e: {  	[sflag:s17] =	ssyncset.done $0x0  }
0x2f: {  	[sflag:s17] =	ssyncadd.s32 $0xFFFFFB80  }
0x30: {  	[spmem:s9] =	stream.linear.scatter [tilespmem:s16], [sflag:$0x2], $0x480, $0x38;
	[tilespmem:$0x5810] =	vst v63  }
0x31: {  	_ =	swait.ge [sflag:s17], $0x480  }
0x32: {  	[sflag:s17] =	ssyncset.done $0x0  }
0x33: {  	[sflag:s17] =	ssyncadd.s32 $0xFFFFFB80  }
0x34: {  	[spmem:s10] =	stream.linear.scatter [tilespmem:s16], [sflag:$0x2], $0x480, $0x38;
	[tilespmem:$0x5810] =	vst v63  }
0x35: {  	_ =	swait.ge [sflag:s17], $0x480  }
0x36: {  	[sflag:s17] =	ssyncset.done $0x0  }
0x37: {  	[sflag:s17] =	ssyncadd.s32 $0xFFFFFB80  }
0x38: {  	[spmem:s11] =	stream.linear.scatter [tilespmem:s16], [sflag:$0x2], $0x480, $0x38;
	[tilespmem:$0x5810] =	vst v63  }
0x39: {  	_ =	swait.ge [sflag:s17], $0x480  }
0x3a: {  	[sflag:s17] =	ssyncset.done $0x0  }
0x3b: {  	[sflag:s17] =	ssyncadd.s32 $0xFFFFFB80  }
0x3c: {  	[spmem:s12] =	stream.linear.scatter [tilespmem:s16], [sflag:$0x2], $0x380, $0x38;
	[tilespmem:$0x5810] =	vst v63  }
0x3d: {  	_ =	swait.ge [sflag:s17], $0x380  }
0x3e: {  	[sflag:s17] =	ssyncset.done $0x0  }
0x3f: {  	[sflag:s17] =	ssyncadd.s32 $0xFFFFFC80  }
0x40: {  	s21 =	simm.s32 $0x0;
	[bflag:$0x0] =	sbarrier.arrive $0xFFFF  }
0x41: {  	[tilespmem:s21], [sflag:$0x2] =	stream.linear.gather [hbm4b:s13+s21], $0x2710, $0x38;
	[tilespmem:$0x5810] =	vst v63  }
0x42: {  	_ =	swait.ge [sflag:s17], $0x2710  }
0x43: {  	[sflag:s17] =	ssyncset.done $0x0  }
0x44: {  	[sflag:s17] =	ssyncadd.s32 $0xFFFFD8F0  }
.LBB2_6:
0x45: {  	p0 =	sne.s32 s21, $0x9B00  }
.Ltmp2:
0x46: {  	_ = 	snop;
	(pc) =	sbr.rel @p0 .LBB2_6-.Ltmp2, $3  }
0x47: {  	_ =	sdelay $0x1  }
0x48: {  	s22 =	sshra.s32 s21, $0x2;
	s21 =	sadd.s32 $0x140, s21  }
0x49: {  	[spmem:s2] =	stream.indirect.scatter.add.f32 [tilespmem:s19], [sflag:$0x1], $0x10, s22, s18, $0xb8;
	[tilespmem:$0x5810] =	vst v63  }
0x4a: {  	_ =	swait.ge [sflag:s20], $0x500  }
0x4b: {  	s21 =	simm.s32 $0x7C;
	[sflag:s20] =	ssyncset.done $0x0  }
.LBB2_8:
0x4c: {  	p0 =	sne.s32 s21, $0x1;
	s21 =	sadd.s32 $0xFFFFFFFF, s21;
	[sflag:s20] =	ssyncadd.s32 $0xFFFFFB00  }
.Ltmp3:
0x4d: {  	(pc) =	sbr.rel @p0 .LBB2_8-.Ltmp3, $3  }
0x4e: {  	_ =	sdelay $0x1  }
0x4f: {  	_ =	swait.ge [sflag:s20], $0x500  }
0x50: {  	[sflag:s20] =	ssyncset.done $0x0  }
0x51: {  	[sflag:s20] =	ssyncadd.s32 $0xFFFFFB00;
	s3 =	sadd.s32 $0x1, s3  }
0x52: {  	s21 =	sshll.u32 s0, $0x6;
	s22 =	sshrl.u32 s4, $0x3;
	p0 =	sne.s32 s3, s15  }
.Ltmp4:
0x53: {  	[bflag:$0x0] =	sbarrier.arrive $0xFFFF;
	s21 =	sor.u32 $0x1C02, s21;
	(pc) =	sbr.rel @p0 .LBB2_1-.Ltmp4, $4  }
0x54: {  	[hbm:s14], [sflag:s21] =	dma.local [spmem:s22], $0x4F0  }
0x55: {  	_ =	swait.ge [sflag:s17], $0x4F0  }
0x56: {  	[sflag:s17] =	ssyncset.done $0x0  }
0x57: {  	[sflag:s17] =	ssyncadd.s32 $0xFFFFFB10  }
0x58: {  	_ =	sfence.sel $0x180000  }
0x59: {  	[bflag:$0x0] =	sbarrier.arrive $0xFFFF  }
0x5a: {  	p0 =	sne.s32 s0, $0x0;
	_ =	strace $0x90000047  }
0x5b: {  	s0 =	sadd.s32 @!p0 $0x100000, s1;
	[bflag:$0x2] =	sbarrier.arrive $0xFFFF  }
0x5c: {  	[sflag:s0] =	ssyncadd.tile.s32 @!p0 $0x1;
	_ =	shalt  }
.Lfunc_end2:
_tile_overlayer_lowered:
.L_overlay_start_2:
0x5d: {  	(tag) =	ssettag $0x2  }
0x5e: {  	s0 =	rddreg [dreg:$0x0];
	s2 =	stileid.u32  }
0x5f: {  	s1 =	rddreg [dreg:$0x1];
	p0 =	sne.s32 s2, $0x0  }
0x60: {  	s3 =	rddreg [dreg:$0x2];
	[bflag:$0x3] =	sbarrier.arrive $0xFFFF;
	s2 =	simm.s32 @!p0 $0x1C02  }
0x61: {  	[timem:s3], [sflag:s2] =	dma.local @!p0 [hbm:s0], s1  }
0x62: {  	s0 =	simm.s32 @!p0 $0x2  }
0x63: {  	_ =	swait.ge @!p0 [sflag:s0], s1  }
0x64: {  	s1 =	ssub.s32 @!p0 $0x0, s1;
	[sflag:s0] =	ssyncset.done @!p0 $0x0  }
0x65: {  	[sflag:s0] =	ssyncadd.s32 @!p0 s1  }
0x66: {  	[bflag:$0x3] =	sbarrier.arrive $0xFFFF  }
0x67: {  	_ =	shalt  }

</sc_bundles>
